<compile_context>
chip_gen: v7x
topology: tpu7x:2x2x1
jax: 0.10.2.dev20260603
libtpu: 0.0.44.dev20260713+nightly
codegen_flags: <defaults>
</compile_context>

<pallas_src>
import functools

import jax
import jax.numpy as jnp
from jax import lax
from jax.experimental import pallas as pl
from jax.experimental.pallas import tpu as pltpu
from jax.experimental.pallas import tpu_sc as plsc

_N = 10000
_E = 160000
_NC, _NS = 2, 16
_NW = _NC * _NS
_NPAD = 10112
_RPT = _NPAD // _NS
_CHUNK = 128
_NCHUNK = 40
_EPAD = _NW * _NCHUNK * _CHUNK
_GROWS = 64
_BM = 2000


def _sc_scatter_partials(xc, srcp, dstp):
  nchunks = xc.shape[0]
  f = xc.shape[2]
  mesh = plsc.VectorSubcoreMesh(core_axis_name="c", subcore_axis_name="s",
                                num_cores=_NC, num_subcores=_NS)

  @functools.partial(
      pl.kernel,
      out_type=jax.ShapeDtypeStruct((_NC, _NPAD, nchunks * f), jnp.float32),
      mesh=mesh,
      scratch_types=[
          pltpu.VMEM((_NCHUNK, _CHUNK), jnp.int32),
          pltpu.VMEM((_NCHUNK, _CHUNK), jnp.int32),
          pltpu.VMEM((_CHUNK, f), jnp.float32),
          pltpu.VMEM((_CHUNK, f), jnp.float32),
          pltpu.VMEM_SHARED((_NPAD, f), jnp.float32),
          pltpu.SemaphoreType.DMA,
          pltpu.SemaphoreType.DMA,
      ],
  )
  def k(x_hbm, src_hbm, dst_hbm, out_hbm, srcv, dstv, buf0, buf1, acc,
        sem0, sem1):
    cid = lax.axis_index("c")
    sid = lax.axis_index("s")
    wid = cid * _NS + sid
    base = sid * _RPT

    pltpu.sync_copy(src_hbm.at[wid], srcv)
    pltpu.sync_copy(dst_hbm.at[wid], dstv)

    for c in range(nchunks):
      def zrow(i, carry):
        for j in range(f // 16):
          buf0[i, pl.ds(j * 16, 16)] = jnp.zeros((16,), jnp.float32)
        return carry
      lax.fori_loop(0, _CHUNK, zrow, 0)
      for t in range(_RPT // _CHUNK):
        pltpu.sync_copy(buf0, acc.at[pl.ds(base + t * _CHUNK, _CHUNK)])
      rem = _RPT % _CHUNK
      if rem:
        pltpu.sync_copy(buf0.at[pl.ds(0, rem)],
                        acc.at[pl.ds(base + (_RPT // _CHUNK) * _CHUNK, rem)])
      plsc.subcore_barrier()

      xv = x_hbm.at[c]

      def body(p, carry):
        j0 = 2 * p
        c0 = pltpu.async_copy(xv.at[srcv.at[j0]], buf0, sem0)
        c1 = pltpu.async_copy(xv.at[srcv.at[j0 + 1]], buf1, sem1)
        c0.wait()
        pltpu.sync_copy(buf0, acc.at[dstv.at[j0]], add=True)
        c1.wait()
        pltpu.sync_copy(buf1, acc.at[dstv.at[j0 + 1]], add=True)
        return carry
      lax.fori_loop(0, _NCHUNK // 2, body, 0)

      plsc.subcore_barrier()
      pltpu.sync_copy(acc.at[pl.ds(base, _RPT)],
                      out_hbm.at[cid, pl.ds(base, _RPT), pl.ds(c * f, f)])
      if c + 1 < nchunks:
        plsc.subcore_barrier()

  return k(xc, srcp, dstp)


def _sc_gather_rows(h, rows):
  f = h.shape[1]
  mesh = plsc.VectorSubcoreMesh(core_axis_name="c", subcore_axis_name="s",
                                num_cores=_NC, num_subcores=_NS)

  @functools.partial(
      pl.kernel,
      out_type=jax.ShapeDtypeStruct((_NW, _GROWS, f), jnp.float32),
      mesh=mesh,
      scratch_types=[
          pltpu.VMEM((_GROWS,), jnp.int32),
          pltpu.VMEM((_GROWS, f), jnp.float32),
          pltpu.SemaphoreType.DMA,
      ],
  )
  def k(h_hbm, rows_hbm, out_hbm, idxv, buf, sem):
    cid = lax.axis_index("c")
    sid = lax.axis_index("s")
    wid = cid * _NS + sid
    pltpu.sync_copy(rows_hbm.at[wid], idxv)
    pltpu.async_copy(h_hbm.at[idxv], buf, sem).wait()
    pltpu.sync_copy(buf, out_hbm.at[wid])

  return k(h, rows)


def _tc_bn_relu(h2, stats, gamma, beta):
  n, fin = h2.shape

  def body(hr, sr, gr, br, outr):
    m = sr[0, :] / n
    var = sr[1, :] / n - m * m
    scale = gr[0, :] * lax.rsqrt(var + 1e-5)
    shift = br[0, :] - m * scale
    outr[...] = jnp.maximum(hr[...] * scale + shift, 0.0)

  return pl.pallas_call(
      body,
      grid=(n // _BM,),
      in_specs=[pl.BlockSpec((_BM, fin), lambda i: (i, 0)),
                pl.BlockSpec((2, fin), lambda i: (0, 0)),
                pl.BlockSpec((1, fin), lambda i: (0, 0)),
                pl.BlockSpec((1, fin), lambda i: (0, 0))],
      out_specs=pl.BlockSpec((_BM, fin), lambda i: (i, 0)),
      out_shape=jax.ShapeDtypeStruct((n, fin), jnp.float32),
  )(h2, stats, gamma, beta)


def _tc_gin_layer(x, parts, eps, wa, ba, wb, bb):
  n, fin = x.shape
  fmid = wa.shape[1]
  fout = wb.shape[1]

  def body(xr, pr, er, war, bar, wbr, bbr, outr, statr):
    i = pl.program_id(0)
    hp = (1.0 + er[0, 0]) * xr[...] + (pr[0] + pr[1])
    h = jnp.dot(hp, war[...], preferred_element_type=jnp.float32) + bar[0, :]
    h = jnp.maximum(h, 0.0)
    h2 = jnp.dot(h, wbr[...], preferred_element_type=jnp.float32) + bbr[0, :]
    outr[...] = h2
    s = jnp.concatenate([jnp.sum(h2, 0, keepdims=True),
                         jnp.sum(h2 * h2, 0, keepdims=True)], 0)

    @pl.when(i == 0)
    def _():
      statr[...] = s

    @pl.when(i > 0)
    def _():
      statr[...] = statr[...] + s

  return pl.pallas_call(
      body,
      grid=(n // _BM,),
      in_specs=[pl.BlockSpec((_BM, fin), lambda i: (i, 0)),
                pl.BlockSpec((2, _BM, fin), lambda i: (0, i, 0)),
                pl.BlockSpec((1, 1), lambda i: (0, 0)),
                pl.BlockSpec((fin, fmid), lambda i: (0, 0)),
                pl.BlockSpec((1, fmid), lambda i: (0, 0)),
                pl.BlockSpec((fmid, fout), lambda i: (0, 0)),
                pl.BlockSpec((1, fout), lambda i: (0, 0))],
      out_specs=[pl.BlockSpec((_BM, fout), lambda i: (i, 0)),
                 pl.BlockSpec((2, fout), lambda i: (0, 0))],
      out_shape=[jax.ShapeDtypeStruct((n, fout), jnp.float32),
                 jax.ShapeDtypeStruct((2, fout), jnp.float32)],
  )(x, parts, eps, wa, ba, wb, bb)


def _tc_head(ef, stats, gamma, beta, wc1, bc1, prelu, wc2, bc2):
  m_rows, fin = ef.shape
  fout = wc2.shape[1]

  def body(er, sr, gr, br, w1r, b1r, pr, w2r, b2r, outr):
    m = sr[0, :] / _N
    var = sr[1, :] / _N - m * m
    scale = gr[0, :] * lax.rsqrt(var + 1e-5)
    shift = br[0, :] - m * scale
    x = er[...] * scale + shift
    z = jnp.dot(x, w1r[...], preferred_element_type=jnp.float32) + b1r[0, :]
    z = jnp.where(z > 0, z, pr[0, :] * z)
    outr[...] = jnp.dot(z, w2r[...],
                        preferred_element_type=jnp.float32) + b2r[0, :]

  return pl.pallas_call(
      body,
      in_specs=[pl.BlockSpec(ef.shape, lambda: (0, 0)),
                pl.BlockSpec(stats.shape, lambda: (0, 0)),
                pl.BlockSpec(gamma.shape, lambda: (0, 0)),
                pl.BlockSpec(beta.shape, lambda: (0, 0)),
                pl.BlockSpec(wc1.shape, lambda: (0, 0)),
                pl.BlockSpec(bc1.shape, lambda: (0, 0)),
                pl.BlockSpec(prelu.shape, lambda: (0, 0)),
                pl.BlockSpec(wc2.shape, lambda: (0, 0)),
                pl.BlockSpec(bc2.shape, lambda: (0, 0))],
      out_specs=pl.BlockSpec((m_rows, fout), lambda: (0, 0)),
      out_shape=jax.ShapeDtypeStruct((m_rows, fout), jnp.float32),
  )(ef, stats, gamma, beta, wc1, bc1, prelu, wc2, bc2)


def kernel(feat, params, A, h1id, batch):
  del batch
  convs = [params['conv%d' % i] for i in range(4)]
  cls = params['cls']

  src, dst = A[0], A[1]
  pad = _EPAD - _E
  srcp = jnp.concatenate(
      [src, jnp.zeros((pad,), jnp.int32)]).reshape(_NW, _NCHUNK, _CHUNK)
  dstp = jnp.concatenate(
      [dst, jnp.full((pad,), _N, jnp.int32)]).reshape(_NW, _NCHUNK, _CHUNK)

  def b2(v):
    return v[None, :]

  c0 = convs[0]
  feat4 = jnp.swapaxes(feat.reshape(_N, 4, 128), 0, 1)
  parts = _sc_scatter_partials(feat4, srcp, dstp)
  h2, stats = _tc_gin_layer(feat, parts, c0['eps'].reshape(1, 1), c0['Wa'],
                            b2(c0['ba']), c0['Wb'], b2(c0['bb']))

  for i in (1, 2, 3):
    ci = convs[i]
    x = _tc_bn_relu(h2, stats, b2(convs[i - 1]['gamma']),
                    b2(convs[i - 1]['beta']))
    parts = _sc_scatter_partials(x[None], srcp, dstp)
    h2, stats = _tc_gin_layer(x, parts, ci['eps'].reshape(1, 1), ci['Wa'],
                              b2(ci['ba']), ci['Wb'], b2(ci['bb']))

  nb = _N // 100
  rows = jnp.repeat(jnp.arange(100, dtype=jnp.int32) * nb, 20) + h1id
  rows_pad = jnp.concatenate(
      [rows, jnp.zeros((_NW * _GROWS - rows.shape[0],), jnp.int32)]
  ).reshape(_NW, _GROWS)
  ef = _sc_gather_rows(h2, rows_pad).reshape(_NW * _GROWS, -1)[:rows.shape[0]]
  return _tc_head(ef, stats, b2(convs[3]['gamma']), b2(convs[3]['beta']),
                  cls['Wc1'], b2(cls['bc1']), b2(cls['prelu']), cls['Wc2'],
                  b2(cls['bc2']))

# --- scband reference (transcript-rebuilt; emitter-appended) ---
"""Pipeline reference for scband-gin-56255481643210 (READ-ONLY COPY).

The authoritative reference and input builder live on the scoring server;
editing this copy changes nothing except your own understanding.
"""

import jax, jax.numpy as jnp
import numpy as np

N = 10000
E = 160000
B = 100
K1 = 20
F1, F2, F3, F4 = 128, 128, 128, 256


def _linear_init(key, fin, fout):
    k1, k2 = jax.random.split(key)
    bound = 1.0 / np.sqrt(fin)
    W = jax.random.uniform(k1, (fin, fout), minval=-bound, maxval=bound, dtype=jnp.float32)
    b = jax.random.uniform(k2, (fout,), minval=-bound, maxval=bound, dtype=jnp.float32)
    return W, b


def setup_inputs(seed: int = 0):
    key = jax.random.key(seed)
    ks = jax.random.split(key, 16)
    feat = jax.random.normal(ks[0], (N, 512), dtype=jnp.float32)
    A = jax.random.randint(ks[1], (2, E), 0, N, dtype=jnp.int32)
    h1id = jax.random.randint(ks[2], (B * K1,), 0, N // B, dtype=jnp.int32)
    dims = [(512, F1), (F1, F2), (F2, F3), (F3, F4)]
    params = {}
    for i, (fin, fout) in enumerate(dims):
        ka, kb = jax.random.split(ks[3 + i])
        Wa, ba = _linear_init(ka, fin, fout)
        Wb, bb = _linear_init(kb, fout, fout)
        params['conv%d' % i] = {
            'eps': jnp.zeros((), dtype=jnp.float32),
            'Wa': Wa, 'ba': ba, 'Wb': Wb, 'bb': bb,
            'gamma': jnp.ones((fout,), dtype=jnp.float32),
            'beta': jnp.zeros((fout,), dtype=jnp.float32),
        }
    Wc1, bc1 = _linear_init(ks[8], 256, 256)
    Wc2, bc2 = _linear_init(ks[9], 256, 2)
    params['cls'] = {'Wc1': Wc1, 'bc1': bc1, 'prelu': jnp.full((256,), 0.25, dtype=jnp.float32), 'Wc2': Wc2, 'bc2': bc2}
    return {'feat': feat, 'params': params, 'A': A, 'h1id': h1id, 'batch': B}


def _batchnorm(x, gamma, beta):
    # BatchNorm1d in train mode: biased batch statistics
    m = jnp.mean(x, axis=0)
    v = jnp.var(x, axis=0)
    return (x - m) / jnp.sqrt(v + 1e-5) * gamma + beta


def _gin_conv(x, src, dst, p):
    # GINConv: nn((1+eps)*x + sum_{j->i} x_j)
    agg = jnp.zeros_like(x).at[dst].add(x[src])
    h = (1.0 + p['eps']) * x + agg
    h = jax.nn.relu(h @ p['Wa'] + p['ba'])
    h = h @ p['Wb'] + p['bb']
    return _batchnorm(h, p['gamma'], p['beta'])


def _forward(feat, params, A, h1id, batch):
    src, dst = A[0], A[1]
    h = feat
    for i in range(4):
        h = _gin_conv(h, src, dst, params['conv%d' % i])
        if i < 3:
            h = jax.nn.relu(h)
            # dropout with training=False -> identity
    batch_static = h1id.shape[0] // K1
    batch_zero = (jnp.asarray(batch) * 0).astype(h1id.dtype)
    score = h.reshape(batch_static, -1, F4)
    one_hop = (h1id + batch_zero).reshape(batch_static, K1)
    edge_feat = jnp.take_along_axis(score, one_hop[:, :, None], axis=1)
    edge_feat = edge_feat.reshape(-1, F4)
    c = params['cls']
    z = edge_feat @ c['Wc1'] + c['bc1']
    z = jnp.where(z > 0, z, c['prelu'] * z)
    pred = z @ c['Wc2'] + c['bc2']
    return pred


def reference(feat, params, A, h1id, batch):
    return _forward(feat, params, A, h1id, batch)

if __name__ == "__main__":
    import jax
    _d = setup_inputs()
    print(jax.jit(kernel)(*tuple(_d.values())))

</pallas_src>

<mosaic_0001>
#map = affine_map<(d0, d1) -> (0, 0, 0)>
module attributes {stable_mosaic.version = 14 : i64} {
  func.func @k(%arg0: i32, %arg1: i32, %arg2: memref<1x10000x128xf32, #tpu.memory_space<hbm>>, %arg3: memref<32x40x128xi32, #tpu.memory_space<hbm>>, %arg4: memref<32x40x128xi32, #tpu.memory_space<hbm>>, %arg5: memref<2x10112x128xf32, #tpu.memory_space<hbm>>, %arg6: memref<40x128xi32, #tpu.memory_space<vmem>>, %arg7: memref<40x128xi32, #tpu.memory_space<vmem>>, %arg8: memref<128x128xf32, #tpu.memory_space<vmem>>, %arg9: memref<128x128xf32, #tpu.memory_space<vmem>>, %arg10: memref<10112x128xf32, #tpu.memory_space<vmem_shared>>, %arg11: memref<!tpu.dma_semaphore, #tpu.memory_space<semaphore_mem>>, %arg12: memref<!tpu.dma_semaphore, #tpu.memory_space<semaphore_mem>>) attributes {dimension_semantics = [#tpu.dimension_semantics<core_parallel>, #tpu.dimension_semantics<subcore_parallel>], iteration_bounds = array<i64: 2, 16>, scalar_prefetch = 0 : i64, scratch_operands = 7 : i64, tpu.core_type = #tpu.core_type<sc_vector_subcore>, window_params = [{transform_indices = #map}, {transform_indices = #map}, {transform_indices = #map}, {transform_indices = #map}]} {
    %mul3A = arith.constant 16 : i32
    %mul3A_0 = arith.muli %arg0, %mul3A : i32
    %add3A = arith.addi %mul3A_0, %arg1 : i32
    %mul3A_1 = arith.constant 632 : i32
    %mul3A_2 = arith.muli %arg1, %mul3A_1 : i32
    "tpu.region"() ({
      %run_scoped3A = tpu.sem_alloc : memref<!tpu.dma_semaphore, #tpu.memory_space<semaphore_mem>>
      %dma_start3A = arith.constant 0 : i32
      %dma_start3A_26 = arith.constant 0 : i32
      %dma_start3A_27 = tpu.memref_slice %arg3[%add3A, %dma_start3A, %dma_start3A_26] : memref<32x40x128xi32, #tpu.memory_space<hbm>> -> memref<1x40x128xi32, #tpu.memory_space<hbm>>
      %dma_start3A_28 = tpu.memref_squeeze %dma_start3A_27 : memref<1x40x128xi32, #tpu.memory_space<hbm>> -> memref<40x128xi32, #tpu.memory_space<hbm>>
      %dma_start3A_29 = arith.constant 0 : i32
      %dma_start3A_30 = arith.constant 0 : i32
      %dma_start3A_31 = tpu.memref_slice %arg3[%add3A, %dma_start3A_29, %dma_start3A_30] : memref<32x40x128xi32, #tpu.memory_space<hbm>> -> memref<1x40x128xi32, #tpu.memory_space<hbm>>
      %dma_start3A_32 = tpu.memref_squeeze %dma_start3A_31 : memref<1x40x128xi32, #tpu.memory_space<hbm>> -> memref<40x128xi32, #tpu.memory_space<hbm>>
      tpu.enqueue_dma source(%dma_start3A_32 : memref<40x128xi32, #tpu.memory_space<hbm>>) target(%arg6 : memref<40x128xi32, #tpu.memory_space<vmem>>) target_semaphore(%run_scoped3A : memref<!tpu.dma_semaphore, #tpu.memory_space<semaphore_mem>>)
      %dma_wait3A = arith.constant 0 : i32
      %dma_wait3A_33 = arith.constant 0 : i32
      %dma_wait3A_34 = tpu.memref_slice %arg3[%add3A, %dma_wait3A, %dma_wait3A_33] : memref<32x40x128xi32, #tpu.memory_space<hbm>> -> memref<1x40x128xi32, #tpu.memory_space<hbm>>
      %dma_wait3A_35 = tpu.memref_squeeze %dma_wait3A_34 : memref<1x40x128xi32, #tpu.memory_space<hbm>> -> memref<40x128xi32, #tpu.memory_space<hbm>>
      %dma_wait3A_36 = arith.constant 0 : i32
      %dma_wait3A_37 = arith.constant 0 : i32
      %dma_wait3A_38 = tpu.memref_slice %arg3[%add3A, %dma_wait3A_36, %dma_wait3A_37] : memref<32x40x128xi32, #tpu.memory_space<hbm>> -> memref<1x40x128xi32, #tpu.memory_space<hbm>>
      %dma_wait3A_39 = tpu.memref_squeeze %dma_wait3A_38 : memref<1x40x128xi32, #tpu.memory_space<hbm>> -> memref<40x128xi32, #tpu.memory_space<hbm>>
      tpu.wait_dma2 semaphore(%run_scoped3A : memref<!tpu.dma_semaphore, #tpu.memory_space<semaphore_mem>>) src(%dma_wait3A_39 : memref<40x128xi32, #tpu.memory_space<hbm>>) dst(%arg6 : memref<40x128xi32, #tpu.memory_space<vmem>>)
      tpu.yield
    }) : () -> ()
    "tpu.region"() ({
      %run_scoped3A = tpu.sem_alloc : memref<!tpu.dma_semaphore, #tpu.memory_space<semaphore_mem>>
      %dma_start3A = arith.constant 0 : i32
      %dma_start3A_26 = arith.constant 0 : i32
      %dma_start3A_27 = tpu.memref_slice %arg4[%add3A, %dma_start3A, %dma_start3A_26] : memref<32x40x128xi32, #tpu.memory_space<hbm>> -> memref<1x40x128xi32, #tpu.memory_space<hbm>>
      %dma_start3A_28 = tpu.memref_squeeze %dma_start3A_27 : memref<1x40x128xi32, #tpu.memory_space<hbm>> -> memref<40x128xi32, #tpu.memory_space<hbm>>
      %dma_start3A_29 = arith.constant 0 : i32
      %dma_start3A_30 = arith.constant 0 : i32
      %dma_start3A_31 = tpu.memref_slice %arg4[%add3A, %dma_start3A_29, %dma_start3A_30] : memref<32x40x128xi32, #tpu.memory_space<hbm>> -> memref<1x40x128xi32, #tpu.memory_space<hbm>>
      %dma_start3A_32 = tpu.memref_squeeze %dma_start3A_31 : memref<1x40x128xi32, #tpu.memory_space<hbm>> -> memref<40x128xi32, #tpu.memory_space<hbm>>
      tpu.enqueue_dma source(%dma_start3A_32 : memref<40x128xi32, #tpu.memory_space<hbm>>) target(%arg7 : memref<40x128xi32, #tpu.memory_space<vmem>>) target_semaphore(%run_scoped3A : memref<!tpu.dma_semaphore, #tpu.memory_space<semaphore_mem>>)
      %dma_wait3A = arith.constant 0 : i32
      %dma_wait3A_33 = arith.constant 0 : i32
      %dma_wait3A_34 = tpu.memref_slice %arg4[%add3A, %dma_wait3A, %dma_wait3A_33] : memref<32x40x128xi32, #tpu.memory_space<hbm>> -> memref<1x40x128xi32, #tpu.memory_space<hbm>>
      %dma_wait3A_35 = tpu.memref_squeeze %dma_wait3A_34 : memref<1x40x128xi32, #tpu.memory_space<hbm>> -> memref<40x128xi32, #tpu.memory_space<hbm>>
      %dma_wait3A_36 = arith.constant 0 : i32
      %dma_wait3A_37 = arith.constant 0 : i32
      %dma_wait3A_38 = tpu.memref_slice %arg4[%add3A, %dma_wait3A_36, %dma_wait3A_37] : memref<32x40x128xi32, #tpu.memory_space<hbm>> -> memref<1x40x128xi32, #tpu.memory_space<hbm>>
      %dma_wait3A_39 = tpu.memref_squeeze %dma_wait3A_38 : memref<1x40x128xi32, #tpu.memory_space<hbm>> -> memref<40x128xi32, #tpu.memory_space<hbm>>
      tpu.wait_dma2 semaphore(%run_scoped3A : memref<!tpu.dma_semaphore, #tpu.memory_space<semaphore_mem>>) src(%dma_wait3A_39 : memref<40x128xi32, #tpu.memory_space<hbm>>) dst(%arg7 : memref<40x128xi32, #tpu.memory_space<vmem>>)
      tpu.yield
    }) : () -> ()
    %scan3A = arith.constant 0 : i32
    %scan3A_3 = arith.constant 0 : i32
    %scan3A_4 = arith.constant 128 : i32
    %scan3A_5 = arith.addi %scan3A_3, %scan3A_4 : i32
    %scan3A_6 = arith.constant 1 : i32
    scf.for %scan3A_26 = %scan3A_3 to %scan3A_5 step %scan3A_6  : i32 {
      %broadcast_in_dim3A = arith.constant 0.000000e+00 : f32
      %broadcast_in_dim3A_27 = vector.broadcast %broadcast_in_dim3A : f32 to vector<16xf32>
      %swap3A = arith.index_cast %scan3A_26 : i32 to index
      %swap3A_28 = arith.constant 0 : index
      %swap3A_29 = tpu.vector_load %arg8[%swap3A, %swap3A_28] {strides = array<i32>} : memref<128x128xf32, #tpu.memory_space<vmem>>, vector<1x16xf32>,
      %swap3A_30 = vector.shape_cast %swap3A_29 : vector<1x16xf32> to vector<16xf32>
      %swap3A_31 = vector.shape_cast %broadcast_in_dim3A_27 : vector<16xf32> to vector<1x16xf32>
      tpu.vector_store %arg8[%swap3A, %swap3A_28], %swap3A_31 {strides = array<i32>} : memref<128x128xf32, #tpu.memory_space<vmem>>, vector<1x16xf32>,
      %broadcast_in_dim3A_32 = arith.constant 0.000000e+00 : f32
      %broadcast_in_dim3A_33 = vector.broadcast %broadcast_in_dim3A_32 : f32 to vector<16xf32>
      %swap3A_34 = arith.index_cast %scan3A_26 : i32 to index
      %swap3A_35 = arith.constant 16 : index
      %swap3A_36 = tpu.vector_load %arg8[%swap3A_34, %swap3A_35] {strides = array<i32>} : memref<128x128xf32, #tpu.memory_space<vmem>>, vector<1x16xf32>,
      %swap3A_37 = vector.shape_cast %swap3A_36 : vector<1x16xf32> to vector<16xf32>
      %swap3A_38 = vector.shape_cast %broadcast_in_dim3A_33 : vector<16xf32> to vector<1x16xf32>
      tpu.vector_store %arg8[%swap3A_34, %swap3A_35], %swap3A_38 {strides = array<i32>} : memref<128x128xf32, #tpu.memory_space<vmem>>, vector<1x16xf32>,
      %broadcast_in_dim3A_39 = arith.constant 0.000000e+00 : f32
      %broadcast_in_dim3A_40 = vector.broadcast %broadcast_in_dim3A_39 : f32 to vector<16xf32>
      %swap3A_41 = arith.index_cast %scan3A_26 : i32 to index
      %swap3A_42 = arith.constant 32 : index
      %swap3A_43 = tpu.vector_load %arg8[%swap3A_41, %swap3A_42] {strides = array<i32>} : memref<128x128xf32, #tpu.memory_space<vmem>>, vector<1x16xf32>,
      %swap3A_44 = vector.shape_cast %swap3A_43 : vector<1x16xf32> to vector<16xf32>
      %swap3A_45 = vector.shape_cast %broadcast_in_dim3A_40 : vector<16xf32> to vector<1x16xf32>
      tpu.vector_store %arg8[%swap3A_41, %swap3A_42], %swap3A_45 {strides = array<i32>} : memref<128x128xf32, #tpu.memory_space<vmem>>, vector<1x16xf32>,
      %broadcast_in_dim3A_46 = arith.constant 0.000000e+00 : f32
      %broadcast_in_dim3A_47 = vector.broadcast %broadcast_in_dim3A_46 : f32 to vector<16xf32>
      %swap3A_48 = arith.index_cast %scan3A_26 : i32 to index
      %swap3A_49 = arith.constant 48 : index
      %swap3A_50 = tpu.vector_load %arg8[%swap3A_48, %swap3A_49] {strides = array<i32>} : memref<128x128xf32, #tpu.memory_space<vmem>>, vector<1x16xf32>,
      %swap3A_51 = vector.shape_cast %swap3A_50 : vector<1x16xf32> to vector<16xf32>
      %swap3A_52 = vector.shape_cast %broadcast_in_dim3A_47 : vector<16xf32> to vector<1x16xf32>
      tpu.vector_store %arg8[%swap3A_48, %swap3A_49], %swap3A_52 {strides = array<i32>} : memref<128x128xf32, #tpu.memory_space<vmem>>, vector<1x16xf32>,
      %broadcast_in_dim3A_53 = arith.constant 0.000000e+00 : f32
      %broadcast_in_dim3A_54 = vector.broadcast %broadcast_in_dim3A_53 : f32 to vector<16xf32>
      %swap3A_55 = arith.index_cast %scan3A_26 : i32 to index
      %swap3A_56 = arith.constant 64 : index
      %swap3A_57 = tpu.vector_load %arg8[%swap3A_55, %swap3A_56] {strides = array<i32>} : memref<128x128xf32, #tpu.memory_space<vmem>>, vector<1x16xf32>,
      %swap3A_58 = vector.shape_cast %swap3A_57 : vector<1x16xf32> to vector<16xf32>
      %swap3A_59 = vector.shape_cast %broadcast_in_dim3A_54 : vector<16xf32> to vector<1x16xf32>
      tpu.vector_store %arg8[%swap3A_55, %swap3A_56], %swap3A_59 {strides = array<i32>} : memref<128x128xf32, #tpu.memory_space<vmem>>, vector<1x16xf32>,
      %broadcast_in_dim3A_60 = arith.constant 0.000000e+00 : f32
      %broadcast_in_dim3A_61 = vector.broadcast %broadcast_in_dim3A_60 : f32 to vector<16xf32>
      %swap3A_62 = arith.index_cast %scan3A_26 : i32 to index
      %swap3A_63 = arith.constant 80 : index
      %swap3A_64 = tpu.vector_load %arg8[%swap3A_62, %swap3A_63] {strides = array<i32>} : memref<128x128xf32, #tpu.memory_space<vmem>>, vector<1x16xf32>,
      %swap3A_65 = vector.shape_cast %swap3A_64 : vector<1x16xf32> to vector<16xf32>
      %swap3A_66 = vector.shape_cast %broadcast_in_dim3A_61 : vector<16xf32> to vector<1x16xf32>
      tpu.vector_store %arg8[%swap3A_62, %swap3A_63], %swap3A_66 {strides = array<i32>} : memref<128x128xf32, #tpu.memory_space<vmem>>, vector<1x16xf32>,
      %broadcast_in_dim3A_67 = arith.constant 0.000000e+00 : f32
      %broadcast_in_dim3A_68 = vector.broadcast %broadcast_in_dim3A_67 : f32 to vector<16xf32>
      %swap3A_69 = arith.index_cast %scan3A_26 : i32 to index
      %swap3A_70 = arith.constant 96 : index
      %swap3A_71 = tpu.vector_load %arg8[%swap3A_69, %swap3A_70] {strides = array<i32>} : memref<128x128xf32, #tpu.memory_space<vmem>>, vector<1x16xf32>,
      %swap3A_72 = vector.shape_cast %swap3A_71 : vector<1x16xf32> to vector<16xf32>
      %swap3A_73 = vector.shape_cast %broadcast_in_dim3A_68 : vector<16xf32> to vector<1x16xf32>
      tpu.vector_store %arg8[%swap3A_69, %swap3A_70], %swap3A_73 {strides = array<i32>} : memref<128x128xf32, #tpu.memory_space<vmem>>, vector<1x16xf32>,
      %broadcast_in_dim3A_74 = arith.constant 0.000000e+00 : f32
      %broadcast_in_dim3A_75 = vector.broadcast %broadcast_in_dim3A_74 : f32 to vector<16xf32>
      %swap3A_76 = arith.index_cast %scan3A_26 : i32 to index
      %swap3A_77 = arith.constant 112 : index
      %swap3A_78 = tpu.vector_load %arg8[%swap3A_76, %swap3A_77] {strides = array<i32>} : memref<128x128xf32, #tpu.memory_space<vmem>>, vector<1x16xf32>,
      %swap3A_79 = vector.shape_cast %swap3A_78 : vector<1x16xf32> to vector<16xf32>
      %swap3A_80 = vector.shape_cast %broadcast_in_dim3A_75 : vector<16xf32> to vector<1x16xf32>
      tpu.vector_store %arg8[%swap3A_76, %swap3A_77], %swap3A_80 {strides = array<i32>} : memref<128x128xf32, #tpu.memory_space<vmem>>, vector<1x16xf32>,
    }
    %scan3A_7 = arith.constant 128 : i32
    %add3A_8 = arith.constant 0 : i32
    %add3A_9 = arith.addi %mul3A_2, %add3A_8 : i32
    "tpu.region"() ({
      %run_scoped3A = tpu.sem_alloc : memref<!tpu.dma_semaphore, #tpu.memory_space<semaphore_mem>>
      %dma_start3A = arith.constant 0 : i32
      %dma_start3A_26 = tpu.memref_slice %arg10[%add3A_9, %dma_start3A] : memref<10112x128xf32, #tpu.memory_space<vmem_shared>> -> memref<128x128xf32, #tpu.memory_space<vmem_shared>>
      %dma_start3A_27 = arith.constant 0 : i32
      %dma_start3A_28 = tpu.memref_slice %arg10[%add3A_9, %dma_start3A_27] : memref<10112x128xf32, #tpu.memory_space<vmem_shared>> -> memref<128x128xf32, #tpu.memory_space<vmem_shared>>
      tpu.enqueue_dma source(%arg8 : memref<128x128xf32, #tpu.memory_space<vmem>>) target(%dma_start3A_28 : memref<128x128xf32, #tpu.memory_space<vmem_shared>>) target_semaphore(%run_scoped3A : memref<!tpu.dma_semaphore, #tpu.memory_space<semaphore_mem>>)
      %dma_wait3A = arith.constant 0 : i32
      %dma_wait3A_29 = tpu.memref_slice %arg10[%add3A_9, %dma_wait3A] : memref<10112x128xf32, #tpu.memory_space<vmem_shared>> -> memref<128x128xf32, #tpu.memory_space<vmem_shared>>
      %dma_wait3A_30 = arith.constant 0 : i32
      %dma_wait3A_31 = tpu.memref_slice %arg10[%add3A_9, %dma_wait3A_30] : memref<10112x128xf32, #tpu.memory_space<vmem_shared>> -> memref<128x128xf32, #tpu.memory_space<vmem_shared>>
      tpu.wait_dma2 semaphore(%run_scoped3A : memref<!tpu.dma_semaphore, #tpu.memory_space<semaphore_mem>>) src(%arg8 : memref<128x128xf32, #tpu.memory_space<vmem>>) dst(%dma_wait3A_31 : memref<128x128xf32, #tpu.memory_space<vmem_shared>>)
      tpu.yield
    }) : () -> ()
    %add3A_10 = arith.constant 128 : i32
    %add3A_11 = arith.addi %mul3A_2, %add3A_10 : i32
    "tpu.region"() ({
      %run_scoped3A = tpu.sem_alloc : memref<!tpu.dma_semaphore, #tpu.memory_space<semaphore_mem>>
      %dma_start3A = arith.constant 0 : i32
      %dma_start3A_26 = tpu.memref_slice %arg10[%add3A_11, %dma_start3A] : memref<10112x128xf32, #tpu.memory_space<vmem_shared>> -> memref<128x128xf32, #tpu.memory_space<vmem_shared>>
      %dma_start3A_27 = arith.constant 0 : i32
      %dma_start3A_28 = tpu.memref_slice %arg10[%add3A_11, %dma_start3A_27] : memref<10112x128xf32, #tpu.memory_space<vmem_shared>> -> memref<128x128xf32, #tpu.memory_space<vmem_shared>>
      tpu.enqueue_dma source(%arg8 : memref<128x128xf32, #tpu.memory_space<vmem>>) target(%dma_start3A_28 : memref<128x128xf32, #tpu.memory_space<vmem_shared>>) target_semaphore(%run_scoped3A : memref<!tpu.dma_semaphore, #tpu.memory_space<semaphore_mem>>)
      %dma_wait3A = arith.constant 0 : i32
      %dma_wait3A_29 = tpu.memref_slice %arg10[%add3A_11, %dma_wait3A] : memref<10112x128xf32, #tpu.memory_space<vmem_shared>> -> memref<128x128xf32, #tpu.memory_space<vmem_shared>>
      %dma_wait3A_30 = arith.constant 0 : i32
      %dma_wait3A_31 = tpu.memref_slice %arg10[%add3A_11, %dma_wait3A_30] : memref<10112x128xf32, #tpu.memory_space<vmem_shared>> -> memref<128x128xf32, #tpu.memory_space<vmem_shared>>
      tpu.wait_dma2 semaphore(%run_scoped3A : memref<!tpu.dma_semaphore, #tpu.memory_space<semaphore_mem>>) src(%arg8 : memref<128x128xf32, #tpu.memory_space<vmem>>) dst(%dma_wait3A_31 : memref<128x128xf32, #tpu.memory_space<vmem_shared>>)
      tpu.yield
    }) : () -> ()
    %add3A_12 = arith.constant 256 : i32
    %add3A_13 = arith.addi %mul3A_2, %add3A_12 : i32
    "tpu.region"() ({
      %run_scoped3A = tpu.sem_alloc : memref<!tpu.dma_semaphore, #tpu.memory_space<semaphore_mem>>
      %dma_start3A = arith.constant 0 : i32
      %dma_start3A_26 = tpu.memref_slice %arg10[%add3A_13, %dma_start3A] : memref<10112x128xf32, #tpu.memory_space<vmem_shared>> -> memref<128x128xf32, #tpu.memory_space<vmem_shared>>
      %dma_start3A_27 = arith.constant 0 : i32
      %dma_start3A_28 = tpu.memref_slice %arg10[%add3A_13, %dma_start3A_27] : memref<10112x128xf32, #tpu.memory_space<vmem_shared>> -> memref<128x128xf32, #tpu.memory_space<vmem_shared>>
      tpu.enqueue_dma source(%arg8 : memref<128x128xf32, #tpu.memory_space<vmem>>) target(%dma_start3A_28 : memref<128x128xf32, #tpu.memory_space<vmem_shared>>) target_semaphore(%run_scoped3A : memref<!tpu.dma_semaphore, #tpu.memory_space<semaphore_mem>>)
      %dma_wait3A = arith.constant 0 : i32
      %dma_wait3A_29 = tpu.memref_slice %arg10[%add3A_13, %dma_wait3A] : memref<10112x128xf32, #tpu.memory_space<vmem_shared>> -> memref<128x128xf32, #tpu.memory_space<vmem_shared>>
      %dma_wait3A_30 = arith.constant 0 : i32
      %dma_wait3A_31 = tpu.memref_slice %arg10[%add3A_13, %dma_wait3A_30] : memref<10112x128xf32, #tpu.memory_space<vmem_shared>> -> memref<128x128xf32, #tpu.memory_space<vmem_shared>>
      tpu.wait_dma2 semaphore(%run_scoped3A : memref<!tpu.dma_semaphore, #tpu.memory_space<semaphore_mem>>) src(%arg8 : memref<128x128xf32, #tpu.memory_space<vmem>>) dst(%dma_wait3A_31 : memref<128x128xf32, #tpu.memory_space<vmem_shared>>)
      tpu.yield
    }) : () -> ()
    %add3A_14 = arith.constant 384 : i32
    %add3A_15 = arith.addi %mul3A_2, %add3A_14 : i32
    "tpu.region"() ({
      %run_scoped3A = tpu.sem_alloc : memref<!tpu.dma_semaphore, #tpu.memory_space<semaphore_mem>>
      %dma_start3A = arith.constant 0 : i32
      %dma_start3A_26 = tpu.memref_slice %arg10[%add3A_15, %dma_start3A] : memref<10112x128xf32, #tpu.memory_space<vmem_shared>> -> memref<128x128xf32, #tpu.memory_space<vmem_shared>>
      %dma_start3A_27 = arith.constant 0 : i32
      %dma_start3A_28 = tpu.memref_slice %arg10[%add3A_15, %dma_start3A_27] : memref<10112x128xf32, #tpu.memory_space<vmem_shared>> -> memref<128x128xf32, #tpu.memory_space<vmem_shared>>
      tpu.enqueue_dma source(%arg8 : memref<128x128xf32, #tpu.memory_space<vmem>>) target(%dma_start3A_28 : memref<128x128xf32, #tpu.memory_space<vmem_shared>>) target_semaphore(%run_scoped3A : memref<!tpu.dma_semaphore, #tpu.memory_space<semaphore_mem>>)
      %dma_wait3A = arith.constant 0 : i32
      %dma_wait3A_29 = tpu.memref_slice %arg10[%add3A_15, %dma_wait3A] : memref<10112x128xf32, #tpu.memory_space<vmem_shared>> -> memref<128x128xf32, #tpu.memory_space<vmem_shared>>
      %dma_wait3A_30 = arith.constant 0 : i32
      %dma_wait3A_31 = tpu.memref_slice %arg10[%add3A_15, %dma_wait3A_30] : memref<10112x128xf32, #tpu.memory_space<vmem_shared>> -> memref<128x128xf32, #tpu.memory_space<vmem_shared>>
      tpu.wait_dma2 semaphore(%run_scoped3A : memref<!tpu.dma_semaphore, #tpu.memory_space<semaphore_mem>>) src(%arg8 : memref<128x128xf32, #tpu.memory_space<vmem>>) dst(%dma_wait3A_31 : memref<128x128xf32, #tpu.memory_space<vmem_shared>>)
      tpu.yield
    }) : () -> ()
    %add3A_16 = arith.constant 512 : i32
    %add3A_17 = arith.addi %mul3A_2, %add3A_16 : i32
    "tpu.region"() ({
      %run_scoped3A = tpu.sem_alloc : memref<!tpu.dma_semaphore, #tpu.memory_space<semaphore_mem>>
      %dma_start3A = arith.constant 0 : i32
      %dma_start3A_26 = arith.constant 0 : i32
      %dma_start3A_27 = tpu.memref_slice %arg8[%dma_start3A, %dma_start3A_26] : memref<128x128xf32, #tpu.memory_space<vmem>> -> memref<120x128xf32, #tpu.memory_space<vmem>>
      %dma_start3A_28 = arith.constant 0 : i32
      %dma_start3A_29 = tpu.memref_slice %arg10[%add3A_17, %dma_start3A_28] : memref<10112x128xf32, #tpu.memory_space<vmem_shared>> -> memref<120x128xf32, #tpu.memory_space<vmem_shared>>
      %dma_start3A_30 = arith.constant 0 : i32
      %dma_start3A_31 = tpu.memref_slice %arg10[%add3A_17, %dma_start3A_30] : memref<10112x128xf32, #tpu.memory_space<vmem_shared>> -> memref<120x128xf32, #tpu.memory_space<vmem_shared>>
      %dma_start3A_32 = arith.constant 0 : i32
      %dma_start3A_33 = arith.constant 0 : i32
      %dma_start3A_34 = tpu.memref_slice %arg8[%dma_start3A_32, %dma_start3A_33] : memref<128x128xf32, #tpu.memory_space<vmem>> -> memref<120x128xf32, #tpu.memory_space<vmem>>
      tpu.enqueue_dma source(%dma_start3A_34 : memref<120x128xf32, #tpu.memory_space<vmem>>) target(%dma_start3A_31 : memref<120x128xf32, #tpu.memory_space<vmem_shared>>) target_semaphore(%run_scoped3A : memref<!tpu.dma_semaphore, #tpu.memory_space<semaphore_mem>>)
      %dma_wait3A = arith.constant 0 : i32
      %dma_wait3A_35 = arith.constant 0 : i32
      %dma_wait3A_36 = tpu.memref_slice %arg8[%dma_wait3A, %dma_wait3A_35] : memref<128x128xf32, #tpu.memory_space<vmem>> -> memref<120x128xf32, #tpu.memory_space<vmem>>
      %dma_wait3A_37 = arith.constant 0 : i32
      %dma_wait3A_38 = tpu.memref_slice %arg10[%add3A_17, %dma_wait3A_37] : memref<10112x128xf32, #tpu.memory_space<vmem_shared>> -> memref<120x128xf32, #tpu.memory_space<vmem_shared>>
      %dma_wait3A_39 = arith.constant 0 : i32
      %dma_wait3A_40 = tpu.memref_slice %arg10[%add3A_17, %dma_wait3A_39] : memref<10112x128xf32, #tpu.memory_space<vmem_shared>> -> memref<120x128xf32, #tpu.memory_space<vmem_shared>>
      %dma_wait3A_41 = arith.constant 0 : i32
      %dma_wait3A_42 = arith.constant 0 : i32
      %dma_wait3A_43 = tpu.memref_slice %arg8[%dma_wait3A_41, %dma_wait3A_42] : memref<128x128xf32, #tpu.memory_space<vmem>> -> memref<120x128xf32, #tpu.memory_space<vmem>>
      tpu.wait_dma2 semaphore(%run_scoped3A : memref<!tpu.dma_semaphore, #tpu.memory_space<semaphore_mem>>) src(%dma_wait3A_43 : memref<120x128xf32, #tpu.memory_space<vmem>>) dst(%dma_wait3A_40 : memref<120x128xf32, #tpu.memory_space<vmem_shared>>)
      tpu.yield
    }) : () -> ()
    %barrier3A = arith.constant 0 : index
    tpu.barrier barrier_id(%barrier3A)
    %scan3A_18 = arith.constant 0 : i32
    %scan3A_19 = arith.constant 0 : i32
    %scan3A_20 = arith.constant 0 : i32
    %scan3A_21 = arith.constant 20 : i32
    %scan3A_22 = arith.addi %scan3A_20, %scan3A_21 : i32
    %scan3A_23 = arith.constant 1 : i32
    scf.for %scan3A_26 = %scan3A_20 to %scan3A_22 step %scan3A_23  : i32 {
      %mul3A_27 = arith.constant 2 : i32
      %mul3A_28 = arith.muli %mul3A_27, %scan3A_26 : i32
      %dma_start3A = arith.constant 0 : i32
      %dma_start3A_29 = tpu.memref_slice %arg6[%mul3A_28, %dma_start3A] : memref<40x128xi32, #tpu.memory_space<vmem>> -> memref<1x128xi32, #tpu.memory_space<vmem>>
      %dma_start3A_30 = tpu.memref_squeeze %dma_start3A_29 : memref<1x128xi32, #tpu.memory_space<vmem>> -> memref<128xi32, #tpu.memory_space<vmem>>
      %dma_start3A_31 = arith.constant 0 : i32
      %dma_start3A_32 = arith.constant 0 : i32
      %dma_start3A_33 = tpu.memref_slice %arg2[%scan3A_19, %dma_start3A_31, %dma_start3A_32] : memref<1x10000x128xf32, #tpu.memory_space<hbm>> -> memref<1x10000x128xf32, #tpu.memory_space<hbm>>
      %dma_start3A_34 = tpu.memref_squeeze %dma_start3A_33 : memref<1x10000x128xf32, #tpu.memory_space<hbm>> -> memref<10000x128xf32, #tpu.memory_space<hbm>>
      %dma_start3A_35 = arith.constant 0 : i32
      %dma_start3A_36 = arith.constant 0 : i32
      %dma_start3A_37 = tpu.memref_slice %dma_start3A_34[%dma_start3A_35, %dma_start3A_36] : memref<10000x128xf32, #tpu.memory_space<hbm>> -> memref<10000x128xf32, #tpu.memory_space<hbm>>
      tpu.enqueue_indirect_dma source(%dma_start3A_37 : memref<10000x128xf32, #tpu.memory_space<hbm>>) target(%arg8 : memref<128x128xf32, #tpu.memory_space<vmem>>) offsets(%dma_start3A_30 : memref<128xi32, #tpu.memory_space<vmem>>) semaphore(%arg11 : memref<!tpu.dma_semaphore, #tpu.memory_space<semaphore_mem>>)
      %add3A_38 = arith.constant 1 : i32
      %add3A_39 = arith.addi %mul3A_28, %add3A_38 : i32
      %dma_start3A_40 = arith.constant 0 : i32
      %dma_start3A_41 = tpu.memref_slice %arg6[%add3A_39, %dma_start3A_40] : memref<40x128xi32, #tpu.memory_space<vmem>> -> memref<1x128xi32, #tpu.memory_space<vmem>>
      %dma_start3A_42 = tpu.memref_squeeze %dma_start3A_41 : memref<1x128xi32, #tpu.memory_space<vmem>> -> memref<128xi32, #tpu.memory_space<vmem>>
      %dma_start3A_43 = arith.constant 0 : i32
      %dma_start3A_44 = arith.constant 0 : i32
      %dma_start3A_45 = tpu.memref_slice %arg2[%scan3A_19, %dma_start3A_43, %dma_start3A_44] : memref<1x10000x128xf32, #tpu.memory_space<hbm>> -> memref<1x10000x128xf32, #tpu.memory_space<hbm>>
      %dma_start3A_46 = tpu.memref_squeeze %dma_start3A_45 : memref<1x10000x128xf32, #tpu.memory_space<hbm>> -> memref<10000x128xf32, #tpu.memory_space<hbm>>
      %dma_start3A_47 = arith.constant 0 : i32
      %dma_start3A_48 = arith.constant 0 : i32
      %dma_start3A_49 = tpu.memref_slice %dma_start3A_46[%dma_start3A_47, %dma_start3A_48] : memref<10000x128xf32, #tpu.memory_space<hbm>> -> memref<10000x128xf32, #tpu.memory_space<hbm>>
      tpu.enqueue_indirect_dma source(%dma_start3A_49 : memref<10000x128xf32, #tpu.memory_space<hbm>>) target(%arg9 : memref<128x128xf32, #tpu.memory_space<vmem>>) offsets(%dma_start3A_42 : memref<128xi32, #tpu.memory_space<vmem>>) semaphore(%arg12 : memref<!tpu.dma_semaphore, #tpu.memory_space<semaphore_mem>>)
      %dma_wait3A = arith.constant 0 : i32
      %dma_wait3A_50 = tpu.memref_slice %arg6[%mul3A_28, %dma_wait3A] : memref<40x128xi32, #tpu.memory_space<vmem>> -> memref<1x128xi32, #tpu.memory_space<vmem>>
      %dma_wait3A_51 = tpu.memref_squeeze %dma_wait3A_50 : memref<1x128xi32, #tpu.memory_space<vmem>> -> memref<128xi32, #tpu.memory_space<vmem>>
      %dma_wait3A_52 = arith.constant 0 : i32
      %dma_wait3A_53 = arith.constant 0 : i32
      %dma_wait3A_54 = tpu.memref_slice %arg2[%scan3A_19, %dma_wait3A_52, %dma_wait3A_53] : memref<1x10000x128xf32, #tpu.memory_space<hbm>> -> memref<1x10000x128xf32, #tpu.memory_space<hbm>>
      %dma_wait3A_55 = tpu.memref_squeeze %dma_wait3A_54 : memref<1x10000x128xf32, #tpu.memory_space<hbm>> -> memref<10000x128xf32, #tpu.memory_space<hbm>>
      %dma_wait3A_56 = arith.constant 0 : i32
      %dma_wait3A_57 = arith.constant 0 : i32
      %dma_wait3A_58 = tpu.memref_slice %dma_wait3A_55[%dma_wait3A_56, %dma_wait3A_57] : memref<10000x128xf32, #tpu.memory_space<hbm>> -> memref<10000x128xf32, #tpu.memory_space<hbm>>
      tpu.wait_indirect_dma semaphore(%arg11 : memref<!tpu.dma_semaphore, #tpu.memory_space<semaphore_mem>>) src(%dma_wait3A_58 : memref<10000x128xf32, #tpu.memory_space<hbm>>) dst(%arg8 : memref<128x128xf32, #tpu.memory_space<vmem>>)
      "tpu.region"() ({
        %run_scoped3A = tpu.sem_alloc : memref<!tpu.dma_semaphore, #tpu.memory_space<semaphore_mem>>
        %dma_start3A_71 = arith.constant 0 : i32
        %dma_start3A_72 = tpu.memref_slice %arg7[%mul3A_28, %dma_start3A_71] : memref<40x128xi32, #tpu.memory_space<vmem>> -> memref<1x128xi32, #tpu.memory_space<vmem>>
        %dma_start3A_73 = tpu.memref_squeeze %dma_start3A_72 : memref<1x128xi32, #tpu.memory_space<vmem>> -> memref<128xi32, #tpu.memory_space<vmem>>
        %dma_start3A_74 = arith.constant 0 : i32
        %dma_start3A_75 = arith.constant 0 : i32
        %dma_start3A_76 = tpu.memref_slice %arg10[%dma_start3A_74, %dma_start3A_75] : memref<10112x128xf32, #tpu.memory_space<vmem_shared>> -> memref<10112x128xf32, #tpu.memory_space<vmem_shared>>
        tpu.enqueue_indirect_dma source(%arg8 : memref<128x128xf32, #tpu.memory_space<vmem>>) target(%dma_start3A_76 : memref<10112x128xf32, #tpu.memory_space<vmem_shared>>) offsets(%dma_start3A_73 : memref<128xi32, #tpu.memory_space<vmem>>) semaphore(%run_scoped3A : memref<!tpu.dma_semaphore, #tpu.memory_space<semaphore_mem>>) {add = true}
        %dma_wait3A_77 = arith.constant 0 : i32
        %dma_wait3A_78 = tpu.memref_slice %arg7[%mul3A_28, %dma_wait3A_77] : memref<40x128xi32, #tpu.memory_space<vmem>> -> memref<1x128xi32, #tpu.memory_space<vmem>>
        %dma_wait3A_79 = tpu.memref_squeeze %dma_wait3A_78 : memref<1x128xi32, #tpu.memory_space<vmem>> -> memref<128xi32, #tpu.memory_space<vmem>>
        %dma_wait3A_80 = arith.constant 0 : i32
        %dma_wait3A_81 = arith.constant 0 : i32
        %dma_wait3A_82 = tpu.memref_slice %arg10[%dma_wait3A_80, %dma_wait3A_81] : memref<10112x128xf32, #tpu.memory_space<vmem_shared>> -> memref<10112x128xf32, #tpu.memory_space<vmem_shared>>
        tpu.wait_indirect_dma semaphore(%run_scoped3A : memref<!tpu.dma_semaphore, #tpu.memory_space<semaphore_mem>>) src(%arg8 : memref<128x128xf32, #tpu.memory_space<vmem>>) dst(%dma_wait3A_82 : memref<10112x128xf32, #tpu.memory_space<vmem_shared>>)
        tpu.yield
      }) : () -> ()
      %dma_wait3A_59 = arith.constant 0 : i32
      %dma_wait3A_60 = tpu.memref_slice %arg6[%add3A_39, %dma_wait3A_59] : memref<40x128xi32, #tpu.memory_space<vmem>> -> memref<1x128xi32, #tpu.memory_space<vmem>>
      %dma_wait3A_61 = tpu.memref_squeeze %dma_wait3A_60 : memref<1x128xi32, #tpu.memory_space<vmem>> -> memref<128xi32, #tpu.memory_space<vmem>>
      %dma_wait3A_62 = arith.constant 0 : i32
      %dma_wait3A_63 = arith.constant 0 : i32
      %dma_wait3A_64 = tpu.memref_slice %arg2[%scan3A_19, %dma_wait3A_62, %dma_wait3A_63] : memref<1x10000x128xf32, #tpu.memory_space<hbm>> -> memref<1x10000x128xf32, #tpu.memory_space<hbm>>
      %dma_wait3A_65 = tpu.memref_squeeze %dma_wait3A_64 : memref<1x10000x128xf32, #tpu.memory_space<hbm>> -> memref<10000x128xf32, #tpu.memory_space<hbm>>
      %dma_wait3A_66 = arith.constant 0 : i32
      %dma_wait3A_67 = arith.constant 0 : i32
      %dma_wait3A_68 = tpu.memref_slice %dma_wait3A_65[%dma_wait3A_66, %dma_wait3A_67] : memref<10000x128xf32, #tpu.memory_space<hbm>> -> memref<10000x128xf32, #tpu.memory_space<hbm>>
      tpu.wait_indirect_dma semaphore(%arg12 : memref<!tpu.dma_semaphore, #tpu.memory_space<semaphore_mem>>) src(%dma_wait3A_68 : memref<10000x128xf32, #tpu.memory_space<hbm>>) dst(%arg9 : memref<128x128xf32, #tpu.memory_space<vmem>>)
      %add3A_69 = arith.constant 1 : i32
      %add3A_70 = arith.addi %mul3A_28, %add3A_69 : i32
      "tpu.region"() ({
        %run_scoped3A = tpu.sem_alloc : memref<!tpu.dma_semaphore, #tpu.memory_space<semaphore_mem>>
        %dma_start3A_71 = arith.constant 0 : i32
        %dma_start3A_72 = tpu.memref_slice %arg7[%add3A_70, %dma_start3A_71] : memref<40x128xi32, #tpu.memory_space<vmem>> -> memref<1x128xi32, #tpu.memory_space<vmem>>
        %dma_start3A_73 = tpu.memref_squeeze %dma_start3A_72 : memref<1x128xi32, #tpu.memory_space<vmem>> -> memref<128xi32, #tpu.memory_space<vmem>>
        %dma_start3A_74 = arith.constant 0 : i32
        %dma_start3A_75 = arith.constant 0 : i32
        %dma_start3A_76 = tpu.memref_slice %arg10[%dma_start3A_74, %dma_start3A_75] : memref<10112x128xf32, #tpu.memory_space<vmem_shared>> -> memref<10112x128xf32, #tpu.memory_space<vmem_shared>>
        tpu.enqueue_indirect_dma source(%arg9 : memref<128x128xf32, #tpu.memory_space<vmem>>) target(%dma_start3A_76 : memref<10112x128xf32, #tpu.memory_space<vmem_shared>>) offsets(%dma_start3A_73 : memref<128xi32, #tpu.memory_space<vmem>>) semaphore(%run_scoped3A : memref<!tpu.dma_semaphore, #tpu.memory_space<semaphore_mem>>) {add = true}
        %dma_wait3A_77 = arith.constant 0 : i32
        %dma_wait3A_78 = tpu.memref_slice %arg7[%add3A_70, %dma_wait3A_77] : memref<40x128xi32, #tpu.memory_space<vmem>> -> memref<1x128xi32, #tpu.memory_space<vmem>>
        %dma_wait3A_79 = tpu.memref_squeeze %dma_wait3A_78 : memref<1x128xi32, #tpu.memory_space<vmem>> -> memref<128xi32, #tpu.memory_space<vmem>>
        %dma_wait3A_80 = arith.constant 0 : i32
        %dma_wait3A_81 = arith.constant 0 : i32
        %dma_wait3A_82 = tpu.memref_slice %arg10[%dma_wait3A_80, %dma_wait3A_81] : memref<10112x128xf32, #tpu.memory_space<vmem_shared>> -> memref<10112x128xf32, #tpu.memory_space<vmem_shared>>
        tpu.wait_indirect_dma semaphore(%run_scoped3A : memref<!tpu.dma_semaphore, #tpu.memory_space<semaphore_mem>>) src(%arg9 : memref<128x128xf32, #tpu.memory_space<vmem>>) dst(%dma_wait3A_82 : memref<10112x128xf32, #tpu.memory_space<vmem_shared>>)
        tpu.yield
      }) : () -> ()
    }
    %scan3A_24 = arith.constant 20 : i32
    %barrier3A_25 = arith.constant 0 : index
    tpu.barrier barrier_id(%barrier3A_25)
    "tpu.region"() ({
      %run_scoped3A = tpu.sem_alloc : memref<!tpu.dma_semaphore, #tpu.memory_space<semaphore_mem>>
      %dma_start3A = arith.constant 0 : i32
      %dma_start3A_26 = tpu.memref_slice %arg5[%arg0, %mul3A_2, %dma_start3A] : memref<2x10112x128xf32, #tpu.memory_space<hbm>> -> memref<1x632x128xf32, #tpu.memory_space<hbm>>
      %dma_start3A_27 = tpu.memref_squeeze %dma_start3A_26 : memref<1x632x128xf32, #tpu.memory_space<hbm>> -> memref<632x128xf32, #tpu.memory_space<hbm>>
      %dma_start3A_28 = arith.constant 0 : i32
      %dma_start3A_29 = tpu.memref_slice %arg10[%mul3A_2, %dma_start3A_28] : memref<10112x128xf32, #tpu.memory_space<vmem_shared>> -> memref<632x128xf32, #tpu.memory_space<vmem_shared>>
      tpu.enqueue_dma source(%dma_start3A_29 : memref<632x128xf32, #tpu.memory_space<vmem_shared>>) target(%dma_start3A_27 : memref<632x128xf32, #tpu.memory_space<hbm>>) target_semaphore(%run_scoped3A : memref<!tpu.dma_semaphore, #tpu.memory_space<semaphore_mem>>)
      %dma_wait3A = arith.constant 0 : i32
      %dma_wait3A_30 = tpu.memref_slice %arg5[%arg0, %mul3A_2, %dma_wait3A] : memref<2x10112x128xf32, #tpu.memory_space<hbm>> -> memref<1x632x128xf32, #tpu.memory_space<hbm>>
      %dma_wait3A_31 = tpu.memref_squeeze %dma_wait3A_30 : memref<1x632x128xf32, #tpu.memory_space<hbm>> -> memref<632x128xf32, #tpu.memory_space<hbm>>
      %dma_wait3A_32 = arith.constant 0 : i32
      %dma_wait3A_33 = tpu.memref_slice %arg10[%mul3A_2, %dma_wait3A_32] : memref<10112x128xf32, #tpu.memory_space<vmem_shared>> -> memref<632x128xf32, #tpu.memory_space<vmem_shared>>
      tpu.wait_dma2 semaphore(%run_scoped3A : memref<!tpu.dma_semaphore, #tpu.memory_space<semaphore_mem>>) src(%dma_wait3A_33 : memref<632x128xf32, #tpu.memory_space<vmem_shared>>) dst(%dma_wait3A_31 : memref<632x128xf32, #tpu.memory_space<hbm>>)
      tpu.yield
    }) : () -> ()
    return
  }
}

#map = affine_map<(d0, d1) -> (0, 0, 0)>
module attributes {stable_mosaic.version = 14 : i64} {
  func.func @k(%arg0: i32, %arg1: i32, %arg2: memref<4x10000x128xf32, #tpu.memory_space<hbm>>, %arg3: memref<32x40x128xi32, #tpu.memory_space<hbm>>, %arg4: memref<32x40x128xi32, #tpu.memory_space<hbm>>, %arg5: memref<2x10112x512xf32, #tpu.memory_space<hbm>>, %arg6: memref<40x128xi32, #tpu.memory_space<vmem>>, %arg7: memref<40x128xi32, #tpu.memory_space<vmem>>, %arg8: memref<128x128xf32, #tpu.memory_space<vmem>>, %arg9: memref<128x128xf32, #tpu.memory_space<vmem>>, %arg10: memref<10112x128xf32, #tpu.memory_space<vmem_shared>>, %arg11: memref<!tpu.dma_semaphore, #tpu.memory_space<semaphore_mem>>, %arg12: memref<!tpu.dma_semaphore, #tpu.memory_space<semaphore_mem>>) attributes {dimension_semantics = [#tpu.dimension_semantics<core_parallel>, #tpu.dimension_semantics<subcore_parallel>], iteration_bounds = array<i64: 2, 16>, scalar_prefetch = 0 : i64, scratch_operands = 7 : i64, tpu.core_type = #tpu.core_type<sc_vector_subcore>, window_params = [{transform_indices = #map}, {transform_indices = #map}, {transform_indices = #map}, {transform_indices = #map}]} {
    %mul3A = arith.constant 16 : i32
    %mul3A_0 = arith.muli %arg0, %mul3A : i32
    %add3A = arith.addi %mul3A_0, %arg1 : i32
    %mul3A_1 = arith.constant 632 : i32
    %mul3A_2 = arith.muli %arg1, %mul3A_1 : i32
    "tpu.region"() ({
      %run_scoped3A = tpu.sem_alloc : memref<!tpu.dma_semaphore, #tpu.memory_space<semaphore_mem>>
      %dma_start3A = arith.constant 0 : i32
      %dma_start3A_104 = arith.constant 0 : i32
      %dma_start3A_105 = tpu.memref_slice %arg3[%add3A, %dma_start3A, %dma_start3A_104] : memref<32x40x128xi32, #tpu.memory_space<hbm>> -> memref<1x40x128xi32, #tpu.memory_space<hbm>>
      %dma_start3A_106 = tpu.memref_squeeze %dma_start3A_105 : memref<1x40x128xi32, #tpu.memory_space<hbm>> -> memref<40x128xi32, #tpu.memory_space<hbm>>
      %dma_start3A_107 = arith.constant 0 : i32
      %dma_start3A_108 = arith.constant 0 : i32
      %dma_start3A_109 = tpu.memref_slice %arg3[%add3A, %dma_start3A_107, %dma_start3A_108] : memref<32x40x128xi32, #tpu.memory_space<hbm>> -> memref<1x40x128xi32, #tpu.memory_space<hbm>>
      %dma_start3A_110 = tpu.memref_squeeze %dma_start3A_109 : memref<1x40x128xi32, #tpu.memory_space<hbm>> -> memref<40x128xi32, #tpu.memory_space<hbm>>
      tpu.enqueue_dma source(%dma_start3A_110 : memref<40x128xi32, #tpu.memory_space<hbm>>) target(%arg6 : memref<40x128xi32, #tpu.memory_space<vmem>>) target_semaphore(%run_scoped3A : memref<!tpu.dma_semaphore, #tpu.memory_space<semaphore_mem>>)
      %dma_wait3A = arith.constant 0 : i32
      %dma_wait3A_111 = arith.constant 0 : i32
      %dma_wait3A_112 = tpu.memref_slice %arg3[%add3A, %dma_wait3A, %dma_wait3A_111] : memref<32x40x128xi32, #tpu.memory_space<hbm>> -> memref<1x40x128xi32, #tpu.memory_space<hbm>>
      %dma_wait3A_113 = tpu.memref_squeeze %dma_wait3A_112 : memref<1x40x128xi32, #tpu.memory_space<hbm>> -> memref<40x128xi32, #tpu.memory_space<hbm>>
      %dma_wait3A_114 = arith.constant 0 : i32
      %dma_wait3A_115 = arith.constant 0 : i32
      %dma_wait3A_116 = tpu.memref_slice %arg3[%add3A, %dma_wait3A_114, %dma_wait3A_115] : memref<32x40x128xi32, #tpu.memory_space<hbm>> -> memref<1x40x128xi32, #tpu.memory_space<hbm>>
      %dma_wait3A_117 = tpu.memref_squeeze %dma_wait3A_116 : memref<1x40x128xi32, #tpu.memory_space<hbm>> -> memref<40x128xi32, #tpu.memory_space<hbm>>
      tpu.wait_dma2 semaphore(%run_scoped3A : memref<!tpu.dma_semaphore, #tpu.memory_space<semaphore_mem>>) src(%dma_wait3A_117 : memref<40x128xi32, #tpu.memory_space<hbm>>) dst(%arg6 : memref<40x128xi32, #tpu.memory_space<vmem>>)
      tpu.yield
    }) : () -> ()
    "tpu.region"() ({
      %run_scoped3A = tpu.sem_alloc : memref<!tpu.dma_semaphore, #tpu.memory_space<semaphore_mem>>
      %dma_start3A = arith.constant 0 : i32
      %dma_start3A_104 = arith.constant 0 : i32
      %dma_start3A_105 = tpu.memref_slice %arg4[%add3A, %dma_start3A, %dma_start3A_104] : memref<32x40x128xi32, #tpu.memory_space<hbm>> -> memref<1x40x128xi32, #tpu.memory_space<hbm>>
      %dma_start3A_106 = tpu.memref_squeeze %dma_start3A_105 : memref<1x40x128xi32, #tpu.memory_space<hbm>> -> memref<40x128xi32, #tpu.memory_space<hbm>>
      %dma_start3A_107 = arith.constant 0 : i32
      %dma_start3A_108 = arith.constant 0 : i32
      %dma_start3A_109 = tpu.memref_slice %arg4[%add3A, %dma_start3A_107, %dma_start3A_108] : memref<32x40x128xi32, #tpu.memory_space<hbm>> -> memref<1x40x128xi32, #tpu.memory_space<hbm>>
      %dma_start3A_110 = tpu.memref_squeeze %dma_start3A_109 : memref<1x40x128xi32, #tpu.memory_space<hbm>> -> memref<40x128xi32, #tpu.memory_space<hbm>>
      tpu.enqueue_dma source(%dma_start3A_110 : memref<40x128xi32, #tpu.memory_space<hbm>>) target(%arg7 : memref<40x128xi32, #tpu.memory_space<vmem>>) target_semaphore(%run_scoped3A : memref<!tpu.dma_semaphore, #tpu.memory_space<semaphore_mem>>)
      %dma_wait3A = arith.constant 0 : i32
      %dma_wait3A_111 = arith.constant 0 : i32
      %dma_wait3A_112 = tpu.memref_slice %arg4[%add3A, %dma_wait3A, %dma_wait3A_111] : memref<32x40x128xi32, #tpu.memory_space<hbm>> -> memref<1x40x128xi32, #tpu.memory_space<hbm>>
      %dma_wait3A_113 = tpu.memref_squeeze %dma_wait3A_112 : memref<1x40x128xi32, #tpu.memory_space<hbm>> -> memref<40x128xi32, #tpu.memory_space<hbm>>
      %dma_wait3A_114 = arith.constant 0 : i32
      %dma_wait3A_115 = arith.constant 0 : i32
      %dma_wait3A_116 = tpu.memref_slice %arg4[%add3A, %dma_wait3A_114, %dma_wait3A_115] : memref<32x40x128xi32, #tpu.memory_space<hbm>> -> memref<1x40x128xi32, #tpu.memory_space<hbm>>
      %dma_wait3A_117 = tpu.memref_squeeze %dma_wait3A_116 : memref<1x40x128xi32, #tpu.memory_space<hbm>> -> memref<40x128xi32, #tpu.memory_space<hbm>>
      tpu.wait_dma2 semaphore(%run_scoped3A : memref<!tpu.dma_semaphore, #tpu.memory_space<semaphore_mem>>) src(%dma_wait3A_117 : memref<40x128xi32, #tpu.memory_space<hbm>>) dst(%arg7 : memref<40x128xi32, #tpu.memory_space<vmem>>)
      tpu.yield
    }) : () -> ()
    %scan3A = arith.constant 0 : i32
    %scan3A_3 = arith.constant 0 : i32
    %scan3A_4 = arith.constant 128 : i32
    %scan3A_5 = arith.addi %scan3A_3, %scan3A_4 : i32
    %scan3A_6 = arith.constant 1 : i32
    scf.for %scan3A_104 = %scan3A_3 to %scan3A_5 step %scan3A_6  : i32 {
      %broadcast_in_dim3A = arith.constant 0.000000e+00 : f32
      %broadcast_in_dim3A_105 = vector.broadcast %broadcast_in_dim3A : f32 to vector<16xf32>
      %swap3A = arith.index_cast %scan3A_104 : i32 to index
      %swap3A_106 = arith.constant 0 : index
      %swap3A_107 = tpu.vector_load %arg8[%swap3A, %swap3A_106] {strides = array<i32>} : memref<128x128xf32, #tpu.memory_space<vmem>>, vector<1x16xf32>,
      %swap3A_108 = vector.shape_cast %swap3A_107 : vector<1x16xf32> to vector<16xf32>
      %swap3A_109 = vector.shape_cast %broadcast_in_dim3A_105 : vector<16xf32> to vector<1x16xf32>
      tpu.vector_store %arg8[%swap3A, %swap3A_106], %swap3A_109 {strides = array<i32>} : memref<128x128xf32, #tpu.memory_space<vmem>>, vector<1x16xf32>,
      %broadcast_in_dim3A_110 = arith.constant 0.000000e+00 : f32
      %broadcast_in_dim3A_111 = vector.broadcast %broadcast_in_dim3A_110 : f32 to vector<16xf32>
      %swap3A_112 = arith.index_cast %scan3A_104 : i32 to index
      %swap3A_113 = arith.constant 16 : index
      %swap3A_114 = tpu.vector_load %arg8[%swap3A_112, %swap3A_113] {strides = array<i32>} : memref<128x128xf32, #tpu.memory_space<vmem>>, vector<1x16xf32>,
      %swap3A_115 = vector.shape_cast %swap3A_114 : vector<1x16xf32> to vector<16xf32>
      %swap3A_116 = vector.shape_cast %broadcast_in_dim3A_111 : vector<16xf32> to vector<1x16xf32>
      tpu.vector_store %arg8[%swap3A_112, %swap3A_113], %swap3A_116 {strides = array<i32>} : memref<128x128xf32, #tpu.memory_space<vmem>>, vector<1x16xf32>,
      %broadcast_in_dim3A_117 = arith.constant 0.000000e+00 : f32
      %broadcast_in_dim3A_118 = vector.broadcast %broadcast_in_dim3A_117 : f32 to vector<16xf32>
      %swap3A_119 = arith.index_cast %scan3A_104 : i32 to index
      %swap3A_120 = arith.constant 32 : index
      %swap3A_121 = tpu.vector_load %arg8[%swap3A_119, %swap3A_120] {strides = array<i32>} : memref<128x128xf32, #tpu.memory_space<vmem>>, vector<1x16xf32>,
      %swap3A_122 = vector.shape_cast %swap3A_121 : vector<1x16xf32> to vector<16xf32>
      %swap3A_123 = vector.shape_cast %broadcast_in_dim3A_118 : vector<16xf32> to vector<1x16xf32>
      tpu.vector_store %arg8[%swap3A_119, %swap3A_120], %swap3A_123 {strides = array<i32>} : memref<128x128xf32, #tpu.memory_space<vmem>>, vector<1x16xf32>,
      %broadcast_in_dim3A_124 = arith.constant 0.000000e+00 : f32
      %broadcast_in_dim3A_125 = vector.broadcast %broadcast_in_dim3A_124 : f32 to vector<16xf32>
      %swap3A_126 = arith.index_cast %scan3A_104 : i32 to index
      %swap3A_127 = arith.constant 48 : index
      %swap3A_128 = tpu.vector_load %arg8[%swap3A_126, %swap3A_127] {strides = array<i32>} : memref<128x128xf32, #tpu.memory_space<vmem>>, vector<1x16xf32>,
      %swap3A_129 = vector.shape_cast %swap3A_128 : vector<1x16xf32> to vector<16xf32>
      %swap3A_130 = vector.shape_cast %broadcast_in_dim3A_125 : vector<16xf32> to vector<1x16xf32>
      tpu.vector_store %arg8[%swap3A_126, %swap3A_127], %swap3A_130 {strides = array<i32>} : memref<128x128xf32, #tpu.memory_space<vmem>>, vector<1x16xf32>,
      %broadcast_in_dim3A_131 = arith.constant 0.000000e+00 : f32
      %broadcast_in_dim3A_132 = vector.broadcast %broadcast_in_dim3A_131 : f32 to vector<16xf32>
      %swap3A_133 = arith.index_cast %scan3A_104 : i32 to index
      %swap3A_134 = arith.constant 64 : index
      %swap3A_135 = tpu.vector_load %arg8[%swap3A_133, %swap3A_134] {strides = array<i32>} : memref<128x128xf32, #tpu.memory_space<vmem>>, vector<1x16xf32>,
      %swap3A_136 = vector.shape_cast %swap3A_135 : vector<1x16xf32> to vector<16xf32>
      %swap3A_137 = vector.shape_cast %broadcast_in_dim3A_132 : vector<16xf32> to vector<1x16xf32>
      tpu.vector_store %arg8[%swap3A_133, %swap3A_134], %swap3A_137 {strides = array<i32>} : memref<128x128xf32, #tpu.memory_space<vmem>>, vector<1x16xf32>,
      %broadcast_in_dim3A_138 = arith.constant 0.000000e+00 : f32
      %broadcast_in_dim3A_139 = vector.broadcast %broadcast_in_dim3A_138 : f32 to vector<16xf32>
      %swap3A_140 = arith.index_cast %scan3A_104 : i32 to index
      %swap3A_141 = arith.constant 80 : index
      %swap3A_142 = tpu.vector_load %arg8[%swap3A_140, %swap3A_141] {strides = array<i32>} : memref<128x128xf32, #tpu.memory_space<vmem>>, vector<1x16xf32>,
      %swap3A_143 = vector.shape_cast %swap3A_142 : vector<1x16xf32> to vector<16xf32>
      %swap3A_144 = vector.shape_cast %broadcast_in_dim3A_139 : vector<16xf32> to vector<1x16xf32>
      tpu.vector_store %arg8[%swap3A_140, %swap3A_141], %swap3A_144 {strides = array<i32>} : memref<128x128xf32, #tpu.memory_space<vmem>>, vector<1x16xf32>,
      %broadcast_in_dim3A_145 = arith.constant 0.000000e+00 : f32
      %broadcast_in_dim3A_146 = vector.broadcast %broadcast_in_dim3A_145 : f32 to vector<16xf32>
      %swap3A_147 = arith.index_cast %scan3A_104 : i32 to index
      %swap3A_148 = arith.constant 96 : index
      %swap3A_149 = tpu.vector_load %arg8[%swap3A_147, %swap3A_148] {strides = array<i32>} : memref<128x128xf32, #tpu.memory_space<vmem>>, vector<1x16xf32>,
      %swap3A_150 = vector.shape_cast %swap3A_149 : vector<1x16xf32> to vector<16xf32>
      %swap3A_151 = vector.shape_cast %broadcast_in_dim3A_146 : vector<16xf32> to vector<1x16xf32>
      tpu.vector_store %arg8[%swap3A_147, %swap3A_148], %swap3A_151 {strides = array<i32>} : memref<128x128xf32, #tpu.memory_space<vmem>>, vector<1x16xf32>,
      %broadcast_in_dim3A_152 = arith.constant 0.000000e+00 : f32
      %broadcast_in_dim3A_153 = vector.broadcast %broadcast_in_dim3A_152 : f32 to vector<16xf32>
      %swap3A_154 = arith.index_cast %scan3A_104 : i32 to index
      %swap3A_155 = arith.constant 112 : index
      %swap3A_156 = tpu.vector_load %arg8[%swap3A_154, %swap3A_155] {strides = array<i32>} : memref<128x128xf32, #tpu.memory_space<vmem>>, vector<1x16xf32>,
      %swap3A_157 = vector.shape_cast %swap3A_156 : vector<1x16xf32> to vector<16xf32>
      %swap3A_158 = vector.shape_cast %broadcast_in_dim3A_153 : vector<16xf32> to vector<1x16xf32>
      tpu.vector_store %arg8[%swap3A_154, %swap3A_155], %swap3A_158 {strides = array<i32>} : memref<128x128xf32, #tpu.memory_space<vmem>>, vector<1x16xf32>,
    }
    %scan3A_7 = arith.constant 128 : i32
    %add3A_8 = arith.constant 0 : i32
    %add3A_9 = arith.addi %mul3A_2, %add3A_8 : i32
    "tpu.region"() ({
      %run_scoped3A = tpu.sem_alloc : memref<!tpu.dma_semaphore, #tpu.memory_space<semaphore_mem>>
      %dma_start3A = arith.constant 0 : i32
      %dma_start3A_104 = tpu.memref_slice %arg10[%add3A_9, %dma_start3A] : memref<10112x128xf32, #tpu.memory_space<vmem_shared>> -> memref<128x128xf32, #tpu.memory_space<vmem_shared>>
      %dma_start3A_105 = arith.constant 0 : i32
      %dma_start3A_106 = tpu.memref_slice %arg10[%add3A_9, %dma_start3A_105] : memref<10112x128xf32, #tpu.memory_space<vmem_shared>> -> memref<128x128xf32, #tpu.memory_space<vmem_shared>>
      tpu.enqueue_dma source(%arg8 : memref<128x128xf32, #tpu.memory_space<vmem>>) target(%dma_start3A_106 : memref<128x128xf32, #tpu.memory_space<vmem_shared>>) target_semaphore(%run_scoped3A : memref<!tpu.dma_semaphore, #tpu.memory_space<semaphore_mem>>)
      %dma_wait3A = arith.constant 0 : i32
      %dma_wait3A_107 = tpu.memref_slice %arg10[%add3A_9, %dma_wait3A] : memref<10112x128xf32, #tpu.memory_space<vmem_shared>> -> memref<128x128xf32, #tpu.memory_space<vmem_shared>>
      %dma_wait3A_108 = arith.constant 0 : i32
      %dma_wait3A_109 = tpu.memref_slice %arg10[%add3A_9, %dma_wait3A_108] : memref<10112x128xf32, #tpu.memory_space<vmem_shared>> -> memref<128x128xf32, #tpu.memory_space<vmem_shared>>
      tpu.wait_dma2 semaphore(%run_scoped3A : memref<!tpu.dma_semaphore, #tpu.memory_space<semaphore_mem>>) src(%arg8 : memref<128x128xf32, #tpu.memory_space<vmem>>) dst(%dma_wait3A_109 : memref<128x128xf32, #tpu.memory_space<vmem_shared>>)
      tpu.yield
    }) : () -> ()
    %add3A_10 = arith.constant 128 : i32
    %add3A_11 = arith.addi %mul3A_2, %add3A_10 : i32
    "tpu.region"() ({
      %run_scoped3A = tpu.sem_alloc : memref<!tpu.dma_semaphore, #tpu.memory_space<semaphore_mem>>
      %dma_start3A = arith.constant 0 : i32
      %dma_start3A_104 = tpu.memref_slice %arg10[%add3A_11, %dma_start3A] : memref<10112x128xf32, #tpu.memory_space<vmem_shared>> -> memref<128x128xf32, #tpu.memory_space<vmem_shared>>
      %dma_start3A_105 = arith.constant 0 : i32
      %dma_start3A_106 = tpu.memref_slice %arg10[%add3A_11, %dma_start3A_105] : memref<10112x128xf32, #tpu.memory_space<vmem_shared>> -> memref<128x128xf32, #tpu.memory_space<vmem_shared>>
      tpu.enqueue_dma source(%arg8 : memref<128x128xf32, #tpu.memory_space<vmem>>) target(%dma_start3A_106 : memref<128x128xf32, #tpu.memory_space<vmem_shared>>) target_semaphore(%run_scoped3A : memref<!tpu.dma_semaphore, #tpu.memory_space<semaphore_mem>>)
      %dma_wait3A = arith.constant 0 : i32
      %dma_wait3A_107 = tpu.memref_slice %arg10[%add3A_11, %dma_wait3A] : memref<10112x128xf32, #tpu.memory_space<vmem_shared>> -> memref<128x128xf32, #tpu.memory_space<vmem_shared>>
      %dma_wait3A_108 = arith.constant 0 : i32
      %dma_wait3A_109 = tpu.memref_slice %arg10[%add3A_11, %dma_wait3A_108] : memref<10112x128xf32, #tpu.memory_space<vmem_shared>> -> memref<128x128xf32, #tpu.memory_space<vmem_shared>>
      tpu.wait_dma2 semaphore(%run_scoped3A : memref<!tpu.dma_semaphore, #tpu.memory_space<semaphore_mem>>) src(%arg8 : memref<128x128xf32, #tpu.memory_space<vmem>>) dst(%dma_wait3A_109 : memref<128x128xf32, #tpu.memory_space<vmem_shared>>)
      tpu.yield
    }) : () -> ()
    %add3A_12 = arith.constant 256 : i32
    %add3A_13 = arith.addi %mul3A_2, %add3A_12 : i32
    "tpu.region"() ({
      %run_scoped3A = tpu.sem_alloc : memref<!tpu.dma_semaphore, #tpu.memory_space<semaphore_mem>>
      %dma_start3A = arith.constant 0 : i32
      %dma_start3A_104 = tpu.memref_slice %arg10[%add3A_13, %dma_start3A] : memref<10112x128xf32, #tpu.memory_space<vmem_shared>> -> memref<128x128xf32, #tpu.memory_space<vmem_shared>>
      %dma_start3A_105 = arith.constant 0 : i32
      %dma_start3A_106 = tpu.memref_slice %arg10[%add3A_13, %dma_start3A_105] : memref<10112x128xf32, #tpu.memory_space<vmem_shared>> -> memref<128x128xf32, #tpu.memory_space<vmem_shared>>
      tpu.enqueue_dma source(%arg8 : memref<128x128xf32, #tpu.memory_space<vmem>>) target(%dma_start3A_106 : memref<128x128xf32, #tpu.memory_space<vmem_shared>>) target_semaphore(%run_scoped3A : memref<!tpu.dma_semaphore, #tpu.memory_space<semaphore_mem>>)
      %dma_wait3A = arith.constant 0 : i32
      %dma_wait3A_107 = tpu.memref_slice %arg10[%add3A_13, %dma_wait3A] : memref<10112x128xf32, #tpu.memory_space<vmem_shared>> -> memref<128x128xf32, #tpu.memory_space<vmem_shared>>
      %dma_wait3A_108 = arith.constant 0 : i32
      %dma_wait3A_109 = tpu.memref_slice %arg10[%add3A_13, %dma_wait3A_108] : memref<10112x128xf32, #tpu.memory_space<vmem_shared>> -> memref<128x128xf32, #tpu.memory_space<vmem_shared>>
      tpu.wait_dma2 semaphore(%run_scoped3A : memref<!tpu.dma_semaphore, #tpu.memory_space<semaphore_mem>>) src(%arg8 : memref<128x128xf32, #tpu.memory_space<vmem>>) dst(%dma_wait3A_109 : memref<128x128xf32, #tpu.memory_space<vmem_shared>>)
      tpu.yield
    }) : () -> ()
    %add3A_14 = arith.constant 384 : i32
    %add3A_15 = arith.addi %mul3A_2, %add3A_14 : i32
    "tpu.region"() ({
      %run_scoped3A = tpu.sem_alloc : memref<!tpu.dma_semaphore, #tpu.memory_space<semaphore_mem>>
      %dma_start3A = arith.constant 0 : i32
      %dma_start3A_104 = tpu.memref_slice %arg10[%add3A_15, %dma_start3A] : memref<10112x128xf32, #tpu.memory_space<vmem_shared>> -> memref<128x128xf32, #tpu.memory_space<vmem_shared>>
      %dma_start3A_105 = arith.constant 0 : i32
      %dma_start3A_106 = tpu.memref_slice %arg10[%add3A_15, %dma_start3A_105] : memref<10112x128xf32, #tpu.memory_space<vmem_shared>> -> memref<128x128xf32, #tpu.memory_space<vmem_shared>>
      tpu.enqueue_dma source(%arg8 : memref<128x128xf32, #tpu.memory_space<vmem>>) target(%dma_start3A_106 : memref<128x128xf32, #tpu.memory_space<vmem_shared>>) target_semaphore(%run_scoped3A : memref<!tpu.dma_semaphore, #tpu.memory_space<semaphore_mem>>)
      %dma_wait3A = arith.constant 0 : i32
      %dma_wait3A_107 = tpu.memref_slice %arg10[%add3A_15, %dma_wait3A] : memref<10112x128xf32, #tpu.memory_space<vmem_shared>> -> memref<128x128xf32, #tpu.memory_space<vmem_shared>>
      %dma_wait3A_108 = arith.constant 0 : i32
      %dma_wait3A_109 = tpu.memref_slice %arg10[%add3A_15, %dma_wait3A_108] : memref<10112x128xf32, #tpu.memory_space<vmem_shared>> -> memref<128x128xf32, #tpu.memory_space<vmem_shared>>
      tpu.wait_dma2 semaphore(%run_scoped3A : memref<!tpu.dma_semaphore, #tpu.memory_space<semaphore_mem>>) src(%arg8 : memref<128x128xf32, #tpu.memory_space<vmem>>) dst(%dma_wait3A_109 : memref<128x128xf32, #tpu.memory_space<vmem_shared>>)
      tpu.yield
    }) : () -> ()
    %add3A_16 = arith.constant 512 : i32
    %add3A_17 = arith.addi %mul3A_2, %add3A_16 : i32
    "tpu.region"() ({
      %run_scoped3A = tpu.sem_alloc : memref<!tpu.dma_semaphore, #tpu.memory_space<semaphore_mem>>
      %dma_start3A = arith.constant 0 : i32
      %dma_start3A_104 = arith.constant 0 : i32
      %dma_start3A_105 = tpu.memref_slice %arg8[%dma_start3A, %dma_start3A_104] : memref<128x128xf32, #tpu.memory_space<vmem>> -> memref<120x128xf32, #tpu.memory_space<vmem>>
      %dma_start3A_106 = arith.constant 0 : i32
      %dma_start3A_107 = tpu.memref_slice %arg10[%add3A_17, %dma_start3A_106] : memref<10112x128xf32, #tpu.memory_space<vmem_shared>> -> memref<120x128xf32, #tpu.memory_space<vmem_shared>>
      %dma_start3A_108 = arith.constant 0 : i32
      %dma_start3A_109 = tpu.memref_slice %arg10[%add3A_17, %dma_start3A_108] : memref<10112x128xf32, #tpu.memory_space<vmem_shared>> -> memref<120x128xf32, #tpu.memory_space<vmem_shared>>
      %dma_start3A_110 = arith.constant 0 : i32
      %dma_start3A_111 = arith.constant 0 : i32
      %dma_start3A_112 = tpu.memref_slice %arg8[%dma_start3A_110, %dma_start3A_111] : memref<128x128xf32, #tpu.memory_space<vmem>> -> memref<120x128xf32, #tpu.memory_space<vmem>>
      tpu.enqueue_dma source(%dma_start3A_112 : memref<120x128xf32, #tpu.memory_space<vmem>>) target(%dma_start3A_109 : memref<120x128xf32, #tpu.memory_space<vmem_shared>>) target_semaphore(%run_scoped3A : memref<!tpu.dma_semaphore, #tpu.memory_space<semaphore_mem>>)
      %dma_wait3A = arith.constant 0 : i32
      %dma_wait3A_113 = arith.constant 0 : i32
      %dma_wait3A_114 = tpu.memref_slice %arg8[%dma_wait3A, %dma_wait3A_113] : memref<128x128xf32, #tpu.memory_space<vmem>> -> memref<120x128xf32, #tpu.memory_space<vmem>>
      %dma_wait3A_115 = arith.constant 0 : i32
      %dma_wait3A_116 = tpu.memref_slice %arg10[%add3A_17, %dma_wait3A_115] : memref<10112x128xf32, #tpu.memory_space<vmem_shared>> -> memref<120x128xf32, #tpu.memory_space<vmem_shared>>
      %dma_wait3A_117 = arith.constant 0 : i32
      %dma_wait3A_118 = tpu.memref_slice %arg10[%add3A_17, %dma_wait3A_117] : memref<10112x128xf32, #tpu.memory_space<vmem_shared>> -> memref<120x128xf32, #tpu.memory_space<vmem_shared>>
      %dma_wait3A_119 = arith.constant 0 : i32
      %dma_wait3A_120 = arith.constant 0 : i32
      %dma_wait3A_121 = tpu.memref_slice %arg8[%dma_wait3A_119, %dma_wait3A_120] : memref<128x128xf32, #tpu.memory_space<vmem>> -> memref<120x128xf32, #tpu.memory_space<vmem>>
      tpu.wait_dma2 semaphore(%run_scoped3A : memref<!tpu.dma_semaphore, #tpu.memory_space<semaphore_mem>>) src(%dma_wait3A_121 : memref<120x128xf32, #tpu.memory_space<vmem>>) dst(%dma_wait3A_118 : memref<120x128xf32, #tpu.memory_space<vmem_shared>>)
      tpu.yield
    }) : () -> ()
    %barrier3A = arith.constant 0 : index
    tpu.barrier barrier_id(%barrier3A)
    %scan3A_18 = arith.constant 0 : i32
    %scan3A_19 = arith.constant 0 : i32
    %scan3A_20 = arith.constant 0 : i32
    %scan3A_21 = arith.constant 20 : i32
    %scan3A_22 = arith.addi %scan3A_20, %scan3A_21 : i32
    %scan3A_23 = arith.constant 1 : i32
    scf.for %scan3A_104 = %scan3A_20 to %scan3A_22 step %scan3A_23  : i32 {
      %mul3A_105 = arith.constant 2 : i32
      %mul3A_106 = arith.muli %mul3A_105, %scan3A_104 : i32
      %dma_start3A = arith.constant 0 : i32
      %dma_start3A_107 = tpu.memref_slice %arg6[%mul3A_106, %dma_start3A] : memref<40x128xi32, #tpu.memory_space<vmem>> -> memref<1x128xi32, #tpu.memory_space<vmem>>
      %dma_start3A_108 = tpu.memref_squeeze %dma_start3A_107 : memref<1x128xi32, #tpu.memory_space<vmem>> -> memref<128xi32, #tpu.memory_space<vmem>>
      %dma_start3A_109 = arith.constant 0 : i32
      %dma_start3A_110 = arith.constant 0 : i32
      %dma_start3A_111 = tpu.memref_slice %arg2[%scan3A_19, %dma_start3A_109, %dma_start3A_110] : memref<4x10000x128xf32, #tpu.memory_space<hbm>> -> memref<1x10000x128xf32, #tpu.memory_space<hbm>>
      %dma_start3A_112 = tpu.memref_squeeze %dma_start3A_111 : memref<1x10000x128xf32, #tpu.memory_space<hbm>> -> memref<10000x128xf32, #tpu.memory_space<hbm>>
      %dma_start3A_113 = arith.constant 0 : i32
      %dma_start3A_114 = arith.constant 0 : i32
      %dma_start3A_115 = tpu.memref_slice %dma_start3A_112[%dma_start3A_113, %dma_start3A_114] : memref<10000x128xf32, #tpu.memory_space<hbm>> -> memref<10000x128xf32, #tpu.memory_space<hbm>>
      tpu.enqueue_indirect_dma source(%dma_start3A_115 : memref<10000x128xf32, #tpu.memory_space<hbm>>) target(%arg8 : memref<128x128xf32, #tpu.memory_space<vmem>>) offsets(%dma_start3A_108 : memref<128xi32, #tpu.memory_space<vmem>>) semaphore(%arg11 : memref<!tpu.dma_semaphore, #tpu.memory_space<semaphore_mem>>)
      %add3A_116 = arith.constant 1 : i32
      %add3A_117 = arith.addi %mul3A_106, %add3A_116 : i32
      %dma_start3A_118 = arith.constant 0 : i32
      %dma_start3A_119 = tpu.memref_slice %arg6[%add3A_117, %dma_start3A_118] : memref<40x128xi32, #tpu.memory_space<vmem>> -> memref<1x128xi32, #tpu.memory_space<vmem>>
      %dma_start3A_120 = tpu.memref_squeeze %dma_start3A_119 : memref<1x128xi32, #tpu.memory_space<vmem>> -> memref<128xi32, #tpu.memory_space<vmem>>
      %dma_start3A_121 = arith.constant 0 : i32
      %dma_start3A_122 = arith.constant 0 : i32
      %dma_start3A_123 = tpu.memref_slice %arg2[%scan3A_19, %dma_start3A_121, %dma_start3A_122] : memref<4x10000x128xf32, #tpu.memory_space<hbm>> -> memref<1x10000x128xf32, #tpu.memory_space<hbm>>
      %dma_start3A_124 = tpu.memref_squeeze %dma_start3A_123 : memref<1x10000x128xf32, #tpu.memory_space<hbm>> -> memref<10000x128xf32, #tpu.memory_space<hbm>>
      %dma_start3A_125 = arith.constant 0 : i32
      %dma_start3A_126 = arith.constant 0 : i32
      %dma_start3A_127 = tpu.memref_slice %dma_start3A_124[%dma_start3A_125, %dma_start3A_126] : memref<10000x128xf32, #tpu.memory_space<hbm>> -> memref<10000x128xf32, #tpu.memory_space<hbm>>
      tpu.enqueue_indirect_dma source(%dma_start3A_127 : memref<10000x128xf32, #tpu.memory_space<hbm>>) target(%arg9 : memref<128x128xf32, #tpu.memory_space<vmem>>) offsets(%dma_start3A_120 : memref<128xi32, #tpu.memory_space<vmem>>) semaphore(%arg12 : memref<!tpu.dma_semaphore, #tpu.memory_space<semaphore_mem>>)
      %dma_wait3A = arith.constant 0 : i32
      %dma_wait3A_128 = tpu.memref_slice %arg6[%mul3A_106, %dma_wait3A] : memref<40x128xi32, #tpu.memory_space<vmem>> -> memref<1x128xi32, #tpu.memory_space<vmem>>
      %dma_wait3A_129 = tpu.memref_squeeze %dma_wait3A_128 : memref<1x128xi32, #tpu.memory_space<vmem>> -> memref<128xi32, #tpu.memory_space<vmem>>
      %dma_wait3A_130 = arith.constant 0 : i32
      %dma_wait3A_131 = arith.constant 0 : i32
      %dma_wait3A_132 = tpu.memref_slice %arg2[%scan3A_19, %dma_wait3A_130, %dma_wait3A_131] : memref<4x10000x128xf32, #tpu.memory_space<hbm>> -> memref<1x10000x128xf32, #tpu.memory_space<hbm>>
      %dma_wait3A_133 = tpu.memref_squeeze %dma_wait3A_132 : memref<1x10000x128xf32, #tpu.memory_space<hbm>> -> memref<10000x128xf32, #tpu.memory_space<hbm>>
      %dma_wait3A_134 = arith.constant 0 : i32
      %dma_wait3A_135 = arith.constant 0 : i32
      %dma_wait3A_136 = tpu.memref_slice %dma_wait3A_133[%dma_wait3A_134, %dma_wait3A_135] : memref<10000x128xf32, #tpu.memory_space<hbm>> -> memref<10000x128xf32, #tpu.memory_space<hbm>>
      tpu.wait_indirect_dma semaphore(%arg11 : memref<!tpu.dma_semaphore, #tpu.memory_space<semaphore_mem>>) src(%dma_wait3A_136 : memref<10000x128xf32, #tpu.memory_space<hbm>>) dst(%arg8 : memref<128x128xf32, #tpu.memory_space<vmem>>)
      "tpu.region"() ({
        %run_scoped3A = tpu.sem_alloc : memref<!tpu.dma_semaphore, #tpu.memory_space<semaphore_mem>>
        %dma_start3A_149 = arith.constant 0 : i32
        %dma_start3A_150 = tpu.memref_slice %arg7[%mul3A_106, %dma_start3A_149] : memref<40x128xi32, #tpu.memory_space<vmem>> -> memref<1x128xi32, #tpu.memory_space<vmem>>
        %dma_start3A_151 = tpu.memref_squeeze %dma_start3A_150 : memref<1x128xi32, #tpu.memory_space<vmem>> -> memref<128xi32, #tpu.memory_space<vmem>>
        %dma_start3A_152 = arith.constant 0 : i32
        %dma_start3A_153 = arith.constant 0 : i32
        %dma_start3A_154 = tpu.memref_slice %arg10[%dma_start3A_152, %dma_start3A_153] : memref<10112x128xf32, #tpu.memory_space<vmem_shared>> -> memref<10112x128xf32, #tpu.memory_space<vmem_shared>>
        tpu.enqueue_indirect_dma source(%arg8 : memref<128x128xf32, #tpu.memory_space<vmem>>) target(%dma_start3A_154 : memref<10112x128xf32, #tpu.memory_space<vmem_shared>>) offsets(%dma_start3A_151 : memref<128xi32, #tpu.memory_space<vmem>>) semaphore(%run_scoped3A : memref<!tpu.dma_semaphore, #tpu.memory_space<semaphore_mem>>) {add = true}
        %dma_wait3A_155 = arith.constant 0 : i32
        %dma_wait3A_156 = tpu.memref_slice %arg7[%mul3A_106, %dma_wait3A_155] : memref<40x128xi32, #tpu.memory_space<vmem>> -> memref<1x128xi32, #tpu.memory_space<vmem>>
        %dma_wait3A_157 = tpu.memref_squeeze %dma_wait3A_156 : memref<1x128xi32, #tpu.memory_space<vmem>> -> memref<128xi32, #tpu.memory_space<vmem>>
        %dma_wait3A_158 = arith.constant 0 : i32
        %dma_wait3A_159 = arith.constant 0 : i32
        %dma_wait3A_160 = tpu.memref_slice %arg10[%dma_wait3A_158, %dma_wait3A_159] : memref<10112x128xf32, #tpu.memory_space<vmem_shared>> -> memref<10112x128xf32, #tpu.memory_space<vmem_shared>>
        tpu.wait_indirect_dma semaphore(%run_scoped3A : memref<!tpu.dma_semaphore, #tpu.memory_space<semaphore_mem>>) src(%arg8 : memref<128x128xf32, #tpu.memory_space<vmem>>) dst(%dma_wait3A_160 : memref<10112x128xf32, #tpu.memory_space<vmem_shared>>)
        tpu.yield
      }) : () -> ()
      %dma_wait3A_137 = arith.constant 0 : i32
      %dma_wait3A_138 = tpu.memref_slice %arg6[%add3A_117, %dma_wait3A_137] : memref<40x128xi32, #tpu.memory_space<vmem>> -> memref<1x128xi32, #tpu.memory_space<vmem>>
      %dma_wait3A_139 = tpu.memref_squeeze %dma_wait3A_138 : memref<1x128xi32, #tpu.memory_space<vmem>> -> memref<128xi32, #tpu.memory_space<vmem>>
      %dma_wait3A_140 = arith.constant 0 : i32
      %dma_wait3A_141 = arith.constant 0 : i32
      %dma_wait3A_142 = tpu.memref_slice %arg2[%scan3A_19, %dma_wait3A_140, %dma_wait3A_141] : memref<4x10000x128xf32, #tpu.memory_space<hbm>> -> memref<1x10000x128xf32, #tpu.memory_space<hbm>>
      %dma_wait3A_143 = tpu.memref_squeeze %dma_wait3A_142 : memref<1x10000x128xf32, #tpu.memory_space<hbm>> -> memref<10000x128xf32, #tpu.memory_space<hbm>>
      %dma_wait3A_144 = arith.constant 0 : i32
      %dma_wait3A_145 = arith.constant 0 : i32
      %dma_wait3A_146 = tpu.memref_slice %dma_wait3A_143[%dma_wait3A_144, %dma_wait3A_145] : memref<10000x128xf32, #tpu.memory_space<hbm>> -> memref<10000x128xf32, #tpu.memory_space<hbm>>
      tpu.wait_indirect_dma semaphore(%arg12 : memref<!tpu.dma_semaphore, #tpu.memory_space<semaphore_mem>>) src(%dma_wait3A_146 : memref<10000x128xf32, #tpu.memory_space<hbm>>) dst(%arg9 : memref<128x128xf32, #tpu.memory_space<vmem>>)
      %add3A_147 = arith.constant 1 : i32
      %add3A_148 = arith.addi %mul3A_106, %add3A_147 : i32
      "tpu.region"() ({
        %run_scoped3A = tpu.sem_alloc : memref<!tpu.dma_semaphore, #tpu.memory_space<semaphore_mem>>
        %dma_start3A_149 = arith.constant 0 : i32
        %dma_start3A_150 = tpu.memref_slice %arg7[%add3A_148, %dma_start3A_149] : memref<40x128xi32, #tpu.memory_space<vmem>> -> memref<1x128xi32, #tpu.memory_space<vmem>>
        %dma_start3A_151 = tpu.memref_squeeze %dma_start3A_150 : memref<1x128xi32, #tpu.memory_space<vmem>> -> memref<128xi32, #tpu.memory_space<vmem>>
        %dma_start3A_152 = arith.constant 0 : i32
        %dma_start3A_153 = arith.constant 0 : i32
        %dma_start3A_154 = tpu.memref_slice %arg10[%dma_start3A_152, %dma_start3A_153] : memref<10112x128xf32, #tpu.memory_space<vmem_shared>> -> memref<10112x128xf32, #tpu.memory_space<vmem_shared>>
        tpu.enqueue_indirect_dma source(%arg9 : memref<128x128xf32, #tpu.memory_space<vmem>>) target(%dma_start3A_154 : memref<10112x128xf32, #tpu.memory_space<vmem_shared>>) offsets(%dma_start3A_151 : memref<128xi32, #tpu.memory_space<vmem>>) semaphore(%run_scoped3A : memref<!tpu.dma_semaphore, #tpu.memory_space<semaphore_mem>>) {add = true}
        %dma_wait3A_155 = arith.constant 0 : i32
        %dma_wait3A_156 = tpu.memref_slice %arg7[%add3A_148, %dma_wait3A_155] : memref<40x128xi32, #tpu.memory_space<vmem>> -> memref<1x128xi32, #tpu.memory_space<vmem>>
        %dma_wait3A_157 = tpu.memref_squeeze %dma_wait3A_156 : memref<1x128xi32, #tpu.memory_space<vmem>> -> memref<128xi32, #tpu.memory_space<vmem>>
        %dma_wait3A_158 = arith.constant 0 : i32
        %dma_wait3A_159 = arith.constant 0 : i32
        %dma_wait3A_160 = tpu.memref_slice %arg10[%dma_wait3A_158, %dma_wait3A_159] : memref<10112x128xf32, #tpu.memory_space<vmem_shared>> -> memref<10112x128xf32, #tpu.memory_space<vmem_shared>>
        tpu.wait_indirect_dma semaphore(%run_scoped3A : memref<!tpu.dma_semaphore, #tpu.memory_space<semaphore_mem>>) src(%arg9 : memref<128x128xf32, #tpu.memory_space<vmem>>) dst(%dma_wait3A_160 : memref<10112x128xf32, #tpu.memory_space<vmem_shared>>)
        tpu.yield
      }) : () -> ()
    }
    %scan3A_24 = arith.constant 20 : i32
    %barrier3A_25 = arith.constant 0 : index
    tpu.barrier barrier_id(%barrier3A_25)
    "tpu.region"() ({
      %run_scoped3A = tpu.sem_alloc : memref<!tpu.dma_semaphore, #tpu.memory_space<semaphore_mem>>
      %dma_start3A = arith.constant 0 : i32
      %dma_start3A_104 = tpu.memref_slice %arg5[%arg0, %mul3A_2, %dma_start3A] : memref<2x10112x512xf32, #tpu.memory_space<hbm>> -> memref<1x632x128xf32, #tpu.memory_space<hbm>>
      %dma_start3A_105 = tpu.memref_squeeze %dma_start3A_104 : memref<1x632x128xf32, #tpu.memory_space<hbm>> -> memref<632x128xf32, #tpu.memory_space<hbm>>
      %dma_start3A_106 = arith.constant 0 : i32
      %dma_start3A_107 = tpu.memref_slice %arg10[%mul3A_2, %dma_start3A_106] : memref<10112x128xf32, #tpu.memory_space<vmem_shared>> -> memref<632x128xf32, #tpu.memory_space<vmem_shared>>
      tpu.enqueue_dma source(%dma_start3A_107 : memref<632x128xf32, #tpu.memory_space<vmem_shared>>) target(%dma_start3A_105 : memref<632x128xf32, #tpu.memory_space<hbm>>) target_semaphore(%run_scoped3A : memref<!tpu.dma_semaphore, #tpu.memory_space<semaphore_mem>>)
      %dma_wait3A = arith.constant 0 : i32
      %dma_wait3A_108 = tpu.memref_slice %arg5[%arg0, %mul3A_2, %dma_wait3A] : memref<2x10112x512xf32, #tpu.memory_space<hbm>> -> memref<1x632x128xf32, #tpu.memory_space<hbm>>
      %dma_wait3A_109 = tpu.memref_squeeze %dma_wait3A_108 : memref<1x632x128xf32, #tpu.memory_space<hbm>> -> memref<632x128xf32, #tpu.memory_space<hbm>>
      %dma_wait3A_110 = arith.constant 0 : i32
      %dma_wait3A_111 = tpu.memref_slice %arg10[%mul3A_2, %dma_wait3A_110] : memref<10112x128xf32, #tpu.memory_space<vmem_shared>> -> memref<632x128xf32, #tpu.memory_space<vmem_shared>>
      tpu.wait_dma2 semaphore(%run_scoped3A : memref<!tpu.dma_semaphore, #tpu.memory_space<semaphore_mem>>) src(%dma_wait3A_111 : memref<632x128xf32, #tpu.memory_space<vmem_shared>>) dst(%dma_wait3A_109 : memref<632x128xf32, #tpu.memory_space<hbm>>)
      tpu.yield
    }) : () -> ()
    %barrier3A_26 = arith.constant 0 : index
    tpu.barrier barrier_id(%barrier3A_26)
    %scan3A_27 = arith.constant 0 : i32
    %scan3A_28 = arith.constant 0 : i32
    %scan3A_29 = arith.constant 128 : i32
    %scan3A_30 = arith.addi %scan3A_28, %scan3A_29 : i32
    %scan3A_31 = arith.constant 1 : i32
    scf.for %scan3A_104 = %scan3A_28 to %scan3A_30 step %scan3A_31  : i32 {
      %broadcast_in_dim3A = arith.constant 0.000000e+00 : f32
      %broadcast_in_dim3A_105 = vector.broadcast %broadcast_in_dim3A : f32 to vector<16xf32>
      %swap3A = arith.index_cast %scan3A_104 : i32 to index
      %swap3A_106 = arith.constant 0 : index
      %swap3A_107 = tpu.vector_load %arg8[%swap3A, %swap3A_106] {strides = array<i32>} : memref<128x128xf32, #tpu.memory_space<vmem>>, vector<1x16xf32>,
      %swap3A_108 = vector.shape_cast %swap3A_107 : vector<1x16xf32> to vector<16xf32>
      %swap3A_109 = vector.shape_cast %broadcast_in_dim3A_105 : vector<16xf32> to vector<1x16xf32>
      tpu.vector_store %arg8[%swap3A, %swap3A_106], %swap3A_109 {strides = array<i32>} : memref<128x128xf32, #tpu.memory_space<vmem>>, vector<1x16xf32>,
      %broadcast_in_dim3A_110 = arith.constant 0.000000e+00 : f32
      %broadcast_in_dim3A_111 = vector.broadcast %broadcast_in_dim3A_110 : f32 to vector<16xf32>
      %swap3A_112 = arith.index_cast %scan3A_104 : i32 to index
      %swap3A_113 = arith.constant 16 : index
      %swap3A_114 = tpu.vector_load %arg8[%swap3A_112, %swap3A_113] {strides = array<i32>} : memref<128x128xf32, #tpu.memory_space<vmem>>, vector<1x16xf32>,
      %swap3A_115 = vector.shape_cast %swap3A_114 : vector<1x16xf32> to vector<16xf32>
      %swap3A_116 = vector.shape_cast %broadcast_in_dim3A_111 : vector<16xf32> to vector<1x16xf32>
      tpu.vector_store %arg8[%swap3A_112, %swap3A_113], %swap3A_116 {strides = array<i32>} : memref<128x128xf32, #tpu.memory_space<vmem>>, vector<1x16xf32>,
      %broadcast_in_dim3A_117 = arith.constant 0.000000e+00 : f32
      %broadcast_in_dim3A_118 = vector.broadcast %broadcast_in_dim3A_117 : f32 to vector<16xf32>
      %swap3A_119 = arith.index_cast %scan3A_104 : i32 to index
      %swap3A_120 = arith.constant 32 : index
      %swap3A_121 = tpu.vector_load %arg8[%swap3A_119, %swap3A_120] {strides = array<i32>} : memref<128x128xf32, #tpu.memory_space<vmem>>, vector<1x16xf32>,
      %swap3A_122 = vector.shape_cast %swap3A_121 : vector<1x16xf32> to vector<16xf32>
      %swap3A_123 = vector.shape_cast %broadcast_in_dim3A_118 : vector<16xf32> to vector<1x16xf32>
      tpu.vector_store %arg8[%swap3A_119, %swap3A_120], %swap3A_123 {strides = array<i32>} : memref<128x128xf32, #tpu.memory_space<vmem>>, vector<1x16xf32>,
      %broadcast_in_dim3A_124 = arith.constant 0.000000e+00 : f32
      %broadcast_in_dim3A_125 = vector.broadcast %broadcast_in_dim3A_124 : f32 to vector<16xf32>
      %swap3A_126 = arith.index_cast %scan3A_104 : i32 to index
      %swap3A_127 = arith.constant 48 : index
      %swap3A_128 = tpu.vector_load %arg8[%swap3A_126, %swap3A_127] {strides = array<i32>} : memref<128x128xf32, #tpu.memory_space<vmem>>, vector<1x16xf32>,
      %swap3A_129 = vector.shape_cast %swap3A_128 : vector<1x16xf32> to vector<16xf32>
      %swap3A_130 = vector.shape_cast %broadcast_in_dim3A_125 : vector<16xf32> to vector<1x16xf32>
      tpu.vector_store %arg8[%swap3A_126, %swap3A_127], %swap3A_130 {strides = array<i32>} : memref<128x128xf32, #tpu.memory_space<vmem>>, vector<1x16xf32>,
      %broadcast_in_dim3A_131 = arith.constant 0.000000e+00 : f32
      %broadcast_in_dim3A_132 = vector.broadcast %broadcast_in_dim3A_131 : f32 to vector<16xf32>
      %swap3A_133 = arith.index_cast %scan3A_104 : i32 to index
      %swap3A_134 = arith.constant 64 : index
      %swap3A_135 = tpu.vector_load %arg8[%swap3A_133, %swap3A_134] {strides = array<i32>} : memref<128x128xf32, #tpu.memory_space<vmem>>, vector<1x16xf32>,
      %swap3A_136 = vector.shape_cast %swap3A_135 : vector<1x16xf32> to vector<16xf32>
      %swap3A_137 = vector.shape_cast %broadcast_in_dim3A_132 : vector<16xf32> to vector<1x16xf32>
      tpu.vector_store %arg8[%swap3A_133, %swap3A_134], %swap3A_137 {strides = array<i32>} : memref<128x128xf32, #tpu.memory_space<vmem>>, vector<1x16xf32>,
      %broadcast_in_dim3A_138 = arith.constant 0.000000e+00 : f32
      %broadcast_in_dim3A_139 = vector.broadcast %broadcast_in_dim3A_138 : f32 to vector<16xf32>
      %swap3A_140 = arith.index_cast %scan3A_104 : i32 to index
      %swap3A_141 = arith.constant 80 : index
      %swap3A_142 = tpu.vector_load %arg8[%swap3A_140, %swap3A_141] {strides = array<i32>} : memref<128x128xf32, #tpu.memory_space<vmem>>, vector<1x16xf32>,
      %swap3A_143 = vector.shape_cast %swap3A_142 : vector<1x16xf32> to vector<16xf32>
      %swap3A_144 = vector.shape_cast %broadcast_in_dim3A_139 : vector<16xf32> to vector<1x16xf32>
      tpu.vector_store %arg8[%swap3A_140, %swap3A_141], %swap3A_144 {strides = array<i32>} : memref<128x128xf32, #tpu.memory_space<vmem>>, vector<1x16xf32>,
      %broadcast_in_dim3A_145 = arith.constant 0.000000e+00 : f32
      %broadcast_in_dim3A_146 = vector.broadcast %broadcast_in_dim3A_145 : f32 to vector<16xf32>
      %swap3A_147 = arith.index_cast %scan3A_104 : i32 to index
      %swap3A_148 = arith.constant 96 : index
      %swap3A_149 = tpu.vector_load %arg8[%swap3A_147, %swap3A_148] {strides = array<i32>} : memref<128x128xf32, #tpu.memory_space<vmem>>, vector<1x16xf32>,
      %swap3A_150 = vector.shape_cast %swap3A_149 : vector<1x16xf32> to vector<16xf32>
      %swap3A_151 = vector.shape_cast %broadcast_in_dim3A_146 : vector<16xf32> to vector<1x16xf32>
      tpu.vector_store %arg8[%swap3A_147, %swap3A_148], %swap3A_151 {strides = array<i32>} : memref<128x128xf32, #tpu.memory_space<vmem>>, vector<1x16xf32>,
      %broadcast_in_dim3A_152 = arith.constant 0.000000e+00 : f32
      %broadcast_in_dim3A_153 = vector.broadcast %broadcast_in_dim3A_152 : f32 to vector<16xf32>
      %swap3A_154 = arith.index_cast %scan3A_104 : i32 to index
      %swap3A_155 = arith.constant 112 : index
      %swap3A_156 = tpu.vector_load %arg8[%swap3A_154, %swap3A_155] {strides = array<i32>} : memref<128x128xf32, #tpu.memory_space<vmem>>, vector<1x16xf32>,
      %swap3A_157 = vector.shape_cast %swap3A_156 : vector<1x16xf32> to vector<16xf32>
      %swap3A_158 = vector.shape_cast %broadcast_in_dim3A_153 : vector<16xf32> to vector<1x16xf32>
      tpu.vector_store %arg8[%swap3A_154, %swap3A_155], %swap3A_158 {strides = array<i32>} : memref<128x128xf32, #tpu.memory_space<vmem>>, vector<1x16xf32>,
    }
    %scan3A_32 = arith.constant 128 : i32
    %add3A_33 = arith.constant 0 : i32
    %add3A_34 = arith.addi %mul3A_2, %add3A_33 : i32
    "tpu.region"() ({
      %run_scoped3A = tpu.sem_alloc : memref<!tpu.dma_semaphore, #tpu.memory_space<semaphore_mem>>
      %dma_start3A = arith.constant 0 : i32
      %dma_start3A_104 = tpu.memref_slice %arg10[%add3A_34, %dma_start3A] : memref<10112x128xf32, #tpu.memory_space<vmem_shared>> -> memref<128x128xf32, #tpu.memory_space<vmem_shared>>
      %dma_start3A_105 = arith.constant 0 : i32
      %dma_start3A_106 = tpu.memref_slice %arg10[%add3A_34, %dma_start3A_105] : memref<10112x128xf32, #tpu.memory_space<vmem_shared>> -> memref<128x128xf32, #tpu.memory_space<vmem_shared>>
      tpu.enqueue_dma source(%arg8 : memref<128x128xf32, #tpu.memory_space<vmem>>) target(%dma_start3A_106 : memref<128x128xf32, #tpu.memory_space<vmem_shared>>) target_semaphore(%run_scoped3A : memref<!tpu.dma_semaphore, #tpu.memory_space<semaphore_mem>>)
      %dma_wait3A = arith.constant 0 : i32
      %dma_wait3A_107 = tpu.memref_slice %arg10[%add3A_34, %dma_wait3A] : memref<10112x128xf32, #tpu.memory_space<vmem_shared>> -> memref<128x128xf32, #tpu.memory_space<vmem_shared>>
      %dma_wait3A_108 = arith.constant 0 : i32
      %dma_wait3A_109 = tpu.memref_slice %arg10[%add3A_34, %dma_wait3A_108] : memref<10112x128xf32, #tpu.memory_space<vmem_shared>> -> memref<128x128xf32, #tpu.memory_space<vmem_shared>>
      tpu.wait_dma2 semaphore(%run_scoped3A : memref<!tpu.dma_semaphore, #tpu.memory_space<semaphore_mem>>) src(%arg8 : memref<128x128xf32, #tpu.memory_space<vmem>>) dst(%dma_wait3A_109 : memref<128x128xf32, #tpu.memory_space<vmem_shared>>)
      tpu.yield
    }) : () -> ()
    %add3A_35 = arith.constant 128 : i32
    %add3A_36 = arith.addi %mul3A_2, %add3A_35 : i32
    "tpu.region"() ({
      %run_scoped3A = tpu.sem_alloc : memref<!tpu.dma_semaphore, #tpu.memory_space<semaphore_mem>>
      %dma_start3A = arith.constant 0 : i32
      %dma_start3A_104 = tpu.memref_slice %arg10[%add3A_36, %dma_start3A] : memref<10112x128xf32, #tpu.memory_space<vmem_shared>> -> memref<128x128xf32, #tpu.memory_space<vmem_shared>>
      %dma_start3A_105 = arith.constant 0 : i32
      %dma_start3A_106 = tpu.memref_slice %arg10[%add3A_36, %dma_start3A_105] : memref<10112x128xf32, #tpu.memory_space<vmem_shared>> -> memref<128x128xf32, #tpu.memory_space<vmem_shared>>
      tpu.enqueue_dma source(%arg8 : memref<128x128xf32, #tpu.memory_space<vmem>>) target(%dma_start3A_106 : memref<128x128xf32, #tpu.memory_space<vmem_shared>>) target_semaphore(%run_scoped3A : memref<!tpu.dma_semaphore, #tpu.memory_space<semaphore_mem>>)
      %dma_wait3A = arith.constant 0 : i32
      %dma_wait3A_107 = tpu.memref_slice %arg10[%add3A_36, %dma_wait3A] : memref<10112x128xf32, #tpu.memory_space<vmem_shared>> -> memref<128x128xf32, #tpu.memory_space<vmem_shared>>
      %dma_wait3A_108 = arith.constant 0 : i32
      %dma_wait3A_109 = tpu.memref_slice %arg10[%add3A_36, %dma_wait3A_108] : memref<10112x128xf32, #tpu.memory_space<vmem_shared>> -> memref<128x128xf32, #tpu.memory_space<vmem_shared>>
      tpu.wait_dma2 semaphore(%run_scoped3A : memref<!tpu.dma_semaphore, #tpu.memory_space<semaphore_mem>>) src(%arg8 : memref<128x128xf32, #tpu.memory_space<vmem>>) dst(%dma_wait3A_109 : memref<128x128xf32, #tpu.memory_space<vmem_shared>>)
      tpu.yield
    }) : () -> ()
    %add3A_37 = arith.constant 256 : i32
    %add3A_38 = arith.addi %mul3A_2, %add3A_37 : i32
    "tpu.region"() ({
      %run_scoped3A = tpu.sem_alloc : memref<!tpu.dma_semaphore, #tpu.memory_space<semaphore_mem>>
      %dma_start3A = arith.constant 0 : i32
      %dma_start3A_104 = tpu.memref_slice %arg10[%add3A_38, %dma_start3A] : memref<10112x128xf32, #tpu.memory_space<vmem_shared>> -> memref<128x128xf32, #tpu.memory_space<vmem_shared>>
      %dma_start3A_105 = arith.constant 0 : i32
      %dma_start3A_106 = tpu.memref_slice %arg10[%add3A_38, %dma_start3A_105] : memref<10112x128xf32, #tpu.memory_space<vmem_shared>> -> memref<128x128xf32, #tpu.memory_space<vmem_shared>>
      tpu.enqueue_dma source(%arg8 : memref<128x128xf32, #tpu.memory_space<vmem>>) target(%dma_start3A_106 : memref<128x128xf32, #tpu.memory_space<vmem_shared>>) target_semaphore(%run_scoped3A : memref<!tpu.dma_semaphore, #tpu.memory_space<semaphore_mem>>)
      %dma_wait3A = arith.constant 0 : i32
      %dma_wait3A_107 = tpu.memref_slice %arg10[%add3A_38, %dma_wait3A] : memref<10112x128xf32, #tpu.memory_space<vmem_shared>> -> memref<128x128xf32, #tpu.memory_space<vmem_shared>>
      %dma_wait3A_108 = arith.constant 0 : i32
      %dma_wait3A_109 = tpu.memref_slice %arg10[%add3A_38, %dma_wait3A_108] : memref<10112x128xf32, #tpu.memory_space<vmem_shared>> -> memref<128x128xf32, #tpu.memory_space<vmem_shared>>
      tpu.wait_dma2 semaphore(%run_scoped3A : memref<!tpu.dma_semaphore, #tpu.memory_space<semaphore_mem>>) src(%arg8 : memref<128x128xf32, #tpu.memory_space<vmem>>) dst(%dma_wait3A_109 : memref<128x128xf32, #tpu.memory_space<vmem_shared>>)
      tpu.yield
    }) : () -> ()
    %add3A_39 = arith.constant 384 : i32
    %add3A_40 = arith.addi %mul3A_2, %add3A_39 : i32
    "tpu.region"() ({
      %run_scoped3A = tpu.sem_alloc : memref<!tpu.dma_semaphore, #tpu.memory_space<semaphore_mem>>
      %dma_start3A = arith.constant 0 : i32
      %dma_start3A_104 = tpu.memref_slice %arg10[%add3A_40, %dma_start3A] : memref<10112x128xf32, #tpu.memory_space<vmem_shared>> -> memref<128x128xf32, #tpu.memory_space<vmem_shared>>
      %dma_start3A_105 = arith.constant 0 : i32
      %dma_start3A_106 = tpu.memref_slice %arg10[%add3A_40, %dma_start3A_105] : memref<10112x128xf32, #tpu.memory_space<vmem_shared>> -> memref<128x128xf32, #tpu.memory_space<vmem_shared>>
      tpu.enqueue_dma source(%arg8 : memref<128x128xf32, #tpu.memory_space<vmem>>) target(%dma_start3A_106 : memref<128x128xf32, #tpu.memory_space<vmem_shared>>) target_semaphore(%run_scoped3A : memref<!tpu.dma_semaphore, #tpu.memory_space<semaphore_mem>>)
      %dma_wait3A = arith.constant 0 : i32
      %dma_wait3A_107 = tpu.memref_slice %arg10[%add3A_40, %dma_wait3A] : memref<10112x128xf32, #tpu.memory_space<vmem_shared>> -> memref<128x128xf32, #tpu.memory_space<vmem_shared>>
      %dma_wait3A_108 = arith.constant 0 : i32
      %dma_wait3A_109 = tpu.memref_slice %arg10[%add3A_40, %dma_wait3A_108] : memref<10112x128xf32, #tpu.memory_space<vmem_shared>> -> memref<128x128xf32, #tpu.memory_space<vmem_shared>>
      tpu.wait_dma2 semaphore(%run_scoped3A : memref<!tpu.dma_semaphore, #tpu.memory_space<semaphore_mem>>) src(%arg8 : memref<128x128xf32, #tpu.memory_space<vmem>>) dst(%dma_wait3A_109 : memref<128x128xf32, #tpu.memory_space<vmem_shared>>)
      tpu.yield
    }) : () -> ()
    %add3A_41 = arith.constant 512 : i32
    %add3A_42 = arith.addi %mul3A_2, %add3A_41 : i32
    "tpu.region"() ({
      %run_scoped3A = tpu.sem_alloc : memref<!tpu.dma_semaphore, #tpu.memory_space<semaphore_mem>>
      %dma_start3A = arith.constant 0 : i32
      %dma_start3A_104 = arith.constant 0 : i32
      %dma_start3A_105 = tpu.memref_slice %arg8[%dma_start3A, %dma_start3A_104] : memref<128x128xf32, #tpu.memory_space<vmem>> -> memref<120x128xf32, #tpu.memory_space<vmem>>
      %dma_start3A_106 = arith.constant 0 : i32
      %dma_start3A_107 = tpu.memref_slice %arg10[%add3A_42, %dma_start3A_106] : memref<10112x128xf32, #tpu.memory_space<vmem_shared>> -> memref<120x128xf32, #tpu.memory_space<vmem_shared>>
      %dma_start3A_108 = arith.constant 0 : i32
      %dma_start3A_109 = tpu.memref_slice %arg10[%add3A_42, %dma_start3A_108] : memref<10112x128xf32, #tpu.memory_space<vmem_shared>> -> memref<120x128xf32, #tpu.memory_space<vmem_shared>>
      %dma_start3A_110 = arith.constant 0 : i32
      %dma_start3A_111 = arith.constant 0 : i32
      %dma_start3A_112 = tpu.memref_slice %arg8[%dma_start3A_110, %dma_start3A_111] : memref<128x128xf32, #tpu.memory_space<vmem>> -> memref<120x128xf32, #tpu.memory_space<vmem>>
      tpu.enqueue_dma source(%dma_start3A_112 : memref<120x128xf32, #tpu.memory_space<vmem>>) target(%dma_start3A_109 : memref<120x128xf32, #tpu.memory_space<vmem_shared>>) target_semaphore(%run_scoped3A : memref<!tpu.dma_semaphore, #tpu.memory_space<semaphore_mem>>)
      %dma_wait3A = arith.constant 0 : i32
      %dma_wait3A_113 = arith.constant 0 : i32
      %dma_wait3A_114 = tpu.memref_slice %arg8[%dma_wait3A, %dma_wait3A_113] : memref<128x128xf32, #tpu.memory_space<vmem>> -> memref<120x128xf32, #tpu.memory_space<vmem>>
      %dma_wait3A_115 = arith.constant 0 : i32
      %dma_wait3A_116 = tpu.memref_slice %arg10[%add3A_42, %dma_wait3A_115] : memref<10112x128xf32, #tpu.memory_space<vmem_shared>> -> memref<120x128xf32, #tpu.memory_space<vmem_shared>>
      %dma_wait3A_117 = arith.constant 0 : i32
      %dma_wait3A_118 = tpu.memref_slice %arg10[%add3A_42, %dma_wait3A_117] : memref<10112x128xf32, #tpu.memory_space<vmem_shared>> -> memref<120x128xf32, #tpu.memory_space<vmem_shared>>
      %dma_wait3A_119 = arith.constant 0 : i32
      %dma_wait3A_120 = arith.constant 0 : i32
      %dma_wait3A_121 = tpu.memref_slice %arg8[%dma_wait3A_119, %dma_wait3A_120] : memref<128x128xf32, #tpu.memory_space<vmem>> -> memref<120x128xf32, #tpu.memory_space<vmem>>
      tpu.wait_dma2 semaphore(%run_scoped3A : memref<!tpu.dma_semaphore, #tpu.memory_space<semaphore_mem>>) src(%dma_wait3A_121 : memref<120x128xf32, #tpu.memory_space<vmem>>) dst(%dma_wait3A_118 : memref<120x128xf32, #tpu.memory_space<vmem_shared>>)
      tpu.yield
    }) : () -> ()
    %barrier3A_43 = arith.constant 0 : index
    tpu.barrier barrier_id(%barrier3A_43)
    %scan3A_44 = arith.constant 0 : i32
    %scan3A_45 = arith.constant 1 : i32
    %scan3A_46 = arith.constant 0 : i32
    %scan3A_47 = arith.constant 20 : i32
    %scan3A_48 = arith.addi %scan3A_46, %scan3A_47 : i32
    %scan3A_49 = arith.constant 1 : i32
    scf.for %scan3A_104 = %scan3A_46 to %scan3A_48 step %scan3A_49  : i32 {
      %mul3A_105 = arith.constant 2 : i32
      %mul3A_106 = arith.muli %mul3A_105, %scan3A_104 : i32
      %dma_start3A = arith.constant 0 : i32
      %dma_start3A_107 = tpu.memref_slice %arg6[%mul3A_106, %dma_start3A] : memref<40x128xi32, #tpu.memory_space<vmem>> -> memref<1x128xi32, #tpu.memory_space<vmem>>
      %dma_start3A_108 = tpu.memref_squeeze %dma_start3A_107 : memref<1x128xi32, #tpu.memory_space<vmem>> -> memref<128xi32, #tpu.memory_space<vmem>>
      %dma_start3A_109 = arith.constant 0 : i32
      %dma_start3A_110 = arith.constant 0 : i32
      %dma_start3A_111 = tpu.memref_slice %arg2[%scan3A_45, %dma_start3A_109, %dma_start3A_110] : memref<4x10000x128xf32, #tpu.memory_space<hbm>> -> memref<1x10000x128xf32, #tpu.memory_space<hbm>>
      %dma_start3A_112 = tpu.memref_squeeze %dma_start3A_111 : memref<1x10000x128xf32, #tpu.memory_space<hbm>> -> memref<10000x128xf32, #tpu.memory_space<hbm>>
      %dma_start3A_113 = arith.constant 0 : i32
      %dma_start3A_114 = arith.constant 0 : i32
      %dma_start3A_115 = tpu.memref_slice %dma_start3A_112[%dma_start3A_113, %dma_start3A_114] : memref<10000x128xf32, #tpu.memory_space<hbm>> -> memref<10000x128xf32, #tpu.memory_space<hbm>>
      tpu.enqueue_indirect_dma source(%dma_start3A_115 : memref<10000x128xf32, #tpu.memory_space<hbm>>) target(%arg8 : memref<128x128xf32, #tpu.memory_space<vmem>>) offsets(%dma_start3A_108 : memref<128xi32, #tpu.memory_space<vmem>>) semaphore(%arg11 : memref<!tpu.dma_semaphore, #tpu.memory_space<semaphore_mem>>)
      %add3A_116 = arith.constant 1 : i32
      %add3A_117 = arith.addi %mul3A_106, %add3A_116 : i32
      %dma_start3A_118 = arith.constant 0 : i32
      %dma_start3A_119 = tpu.memref_slice %arg6[%add3A_117, %dma_start3A_118] : memref<40x128xi32, #tpu.memory_space<vmem>> -> memref<1x128xi32, #tpu.memory_space<vmem>>
      %dma_start3A_120 = tpu.memref_squeeze %dma_start3A_119 : memref<1x128xi32, #tpu.memory_space<vmem>> -> memref<128xi32, #tpu.memory_space<vmem>>
      %dma_start3A_121 = arith.constant 0 : i32
      %dma_start3A_122 = arith.constant 0 : i32
      %dma_start3A_123 = tpu.memref_slice %arg2[%scan3A_45, %dma_start3A_121, %dma_start3A_122] : memref<4x10000x128xf32, #tpu.memory_space<hbm>> -> memref<1x10000x128xf32, #tpu.memory_space<hbm>>
      %dma_start3A_124 = tpu.memref_squeeze %dma_start3A_123 : memref<1x10000x128xf32, #tpu.memory_space<hbm>> -> memref<10000x128xf32, #tpu.memory_space<hbm>>
      %dma_start3A_125 = arith.constant 0 : i32
      %dma_start3A_126 = arith.constant 0 : i32
      %dma_start3A_127 = tpu.memref_slice %dma_start3A_124[%dma_start3A_125, %dma_start3A_126] : memref<10000x128xf32, #tpu.memory_space<hbm>> -> memref<10000x128xf32, #tpu.memory_space<hbm>>
      tpu.enqueue_indirect_dma source(%dma_start3A_127 : memref<10000x128xf32, #tpu.memory_space<hbm>>) target(%arg9 : memref<128x128xf32, #tpu.memory_space<vmem>>) offsets(%dma_start3A_120 : memref<128xi32, #tpu.memory_space<vmem>>) semaphore(%arg12 : memref<!tpu.dma_semaphore, #tpu.memory_space<semaphore_mem>>)
      %dma_wait3A = arith.constant 0 : i32
      %dma_wait3A_128 = tpu.memref_slice %arg6[%mul3A_106, %dma_wait3A] : memref<40x128xi32, #tpu.memory_space<vmem>> -> memref<1x128xi32, #tpu.memory_space<vmem>>
      %dma_wait3A_129 = tpu.memref_squeeze %dma_wait3A_128 : memref<1x128xi32, #tpu.memory_space<vmem>> -> memref<128xi32, #tpu.memory_space<vmem>>
      %dma_wait3A_130 = arith.constant 0 : i32
      %dma_wait3A_131 = arith.constant 0 : i32
      %dma_wait3A_132 = tpu.memref_slice %arg2[%scan3A_45, %dma_wait3A_130, %dma_wait3A_131] : memref<4x10000x128xf32, #tpu.memory_space<hbm>> -> memref<1x10000x128xf32, #tpu.memory_space<hbm>>
      %dma_wait3A_133 = tpu.memref_squeeze %dma_wait3A_132 : memref<1x10000x128xf32, #tpu.memory_space<hbm>> -> memref<10000x128xf32, #tpu.memory_space<hbm>>
      %dma_wait3A_134 = arith.constant 0 : i32
      %dma_wait3A_135 = arith.constant 0 : i32
      %dma_wait3A_136 = tpu.memref_slice %dma_wait3A_133[%dma_wait3A_134, %dma_wait3A_135] : memref<10000x128xf32, #tpu.memory_space<hbm>> -> memref<10000x128xf32, #tpu.memory_space<hbm>>
      tpu.wait_indirect_dma semaphore(%arg11 : memref<!tpu.dma_semaphore, #tpu.memory_space<semaphore_mem>>) src(%dma_wait3A_136 : memref<10000x128xf32, #tpu.memory_space<hbm>>) dst(%arg8 : memref<128x128xf32, #tpu.memory_space<vmem>>)
      "tpu.region"() ({
        %run_scoped3A = tpu.sem_alloc : memref<!tpu.dma_semaphore, #tpu.memory_space<semaphore_mem>>
        %dma_start3A_149 = arith.constant 0 : i32
        %dma_start3A_150 = tpu.memref_slice %arg7[%mul3A_106, %dma_start3A_149] : memref<40x128xi32, #tpu.memory_space<vmem>> -> memref<1x128xi32, #tpu.memory_space<vmem>>
        %dma_start3A_151 = tpu.memref_squeeze %dma_start3A_150 : memref<1x128xi32, #tpu.memory_space<vmem>> -> memref<128xi32, #tpu.memory_space<vmem>>
        %dma_start3A_152 = arith.constant 0 : i32
        %dma_start3A_153 = arith.constant 0 : i32
        %dma_start3A_154 = tpu.memref_slice %arg10[%dma_start3A_152, %dma_start3A_153] : memref<10112x128xf32, #tpu.memory_space<vmem_shared>> -> memref<10112x128xf32, #tpu.memory_space<vmem_shared>>
        tpu.enqueue_indirect_dma source(%arg8 : memref<128x128xf32, #tpu.memory_space<vmem>>) target(%dma_start3A_154 : memref<10112x128xf32, #tpu.memory_space<vmem_shared>>) offsets(%dma_start3A_151 : memref<128xi32, #tpu.memory_space<vmem>>) semaphore(%run_scoped3A : memref<!tpu.dma_semaphore, #tpu.memory_space<semaphore_mem>>) {add = true}
        %dma_wait3A_155 = arith.constant 0 : i32
        %dma_wait3A_156 = tpu.memref_slice %arg7[%mul3A_106, %dma_wait3A_155] : memref<40x128xi32, #tpu.memory_space<vmem>> -> memref<1x128xi32, #tpu.memory_space<vmem>>
        %dma_wait3A_157 = tpu.memref_squeeze %dma_wait3A_156 : memref<1x128xi32, #tpu.memory_space<vmem>> -> memref<128xi32, #tpu.memory_space<vmem>>
        %dma_wait3A_158 = arith.constant 0 : i32
        %dma_wait3A_159 = arith.constant 0 : i32
        %dma_wait3A_160 = tpu.memref_slice %arg10[%dma_wait3A_158, %dma_wait3A_159] : memref<10112x128xf32, #tpu.memory_space<vmem_shared>> -> memref<10112x128xf32, #tpu.memory_space<vmem_shared>>
        tpu.wait_indirect_dma semaphore(%run_scoped3A : memref<!tpu.dma_semaphore, #tpu.memory_space<semaphore_mem>>) src(%arg8 : memref<128x128xf32, #tpu.memory_space<vmem>>) dst(%dma_wait3A_160 : memref<10112x128xf32, #tpu.memory_space<vmem_shared>>)
        tpu.yield
      }) : () -> ()
      %dma_wait3A_137 = arith.constant 0 : i32
      %dma_wait3A_138 = tpu.memref_slice %arg6[%add3A_117, %dma_wait3A_137] : memref<40x128xi32, #tpu.memory_space<vmem>> -> memref<1x128xi32, #tpu.memory_space<vmem>>
      %dma_wait3A_139 = tpu.memref_squeeze %dma_wait3A_138 : memref<1x128xi32, #tpu.memory_space<vmem>> -> memref<128xi32, #tpu.memory_space<vmem>>
      %dma_wait3A_140 = arith.constant 0 : i32
      %dma_wait3A_141 = arith.constant 0 : i32
      %dma_wait3A_142 = tpu.memref_slice %arg2[%scan3A_45, %dma_wait3A_140, %dma_wait3A_141] : memref<4x10000x128xf32, #tpu.memory_space<hbm>> -> memref<1x10000x128xf32, #tpu.memory_space<hbm>>
      %dma_wait3A_143 = tpu.memref_squeeze %dma_wait3A_142 : memref<1x10000x128xf32, #tpu.memory_space<hbm>> -> memref<10000x128xf32, #tpu.memory_space<hbm>>
      %dma_wait3A_144 = arith.constant 0 : i32
      %dma_wait3A_145 = arith.constant 0 : i32
      %dma_wait3A_146 = tpu.memref_slice %dma_wait3A_143[%dma_wait3A_144, %dma_wait3A_145] : memref<10000x128xf32, #tpu.memory_space<hbm>> -> memref<10000x128xf32, #tpu.memory_space<hbm>>
      tpu.wait_indirect_dma semaphore(%arg12 : memref<!tpu.dma_semaphore, #tpu.memory_space<semaphore_mem>>) src(%dma_wait3A_146 : memref<10000x128xf32, #tpu.memory_space<hbm>>) dst(%arg9 : memref<128x128xf32, #tpu.memory_space<vmem>>)
      %add3A_147 = arith.constant 1 : i32
      %add3A_148 = arith.addi %mul3A_106, %add3A_147 : i32
      "tpu.region"() ({
        %run_scoped3A = tpu.sem_alloc : memref<!tpu.dma_semaphore, #tpu.memory_space<semaphore_mem>>
        %dma_start3A_149 = arith.constant 0 : i32
        %dma_start3A_150 = tpu.memref_slice %arg7[%add3A_148, %dma_start3A_149] : memref<40x128xi32, #tpu.memory_space<vmem>> -> memref<1x128xi32, #tpu.memory_space<vmem>>
        %dma_start3A_151 = tpu.memref_squeeze %dma_start3A_150 : memref<1x128xi32, #tpu.memory_space<vmem>> -> memref<128xi32, #tpu.memory_space<vmem>>
        %dma_start3A_152 = arith.constant 0 : i32
        %dma_start3A_153 = arith.constant 0 : i32
        %dma_start3A_154 = tpu.memref_slice %arg10[%dma_start3A_152, %dma_start3A_153] : memref<10112x128xf32, #tpu.memory_space<vmem_shared>> -> memref<10112x128xf32, #tpu.memory_space<vmem_shared>>
        tpu.enqueue_indirect_dma source(%arg9 : memref<128x128xf32, #tpu.memory_space<vmem>>) target(%dma_start3A_154 : memref<10112x128xf32, #tpu.memory_space<vmem_shared>>) offsets(%dma_start3A_151 : memref<128xi32, #tpu.memory_space<vmem>>) semaphore(%run_scoped3A : memref<!tpu.dma_semaphore, #tpu.memory_space<semaphore_mem>>) {add = true}
        %dma_wait3A_155 = arith.constant 0 : i32
        %dma_wait3A_156 = tpu.memref_slice %arg7[%add3A_148, %dma_wait3A_155] : memref<40x128xi32, #tpu.memory_space<vmem>> -> memref<1x128xi32, #tpu.memory_space<vmem>>
        %dma_wait3A_157 = tpu.memref_squeeze %dma_wait3A_156 : memref<1x128xi32, #tpu.memory_space<vmem>> -> memref<128xi32, #tpu.memory_space<vmem>>
        %dma_wait3A_158 = arith.constant 0 : i32
        %dma_wait3A_159 = arith.constant 0 : i32
        %dma_wait3A_160 = tpu.memref_slice %arg10[%dma_wait3A_158, %dma_wait3A_159] : memref<10112x128xf32, #tpu.memory_space<vmem_shared>> -> memref<10112x128xf32, #tpu.memory_space<vmem_shared>>
        tpu.wait_indirect_dma semaphore(%run_scoped3A : memref<!tpu.dma_semaphore, #tpu.memory_space<semaphore_mem>>) src(%arg9 : memref<128x128xf32, #tpu.memory_space<vmem>>) dst(%dma_wait3A_160 : memref<10112x128xf32, #tpu.memory_space<vmem_shared>>)
        tpu.yield
      }) : () -> ()
    }
    %scan3A_50 = arith.constant 20 : i32
    %barrier3A_51 = arith.constant 0 : index
    tpu.barrier barrier_id(%barrier3A_51)
    "tpu.region"() ({
      %run_scoped3A = tpu.sem_alloc : memref<!tpu.dma_semaphore, #tpu.memory_space<semaphore_mem>>
      %dma_start3A = arith.constant 128 : i32
      %dma_start3A_104 = tpu.memref_slice %arg5[%arg0, %mul3A_2, %dma_start3A] : memref<2x10112x512xf32, #tpu.memory_space<hbm>> -> memref<1x632x128xf32, #tpu.memory_space<hbm>>
      %dma_start3A_105 = tpu.memref_squeeze %dma_start3A_104 : memref<1x632x128xf32, #tpu.memory_space<hbm>> -> memref<632x128xf32, #tpu.memory_space<hbm>>
      %dma_start3A_106 = arith.constant 0 : i32
      %dma_start3A_107 = tpu.memref_slice %arg10[%mul3A_2, %dma_start3A_106] : memref<10112x128xf32, #tpu.memory_space<vmem_shared>> -> memref<632x128xf32, #tpu.memory_space<vmem_shared>>
      tpu.enqueue_dma source(%dma_start3A_107 : memref<632x128xf32, #tpu.memory_space<vmem_shared>>) target(%dma_start3A_105 : memref<632x128xf32, #tpu.memory_space<hbm>>) target_semaphore(%run_scoped3A : memref<!tpu.dma_semaphore, #tpu.memory_space<semaphore_mem>>)
      %dma_wait3A = arith.constant 128 : i32
      %dma_wait3A_108 = tpu.memref_slice %arg5[%arg0, %mul3A_2, %dma_wait3A] : memref<2x10112x512xf32, #tpu.memory_space<hbm>> -> memref<1x632x128xf32, #tpu.memory_space<hbm>>
      %dma_wait3A_109 = tpu.memref_squeeze %dma_wait3A_108 : memref<1x632x128xf32, #tpu.memory_space<hbm>> -> memref<632x128xf32, #tpu.memory_space<hbm>>
      %dma_wait3A_110 = arith.constant 0 : i32
      %dma_wait3A_111 = tpu.memref_slice %arg10[%mul3A_2, %dma_wait3A_110] : memref<10112x128xf32, #tpu.memory_space<vmem_shared>> -> memref<632x128xf32, #tpu.memory_space<vmem_shared>>
      tpu.wait_dma2 semaphore(%run_scoped3A : memref<!tpu.dma_semaphore, #tpu.memory_space<semaphore_mem>>) src(%dma_wait3A_111 : memref<632x128xf32, #tpu.memory_space<vmem_shared>>) dst(%dma_wait3A_109 : memref<632x128xf32, #tpu.memory_space<hbm>>)
      tpu.yield
    }) : () -> ()
    %barrier3A_52 = arith.constant 0 : index
    tpu.barrier barrier_id(%barrier3A_52)
    %scan3A_53 = arith.constant 0 : i32
    %scan3A_54 = arith.constant 0 : i32
    %scan3A_55 = arith.constant 128 : i32
    %scan3A_56 = arith.addi %scan3A_54, %scan3A_55 : i32
    %scan3A_57 = arith.constant 1 : i32
    scf.for %scan3A_104 = %scan3A_54 to %scan3A_56 step %scan3A_57  : i32 {
      %broadcast_in_dim3A = arith.constant 0.000000e+00 : f32
      %broadcast_in_dim3A_105 = vector.broadcast %broadcast_in_dim3A : f32 to vector<16xf32>
      %swap3A = arith.index_cast %scan3A_104 : i32 to index
      %swap3A_106 = arith.constant 0 : index
      %swap3A_107 = tpu.vector_load %arg8[%swap3A, %swap3A_106] {strides = array<i32>} : memref<128x128xf32, #tpu.memory_space<vmem>>, vector<1x16xf32>,
      %swap3A_108 = vector.shape_cast %swap3A_107 : vector<1x16xf32> to vector<16xf32>
      %swap3A_109 = vector.shape_cast %broadcast_in_dim3A_105 : vector<16xf32> to vector<1x16xf32>
      tpu.vector_store %arg8[%swap3A, %swap3A_106], %swap3A_109 {strides = array<i32>} : memref<128x128xf32, #tpu.memory_space<vmem>>, vector<1x16xf32>,
      %broadcast_in_dim3A_110 = arith.constant 0.000000e+00 : f32
      %broadcast_in_dim3A_111 = vector.broadcast %broadcast_in_dim3A_110 : f32 to vector<16xf32>
      %swap3A_112 = arith.index_cast %scan3A_104 : i32 to index
      %swap3A_113 = arith.constant 16 : index
      %swap3A_114 = tpu.vector_load %arg8[%swap3A_112, %swap3A_113] {strides = array<i32>} : memref<128x128xf32, #tpu.memory_space<vmem>>, vector<1x16xf32>,
      %swap3A_115 = vector.shape_cast %swap3A_114 : vector<1x16xf32> to vector<16xf32>
      %swap3A_116 = vector.shape_cast %broadcast_in_dim3A_111 : vector<16xf32> to vector<1x16xf32>
      tpu.vector_store %arg8[%swap3A_112, %swap3A_113], %swap3A_116 {strides = array<i32>} : memref<128x128xf32, #tpu.memory_space<vmem>>, vector<1x16xf32>,
      %broadcast_in_dim3A_117 = arith.constant 0.000000e+00 : f32
      %broadcast_in_dim3A_118 = vector.broadcast %broadcast_in_dim3A_117 : f32 to vector<16xf32>
      %swap3A_119 = arith.index_cast %scan3A_104 : i32 to index
      %swap3A_120 = arith.constant 32 : index
      %swap3A_121 = tpu.vector_load %arg8[%swap3A_119, %swap3A_120] {strides = array<i32>} : memref<128x128xf32, #tpu.memory_space<vmem>>, vector<1x16xf32>,
      %swap3A_122 = vector.shape_cast %swap3A_121 : vector<1x16xf32> to vector<16xf32>
      %swap3A_123 = vector.shape_cast %broadcast_in_dim3A_118 : vector<16xf32> to vector<1x16xf32>
      tpu.vector_store %arg8[%swap3A_119, %swap3A_120], %swap3A_123 {strides = array<i32>} : memref<128x128xf32, #tpu.memory_space<vmem>>, vector<1x16xf32>,
      %broadcast_in_dim3A_124 = arith.constant 0.000000e+00 : f32
      %broadcast_in_dim3A_125 = vector.broadcast %broadcast_in_dim3A_124 : f32 to vector<16xf32>
      %swap3A_126 = arith.index_cast %scan3A_104 : i32 to index
      %swap3A_127 = arith.constant 48 : index
      %swap3A_128 = tpu.vector_load %arg8[%swap3A_126, %swap3A_127] {strides = array<i32>} : memref<128x128xf32, #tpu.memory_space<vmem>>, vector<1x16xf32>,
      %swap3A_129 = vector.shape_cast %swap3A_128 : vector<1x16xf32> to vector<16xf32>
      %swap3A_130 = vector.shape_cast %broadcast_in_dim3A_125 : vector<16xf32> to vector<1x16xf32>
      tpu.vector_store %arg8[%swap3A_126, %swap3A_127], %swap3A_130 {strides = array<i32>} : memref<128x128xf32, #tpu.memory_space<vmem>>, vector<1x16xf32>,
      %broadcast_in_dim3A_131 = arith.constant 0.000000e+00 : f32
      %broadcast_in_dim3A_132 = vector.broadcast %broadcast_in_dim3A_131 : f32 to vector<16xf32>
      %swap3A_133 = arith.index_cast %scan3A_104 : i32 to index
      %swap3A_134 = arith.constant 64 : index
      %swap3A_135 = tpu.vector_load %arg8[%swap3A_133, %swap3A_134] {strides = array<i32>} : memref<128x128xf32, #tpu.memory_space<vmem>>, vector<1x16xf32>,
      %swap3A_136 = vector.shape_cast %swap3A_135 : vector<1x16xf32> to vector<16xf32>
      %swap3A_137 = vector.shape_cast %broadcast_in_dim3A_132 : vector<16xf32> to vector<1x16xf32>
      tpu.vector_store %arg8[%swap3A_133, %swap3A_134], %swap3A_137 {strides = array<i32>} : memref<128x128xf32, #tpu.memory_space<vmem>>, vector<1x16xf32>,
      %broadcast_in_dim3A_138 = arith.constant 0.000000e+00 : f32
      %broadcast_in_dim3A_139 = vector.broadcast %broadcast_in_dim3A_138 : f32 to vector<16xf32>
      %swap3A_140 = arith.index_cast %scan3A_104 : i32 to index
      %swap3A_141 = arith.constant 80 : index
      %swap3A_142 = tpu.vector_load %arg8[%swap3A_140, %swap3A_141] {strides = array<i32>} : memref<128x128xf32, #tpu.memory_space<vmem>>, vector<1x16xf32>,
      %swap3A_143 = vector.shape_cast %swap3A_142 : vector<1x16xf32> to vector<16xf32>
      %swap3A_144 = vector.shape_cast %broadcast_in_dim3A_139 : vector<16xf32> to vector<1x16xf32>
      tpu.vector_store %arg8[%swap3A_140, %swap3A_141], %swap3A_144 {strides = array<i32>} : memref<128x128xf32, #tpu.memory_space<vmem>>, vector<1x16xf32>,
      %broadcast_in_dim3A_145 = arith.constant 0.000000e+00 : f32
      %broadcast_in_dim3A_146 = vector.broadcast %broadcast_in_dim3A_145 : f32 to vector<16xf32>
      %swap3A_147 = arith.index_cast %scan3A_104 : i32 to index
      %swap3A_148 = arith.constant 96 : index
      %swap3A_149 = tpu.vector_load %arg8[%swap3A_147, %swap3A_148] {strides = array<i32>} : memref<128x128xf32, #tpu.memory_space<vmem>>, vector<1x16xf32>,
      %swap3A_150 = vector.shape_cast %swap3A_149 : vector<1x16xf32> to vector<16xf32>
      %swap3A_151 = vector.shape_cast %broadcast_in_dim3A_146 : vector<16xf32> to vector<1x16xf32>
      tpu.vector_store %arg8[%swap3A_147, %swap3A_148], %swap3A_151 {strides = array<i32>} : memref<128x128xf32, #tpu.memory_space<vmem>>, vector<1x16xf32>,
      %broadcast_in_dim3A_152 = arith.constant 0.000000e+00 : f32
      %broadcast_in_dim3A_153 = vector.broadcast %broadcast_in_dim3A_152 : f32 to vector<16xf32>
      %swap3A_154 = arith.index_cast %scan3A_104 : i32 to index
      %swap3A_155 = arith.constant 112 : index
      %swap3A_156 = tpu.vector_load %arg8[%swap3A_154, %swap3A_155] {strides = array<i32>} : memref<128x128xf32, #tpu.memory_space<vmem>>, vector<1x16xf32>,
      %swap3A_157 = vector.shape_cast %swap3A_156 : vector<1x16xf32> to vector<16xf32>
      %swap3A_158 = vector.shape_cast %broadcast_in_dim3A_153 : vector<16xf32> to vector<1x16xf32>
      tpu.vector_store %arg8[%swap3A_154, %swap3A_155], %swap3A_158 {strides = array<i32>} : memref<128x128xf32, #tpu.memory_space<vmem>>, vector<1x16xf32>,
    }
    %scan3A_58 = arith.constant 128 : i32
    %add3A_59 = arith.constant 0 : i32
    %add3A_60 = arith.addi %mul3A_2, %add3A_59 : i32
    "tpu.region"() ({
      %run_scoped3A = tpu.sem_alloc : memref<!tpu.dma_semaphore, #tpu.memory_space<semaphore_mem>>
      %dma_start3A = arith.constant 0 : i32
      %dma_start3A_104 = tpu.memref_slice %arg10[%add3A_60, %dma_start3A] : memref<10112x128xf32, #tpu.memory_space<vmem_shared>> -> memref<128x128xf32, #tpu.memory_space<vmem_shared>>
      %dma_start3A_105 = arith.constant 0 : i32
      %dma_start3A_106 = tpu.memref_slice %arg10[%add3A_60, %dma_start3A_105] : memref<10112x128xf32, #tpu.memory_space<vmem_shared>> -> memref<128x128xf32, #tpu.memory_space<vmem_shared>>
      tpu.enqueue_dma source(%arg8 : memref<128x128xf32, #tpu.memory_space<vmem>>) target(%dma_start3A_106 : memref<128x128xf32, #tpu.memory_space<vmem_shared>>) target_semaphore(%run_scoped3A : memref<!tpu.dma_semaphore, #tpu.memory_space<semaphore_mem>>)
      %dma_wait3A = arith.constant 0 : i32
      %dma_wait3A_107 = tpu.memref_slice %arg10[%add3A_60, %dma_wait3A] : memref<10112x128xf32, #tpu.memory_space<vmem_shared>> -> memref<128x128xf32, #tpu.memory_space<vmem_shared>>
      %dma_wait3A_108 = arith.constant 0 : i32
      %dma_wait3A_109 = tpu.memref_slice %arg10[%add3A_60, %dma_wait3A_108] : memref<10112x128xf32, #tpu.memory_space<vmem_shared>> -> memref<128x128xf32, #tpu.memory_space<vmem_shared>>
      tpu.wait_dma2 semaphore(%run_scoped3A : memref<!tpu.dma_semaphore, #tpu.memory_space<semaphore_mem>>) src(%arg8 : memref<128x128xf32, #tpu.memory_space<vmem>>) dst(%dma_wait3A_109 : memref<128x128xf32, #tpu.memory_space<vmem_shared>>)
      tpu.yield
    }) : () -> ()
    %add3A_61 = arith.constant 128 : i32
    %add3A_62 = arith.addi %mul3A_2, %add3A_61 : i32
    "tpu.region"() ({
      %run_scoped3A = tpu.sem_alloc : memref<!tpu.dma_semaphore, #tpu.memory_space<semaphore_mem>>
      %dma_start3A = arith.constant 0 : i32
      %dma_start3A_104 = tpu.memref_slice %arg10[%add3A_62, %dma_start3A] : memref<10112x128xf32, #tpu.memory_space<vmem_shared>> -> memref<128x128xf32, #tpu.memory_space<vmem_shared>>
      %dma_start3A_105 = arith.constant 0 : i32
      %dma_start3A_106 = tpu.memref_slice %arg10[%add3A_62, %dma_start3A_105] : memref<10112x128xf32, #tpu.memory_space<vmem_shared>> -> memref<128x128xf32, #tpu.memory_space<vmem_shared>>
      tpu.enqueue_dma source(%arg8 : memref<128x128xf32, #tpu.memory_space<vmem>>) target(%dma_start3A_106 : memref<128x128xf32, #tpu.memory_space<vmem_shared>>) target_semaphore(%run_scoped3A : memref<!tpu.dma_semaphore, #tpu.memory_space<semaphore_mem>>)
      %dma_wait3A = arith.constant 0 : i32
      %dma_wait3A_107 = tpu.memref_slice %arg10[%add3A_62, %dma_wait3A] : memref<10112x128xf32, #tpu.memory_space<vmem_shared>> -> memref<128x128xf32, #tpu.memory_space<vmem_shared>>
      %dma_wait3A_108 = arith.constant 0 : i32
      %dma_wait3A_109 = tpu.memref_slice %arg10[%add3A_62, %dma_wait3A_108] : memref<10112x128xf32, #tpu.memory_space<vmem_shared>> -> memref<128x128xf32, #tpu.memory_space<vmem_shared>>
      tpu.wait_dma2 semaphore(%run_scoped3A : memref<!tpu.dma_semaphore, #tpu.memory_space<semaphore_mem>>) src(%arg8 : memref<128x128xf32, #tpu.memory_space<vmem>>) dst(%dma_wait3A_109 : memref<128x128xf32, #tpu.memory_space<vmem_shared>>)
      tpu.yield
    }) : () -> ()
    %add3A_63 = arith.constant 256 : i32
    %add3A_64 = arith.addi %mul3A_2, %add3A_63 : i32
    "tpu.region"() ({
      %run_scoped3A = tpu.sem_alloc : memref<!tpu.dma_semaphore, #tpu.memory_space<semaphore_mem>>
      %dma_start3A = arith.constant 0 : i32
      %dma_start3A_104 = tpu.memref_slice %arg10[%add3A_64, %dma_start3A] : memref<10112x128xf32, #tpu.memory_space<vmem_shared>> -> memref<128x128xf32, #tpu.memory_space<vmem_shared>>
      %dma_start3A_105 = arith.constant 0 : i32
      %dma_start3A_106 = tpu.memref_slice %arg10[%add3A_64, %dma_start3A_105] : memref<10112x128xf32, #tpu.memory_space<vmem_shared>> -> memref<128x128xf32, #tpu.memory_space<vmem_shared>>
      tpu.enqueue_dma source(%arg8 : memref<128x128xf32, #tpu.memory_space<vmem>>) target(%dma_start3A_106 : memref<128x128xf32, #tpu.memory_space<vmem_shared>>) target_semaphore(%run_scoped3A : memref<!tpu.dma_semaphore, #tpu.memory_space<semaphore_mem>>)
      %dma_wait3A = arith.constant 0 : i32
      %dma_wait3A_107 = tpu.memref_slice %arg10[%add3A_64, %dma_wait3A] : memref<10112x128xf32, #tpu.memory_space<vmem_shared>> -> memref<128x128xf32, #tpu.memory_space<vmem_shared>>
      %dma_wait3A_108 = arith.constant 0 : i32
      %dma_wait3A_109 = tpu.memref_slice %arg10[%add3A_64, %dma_wait3A_108] : memref<10112x128xf32, #tpu.memory_space<vmem_shared>> -> memref<128x128xf32, #tpu.memory_space<vmem_shared>>
      tpu.wait_dma2 semaphore(%run_scoped3A : memref<!tpu.dma_semaphore, #tpu.memory_space<semaphore_mem>>) src(%arg8 : memref<128x128xf32, #tpu.memory_space<vmem>>) dst(%dma_wait3A_109 : memref<128x128xf32, #tpu.memory_space<vmem_shared>>)
      tpu.yield
    }) : () -> ()
    %add3A_65 = arith.constant 384 : i32
    %add3A_66 = arith.addi %mul3A_2, %add3A_65 : i32
    "tpu.region"() ({
      %run_scoped3A = tpu.sem_alloc : memref<!tpu.dma_semaphore, #tpu.memory_space<semaphore_mem>>
      %dma_start3A = arith.constant 0 : i32
      %dma_start3A_104 = tpu.memref_slice %arg10[%add3A_66, %dma_start3A] : memref<10112x128xf32, #tpu.memory_space<vmem_shared>> -> memref<128x128xf32, #tpu.memory_space<vmem_shared>>
      %dma_start3A_105 = arith.constant 0 : i32
      %dma_start3A_106 = tpu.memref_slice %arg10[%add3A_66, %dma_start3A_105] : memref<10112x128xf32, #tpu.memory_space<vmem_shared>> -> memref<128x128xf32, #tpu.memory_space<vmem_shared>>
      tpu.enqueue_dma source(%arg8 : memref<128x128xf32, #tpu.memory_space<vmem>>) target(%dma_start3A_106 : memref<128x128xf32, #tpu.memory_space<vmem_shared>>) target_semaphore(%run_scoped3A : memref<!tpu.dma_semaphore, #tpu.memory_space<semaphore_mem>>)
      %dma_wait3A = arith.constant 0 : i32
      %dma_wait3A_107 = tpu.memref_slice %arg10[%add3A_66, %dma_wait3A] : memref<10112x128xf32, #tpu.memory_space<vmem_shared>> -> memref<128x128xf32, #tpu.memory_space<vmem_shared>>
      %dma_wait3A_108 = arith.constant 0 : i32
      %dma_wait3A_109 = tpu.memref_slice %arg10[%add3A_66, %dma_wait3A_108] : memref<10112x128xf32, #tpu.memory_space<vmem_shared>> -> memref<128x128xf32, #tpu.memory_space<vmem_shared>>
      tpu.wait_dma2 semaphore(%run_scoped3A : memref<!tpu.dma_semaphore, #tpu.memory_space<semaphore_mem>>) src(%arg8 : memref<128x128xf32, #tpu.memory_space<vmem>>) dst(%dma_wait3A_109 : memref<128x128xf32, #tpu.memory_space<vmem_shared>>)
      tpu.yield
    }) : () -> ()
    %add3A_67 = arith.constant 512 : i32
    %add3A_68 = arith.addi %mul3A_2, %add3A_67 : i32
    "tpu.region"() ({
      %run_scoped3A = tpu.sem_alloc : memref<!tpu.dma_semaphore, #tpu.memory_space<semaphore_mem>>
      %dma_start3A = arith.constant 0 : i32
      %dma_start3A_104 = arith.constant 0 : i32
      %dma_start3A_105 = tpu.memref_slice %arg8[%dma_start3A, %dma_start3A_104] : memref<128x128xf32, #tpu.memory_space<vmem>> -> memref<120x128xf32, #tpu.memory_space<vmem>>
      %dma_start3A_106 = arith.constant 0 : i32
      %dma_start3A_107 = tpu.memref_slice %arg10[%add3A_68, %dma_start3A_106] : memref<10112x128xf32, #tpu.memory_space<vmem_shared>> -> memref<120x128xf32, #tpu.memory_space<vmem_shared>>
      %dma_start3A_108 = arith.constant 0 : i32
      %dma_start3A_109 = tpu.memref_slice %arg10[%add3A_68, %dma_start3A_108] : memref<10112x128xf32, #tpu.memory_space<vmem_shared>> -> memref<120x128xf32, #tpu.memory_space<vmem_shared>>
      %dma_start3A_110 = arith.constant 0 : i32
      %dma_start3A_111 = arith.constant 0 : i32
      %dma_start3A_112 = tpu.memref_slice %arg8[%dma_start3A_110, %dma_start3A_111] : memref<128x128xf32, #tpu.memory_space<vmem>> -> memref<120x128xf32, #tpu.memory_space<vmem>>
      tpu.enqueue_dma source(%dma_start3A_112 : memref<120x128xf32, #tpu.memory_space<vmem>>) target(%dma_start3A_109 : memref<120x128xf32, #tpu.memory_space<vmem_shared>>) target_semaphore(%run_scoped3A : memref<!tpu.dma_semaphore, #tpu.memory_space<semaphore_mem>>)
      %dma_wait3A = arith.constant 0 : i32
      %dma_wait3A_113 = arith.constant 0 : i32
      %dma_wait3A_114 = tpu.memref_slice %arg8[%dma_wait3A, %dma_wait3A_113] : memref<128x128xf32, #tpu.memory_space<vmem>> -> memref<120x128xf32, #tpu.memory_space<vmem>>
      %dma_wait3A_115 = arith.constant 0 : i32
      %dma_wait3A_116 = tpu.memref_slice %arg10[%add3A_68, %dma_wait3A_115] : memref<10112x128xf32, #tpu.memory_space<vmem_shared>> -> memref<120x128xf32, #tpu.memory_space<vmem_shared>>
      %dma_wait3A_117 = arith.constant 0 : i32
      %dma_wait3A_118 = tpu.memref_slice %arg10[%add3A_68, %dma_wait3A_117] : memref<10112x128xf32, #tpu.memory_space<vmem_shared>> -> memref<120x128xf32, #tpu.memory_space<vmem_shared>>
      %dma_wait3A_119 = arith.constant 0 : i32
      %dma_wait3A_120 = arith.constant 0 : i32
      %dma_wait3A_121 = tpu.memref_slice %arg8[%dma_wait3A_119, %dma_wait3A_120] : memref<128x128xf32, #tpu.memory_space<vmem>> -> memref<120x128xf32, #tpu.memory_space<vmem>>
      tpu.wait_dma2 semaphore(%run_scoped3A : memref<!tpu.dma_semaphore, #tpu.memory_space<semaphore_mem>>) src(%dma_wait3A_121 : memref<120x128xf32, #tpu.memory_space<vmem>>) dst(%dma_wait3A_118 : memref<120x128xf32, #tpu.memory_space<vmem_shared>>)
      tpu.yield
    }) : () -> ()
    %barrier3A_69 = arith.constant 0 : index
    tpu.barrier barrier_id(%barrier3A_69)
    %scan3A_70 = arith.constant 0 : i32
    %scan3A_71 = arith.constant 2 : i32
    %scan3A_72 = arith.constant 0 : i32
    %scan3A_73 = arith.constant 20 : i32
    %scan3A_74 = arith.addi %scan3A_72, %scan3A_73 : i32
    %scan3A_75 = arith.constant 1 : i32
    scf.for %scan3A_104 = %scan3A_72 to %scan3A_74 step %scan3A_75  : i32 {
      %mul3A_105 = arith.constant 2 : i32
      %mul3A_106 = arith.muli %mul3A_105, %scan3A_104 : i32
      %dma_start3A = arith.constant 0 : i32
      %dma_start3A_107 = tpu.memref_slice %arg6[%mul3A_106, %dma_start3A] : memref<40x128xi32, #tpu.memory_space<vmem>> -> memref<1x128xi32, #tpu.memory_space<vmem>>
      %dma_start3A_108 = tpu.memref_squeeze %dma_start3A_107 : memref<1x128xi32, #tpu.memory_space<vmem>> -> memref<128xi32, #tpu.memory_space<vmem>>
      %dma_start3A_109 = arith.constant 0 : i32
      %dma_start3A_110 = arith.constant 0 : i32
      %dma_start3A_111 = tpu.memref_slice %arg2[%scan3A_71, %dma_start3A_109, %dma_start3A_110] : memref<4x10000x128xf32, #tpu.memory_space<hbm>> -> memref<1x10000x128xf32, #tpu.memory_space<hbm>>
      %dma_start3A_112 = tpu.memref_squeeze %dma_start3A_111 : memref<1x10000x128xf32, #tpu.memory_space<hbm>> -> memref<10000x128xf32, #tpu.memory_space<hbm>>
      %dma_start3A_113 = arith.constant 0 : i32
      %dma_start3A_114 = arith.constant 0 : i32
      %dma_start3A_115 = tpu.memref_slice %dma_start3A_112[%dma_start3A_113, %dma_start3A_114] : memref<10000x128xf32, #tpu.memory_space<hbm>> -> memref<10000x128xf32, #tpu.memory_space<hbm>>
      tpu.enqueue_indirect_dma source(%dma_start3A_115 : memref<10000x128xf32, #tpu.memory_space<hbm>>) target(%arg8 : memref<128x128xf32, #tpu.memory_space<vmem>>) offsets(%dma_start3A_108 : memref<128xi32, #tpu.memory_space<vmem>>) semaphore(%arg11 : memref<!tpu.dma_semaphore, #tpu.memory_space<semaphore_mem>>)
      %add3A_116 = arith.constant 1 : i32
      %add3A_117 = arith.addi %mul3A_106, %add3A_116 : i32
      %dma_start3A_118 = arith.constant 0 : i32
      %dma_start3A_119 = tpu.memref_slice %arg6[%add3A_117, %dma_start3A_118] : memref<40x128xi32, #tpu.memory_space<vmem>> -> memref<1x128xi32, #tpu.memory_space<vmem>>
      %dma_start3A_120 = tpu.memref_squeeze %dma_start3A_119 : memref<1x128xi32, #tpu.memory_space<vmem>> -> memref<128xi32, #tpu.memory_space<vmem>>
      %dma_start3A_121 = arith.constant 0 : i32
      %dma_start3A_122 = arith.constant 0 : i32
      %dma_start3A_123 = tpu.memref_slice %arg2[%scan3A_71, %dma_start3A_121, %dma_start3A_122] : memref<4x10000x128xf32, #tpu.memory_space<hbm>> -> memref<1x10000x128xf32, #tpu.memory_space<hbm>>
      %dma_start3A_124 = tpu.memref_squeeze %dma_start3A_123 : memref<1x10000x128xf32, #tpu.memory_space<hbm>> -> memref<10000x128xf32, #tpu.memory_space<hbm>>
      %dma_start3A_125 = arith.constant 0 : i32
      %dma_start3A_126 = arith.constant 0 : i32
      %dma_start3A_127 = tpu.memref_slice %dma_start3A_124[%dma_start3A_125, %dma_start3A_126] : memref<10000x128xf32, #tpu.memory_space<hbm>> -> memref<10000x128xf32, #tpu.memory_space<hbm>>
      tpu.enqueue_indirect_dma source(%dma_start3A_127 : memref<10000x128xf32, #tpu.memory_space<hbm>>) target(%arg9 : memref<128x128xf32, #tpu.memory_space<vmem>>) offsets(%dma_start3A_120 : memref<128xi32, #tpu.memory_space<vmem>>) semaphore(%arg12 : memref<!tpu.dma_semaphore, #tpu.memory_space<semaphore_mem>>)
      %dma_wait3A = arith.constant 0 : i32
      %dma_wait3A_128 = tpu.memref_slice %arg6[%mul3A_106, %dma_wait3A] : memref<40x128xi32, #tpu.memory_space<vmem>> -> memref<1x128xi32, #tpu.memory_space<vmem>>
      %dma_wait3A_129 = tpu.memref_squeeze %dma_wait3A_128 : memref<1x128xi32, #tpu.memory_space<vmem>> -> memref<128xi32, #tpu.memory_space<vmem>>
      %dma_wait3A_130 = arith.constant 0 : i32
      %dma_wait3A_131 = arith.constant 0 : i32
      %dma_wait3A_132 = tpu.memref_slice %arg2[%scan3A_71, %dma_wait3A_130, %dma_wait3A_131] : memref<4x10000x128xf32, #tpu.memory_space<hbm>> -> memref<1x10000x128xf32, #tpu.memory_space<hbm>>
      %dma_wait3A_133 = tpu.memref_squeeze %dma_wait3A_132 : memref<1x10000x128xf32, #tpu.memory_space<hbm>> -> memref<10000x128xf32, #tpu.memory_space<hbm>>
      %dma_wait3A_134 = arith.constant 0 : i32
      %dma_wait3A_135 = arith.constant 0 : i32
      %dma_wait3A_136 = tpu.memref_slice %dma_wait3A_133[%dma_wait3A_134, %dma_wait3A_135] : memref<10000x128xf32, #tpu.memory_space<hbm>> -> memref<10000x128xf32, #tpu.memory_space<hbm>>
      tpu.wait_indirect_dma semaphore(%arg11 : memref<!tpu.dma_semaphore, #tpu.memory_space<semaphore_mem>>) src(%dma_wait3A_136 : memref<10000x128xf32, #tpu.memory_space<hbm>>) dst(%arg8 : memref<128x128xf32, #tpu.memory_space<vmem>>)
      "tpu.region"() ({
        %run_scoped3A = tpu.sem_alloc : memref<!tpu.dma_semaphore, #tpu.memory_space<semaphore_mem>>
        %dma_start3A_149 = arith.constant 0 : i32
        %dma_start3A_150 = tpu.memref_slice %arg7[%mul3A_106, %dma_start3A_149] : memref<40x128xi32, #tpu.memory_space<vmem>> -> memref<1x128xi32, #tpu.memory_space<vmem>>
        %dma_start3A_151 = tpu.memref_squeeze %dma_start3A_150 : memref<1x128xi32, #tpu.memory_space<vmem>> -> memref<128xi32, #tpu.memory_space<vmem>>
        %dma_start3A_152 = arith.constant 0 : i32
        %dma_start3A_153 = arith.constant 0 : i32
        %dma_start3A_154 = tpu.memref_slice %arg10[%dma_start3A_152, %dma_start3A_153] : memref<10112x128xf32, #tpu.memory_space<vmem_shared>> -> memref<10112x128xf32, #tpu.memory_space<vmem_shared>>
        tpu.enqueue_indirect_dma source(%arg8 : memref<128x128xf32, #tpu.memory_space<vmem>>) target(%dma_start3A_154 : memref<10112x128xf32, #tpu.memory_space<vmem_shared>>) offsets(%dma_start3A_151 : memref<128xi32, #tpu.memory_space<vmem>>) semaphore(%run_scoped3A : memref<!tpu.dma_semaphore, #tpu.memory_space<semaphore_mem>>) {add = true}
        %dma_wait3A_155 = arith.constant 0 : i32
        %dma_wait3A_156 = tpu.memref_slice %arg7[%mul3A_106, %dma_wait3A_155] : memref<40x128xi32, #tpu.memory_space<vmem>> -> memref<1x128xi32, #tpu.memory_space<vmem>>
        %dma_wait3A_157 = tpu.memref_squeeze %dma_wait3A_156 : memref<1x128xi32, #tpu.memory_space<vmem>> -> memref<128xi32, #tpu.memory_space<vmem>>
        %dma_wait3A_158 = arith.constant 0 : i32
        %dma_wait3A_159 = arith.constant 0 : i32
        %dma_wait3A_160 = tpu.memref_slice %arg10[%dma_wait3A_158, %dma_wait3A_159] : memref<10112x128xf32, #tpu.memory_space<vmem_shared>> -> memref<10112x128xf32, #tpu.memory_space<vmem_shared>>
        tpu.wait_indirect_dma semaphore(%run_scoped3A : memref<!tpu.dma_semaphore, #tpu.memory_space<semaphore_mem>>) src(%arg8 : memref<128x128xf32, #tpu.memory_space<vmem>>) dst(%dma_wait3A_160 : memref<10112x128xf32, #tpu.memory_space<vmem_shared>>)
        tpu.yield
      }) : () -> ()
      %dma_wait3A_137 = arith.constant 0 : i32
      %dma_wait3A_138 = tpu.memref_slice %arg6[%add3A_117, %dma_wait3A_137] : memref<40x128xi32, #tpu.memory_space<vmem>> -> memref<1x128xi32, #tpu.memory_space<vmem>>
      %dma_wait3A_139 = tpu.memref_squeeze %dma_wait3A_138 : memref<1x128xi32, #tpu.memory_space<vmem>> -> memref<128xi32, #tpu.memory_space<vmem>>
      %dma_wait3A_140 = arith.constant 0 : i32
      %dma_wait3A_141 = arith.constant 0 : i32
      %dma_wait3A_142 = tpu.memref_slice %arg2[%scan3A_71, %dma_wait3A_140, %dma_wait3A_141] : memref<4x10000x128xf32, #tpu.memory_space<hbm>> -> memref<1x10000x128xf32, #tpu.memory_space<hbm>>
      %dma_wait3A_143 = tpu.memref_squeeze %dma_wait3A_142 : memref<1x10000x128xf32, #tpu.memory_space<hbm>> -> memref<10000x128xf32, #tpu.memory_space<hbm>>
      %dma_wait3A_144 = arith.constant 0 : i32
      %dma_wait3A_145 = arith.constant 0 : i32
      %dma_wait3A_146 = tpu.memref_slice %dma_wait3A_143[%dma_wait3A_144, %dma_wait3A_145] : memref<10000x128xf32, #tpu.memory_space<hbm>> -> memref<10000x128xf32, #tpu.memory_space<hbm>>
      tpu.wait_indirect_dma semaphore(%arg12 : memref<!tpu.dma_semaphore, #tpu.memory_space<semaphore_mem>>) src(%dma_wait3A_146 : memref<10000x128xf32, #tpu.memory_space<hbm>>) dst(%arg9 : memref<128x128xf32, #tpu.memory_space<vmem>>)
      %add3A_147 = arith.constant 1 : i32
      %add3A_148 = arith.addi %mul3A_106, %add3A_147 : i32
      "tpu.region"() ({
        %run_scoped3A = tpu.sem_alloc : memref<!tpu.dma_semaphore, #tpu.memory_space<semaphore_mem>>
        %dma_start3A_149 = arith.constant 0 : i32
        %dma_start3A_150 = tpu.memref_slice %arg7[%add3A_148, %dma_start3A_149] : memref<40x128xi32, #tpu.memory_space<vmem>> -> memref<1x128xi32, #tpu.memory_space<vmem>>
        %dma_start3A_151 = tpu.memref_squeeze %dma_start3A_150 : memref<1x128xi32, #tpu.memory_space<vmem>> -> memref<128xi32, #tpu.memory_space<vmem>>
        %dma_start3A_152 = arith.constant 0 : i32
        %dma_start3A_153 = arith.constant 0 : i32
        %dma_start3A_154 = tpu.memref_slice %arg10[%dma_start3A_152, %dma_start3A_153] : memref<10112x128xf32, #tpu.memory_space<vmem_shared>> -> memref<10112x128xf32, #tpu.memory_space<vmem_shared>>
        tpu.enqueue_indirect_dma source(%arg9 : memref<128x128xf32, #tpu.memory_space<vmem>>) target(%dma_start3A_154 : memref<10112x128xf32, #tpu.memory_space<vmem_shared>>) offsets(%dma_start3A_151 : memref<128xi32, #tpu.memory_space<vmem>>) semaphore(%run_scoped3A : memref<!tpu.dma_semaphore, #tpu.memory_space<semaphore_mem>>) {add = true}
        %dma_wait3A_155 = arith.constant 0 : i32
        %dma_wait3A_156 = tpu.memref_slice %arg7[%add3A_148, %dma_wait3A_155] : memref<40x128xi32, #tpu.memory_space<vmem>> -> memref<1x128xi32, #tpu.memory_space<vmem>>
        %dma_wait3A_157 = tpu.memref_squeeze %dma_wait3A_156 : memref<1x128xi32, #tpu.memory_space<vmem>> -> memref<128xi32, #tpu.memory_space<vmem>>
        %dma_wait3A_158 = arith.constant 0 : i32
        %dma_wait3A_159 = arith.constant 0 : i32
        %dma_wait3A_160 = tpu.memref_slice %arg10[%dma_wait3A_158, %dma_wait3A_159] : memref<10112x128xf32, #tpu.memory_space<vmem_shared>> -> memref<10112x128xf32, #tpu.memory_space<vmem_shared>>
        tpu.wait_indirect_dma semaphore(%run_scoped3A : memref<!tpu.dma_semaphore, #tpu.memory_space<semaphore_mem>>) src(%arg9 : memref<128x128xf32, #tpu.memory_space<vmem>>) dst(%dma_wait3A_160 : memref<10112x128xf32, #tpu.memory_space<vmem_shared>>)
        tpu.yield
      }) : () -> ()
    }
    %scan3A_76 = arith.constant 20 : i32
    %barrier3A_77 = arith.constant 0 : index
    tpu.barrier barrier_id(%barrier3A_77)
    "tpu.region"() ({
      %run_scoped3A = tpu.sem_alloc : memref<!tpu.dma_semaphore, #tpu.memory_space<semaphore_mem>>
      %dma_start3A = arith.constant 256 : i32
      %dma_start3A_104 = tpu.memref_slice %arg5[%arg0, %mul3A_2, %dma_start3A] : memref<2x10112x512xf32, #tpu.memory_space<hbm>> -> memref<1x632x128xf32, #tpu.memory_space<hbm>>
      %dma_start3A_105 = tpu.memref_squeeze %dma_start3A_104 : memref<1x632x128xf32, #tpu.memory_space<hbm>> -> memref<632x128xf32, #tpu.memory_space<hbm>>
      %dma_start3A_106 = arith.constant 0 : i32
      %dma_start3A_107 = tpu.memref_slice %arg10[%mul3A_2, %dma_start3A_106] : memref<10112x128xf32, #tpu.memory_space<vmem_shared>> -> memref<632x128xf32, #tpu.memory_space<vmem_shared>>
      tpu.enqueue_dma source(%dma_start3A_107 : memref<632x128xf32, #tpu.memory_space<vmem_shared>>) target(%dma_start3A_105 : memref<632x128xf32, #tpu.memory_space<hbm>>) target_semaphore(%run_scoped3A : memref<!tpu.dma_semaphore, #tpu.memory_space<semaphore_mem>>)
      %dma_wait3A = arith.constant 256 : i32
      %dma_wait3A_108 = tpu.memref_slice %arg5[%arg0, %mul3A_2, %dma_wait3A] : memref<2x10112x512xf32, #tpu.memory_space<hbm>> -> memref<1x632x128xf32, #tpu.memory_space<hbm>>
      %dma_wait3A_109 = tpu.memref_squeeze %dma_wait3A_108 : memref<1x632x128xf32, #tpu.memory_space<hbm>> -> memref<632x128xf32, #tpu.memory_space<hbm>>
      %dma_wait3A_110 = arith.constant 0 : i32
      %dma_wait3A_111 = tpu.memref_slice %arg10[%mul3A_2, %dma_wait3A_110] : memref<10112x128xf32, #tpu.memory_space<vmem_shared>> -> memref<632x128xf32, #tpu.memory_space<vmem_shared>>
      tpu.wait_dma2 semaphore(%run_scoped3A : memref<!tpu.dma_semaphore, #tpu.memory_space<semaphore_mem>>) src(%dma_wait3A_111 : memref<632x128xf32, #tpu.memory_space<vmem_shared>>) dst(%dma_wait3A_109 : memref<632x128xf32, #tpu.memory_space<hbm>>)
      tpu.yield
    }) : () -> ()
    %barrier3A_78 = arith.constant 0 : index
    tpu.barrier barrier_id(%barrier3A_78)
    %scan3A_79 = arith.constant 0 : i32
    %scan3A_80 = arith.constant 0 : i32
    %scan3A_81 = arith.constant 128 : i32
    %scan3A_82 = arith.addi %scan3A_80, %scan3A_81 : i32
    %scan3A_83 = arith.constant 1 : i32
    scf.for %scan3A_104 = %scan3A_80 to %scan3A_82 step %scan3A_83  : i32 {
      %broadcast_in_dim3A = arith.constant 0.000000e+00 : f32
      %broadcast_in_dim3A_105 = vector.broadcast %broadcast_in_dim3A : f32 to vector<16xf32>
      %swap3A = arith.index_cast %scan3A_104 : i32 to index
      %swap3A_106 = arith.constant 0 : index
      %swap3A_107 = tpu.vector_load %arg8[%swap3A, %swap3A_106] {strides = array<i32>} : memref<128x128xf32, #tpu.memory_space<vmem>>, vector<1x16xf32>,
      %swap3A_108 = vector.shape_cast %swap3A_107 : vector<1x16xf32> to vector<16xf32>
      %swap3A_109 = vector.shape_cast %broadcast_in_dim3A_105 : vector<16xf32> to vector<1x16xf32>
      tpu.vector_store %arg8[%swap3A, %swap3A_106], %swap3A_109 {strides = array<i32>} : memref<128x128xf32, #tpu.memory_space<vmem>>, vector<1x16xf32>,
      %broadcast_in_dim3A_110 = arith.constant 0.000000e+00 : f32
      %broadcast_in_dim3A_111 = vector.broadcast %broadcast_in_dim3A_110 : f32 to vector<16xf32>
      %swap3A_112 = arith.index_cast %scan3A_104 : i32 to index
      %swap3A_113 = arith.constant 16 : index
      %swap3A_114 = tpu.vector_load %arg8[%swap3A_112, %swap3A_113] {strides = array<i32>} : memref<128x128xf32, #tpu.memory_space<vmem>>, vector<1x16xf32>,
      %swap3A_115 = vector.shape_cast %swap3A_114 : vector<1x16xf32> to vector<16xf32>
      %swap3A_116 = vector.shape_cast %broadcast_in_dim3A_111 : vector<16xf32> to vector<1x16xf32>
      tpu.vector_store %arg8[%swap3A_112, %swap3A_113], %swap3A_116 {strides = array<i32>} : memref<128x128xf32, #tpu.memory_space<vmem>>, vector<1x16xf32>,
      %broadcast_in_dim3A_117 = arith.constant 0.000000e+00 : f32
      %broadcast_in_dim3A_118 = vector.broadcast %broadcast_in_dim3A_117 : f32 to vector<16xf32>
      %swap3A_119 = arith.index_cast %scan3A_104 : i32 to index
      %swap3A_120 = arith.constant 32 : index
      %swap3A_121 = tpu.vector_load %arg8[%swap3A_119, %swap3A_120] {strides = array<i32>} : memref<128x128xf32, #tpu.memory_space<vmem>>, vector<1x16xf32>,
      %swap3A_122 = vector.shape_cast %swap3A_121 : vector<1x16xf32> to vector<16xf32>
      %swap3A_123 = vector.shape_cast %broadcast_in_dim3A_118 : vector<16xf32> to vector<1x16xf32>
      tpu.vector_store %arg8[%swap3A_119, %swap3A_120], %swap3A_123 {strides = array<i32>} : memref<128x128xf32, #tpu.memory_space<vmem>>, vector<1x16xf32>,
      %broadcast_in_dim3A_124 = arith.constant 0.000000e+00 : f32
      %broadcast_in_dim3A_125 = vector.broadcast %broadcast_in_dim3A_124 : f32 to vector<16xf32>
      %swap3A_126 = arith.index_cast %scan3A_104 : i32 to index
      %swap3A_127 = arith.constant 48 : index
      %swap3A_128 = tpu.vector_load %arg8[%swap3A_126, %swap3A_127] {strides = array<i32>} : memref<128x128xf32, #tpu.memory_space<vmem>>, vector<1x16xf32>,
      %swap3A_129 = vector.shape_cast %swap3A_128 : vector<1x16xf32> to vector<16xf32>
      %swap3A_130 = vector.shape_cast %broadcast_in_dim3A_125 : vector<16xf32> to vector<1x16xf32>
      tpu.vector_store %arg8[%swap3A_126, %swap3A_127], %swap3A_130 {strides = array<i32>} : memref<128x128xf32, #tpu.memory_space<vmem>>, vector<1x16xf32>,
      %broadcast_in_dim3A_131 = arith.constant 0.000000e+00 : f32
      %broadcast_in_dim3A_132 = vector.broadcast %broadcast_in_dim3A_131 : f32 to vector<16xf32>
      %swap3A_133 = arith.index_cast %scan3A_104 : i32 to index
      %swap3A_134 = arith.constant 64 : index
      %swap3A_135 = tpu.vector_load %arg8[%swap3A_133, %swap3A_134] {strides = array<i32>} : memref<128x128xf32, #tpu.memory_space<vmem>>, vector<1x16xf32>,
      %swap3A_136 = vector.shape_cast %swap3A_135 : vector<1x16xf32> to vector<16xf32>
      %swap3A_137 = vector.shape_cast %broadcast_in_dim3A_132 : vector<16xf32> to vector<1x16xf32>
      tpu.vector_store %arg8[%swap3A_133, %swap3A_134], %swap3A_137 {strides = array<i32>} : memref<128x128xf32, #tpu.memory_space<vmem>>, vector<1x16xf32>,
      %broadcast_in_dim3A_138 = arith.constant 0.000000e+00 : f32
      %broadcast_in_dim3A_139 = vector.broadcast %broadcast_in_dim3A_138 : f32 to vector<16xf32>
      %swap3A_140 = arith.index_cast %scan3A_104 : i32 to index
      %swap3A_141 = arith.constant 80 : index
      %swap3A_142 = tpu.vector_load %arg8[%swap3A_140, %swap3A_141] {strides = array<i32>} : memref<128x128xf32, #tpu.memory_space<vmem>>, vector<1x16xf32>,
      %swap3A_143 = vector.shape_cast %swap3A_142 : vector<1x16xf32> to vector<16xf32>
      %swap3A_144 = vector.shape_cast %broadcast_in_dim3A_139 : vector<16xf32> to vector<1x16xf32>
      tpu.vector_store %arg8[%swap3A_140, %swap3A_141], %swap3A_144 {strides = array<i32>} : memref<128x128xf32, #tpu.memory_space<vmem>>, vector<1x16xf32>,
      %broadcast_in_dim3A_145 = arith.constant 0.000000e+00 : f32
      %broadcast_in_dim3A_146 = vector.broadcast %broadcast_in_dim3A_145 : f32 to vector<16xf32>
      %swap3A_147 = arith.index_cast %scan3A_104 : i32 to index
      %swap3A_148 = arith.constant 96 : index
      %swap3A_149 = tpu.vector_load %arg8[%swap3A_147, %swap3A_148] {strides = array<i32>} : memref<128x128xf32, #tpu.memory_space<vmem>>, vector<1x16xf32>,
      %swap3A_150 = vector.shape_cast %swap3A_149 : vector<1x16xf32> to vector<16xf32>
      %swap3A_151 = vector.shape_cast %broadcast_in_dim3A_146 : vector<16xf32> to vector<1x16xf32>
      tpu.vector_store %arg8[%swap3A_147, %swap3A_148], %swap3A_151 {strides = array<i32>} : memref<128x128xf32, #tpu.memory_space<vmem>>, vector<1x16xf32>,
      %broadcast_in_dim3A_152 = arith.constant 0.000000e+00 : f32
      %broadcast_in_dim3A_153 = vector.broadcast %broadcast_in_dim3A_152 : f32 to vector<16xf32>
      %swap3A_154 = arith.index_cast %scan3A_104 : i32 to index
      %swap3A_155 = arith.constant 112 : index
      %swap3A_156 = tpu.vector_load %arg8[%swap3A_154, %swap3A_155] {strides = array<i32>} : memref<128x128xf32, #tpu.memory_space<vmem>>, vector<1x16xf32>,
      %swap3A_157 = vector.shape_cast %swap3A_156 : vector<1x16xf32> to vector<16xf32>
      %swap3A_158 = vector.shape_cast %broadcast_in_dim3A_153 : vector<16xf32> to vector<1x16xf32>
      tpu.vector_store %arg8[%swap3A_154, %swap3A_155], %swap3A_158 {strides = array<i32>} : memref<128x128xf32, #tpu.memory_space<vmem>>, vector<1x16xf32>,
    }
    %scan3A_84 = arith.constant 128 : i32
    %add3A_85 = arith.constant 0 : i32
    %add3A_86 = arith.addi %mul3A_2, %add3A_85 : i32
    "tpu.region"() ({
      %run_scoped3A = tpu.sem_alloc : memref<!tpu.dma_semaphore, #tpu.memory_space<semaphore_mem>>
      %dma_start3A = arith.constant 0 : i32
      %dma_start3A_104 = tpu.memref_slice %arg10[%add3A_86, %dma_start3A] : memref<10112x128xf32, #tpu.memory_space<vmem_shared>> -> memref<128x128xf32, #tpu.memory_space<vmem_shared>>
      %dma_start3A_105 = arith.constant 0 : i32
      %dma_start3A_106 = tpu.memref_slice %arg10[%add3A_86, %dma_start3A_105] : memref<10112x128xf32, #tpu.memory_space<vmem_shared>> -> memref<128x128xf32, #tpu.memory_space<vmem_shared>>
      tpu.enqueue_dma source(%arg8 : memref<128x128xf32, #tpu.memory_space<vmem>>) target(%dma_start3A_106 : memref<128x128xf32, #tpu.memory_space<vmem_shared>>) target_semaphore(%run_scoped3A : memref<!tpu.dma_semaphore, #tpu.memory_space<semaphore_mem>>)
      %dma_wait3A = arith.constant 0 : i32
      %dma_wait3A_107 = tpu.memref_slice %arg10[%add3A_86, %dma_wait3A] : memref<10112x128xf32, #tpu.memory_space<vmem_shared>> -> memref<128x128xf32, #tpu.memory_space<vmem_shared>>
      %dma_wait3A_108 = arith.constant 0 : i32
      %dma_wait3A_109 = tpu.memref_slice %arg10[%add3A_86, %dma_wait3A_108] : memref<10112x128xf32, #tpu.memory_space<vmem_shared>> -> memref<128x128xf32, #tpu.memory_space<vmem_shared>>
      tpu.wait_dma2 semaphore(%run_scoped3A : memref<!tpu.dma_semaphore, #tpu.memory_space<semaphore_mem>>) src(%arg8 : memref<128x128xf32, #tpu.memory_space<vmem>>) dst(%dma_wait3A_109 : memref<128x128xf32, #tpu.memory_space<vmem_shared>>)
      tpu.yield
    }) : () -> ()
    %add3A_87 = arith.constant 128 : i32
    %add3A_88 = arith.addi %mul3A_2, %add3A_87 : i32
    "tpu.region"() ({
      %run_scoped3A = tpu.sem_alloc : memref<!tpu.dma_semaphore, #tpu.memory_space<semaphore_mem>>
      %dma_start3A = arith.constant 0 : i32
      %dma_start3A_104 = tpu.memref_slice %arg10[%add3A_88, %dma_start3A] : memref<10112x128xf32, #tpu.memory_space<vmem_shared>> -> memref<128x128xf32, #tpu.memory_space<vmem_shared>>
      %dma_start3A_105 = arith.constant 0 : i32
      %dma_start3A_106 = tpu.memref_slice %arg10[%add3A_88, %dma_start3A_105] : memref<10112x128xf32, #tpu.memory_space<vmem_shared>> -> memref<128x128xf32, #tpu.memory_space<vmem_shared>>
      tpu.enqueue_dma source(%arg8 : memref<128x128xf32, #tpu.memory_space<vmem>>) target(%dma_start3A_106 : memref<128x128xf32, #tpu.memory_space<vmem_shared>>) target_semaphore(%run_scoped3A : memref<!tpu.dma_semaphore, #tpu.memory_space<semaphore_mem>>)
      %dma_wait3A = arith.constant 0 : i32
      %dma_wait3A_107 = tpu.memref_slice %arg10[%add3A_88, %dma_wait3A] : memref<10112x128xf32, #tpu.memory_space<vmem_shared>> -> memref<128x128xf32, #tpu.memory_space<vmem_shared>>
      %dma_wait3A_108 = arith.constant 0 : i32
      %dma_wait3A_109 = tpu.memref_slice %arg10[%add3A_88, %dma_wait3A_108] : memref<10112x128xf32, #tpu.memory_space<vmem_shared>> -> memref<128x128xf32, #tpu.memory_space<vmem_shared>>
      tpu.wait_dma2 semaphore(%run_scoped3A : memref<!tpu.dma_semaphore, #tpu.memory_space<semaphore_mem>>) src(%arg8 : memref<128x128xf32, #tpu.memory_space<vmem>>) dst(%dma_wait3A_109 : memref<128x128xf32, #tpu.memory_space<vmem_shared>>)
      tpu.yield
    }) : () -> ()
    %add3A_89 = arith.constant 256 : i32
    %add3A_90 = arith.addi %mul3A_2, %add3A_89 : i32
    "tpu.region"() ({
      %run_scoped3A = tpu.sem_alloc : memref<!tpu.dma_semaphore, #tpu.memory_space<semaphore_mem>>
      %dma_start3A = arith.constant 0 : i32
      %dma_start3A_104 = tpu.memref_slice %arg10[%add3A_90, %dma_start3A] : memref<10112x128xf32, #tpu.memory_space<vmem_shared>> -> memref<128x128xf32, #tpu.memory_space<vmem_shared>>
      %dma_start3A_105 = arith.constant 0 : i32
      %dma_start3A_106 = tpu.memref_slice %arg10[%add3A_90, %dma_start3A_105] : memref<10112x128xf32, #tpu.memory_space<vmem_shared>> -> memref<128x128xf32, #tpu.memory_space<vmem_shared>>
      tpu.enqueue_dma source(%arg8 : memref<128x128xf32, #tpu.memory_space<vmem>>) target(%dma_start3A_106 : memref<128x128xf32, #tpu.memory_space<vmem_shared>>) target_semaphore(%run_scoped3A : memref<!tpu.dma_semaphore, #tpu.memory_space<semaphore_mem>>)
      %dma_wait3A = arith.constant 0 : i32
      %dma_wait3A_107 = tpu.memref_slice %arg10[%add3A_90, %dma_wait3A] : memref<10112x128xf32, #tpu.memory_space<vmem_shared>> -> memref<128x128xf32, #tpu.memory_space<vmem_shared>>
      %dma_wait3A_108 = arith.constant 0 : i32
      %dma_wait3A_109 = tpu.memref_slice %arg10[%add3A_90, %dma_wait3A_108] : memref<10112x128xf32, #tpu.memory_space<vmem_shared>> -> memref<128x128xf32, #tpu.memory_space<vmem_shared>>
      tpu.wait_dma2 semaphore(%run_scoped3A : memref<!tpu.dma_semaphore, #tpu.memory_space<semaphore_mem>>) src(%arg8 : memref<128x128xf32, #tpu.memory_space<vmem>>) dst(%dma_wait3A_109 : memref<128x128xf32, #tpu.memory_space<vmem_shared>>)
      tpu.yield
    }) : () -> ()
    %add3A_91 = arith.constant 384 : i32
    %add3A_92 = arith.addi %mul3A_2, %add3A_91 : i32
    "tpu.region"() ({
      %run_scoped3A = tpu.sem_alloc : memref<!tpu.dma_semaphore, #tpu.memory_space<semaphore_mem>>
      %dma_start3A = arith.constant 0 : i32
      %dma_start3A_104 = tpu.memref_slice %arg10[%add3A_92, %dma_start3A] : memref<10112x128xf32, #tpu.memory_space<vmem_shared>> -> memref<128x128xf32, #tpu.memory_space<vmem_shared>>
      %dma_start3A_105 = arith.constant 0 : i32
      %dma_start3A_106 = tpu.memref_slice %arg10[%add3A_92, %dma_start3A_105] : memref<10112x128xf32, #tpu.memory_space<vmem_shared>> -> memref<128x128xf32, #tpu.memory_space<vmem_shared>>
      tpu.enqueue_dma source(%arg8 : memref<128x128xf32, #tpu.memory_space<vmem>>) target(%dma_start3A_106 : memref<128x128xf32, #tpu.memory_space<vmem_shared>>) target_semaphore(%run_scoped3A : memref<!tpu.dma_semaphore, #tpu.memory_space<semaphore_mem>>)
      %dma_wait3A = arith.constant 0 : i32
      %dma_wait3A_107 = tpu.memref_slice %arg10[%add3A_92, %dma_wait3A] : memref<10112x128xf32, #tpu.memory_space<vmem_shared>> -> memref<128x128xf32, #tpu.memory_space<vmem_shared>>
      %dma_wait3A_108 = arith.constant 0 : i32
      %dma_wait3A_109 = tpu.memref_slice %arg10[%add3A_92, %dma_wait3A_108] : memref<10112x128xf32, #tpu.memory_space<vmem_shared>> -> memref<128x128xf32, #tpu.memory_space<vmem_shared>>
      tpu.wait_dma2 semaphore(%run_scoped3A : memref<!tpu.dma_semaphore, #tpu.memory_space<semaphore_mem>>) src(%arg8 : memref<128x128xf32, #tpu.memory_space<vmem>>) dst(%dma_wait3A_109 : memref<128x128xf32, #tpu.memory_space<vmem_shared>>)
      tpu.yield
    }) : () -> ()
    %add3A_93 = arith.constant 512 : i32
    %add3A_94 = arith.addi %mul3A_2, %add3A_93 : i32
    "tpu.region"() ({
      %run_scoped3A = tpu.sem_alloc : memref<!tpu.dma_semaphore, #tpu.memory_space<semaphore_mem>>
      %dma_start3A = arith.constant 0 : i32
      %dma_start3A_104 = arith.constant 0 : i32
      %dma_start3A_105 = tpu.memref_slice %arg8[%dma_start3A, %dma_start3A_104] : memref<128x128xf32, #tpu.memory_space<vmem>> -> memref<120x128xf32, #tpu.memory_space<vmem>>
      %dma_start3A_106 = arith.constant 0 : i32
      %dma_start3A_107 = tpu.memref_slice %arg10[%add3A_94, %dma_start3A_106] : memref<10112x128xf32, #tpu.memory_space<vmem_shared>> -> memref<120x128xf32, #tpu.memory_space<vmem_shared>>
      %dma_start3A_108 = arith.constant 0 : i32
      %dma_start3A_109 = tpu.memref_slice %arg10[%add3A_94, %dma_start3A_108] : memref<10112x128xf32, #tpu.memory_space<vmem_shared>> -> memref<120x128xf32, #tpu.memory_space<vmem_shared>>
      %dma_start3A_110 = arith.constant 0 : i32
      %dma_start3A_111 = arith.constant 0 : i32
      %dma_start3A_112 = tpu.memref_slice %arg8[%dma_start3A_110, %dma_start3A_111] : memref<128x128xf32, #tpu.memory_space<vmem>> -> memref<120x128xf32, #tpu.memory_space<vmem>>
      tpu.enqueue_dma source(%dma_start3A_112 : memref<120x128xf32, #tpu.memory_space<vmem>>) target(%dma_start3A_109 : memref<120x128xf32, #tpu.memory_space<vmem_shared>>) target_semaphore(%run_scoped3A : memref<!tpu.dma_semaphore, #tpu.memory_space<semaphore_mem>>)
      %dma_wait3A = arith.constant 0 : i32
      %dma_wait3A_113 = arith.constant 0 : i32
      %dma_wait3A_114 = tpu.memref_slice %arg8[%dma_wait3A, %dma_wait3A_113] : memref<128x128xf32, #tpu.memory_space<vmem>> -> memref<120x128xf32, #tpu.memory_space<vmem>>
      %dma_wait3A_115 = arith.constant 0 : i32
      %dma_wait3A_116 = tpu.memref_slice %arg10[%add3A_94, %dma_wait3A_115] : memref<10112x128xf32, #tpu.memory_space<vmem_shared>> -> memref<120x128xf32, #tpu.memory_space<vmem_shared>>
      %dma_wait3A_117 = arith.constant 0 : i32
      %dma_wait3A_118 = tpu.memref_slice %arg10[%add3A_94, %dma_wait3A_117] : memref<10112x128xf32, #tpu.memory_space<vmem_shared>> -> memref<120x128xf32, #tpu.memory_space<vmem_shared>>
      %dma_wait3A_119 = arith.constant 0 : i32
      %dma_wait3A_120 = arith.constant 0 : i32
      %dma_wait3A_121 = tpu.memref_slice %arg8[%dma_wait3A_119, %dma_wait3A_120] : memref<128x128xf32, #tpu.memory_space<vmem>> -> memref<120x128xf32, #tpu.memory_space<vmem>>
      tpu.wait_dma2 semaphore(%run_scoped3A : memref<!tpu.dma_semaphore, #tpu.memory_space<semaphore_mem>>) src(%dma_wait3A_121 : memref<120x128xf32, #tpu.memory_space<vmem>>) dst(%dma_wait3A_118 : memref<120x128xf32, #tpu.memory_space<vmem_shared>>)
      tpu.yield
    }) : () -> ()
    %barrier3A_95 = arith.constant 0 : index
    tpu.barrier barrier_id(%barrier3A_95)
    %scan3A_96 = arith.constant 0 : i32
    %scan3A_97 = arith.constant 3 : i32
    %scan3A_98 = arith.constant 0 : i32
    %scan3A_99 = arith.constant 20 : i32
    %scan3A_100 = arith.addi %scan3A_98, %scan3A_99 : i32
    %scan3A_101 = arith.constant 1 : i32
    scf.for %scan3A_104 = %scan3A_98 to %scan3A_100 step %scan3A_101  : i32 {
      %mul3A_105 = arith.constant 2 : i32
      %mul3A_106 = arith.muli %mul3A_105, %scan3A_104 : i32
      %dma_start3A = arith.constant 0 : i32
      %dma_start3A_107 = tpu.memref_slice %arg6[%mul3A_106, %dma_start3A] : memref<40x128xi32, #tpu.memory_space<vmem>> -> memref<1x128xi32, #tpu.memory_space<vmem>>
      %dma_start3A_108 = tpu.memref_squeeze %dma_start3A_107 : memref<1x128xi32, #tpu.memory_space<vmem>> -> memref<128xi32, #tpu.memory_space<vmem>>
      %dma_start3A_109 = arith.constant 0 : i32
      %dma_start3A_110 = arith.constant 0 : i32
      %dma_start3A_111 = tpu.memref_slice %arg2[%scan3A_97, %dma_start3A_109, %dma_start3A_110] : memref<4x10000x128xf32, #tpu.memory_space<hbm>> -> memref<1x10000x128xf32, #tpu.memory_space<hbm>>
      %dma_start3A_112 = tpu.memref_squeeze %dma_start3A_111 : memref<1x10000x128xf32, #tpu.memory_space<hbm>> -> memref<10000x128xf32, #tpu.memory_space<hbm>>
      %dma_start3A_113 = arith.constant 0 : i32
      %dma_start3A_114 = arith.constant 0 : i32
      %dma_start3A_115 = tpu.memref_slice %dma_start3A_112[%dma_start3A_113, %dma_start3A_114] : memref<10000x128xf32, #tpu.memory_space<hbm>> -> memref<10000x128xf32, #tpu.memory_space<hbm>>
      tpu.enqueue_indirect_dma source(%dma_start3A_115 : memref<10000x128xf32, #tpu.memory_space<hbm>>) target(%arg8 : memref<128x128xf32, #tpu.memory_space<vmem>>) offsets(%dma_start3A_108 : memref<128xi32, #tpu.memory_space<vmem>>) semaphore(%arg11 : memref<!tpu.dma_semaphore, #tpu.memory_space<semaphore_mem>>)
      %add3A_116 = arith.constant 1 : i32
      %add3A_117 = arith.addi %mul3A_106, %add3A_116 : i32
      %dma_start3A_118 = arith.constant 0 : i32
      %dma_start3A_119 = tpu.memref_slice %arg6[%add3A_117, %dma_start3A_118] : memref<40x128xi32, #tpu.memory_space<vmem>> -> memref<1x128xi32, #tpu.memory_space<vmem>>
      %dma_start3A_120 = tpu.memref_squeeze %dma_start3A_119 : memref<1x128xi32, #tpu.memory_space<vmem>> -> memref<128xi32, #tpu.memory_space<vmem>>
      %dma_start3A_121 = arith.constant 0 : i32
      %dma_start3A_122 = arith.constant 0 : i32
      %dma_start3A_123 = tpu.memref_slice %arg2[%scan3A_97, %dma_start3A_121, %dma_start3A_122] : memref<4x10000x128xf32, #tpu.memory_space<hbm>> -> memref<1x10000x128xf32, #tpu.memory_space<hbm>>
      %dma_start3A_124 = tpu.memref_squeeze %dma_start3A_123 : memref<1x10000x128xf32, #tpu.memory_space<hbm>> -> memref<10000x128xf32, #tpu.memory_space<hbm>>
      %dma_start3A_125 = arith.constant 0 : i32
      %dma_start3A_126 = arith.constant 0 : i32
      %dma_start3A_127 = tpu.memref_slice %dma_start3A_124[%dma_start3A_125, %dma_start3A_126] : memref<10000x128xf32, #tpu.memory_space<hbm>> -> memref<10000x128xf32, #tpu.memory_space<hbm>>
      tpu.enqueue_indirect_dma source(%dma_start3A_127 : memref<10000x128xf32, #tpu.memory_space<hbm>>) target(%arg9 : memref<128x128xf32, #tpu.memory_space<vmem>>) offsets(%dma_start3A_120 : memref<128xi32, #tpu.memory_space<vmem>>) semaphore(%arg12 : memref<!tpu.dma_semaphore, #tpu.memory_space<semaphore_mem>>)
      %dma_wait3A = arith.constant 0 : i32
      %dma_wait3A_128 = tpu.memref_slice %arg6[%mul3A_106, %dma_wait3A] : memref<40x128xi32, #tpu.memory_space<vmem>> -> memref<1x128xi32, #tpu.memory_space<vmem>>
      %dma_wait3A_129 = tpu.memref_squeeze %dma_wait3A_128 : memref<1x128xi32, #tpu.memory_space<vmem>> -> memref<128xi32, #tpu.memory_space<vmem>>
      %dma_wait3A_130 = arith.constant 0 : i32
      %dma_wait3A_131 = arith.constant 0 : i32
      %dma_wait3A_132 = tpu.memref_slice %arg2[%scan3A_97, %dma_wait3A_130, %dma_wait3A_131] : memref<4x10000x128xf32, #tpu.memory_space<hbm>> -> memref<1x10000x128xf32, #tpu.memory_space<hbm>>
      %dma_wait3A_133 = tpu.memref_squeeze %dma_wait3A_132 : memref<1x10000x128xf32, #tpu.memory_space<hbm>> -> memref<10000x128xf32, #tpu.memory_space<hbm>>
      %dma_wait3A_134 = arith.constant 0 : i32
      %dma_wait3A_135 = arith.constant 0 : i32
      %dma_wait3A_136 = tpu.memref_slice %dma_wait3A_133[%dma_wait3A_134, %dma_wait3A_135] : memref<10000x128xf32, #tpu.memory_space<hbm>> -> memref<10000x128xf32, #tpu.memory_space<hbm>>
      tpu.wait_indirect_dma semaphore(%arg11 : memref<!tpu.dma_semaphore, #tpu.memory_space<semaphore_mem>>) src(%dma_wait3A_136 : memref<10000x128xf32, #tpu.memory_space<hbm>>) dst(%arg8 : memref<128x128xf32, #tpu.memory_space<vmem>>)
      "tpu.region"() ({
        %run_scoped3A = tpu.sem_alloc : memref<!tpu.dma_semaphore, #tpu.memory_space<semaphore_mem>>
        %dma_start3A_149 = arith.constant 0 : i32
        %dma_start3A_150 = tpu.memref_slice %arg7[%mul3A_106, %dma_start3A_149] : memref<40x128xi32, #tpu.memory_space<vmem>> -> memref<1x128xi32, #tpu.memory_space<vmem>>
        %dma_start3A_151 = tpu.memref_squeeze %dma_start3A_150 : memref<1x128xi32, #tpu.memory_space<vmem>> -> memref<128xi32, #tpu.memory_space<vmem>>
        %dma_start3A_152 = arith.constant 0 : i32
        %dma_start3A_153 = arith.constant 0 : i32
        %dma_start3A_154 = tpu.memref_slice %arg10[%dma_start3A_152, %dma_start3A_153] : memref<10112x128xf32, #tpu.memory_space<vmem_shared>> -> memref<10112x128xf32, #tpu.memory_space<vmem_shared>>
        tpu.enqueue_indirect_dma source(%arg8 : memref<128x128xf32, #tpu.memory_space<vmem>>) target(%dma_start3A_154 : memref<10112x128xf32, #tpu.memory_space<vmem_shared>>) offsets(%dma_start3A_151 : memref<128xi32, #tpu.memory_space<vmem>>) semaphore(%run_scoped3A : memref<!tpu.dma_semaphore, #tpu.memory_space<semaphore_mem>>) {add = true}
        %dma_wait3A_155 = arith.constant 0 : i32
        %dma_wait3A_156 = tpu.memref_slice %arg7[%mul3A_106, %dma_wait3A_155] : memref<40x128xi32, #tpu.memory_space<vmem>> -> memref<1x128xi32, #tpu.memory_space<vmem>>
        %dma_wait3A_157 = tpu.memref_squeeze %dma_wait3A_156 : memref<1x128xi32, #tpu.memory_space<vmem>> -> memref<128xi32, #tpu.memory_space<vmem>>
        %dma_wait3A_158 = arith.constant 0 : i32
        %dma_wait3A_159 = arith.constant 0 : i32
        %dma_wait3A_160 = tpu.memref_slice %arg10[%dma_wait3A_158, %dma_wait3A_159] : memref<10112x128xf32, #tpu.memory_space<vmem_shared>> -> memref<10112x128xf32, #tpu.memory_space<vmem_shared>>
        tpu.wait_indirect_dma semaphore(%run_scoped3A : memref<!tpu.dma_semaphore, #tpu.memory_space<semaphore_mem>>) src(%arg8 : memref<128x128xf32, #tpu.memory_space<vmem>>) dst(%dma_wait3A_160 : memref<10112x128xf32, #tpu.memory_space<vmem_shared>>)
        tpu.yield
      }) : () -> ()
      %dma_wait3A_137 = arith.constant 0 : i32
      %dma_wait3A_138 = tpu.memref_slice %arg6[%add3A_117, %dma_wait3A_137] : memref<40x128xi32, #tpu.memory_space<vmem>> -> memref<1x128xi32, #tpu.memory_space<vmem>>
      %dma_wait3A_139 = tpu.memref_squeeze %dma_wait3A_138 : memref<1x128xi32, #tpu.memory_space<vmem>> -> memref<128xi32, #tpu.memory_space<vmem>>
      %dma_wait3A_140 = arith.constant 0 : i32
      %dma_wait3A_141 = arith.constant 0 : i32
      %dma_wait3A_142 = tpu.memref_slice %arg2[%scan3A_97, %dma_wait3A_140, %dma_wait3A_141] : memref<4x10000x128xf32, #tpu.memory_space<hbm>> -> memref<1x10000x128xf32, #tpu.memory_space<hbm>>
      %dma_wait3A_143 = tpu.memref_squeeze %dma_wait3A_142 : memref<1x10000x128xf32, #tpu.memory_space<hbm>> -> memref<10000x128xf32, #tpu.memory_space<hbm>>
      %dma_wait3A_144 = arith.constant 0 : i32
      %dma_wait3A_145 = arith.constant 0 : i32
      %dma_wait3A_146 = tpu.memref_slice %dma_wait3A_143[%dma_wait3A_144, %dma_wait3A_145] : memref<10000x128xf32, #tpu.memory_space<hbm>> -> memref<10000x128xf32, #tpu.memory_space<hbm>>
      tpu.wait_indirect_dma semaphore(%arg12 : memref<!tpu.dma_semaphore, #tpu.memory_space<semaphore_mem>>) src(%dma_wait3A_146 : memref<10000x128xf32, #tpu.memory_space<hbm>>) dst(%arg9 : memref<128x128xf32, #tpu.memory_space<vmem>>)
      %add3A_147 = arith.constant 1 : i32
      %add3A_148 = arith.addi %mul3A_106, %add3A_147 : i32
      "tpu.region"() ({
        %run_scoped3A = tpu.sem_alloc : memref<!tpu.dma_semaphore, #tpu.memory_space<semaphore_mem>>
        %dma_start3A_149 = arith.constant 0 : i32
        %dma_start3A_150 = tpu.memref_slice %arg7[%add3A_148, %dma_start3A_149] : memref<40x128xi32, #tpu.memory_space<vmem>> -> memref<1x128xi32, #tpu.memory_space<vmem>>
        %dma_start3A_151 = tpu.memref_squeeze %dma_start3A_150 : memref<1x128xi32, #tpu.memory_space<vmem>> -> memref<128xi32, #tpu.memory_space<vmem>>
        %dma_start3A_152 = arith.constant 0 : i32
        %dma_start3A_153 = arith.constant 0 : i32
        %dma_start3A_154 = tpu.memref_slice %arg10[%dma_start3A_152, %dma_start3A_153] : memref<10112x128xf32, #tpu.memory_space<vmem_shared>> -> memref<10112x128xf32, #tpu.memory_space<vmem_shared>>
        tpu.enqueue_indirect_dma source(%arg9 : memref<128x128xf32, #tpu.memory_space<vmem>>) target(%dma_start3A_154 : memref<10112x128xf32, #tpu.memory_space<vmem_shared>>) offsets(%dma_start3A_151 : memref<128xi32, #tpu.memory_space<vmem>>) semaphore(%run_scoped3A : memref<!tpu.dma_semaphore, #tpu.memory_space<semaphore_mem>>) {add = true}
        %dma_wait3A_155 = arith.constant 0 : i32
        %dma_wait3A_156 = tpu.memref_slice %arg7[%add3A_148, %dma_wait3A_155] : memref<40x128xi32, #tpu.memory_space<vmem>> -> memref<1x128xi32, #tpu.memory_space<vmem>>
        %dma_wait3A_157 = tpu.memref_squeeze %dma_wait3A_156 : memref<1x128xi32, #tpu.memory_space<vmem>> -> memref<128xi32, #tpu.memory_space<vmem>>
        %dma_wait3A_158 = arith.constant 0 : i32
        %dma_wait3A_159 = arith.constant 0 : i32
        %dma_wait3A_160 = tpu.memref_slice %arg10[%dma_wait3A_158, %dma_wait3A_159] : memref<10112x128xf32, #tpu.memory_space<vmem_shared>> -> memref<10112x128xf32, #tpu.memory_space<vmem_shared>>
        tpu.wait_indirect_dma semaphore(%run_scoped3A : memref<!tpu.dma_semaphore, #tpu.memory_space<semaphore_mem>>) src(%arg9 : memref<128x128xf32, #tpu.memory_space<vmem>>) dst(%dma_wait3A_160 : memref<10112x128xf32, #tpu.memory_space<vmem_shared>>)
        tpu.yield
      }) : () -> ()
    }
    %scan3A_102 = arith.constant 20 : i32
    %barrier3A_103 = arith.constant 0 : index
    tpu.barrier barrier_id(%barrier3A_103)
    "tpu.region"() ({
      %run_scoped3A = tpu.sem_alloc : memref<!tpu.dma_semaphore, #tpu.memory_space<semaphore_mem>>
      %dma_start3A = arith.constant 384 : i32
      %dma_start3A_104 = tpu.memref_slice %arg5[%arg0, %mul3A_2, %dma_start3A] : memref<2x10112x512xf32, #tpu.memory_space<hbm>> -> memref<1x632x128xf32, #tpu.memory_space<hbm>>
      %dma_start3A_105 = tpu.memref_squeeze %dma_start3A_104 : memref<1x632x128xf32, #tpu.memory_space<hbm>> -> memref<632x128xf32, #tpu.memory_space<hbm>>
      %dma_start3A_106 = arith.constant 0 : i32
      %dma_start3A_107 = tpu.memref_slice %arg10[%mul3A_2, %dma_start3A_106] : memref<10112x128xf32, #tpu.memory_space<vmem_shared>> -> memref<632x128xf32, #tpu.memory_space<vmem_shared>>
      tpu.enqueue_dma source(%dma_start3A_107 : memref<632x128xf32, #tpu.memory_space<vmem_shared>>) target(%dma_start3A_105 : memref<632x128xf32, #tpu.memory_space<hbm>>) target_semaphore(%run_scoped3A : memref<!tpu.dma_semaphore, #tpu.memory_space<semaphore_mem>>)
      %dma_wait3A = arith.constant 384 : i32
      %dma_wait3A_108 = tpu.memref_slice %arg5[%arg0, %mul3A_2, %dma_wait3A] : memref<2x10112x512xf32, #tpu.memory_space<hbm>> -> memref<1x632x128xf32, #tpu.memory_space<hbm>>
      %dma_wait3A_109 = tpu.memref_squeeze %dma_wait3A_108 : memref<1x632x128xf32, #tpu.memory_space<hbm>> -> memref<632x128xf32, #tpu.memory_space<hbm>>
      %dma_wait3A_110 = arith.constant 0 : i32
      %dma_wait3A_111 = tpu.memref_slice %arg10[%mul3A_2, %dma_wait3A_110] : memref<10112x128xf32, #tpu.memory_space<vmem_shared>> -> memref<632x128xf32, #tpu.memory_space<vmem_shared>>
      tpu.wait_dma2 semaphore(%run_scoped3A : memref<!tpu.dma_semaphore, #tpu.memory_space<semaphore_mem>>) src(%dma_wait3A_111 : memref<632x128xf32, #tpu.memory_space<vmem_shared>>) dst(%dma_wait3A_109 : memref<632x128xf32, #tpu.memory_space<hbm>>)
      tpu.yield
    }) : () -> ()
    return
  }
}

#map = affine_map<(d0, d1) -> (0, 0, 0)>
module attributes {stable_mosaic.version = 14 : i64} {
  func.func @k(%arg0: i32, %arg1: i32, %arg2: memref<1x10000x128xf32, #tpu.memory_space<hbm>>, %arg3: memref<32x40x128xi32, #tpu.memory_space<hbm>>, %arg4: memref<32x40x128xi32, #tpu.memory_space<hbm>>, %arg5: memref<2x10112x128xf32, #tpu.memory_space<hbm>>, %arg6: memref<40x128xi32, #tpu.memory_space<vmem>>, %arg7: memref<40x128xi32, #tpu.memory_space<vmem>>, %arg8: memref<128x128xf32, #tpu.memory_space<vmem>>, %arg9: memref<128x128xf32, #tpu.memory_space<vmem>>, %arg10: memref<10112x128xf32, #tpu.memory_space<vmem_shared>>, %arg11: memref<!tpu.dma_semaphore, #tpu.memory_space<semaphore_mem>>, %arg12: memref<!tpu.dma_semaphore, #tpu.memory_space<semaphore_mem>>) attributes {dimension_semantics = [#tpu.dimension_semantics<core_parallel>, #tpu.dimension_semantics<subcore_parallel>], iteration_bounds = array<i64: 2, 16>, scalar_prefetch = 0 : i64, scratch_operands = 7 : i64, tpu.core_type = #tpu.core_type<sc_vector_subcore>, window_params = [{transform_indices = #map}, {transform_indices = #map}, {transform_indices = #map}, {transform_indices = #map}]} {
    %mul3A = arith.constant 16 : i32
    %mul3A_0 = arith.muli %arg0, %mul3A : i32
    %add3A = arith.addi %mul3A_0, %arg1 : i32
    %mul3A_1 = arith.constant 632 : i32
    %mul3A_2 = arith.muli %arg1, %mul3A_1 : i32
    "tpu.region"() ({
      %run_scoped3A = tpu.sem_alloc : memref<!tpu.dma_semaphore, #tpu.memory_space<semaphore_mem>>
      %dma_start3A = arith.constant 0 : i32
      %dma_start3A_26 = arith.constant 0 : i32
      %dma_start3A_27 = tpu.memref_slice %arg3[%add3A, %dma_start3A, %dma_start3A_26] : memref<32x40x128xi32, #tpu.memory_space<hbm>> -> memref<1x40x128xi32, #tpu.memory_space<hbm>>
      %dma_start3A_28 = tpu.memref_squeeze %dma_start3A_27 : memref<1x40x128xi32, #tpu.memory_space<hbm>> -> memref<40x128xi32, #tpu.memory_space<hbm>>
      %dma_start3A_29 = arith.constant 0 : i32
      %dma_start3A_30 = arith.constant 0 : i32
      %dma_start3A_31 = tpu.memref_slice %arg3[%add3A, %dma_start3A_29, %dma_start3A_30] : memref<32x40x128xi32, #tpu.memory_space<hbm>> -> memref<1x40x128xi32, #tpu.memory_space<hbm>>
      %dma_start3A_32 = tpu.memref_squeeze %dma_start3A_31 : memref<1x40x128xi32, #tpu.memory_space<hbm>> -> memref<40x128xi32, #tpu.memory_space<hbm>>
      tpu.enqueue_dma source(%dma_start3A_32 : memref<40x128xi32, #tpu.memory_space<hbm>>) target(%arg6 : memref<40x128xi32, #tpu.memory_space<vmem>>) target_semaphore(%run_scoped3A : memref<!tpu.dma_semaphore, #tpu.memory_space<semaphore_mem>>)
      %dma_wait3A = arith.constant 0 : i32
      %dma_wait3A_33 = arith.constant 0 : i32
      %dma_wait3A_34 = tpu.memref_slice %arg3[%add3A, %dma_wait3A, %dma_wait3A_33] : memref<32x40x128xi32, #tpu.memory_space<hbm>> -> memref<1x40x128xi32, #tpu.memory_space<hbm>>
      %dma_wait3A_35 = tpu.memref_squeeze %dma_wait3A_34 : memref<1x40x128xi32, #tpu.memory_space<hbm>> -> memref<40x128xi32, #tpu.memory_space<hbm>>
      %dma_wait3A_36 = arith.constant 0 : i32
      %dma_wait3A_37 = arith.constant 0 : i32
      %dma_wait3A_38 = tpu.memref_slice %arg3[%add3A, %dma_wait3A_36, %dma_wait3A_37] : memref<32x40x128xi32, #tpu.memory_space<hbm>> -> memref<1x40x128xi32, #tpu.memory_space<hbm>>
      %dma_wait3A_39 = tpu.memref_squeeze %dma_wait3A_38 : memref<1x40x128xi32, #tpu.memory_space<hbm>> -> memref<40x128xi32, #tpu.memory_space<hbm>>
      tpu.wait_dma2 semaphore(%run_scoped3A : memref<!tpu.dma_semaphore, #tpu.memory_space<semaphore_mem>>) src(%dma_wait3A_39 : memref<40x128xi32, #tpu.memory_space<hbm>>) dst(%arg6 : memref<40x128xi32, #tpu.memory_space<vmem>>)
      tpu.yield
    }) : () -> ()
    "tpu.region"() ({
      %run_scoped3A = tpu.sem_alloc : memref<!tpu.dma_semaphore, #tpu.memory_space<semaphore_mem>>
      %dma_start3A = arith.constant 0 : i32
      %dma_start3A_26 = arith.constant 0 : i32
      %dma_start3A_27 = tpu.memref_slice %arg4[%add3A, %dma_start3A, %dma_start3A_26] : memref<32x40x128xi32, #tpu.memory_space<hbm>> -> memref<1x40x128xi32, #tpu.memory_space<hbm>>
      %dma_start3A_28 = tpu.memref_squeeze %dma_start3A_27 : memref<1x40x128xi32, #tpu.memory_space<hbm>> -> memref<40x128xi32, #tpu.memory_space<hbm>>
      %dma_start3A_29 = arith.constant 0 : i32
      %dma_start3A_30 = arith.constant 0 : i32
      %dma_start3A_31 = tpu.memref_slice %arg4[%add3A, %dma_start3A_29, %dma_start3A_30] : memref<32x40x128xi32, #tpu.memory_space<hbm>> -> memref<1x40x128xi32, #tpu.memory_space<hbm>>
      %dma_start3A_32 = tpu.memref_squeeze %dma_start3A_31 : memref<1x40x128xi32, #tpu.memory_space<hbm>> -> memref<40x128xi32, #tpu.memory_space<hbm>>
      tpu.enqueue_dma source(%dma_start3A_32 : memref<40x128xi32, #tpu.memory_space<hbm>>) target(%arg7 : memref<40x128xi32, #tpu.memory_space<vmem>>) target_semaphore(%run_scoped3A : memref<!tpu.dma_semaphore, #tpu.memory_space<semaphore_mem>>)
      %dma_wait3A = arith.constant 0 : i32
      %dma_wait3A_33 = arith.constant 0 : i32
      %dma_wait3A_34 = tpu.memref_slice %arg4[%add3A, %dma_wait3A, %dma_wait3A_33] : memref<32x40x128xi32, #tpu.memory_space<hbm>> -> memref<1x40x128xi32, #tpu.memory_space<hbm>>
      %dma_wait3A_35 = tpu.memref_squeeze %dma_wait3A_34 : memref<1x40x128xi32, #tpu.memory_space<hbm>> -> memref<40x128xi32, #tpu.memory_space<hbm>>
      %dma_wait3A_36 = arith.constant 0 : i32
      %dma_wait3A_37 = arith.constant 0 : i32
      %dma_wait3A_38 = tpu.memref_slice %arg4[%add3A, %dma_wait3A_36, %dma_wait3A_37] : memref<32x40x128xi32, #tpu.memory_space<hbm>> -> memref<1x40x128xi32, #tpu.memory_space<hbm>>
      %dma_wait3A_39 = tpu.memref_squeeze %dma_wait3A_38 : memref<1x40x128xi32, #tpu.memory_space<hbm>> -> memref<40x128xi32, #tpu.memory_space<hbm>>
      tpu.wait_dma2 semaphore(%run_scoped3A : memref<!tpu.dma_semaphore, #tpu.memory_space<semaphore_mem>>) src(%dma_wait3A_39 : memref<40x128xi32, #tpu.memory_space<hbm>>) dst(%arg7 : memref<40x128xi32, #tpu.memory_space<vmem>>)
      tpu.yield
    }) : () -> ()
    %scan3A = arith.constant 0 : i32
    %scan3A_3 = arith.constant 0 : i32
    %scan3A_4 = arith.constant 128 : i32
    %scan3A_5 = arith.addi %scan3A_3, %scan3A_4 : i32
    %scan3A_6 = arith.constant 1 : i32
    scf.for %scan3A_26 = %scan3A_3 to %scan3A_5 step %scan3A_6  : i32 {
      %broadcast_in_dim3A = arith.constant 0.000000e+00 : f32
      %broadcast_in_dim3A_27 = vector.broadcast %broadcast_in_dim3A : f32 to vector<16xf32>
      %swap3A = arith.index_cast %scan3A_26 : i32 to index
      %swap3A_28 = arith.constant 0 : index
      %swap3A_29 = tpu.vector_load %arg8[%swap3A, %swap3A_28] {strides = array<i32>} : memref<128x128xf32, #tpu.memory_space<vmem>>, vector<1x16xf32>,
      %swap3A_30 = vector.shape_cast %swap3A_29 : vector<1x16xf32> to vector<16xf32>
      %swap3A_31 = vector.shape_cast %broadcast_in_dim3A_27 : vector<16xf32> to vector<1x16xf32>
      tpu.vector_store %arg8[%swap3A, %swap3A_28], %swap3A_31 {strides = array<i32>} : memref<128x128xf32, #tpu.memory_space<vmem>>, vector<1x16xf32>,
      %broadcast_in_dim3A_32 = arith.constant 0.000000e+00 : f32
      %broadcast_in_dim3A_33 = vector.broadcast %broadcast_in_dim3A_32 : f32 to vector<16xf32>
      %swap3A_34 = arith.index_cast %scan3A_26 : i32 to index
      %swap3A_35 = arith.constant 16 : index
      %swap3A_36 = tpu.vector_load %arg8[%swap3A_34, %swap3A_35] {strides = array<i32>} : memref<128x128xf32, #tpu.memory_space<vmem>>, vector<1x16xf32>,
      %swap3A_37 = vector.shape_cast %swap3A_36 : vector<1x16xf32> to vector<16xf32>
      %swap3A_38 = vector.shape_cast %broadcast_in_dim3A_33 : vector<16xf32> to vector<1x16xf32>
      tpu.vector_store %arg8[%swap3A_34, %swap3A_35], %swap3A_38 {strides = array<i32>} : memref<128x128xf32, #tpu.memory_space<vmem>>, vector<1x16xf32>,
      %broadcast_in_dim3A_39 = arith.constant 0.000000e+00 : f32
      %broadcast_in_dim3A_40 = vector.broadcast %broadcast_in_dim3A_39 : f32 to vector<16xf32>
      %swap3A_41 = arith.index_cast %scan3A_26 : i32 to index
      %swap3A_42 = arith.constant 32 : index
      %swap3A_43 = tpu.vector_load %arg8[%swap3A_41, %swap3A_42] {strides = array<i32>} : memref<128x128xf32, #tpu.memory_space<vmem>>, vector<1x16xf32>,
      %swap3A_44 = vector.shape_cast %swap3A_43 : vector<1x16xf32> to vector<16xf32>
      %swap3A_45 = vector.shape_cast %broadcast_in_dim3A_40 : vector<16xf32> to vector<1x16xf32>
      tpu.vector_store %arg8[%swap3A_41, %swap3A_42], %swap3A_45 {strides = array<i32>} : memref<128x128xf32, #tpu.memory_space<vmem>>, vector<1x16xf32>,
      %broadcast_in_dim3A_46 = arith.constant 0.000000e+00 : f32
      %broadcast_in_dim3A_47 = vector.broadcast %broadcast_in_dim3A_46 : f32 to vector<16xf32>
      %swap3A_48 = arith.index_cast %scan3A_26 : i32 to index
      %swap3A_49 = arith.constant 48 : index
      %swap3A_50 = tpu.vector_load %arg8[%swap3A_48, %swap3A_49] {strides = array<i32>} : memref<128x128xf32, #tpu.memory_space<vmem>>, vector<1x16xf32>,
      %swap3A_51 = vector.shape_cast %swap3A_50 : vector<1x16xf32> to vector<16xf32>
      %swap3A_52 = vector.shape_cast %broadcast_in_dim3A_47 : vector<16xf32> to vector<1x16xf32>
      tpu.vector_store %arg8[%swap3A_48, %swap3A_49], %swap3A_52 {strides = array<i32>} : memref<128x128xf32, #tpu.memory_space<vmem>>, vector<1x16xf32>,
      %broadcast_in_dim3A_53 = arith.constant 0.000000e+00 : f32
      %broadcast_in_dim3A_54 = vector.broadcast %broadcast_in_dim3A_53 : f32 to vector<16xf32>
      %swap3A_55 = arith.index_cast %scan3A_26 : i32 to index
      %swap3A_56 = arith.constant 64 : index
      %swap3A_57 = tpu.vector_load %arg8[%swap3A_55, %swap3A_56] {strides = array<i32>} : memref<128x128xf32, #tpu.memory_space<vmem>>, vector<1x16xf32>,
      %swap3A_58 = vector.shape_cast %swap3A_57 : vector<1x16xf32> to vector<16xf32>
      %swap3A_59 = vector.shape_cast %broadcast_in_dim3A_54 : vector<16xf32> to vector<1x16xf32>
      tpu.vector_store %arg8[%swap3A_55, %swap3A_56], %swap3A_59 {strides = array<i32>} : memref<128x128xf32, #tpu.memory_space<vmem>>, vector<1x16xf32>,
      %broadcast_in_dim3A_60 = arith.constant 0.000000e+00 : f32
      %broadcast_in_dim3A_61 = vector.broadcast %broadcast_in_dim3A_60 : f32 to vector<16xf32>
      %swap3A_62 = arith.index_cast %scan3A_26 : i32 to index
      %swap3A_63 = arith.constant 80 : index
      %swap3A_64 = tpu.vector_load %arg8[%swap3A_62, %swap3A_63] {strides = array<i32>} : memref<128x128xf32, #tpu.memory_space<vmem>>, vector<1x16xf32>,
      %swap3A_65 = vector.shape_cast %swap3A_64 : vector<1x16xf32> to vector<16xf32>
      %swap3A_66 = vector.shape_cast %broadcast_in_dim3A_61 : vector<16xf32> to vector<1x16xf32>
      tpu.vector_store %arg8[%swap3A_62, %swap3A_63], %swap3A_66 {strides = array<i32>} : memref<128x128xf32, #tpu.memory_space<vmem>>, vector<1x16xf32>,
      %broadcast_in_dim3A_67 = arith.constant 0.000000e+00 : f32
      %broadcast_in_dim3A_68 = vector.broadcast %broadcast_in_dim3A_67 : f32 to vector<16xf32>
      %swap3A_69 = arith.index_cast %scan3A_26 : i32 to index
      %swap3A_70 = arith.constant 96 : index
      %swap3A_71 = tpu.vector_load %arg8[%swap3A_69, %swap3A_70] {strides = array<i32>} : memref<128x128xf32, #tpu.memory_space<vmem>>, vector<1x16xf32>,
      %swap3A_72 = vector.shape_cast %swap3A_71 : vector<1x16xf32> to vector<16xf32>
      %swap3A_73 = vector.shape_cast %broadcast_in_dim3A_68 : vector<16xf32> to vector<1x16xf32>
      tpu.vector_store %arg8[%swap3A_69, %swap3A_70], %swap3A_73 {strides = array<i32>} : memref<128x128xf32, #tpu.memory_space<vmem>>, vector<1x16xf32>,
      %broadcast_in_dim3A_74 = arith.constant 0.000000e+00 : f32
      %broadcast_in_dim3A_75 = vector.broadcast %broadcast_in_dim3A_74 : f32 to vector<16xf32>
      %swap3A_76 = arith.index_cast %scan3A_26 : i32 to index
      %swap3A_77 = arith.constant 112 : index
      %swap3A_78 = tpu.vector_load %arg8[%swap3A_76, %swap3A_77] {strides = array<i32>} : memref<128x128xf32, #tpu.memory_space<vmem>>, vector<1x16xf32>,
      %swap3A_79 = vector.shape_cast %swap3A_78 : vector<1x16xf32> to vector<16xf32>
      %swap3A_80 = vector.shape_cast %broadcast_in_dim3A_75 : vector<16xf32> to vector<1x16xf32>
      tpu.vector_store %arg8[%swap3A_76, %swap3A_77], %swap3A_80 {strides = array<i32>} : memref<128x128xf32, #tpu.memory_space<vmem>>, vector<1x16xf32>,
    }
    %scan3A_7 = arith.constant 128 : i32
    %add3A_8 = arith.constant 0 : i32
    %add3A_9 = arith.addi %mul3A_2, %add3A_8 : i32
    "tpu.region"() ({
      %run_scoped3A = tpu.sem_alloc : memref<!tpu.dma_semaphore, #tpu.memory_space<semaphore_mem>>
      %dma_start3A = arith.constant 0 : i32
      %dma_start3A_26 = tpu.memref_slice %arg10[%add3A_9, %dma_start3A] : memref<10112x128xf32, #tpu.memory_space<vmem_shared>> -> memref<128x128xf32, #tpu.memory_space<vmem_shared>>
      %dma_start3A_27 = arith.constant 0 : i32
      %dma_start3A_28 = tpu.memref_slice %arg10[%add3A_9, %dma_start3A_27] : memref<10112x128xf32, #tpu.memory_space<vmem_shared>> -> memref<128x128xf32, #tpu.memory_space<vmem_shared>>
      tpu.enqueue_dma source(%arg8 : memref<128x128xf32, #tpu.memory_space<vmem>>) target(%dma_start3A_28 : memref<128x128xf32, #tpu.memory_space<vmem_shared>>) target_semaphore(%run_scoped3A : memref<!tpu.dma_semaphore, #tpu.memory_space<semaphore_mem>>)
      %dma_wait3A = arith.constant 0 : i32
      %dma_wait3A_29 = tpu.memref_slice %arg10[%add3A_9, %dma_wait3A] : memref<10112x128xf32, #tpu.memory_space<vmem_shared>> -> memref<128x128xf32, #tpu.memory_space<vmem_shared>>
      %dma_wait3A_30 = arith.constant 0 : i32
      %dma_wait3A_31 = tpu.memref_slice %arg10[%add3A_9, %dma_wait3A_30] : memref<10112x128xf32, #tpu.memory_space<vmem_shared>> -> memref<128x128xf32, #tpu.memory_space<vmem_shared>>
      tpu.wait_dma2 semaphore(%run_scoped3A : memref<!tpu.dma_semaphore, #tpu.memory_space<semaphore_mem>>) src(%arg8 : memref<128x128xf32, #tpu.memory_space<vmem>>) dst(%dma_wait3A_31 : memref<128x128xf32, #tpu.memory_space<vmem_shared>>)
      tpu.yield
    }) : () -> ()
    %add3A_10 = arith.constant 128 : i32
    %add3A_11 = arith.addi %mul3A_2, %add3A_10 : i32
    "tpu.region"() ({
      %run_scoped3A = tpu.sem_alloc : memref<!tpu.dma_semaphore, #tpu.memory_space<semaphore_mem>>
      %dma_start3A = arith.constant 0 : i32
      %dma_start3A_26 = tpu.memref_slice %arg10[%add3A_11, %dma_start3A] : memref<10112x128xf32, #tpu.memory_space<vmem_shared>> -> memref<128x128xf32, #tpu.memory_space<vmem_shared>>
      %dma_start3A_27 = arith.constant 0 : i32
      %dma_start3A_28 = tpu.memref_slice %arg10[%add3A_11, %dma_start3A_27] : memref<10112x128xf32, #tpu.memory_space<vmem_shared>> -> memref<128x128xf32, #tpu.memory_space<vmem_shared>>
      tpu.enqueue_dma source(%arg8 : memref<128x128xf32, #tpu.memory_space<vmem>>) target(%dma_start3A_28 : memref<128x128xf32, #tpu.memory_space<vmem_shared>>) target_semaphore(%run_scoped3A : memref<!tpu.dma_semaphore, #tpu.memory_space<semaphore_mem>>)
      %dma_wait3A = arith.constant 0 : i32
      %dma_wait3A_29 = tpu.memref_slice %arg10[%add3A_11, %dma_wait3A] : memref<10112x128xf32, #tpu.memory_space<vmem_shared>> -> memref<128x128xf32, #tpu.memory_space<vmem_shared>>
      %dma_wait3A_30 = arith.constant 0 : i32
      %dma_wait3A_31 = tpu.memref_slice %arg10[%add3A_11, %dma_wait3A_30] : memref<10112x128xf32, #tpu.memory_space<vmem_shared>> -> memref<128x128xf32, #tpu.memory_space<vmem_shared>>
      tpu.wait_dma2 semaphore(%run_scoped3A : memref<!tpu.dma_semaphore, #tpu.memory_space<semaphore_mem>>) src(%arg8 : memref<128x128xf32, #tpu.memory_space<vmem>>) dst(%dma_wait3A_31 : memref<128x128xf32, #tpu.memory_space<vmem_shared>>)
      tpu.yield
    }) : () -> ()
    %add3A_12 = arith.constant 256 : i32
    %add3A_13 = arith.addi %mul3A_2, %add3A_12 : i32
    "tpu.region"() ({
      %run_scoped3A = tpu.sem_alloc : memref<!tpu.dma_semaphore, #tpu.memory_space<semaphore_mem>>
      %dma_start3A = arith.constant 0 : i32
      %dma_start3A_26 = tpu.memref_slice %arg10[%add3A_13, %dma_start3A] : memref<10112x128xf32, #tpu.memory_space<vmem_shared>> -> memref<128x128xf32, #tpu.memory_space<vmem_shared>>
      %dma_start3A_27 = arith.constant 0 : i32
      %dma_start3A_28 = tpu.memref_slice %arg10[%add3A_13, %dma_start3A_27] : memref<10112x128xf32, #tpu.memory_space<vmem_shared>> -> memref<128x128xf32, #tpu.memory_space<vmem_shared>>
      tpu.enqueue_dma source(%arg8 : memref<128x128xf32, #tpu.memory_space<vmem>>) target(%dma_start3A_28 : memref<128x128xf32, #tpu.memory_space<vmem_shared>>) target_semaphore(%run_scoped3A : memref<!tpu.dma_semaphore, #tpu.memory_space<semaphore_mem>>)
      %dma_wait3A = arith.constant 0 : i32
      %dma_wait3A_29 = tpu.memref_slice %arg10[%add3A_13, %dma_wait3A] : memref<10112x128xf32, #tpu.memory_space<vmem_shared>> -> memref<128x128xf32, #tpu.memory_space<vmem_shared>>
      %dma_wait3A_30 = arith.constant 0 : i32
      %dma_wait3A_31 = tpu.memref_slice %arg10[%add3A_13, %dma_wait3A_30] : memref<10112x128xf32, #tpu.memory_space<vmem_shared>> -> memref<128x128xf32, #tpu.memory_space<vmem_shared>>
      tpu.wait_dma2 semaphore(%run_scoped3A : memref<!tpu.dma_semaphore, #tpu.memory_space<semaphore_mem>>) src(%arg8 : memref<128x128xf32, #tpu.memory_space<vmem>>) dst(%dma_wait3A_31 : memref<128x128xf32, #tpu.memory_space<vmem_shared>>)
      tpu.yield
    }) : () -> ()
    %add3A_14 = arith.constant 384 : i32
    %add3A_15 = arith.addi %mul3A_2, %add3A_14 : i32
    "tpu.region"() ({
      %run_scoped3A = tpu.sem_alloc : memref<!tpu.dma_semaphore, #tpu.memory_space<semaphore_mem>>
      %dma_start3A = arith.constant 0 : i32
      %dma_start3A_26 = tpu.memref_slice %arg10[%add3A_15, %dma_start3A] : memref<10112x128xf32, #tpu.memory_space<vmem_shared>> -> memref<128x128xf32, #tpu.memory_space<vmem_shared>>
      %dma_start3A_27 = arith.constant 0 : i32
      %dma_start3A_28 = tpu.memref_slice %arg10[%add3A_15, %dma_start3A_27] : memref<10112x128xf32, #tpu.memory_space<vmem_shared>> -> memref<128x128xf32, #tpu.memory_space<vmem_shared>>
      tpu.enqueue_dma source(%arg8 : memref<128x128xf32, #tpu.memory_space<vmem>>) target(%dma_start3A_28 : memref<128x128xf32, #tpu.memory_space<vmem_shared>>) target_semaphore(%run_scoped3A : memref<!tpu.dma_semaphore, #tpu.memory_space<semaphore_mem>>)
      %dma_wait3A = arith.constant 0 : i32
      %dma_wait3A_29 = tpu.memref_slice %arg10[%add3A_15, %dma_wait3A] : memref<10112x128xf32, #tpu.memory_space<vmem_shared>> -> memref<128x128xf32, #tpu.memory_space<vmem_shared>>
      %dma_wait3A_30 = arith.constant 0 : i32
      %dma_wait3A_31 = tpu.memref_slice %arg10[%add3A_15, %dma_wait3A_30] : memref<10112x128xf32, #tpu.memory_space<vmem_shared>> -> memref<128x128xf32, #tpu.memory_space<vmem_shared>>
      tpu.wait_dma2 semaphore(%run_scoped3A : memref<!tpu.dma_semaphore, #tpu.memory_space<semaphore_mem>>) src(%arg8 : memref<128x128xf32, #tpu.memory_space<vmem>>) dst(%dma_wait3A_31 : memref<128x128xf32, #tpu.memory_space<vmem_shared>>)
      tpu.yield
    }) : () -> ()
    %add3A_16 = arith.constant 512 : i32
    %add3A_17 = arith.addi %mul3A_2, %add3A_16 : i32
    "tpu.region"() ({
      %run_scoped3A = tpu.sem_alloc : memref<!tpu.dma_semaphore, #tpu.memory_space<semaphore_mem>>
      %dma_start3A = arith.constant 0 : i32
      %dma_start3A_26 = arith.constant 0 : i32
      %dma_start3A_27 = tpu.memref_slice %arg8[%dma_start3A, %dma_start3A_26] : memref<128x128xf32, #tpu.memory_space<vmem>> -> memref<120x128xf32, #tpu.memory_space<vmem>>
      %dma_start3A_28 = arith.constant 0 : i32
      %dma_start3A_29 = tpu.memref_slice %arg10[%add3A_17, %dma_start3A_28] : memref<10112x128xf32, #tpu.memory_space<vmem_shared>> -> memref<120x128xf32, #tpu.memory_space<vmem_shared>>
      %dma_start3A_30 = arith.constant 0 : i32
      %dma_start3A_31 = tpu.memref_slice %arg10[%add3A_17, %dma_start3A_30] : memref<10112x128xf32, #tpu.memory_space<vmem_shared>> -> memref<120x128xf32, #tpu.memory_space<vmem_shared>>
      %dma_start3A_32 = arith.constant 0 : i32
      %dma_start3A_33 = arith.constant 0 : i32
      %dma_start3A_34 = tpu.memref_slice %arg8[%dma_start3A_32, %dma_start3A_33] : memref<128x128xf32, #tpu.memory_space<vmem>> -> memref<120x128xf32, #tpu.memory_space<vmem>>
      tpu.enqueue_dma source(%dma_start3A_34 : memref<120x128xf32, #tpu.memory_space<vmem>>) target(%dma_start3A_31 : memref<120x128xf32, #tpu.memory_space<vmem_shared>>) target_semaphore(%run_scoped3A : memref<!tpu.dma_semaphore, #tpu.memory_space<semaphore_mem>>)
      %dma_wait3A = arith.constant 0 : i32
      %dma_wait3A_35 = arith.constant 0 : i32
      %dma_wait3A_36 = tpu.memref_slice %arg8[%dma_wait3A, %dma_wait3A_35] : memref<128x128xf32, #tpu.memory_space<vmem>> -> memref<120x128xf32, #tpu.memory_space<vmem>>
      %dma_wait3A_37 = arith.constant 0 : i32
      %dma_wait3A_38 = tpu.memref_slice %arg10[%add3A_17, %dma_wait3A_37] : memref<10112x128xf32, #tpu.memory_space<vmem_shared>> -> memref<120x128xf32, #tpu.memory_space<vmem_shared>>
      %dma_wait3A_39 = arith.constant 0 : i32
      %dma_wait3A_40 = tpu.memref_slice %arg10[%add3A_17, %dma_wait3A_39] : memref<10112x128xf32, #tpu.memory_space<vmem_shared>> -> memref<120x128xf32, #tpu.memory_space<vmem_shared>>
      %dma_wait3A_41 = arith.constant 0 : i32
      %dma_wait3A_42 = arith.constant 0 : i32
      %dma_wait3A_43 = tpu.memref_slice %arg8[%dma_wait3A_41, %dma_wait3A_42] : memref<128x128xf32, #tpu.memory_space<vmem>> -> memref<120x128xf32, #tpu.memory_space<vmem>>
      tpu.wait_dma2 semaphore(%run_scoped3A : memref<!tpu.dma_semaphore, #tpu.memory_space<semaphore_mem>>) src(%dma_wait3A_43 : memref<120x128xf32, #tpu.memory_space<vmem>>) dst(%dma_wait3A_40 : memref<120x128xf32, #tpu.memory_space<vmem_shared>>)
      tpu.yield
    }) : () -> ()
    %barrier3A = arith.constant 0 : index
    tpu.barrier barrier_id(%barrier3A)
    %scan3A_18 = arith.constant 0 : i32
    %scan3A_19 = arith.constant 0 : i32
    %scan3A_20 = arith.constant 0 : i32
    %scan3A_21 = arith.constant 20 : i32
    %scan3A_22 = arith.addi %scan3A_20, %scan3A_21 : i32
    %scan3A_23 = arith.constant 1 : i32
    scf.for %scan3A_26 = %scan3A_20 to %scan3A_22 step %scan3A_23  : i32 {
      %mul3A_27 = arith.constant 2 : i32
      %mul3A_28 = arith.muli %mul3A_27, %scan3A_26 : i32
      %dma_start3A = arith.constant 0 : i32
      %dma_start3A_29 = tpu.memref_slice %arg6[%mul3A_28, %dma_start3A] : memref<40x128xi32, #tpu.memory_space<vmem>> -> memref<1x128xi32, #tpu.memory_space<vmem>>
      %dma_start3A_30 = tpu.memref_squeeze %dma_start3A_29 : memref<1x128xi32, #tpu.memory_space<vmem>> -> memref<128xi32, #tpu.memory_space<vmem>>
      %dma_start3A_31 = arith.constant 0 : i32
      %dma_start3A_32 = arith.constant 0 : i32
      %dma_start3A_33 = tpu.memref_slice %arg2[%scan3A_19, %dma_start3A_31, %dma_start3A_32] : memref<1x10000x128xf32, #tpu.memory_space<hbm>> -> memref<1x10000x128xf32, #tpu.memory_space<hbm>>
      %dma_start3A_34 = tpu.memref_squeeze %dma_start3A_33 : memref<1x10000x128xf32, #tpu.memory_space<hbm>> -> memref<10000x128xf32, #tpu.memory_space<hbm>>
      %dma_start3A_35 = arith.constant 0 : i32
      %dma_start3A_36 = arith.constant 0 : i32
      %dma_start3A_37 = tpu.memref_slice %dma_start3A_34[%dma_start3A_35, %dma_start3A_36] : memref<10000x128xf32, #tpu.memory_space<hbm>> -> memref<10000x128xf32, #tpu.memory_space<hbm>>
      tpu.enqueue_indirect_dma source(%dma_start3A_37 : memref<10000x128xf32, #tpu.memory_space<hbm>>) target(%arg8 : memref<128x128xf32, #tpu.memory_space<vmem>>) offsets(%dma_start3A_30 : memref<128xi32, #tpu.memory_space<vmem>>) semaphore(%arg11 : memref<!tpu.dma_semaphore, #tpu.memory_space<semaphore_mem>>)
      %add3A_38 = arith.constant 1 : i32
      %add3A_39 = arith.addi %mul3A_28, %add3A_38 : i32
      %dma_start3A_40 = arith.constant 0 : i32
      %dma_start3A_41 = tpu.memref_slice %arg6[%add3A_39, %dma_start3A_40] : memref<40x128xi32, #tpu.memory_space<vmem>> -> memref<1x128xi32, #tpu.memory_space<vmem>>
      %dma_start3A_42 = tpu.memref_squeeze %dma_start3A_41 : memref<1x128xi32, #tpu.memory_space<vmem>> -> memref<128xi32, #tpu.memory_space<vmem>>
      %dma_start3A_43 = arith.constant 0 : i32
      %dma_start3A_44 = arith.constant 0 : i32
      %dma_start3A_45 = tpu.memref_slice %arg2[%scan3A_19, %dma_start3A_43, %dma_start3A_44] : memref<1x10000x128xf32, #tpu.memory_space<hbm>> -> memref<1x10000x128xf32, #tpu.memory_space<hbm>>
      %dma_start3A_46 = tpu.memref_squeeze %dma_start3A_45 : memref<1x10000x128xf32, #tpu.memory_space<hbm>> -> memref<10000x128xf32, #tpu.memory_space<hbm>>
      %dma_start3A_47 = arith.constant 0 : i32
      %dma_start3A_48 = arith.constant 0 : i32
      %dma_start3A_49 = tpu.memref_slice %dma_start3A_46[%dma_start3A_47, %dma_start3A_48] : memref<10000x128xf32, #tpu.memory_space<hbm>> -> memref<10000x128xf32, #tpu.memory_space<hbm>>
      tpu.enqueue_indirect_dma source(%dma_start3A_49 : memref<10000x128xf32, #tpu.memory_space<hbm>>) target(%arg9 : memref<128x128xf32, #tpu.memory_space<vmem>>) offsets(%dma_start3A_42 : memref<128xi32, #tpu.memory_space<vmem>>) semaphore(%arg12 : memref<!tpu.dma_semaphore, #tpu.memory_space<semaphore_mem>>)
      %dma_wait3A = arith.constant 0 : i32
      %dma_wait3A_50 = tpu.memref_slice %arg6[%mul3A_28, %dma_wait3A] : memref<40x128xi32, #tpu.memory_space<vmem>> -> memref<1x128xi32, #tpu.memory_space<vmem>>
      %dma_wait3A_51 = tpu.memref_squeeze %dma_wait3A_50 : memref<1x128xi32, #tpu.memory_space<vmem>> -> memref<128xi32, #tpu.memory_space<vmem>>
      %dma_wait3A_52 = arith.constant 0 : i32
      %dma_wait3A_53 = arith.constant 0 : i32
      %dma_wait3A_54 = tpu.memref_slice %arg2[%scan3A_19, %dma_wait3A_52, %dma_wait3A_53] : memref<1x10000x128xf32, #tpu.memory_space<hbm>> -> memref<1x10000x128xf32, #tpu.memory_space<hbm>>
      %dma_wait3A_55 = tpu.memref_squeeze %dma_wait3A_54 : memref<1x10000x128xf32, #tpu.memory_space<hbm>> -> memref<10000x128xf32, #tpu.memory_space<hbm>>
      %dma_wait3A_56 = arith.constant 0 : i32
      %dma_wait3A_57 = arith.constant 0 : i32
      %dma_wait3A_58 = tpu.memref_slice %dma_wait3A_55[%dma_wait3A_56, %dma_wait3A_57] : memref<10000x128xf32, #tpu.memory_space<hbm>> -> memref<10000x128xf32, #tpu.memory_space<hbm>>
      tpu.wait_indirect_dma semaphore(%arg11 : memref<!tpu.dma_semaphore, #tpu.memory_space<semaphore_mem>>) src(%dma_wait3A_58 : memref<10000x128xf32, #tpu.memory_space<hbm>>) dst(%arg8 : memref<128x128xf32, #tpu.memory_space<vmem>>)
      "tpu.region"() ({
        %run_scoped3A = tpu.sem_alloc : memref<!tpu.dma_semaphore, #tpu.memory_space<semaphore_mem>>
        %dma_start3A_71 = arith.constant 0 : i32
        %dma_start3A_72 = tpu.memref_slice %arg7[%mul3A_28, %dma_start3A_71] : memref<40x128xi32, #tpu.memory_space<vmem>> -> memref<1x128xi32, #tpu.memory_space<vmem>>
        %dma_start3A_73 = tpu.memref_squeeze %dma_start3A_72 : memref<1x128xi32, #tpu.memory_space<vmem>> -> memref<128xi32, #tpu.memory_space<vmem>>
        %dma_start3A_74 = arith.constant 0 : i32
        %dma_start3A_75 = arith.constant 0 : i32
        %dma_start3A_76 = tpu.memref_slice %arg10[%dma_start3A_74, %dma_start3A_75] : memref<10112x128xf32, #tpu.memory_space<vmem_shared>> -> memref<10112x128xf32, #tpu.memory_space<vmem_shared>>
        tpu.enqueue_indirect_dma source(%arg8 : memref<128x128xf32, #tpu.memory_space<vmem>>) target(%dma_start3A_76 : memref<10112x128xf32, #tpu.memory_space<vmem_shared>>) offsets(%dma_start3A_73 : memref<128xi32, #tpu.memory_space<vmem>>) semaphore(%run_scoped3A : memref<!tpu.dma_semaphore, #tpu.memory_space<semaphore_mem>>) {add = true}
        %dma_wait3A_77 = arith.constant 0 : i32
        %dma_wait3A_78 = tpu.memref_slice %arg7[%mul3A_28, %dma_wait3A_77] : memref<40x128xi32, #tpu.memory_space<vmem>> -> memref<1x128xi32, #tpu.memory_space<vmem>>
        %dma_wait3A_79 = tpu.memref_squeeze %dma_wait3A_78 : memref<1x128xi32, #tpu.memory_space<vmem>> -> memref<128xi32, #tpu.memory_space<vmem>>
        %dma_wait3A_80 = arith.constant 0 : i32
        %dma_wait3A_81 = arith.constant 0 : i32
        %dma_wait3A_82 = tpu.memref_slice %arg10[%dma_wait3A_80, %dma_wait3A_81] : memref<10112x128xf32, #tpu.memory_space<vmem_shared>> -> memref<10112x128xf32, #tpu.memory_space<vmem_shared>>
        tpu.wait_indirect_dma semaphore(%run_scoped3A : memref<!tpu.dma_semaphore, #tpu.memory_space<semaphore_mem>>) src(%arg8 : memref<128x128xf32, #tpu.memory_space<vmem>>) dst(%dma_wait3A_82 : memref<10112x128xf32, #tpu.memory_space<vmem_shared>>)
        tpu.yield
      }) : () -> ()
      %dma_wait3A_59 = arith.constant 0 : i32
      %dma_wait3A_60 = tpu.memref_slice %arg6[%add3A_39, %dma_wait3A_59] : memref<40x128xi32, #tpu.memory_space<vmem>> -> memref<1x128xi32, #tpu.memory_space<vmem>>
      %dma_wait3A_61 = tpu.memref_squeeze %dma_wait3A_60 : memref<1x128xi32, #tpu.memory_space<vmem>> -> memref<128xi32, #tpu.memory_space<vmem>>
      %dma_wait3A_62 = arith.constant 0 : i32
      %dma_wait3A_63 = arith.constant 0 : i32
      %dma_wait3A_64 = tpu.memref_slice %arg2[%scan3A_19, %dma_wait3A_62, %dma_wait3A_63] : memref<1x10000x128xf32, #tpu.memory_space<hbm>> -> memref<1x10000x128xf32, #tpu.memory_space<hbm>>
      %dma_wait3A_65 = tpu.memref_squeeze %dma_wait3A_64 : memref<1x10000x128xf32, #tpu.memory_space<hbm>> -> memref<10000x128xf32, #tpu.memory_space<hbm>>
      %dma_wait3A_66 = arith.constant 0 : i32
      %dma_wait3A_67 = arith.constant 0 : i32
      %dma_wait3A_68 = tpu.memref_slice %dma_wait3A_65[%dma_wait3A_66, %dma_wait3A_67] : memref<10000x128xf32, #tpu.memory_space<hbm>> -> memref<10000x128xf32, #tpu.memory_space<hbm>>
      tpu.wait_indirect_dma semaphore(%arg12 : memref<!tpu.dma_semaphore, #tpu.memory_space<semaphore_mem>>) src(%dma_wait3A_68 : memref<10000x128xf32, #tpu.memory_space<hbm>>) dst(%arg9 : memref<128x128xf32, #tpu.memory_space<vmem>>)
      %add3A_69 = arith.constant 1 : i32
      %add3A_70 = arith.addi %mul3A_28, %add3A_69 : i32
      "tpu.region"() ({
        %run_scoped3A = tpu.sem_alloc : memref<!tpu.dma_semaphore, #tpu.memory_space<semaphore_mem>>
        %dma_start3A_71 = arith.constant 0 : i32
        %dma_start3A_72 = tpu.memref_slice %arg7[%add3A_70, %dma_start3A_71] : memref<40x128xi32, #tpu.memory_space<vmem>> -> memref<1x128xi32, #tpu.memory_space<vmem>>
        %dma_start3A_73 = tpu.memref_squeeze %dma_start3A_72 : memref<1x128xi32, #tpu.memory_space<vmem>> -> memref<128xi32, #tpu.memory_space<vmem>>
        %dma_start3A_74 = arith.constant 0 : i32
        %dma_start3A_75 = arith.constant 0 : i32
        %dma_start3A_76 = tpu.memref_slice %arg10[%dma_start3A_74, %dma_start3A_75] : memref<10112x128xf32, #tpu.memory_space<vmem_shared>> -> memref<10112x128xf32, #tpu.memory_space<vmem_shared>>
        tpu.enqueue_indirect_dma source(%arg9 : memref<128x128xf32, #tpu.memory_space<vmem>>) target(%dma_start3A_76 : memref<10112x128xf32, #tpu.memory_space<vmem_shared>>) offsets(%dma_start3A_73 : memref<128xi32, #tpu.memory_space<vmem>>) semaphore(%run_scoped3A : memref<!tpu.dma_semaphore, #tpu.memory_space<semaphore_mem>>) {add = true}
        %dma_wait3A_77 = arith.constant 0 : i32
        %dma_wait3A_78 = tpu.memref_slice %arg7[%add3A_70, %dma_wait3A_77] : memref<40x128xi32, #tpu.memory_space<vmem>> -> memref<1x128xi32, #tpu.memory_space<vmem>>
        %dma_wait3A_79 = tpu.memref_squeeze %dma_wait3A_78 : memref<1x128xi32, #tpu.memory_space<vmem>> -> memref<128xi32, #tpu.memory_space<vmem>>
        %dma_wait3A_80 = arith.constant 0 : i32
        %dma_wait3A_81 = arith.constant 0 : i32
        %dma_wait3A_82 = tpu.memref_slice %arg10[%dma_wait3A_80, %dma_wait3A_81] : memref<10112x128xf32, #tpu.memory_space<vmem_shared>> -> memref<10112x128xf32, #tpu.memory_space<vmem_shared>>
        tpu.wait_indirect_dma semaphore(%run_scoped3A : memref<!tpu.dma_semaphore, #tpu.memory_space<semaphore_mem>>) src(%arg9 : memref<128x128xf32, #tpu.memory_space<vmem>>) dst(%dma_wait3A_82 : memref<10112x128xf32, #tpu.memory_space<vmem_shared>>)
        tpu.yield
      }) : () -> ()
    }
    %scan3A_24 = arith.constant 20 : i32
    %barrier3A_25 = arith.constant 0 : index
    tpu.barrier barrier_id(%barrier3A_25)
    "tpu.region"() ({
      %run_scoped3A = tpu.sem_alloc : memref<!tpu.dma_semaphore, #tpu.memory_space<semaphore_mem>>
      %dma_start3A = arith.constant 0 : i32
      %dma_start3A_26 = tpu.memref_slice %arg5[%arg0, %mul3A_2, %dma_start3A] : memref<2x10112x128xf32, #tpu.memory_space<hbm>> -> memref<1x632x128xf32, #tpu.memory_space<hbm>>
      %dma_start3A_27 = tpu.memref_squeeze %dma_start3A_26 : memref<1x632x128xf32, #tpu.memory_space<hbm>> -> memref<632x128xf32, #tpu.memory_space<hbm>>
      %dma_start3A_28 = arith.constant 0 : i32
      %dma_start3A_29 = tpu.memref_slice %arg10[%mul3A_2, %dma_start3A_28] : memref<10112x128xf32, #tpu.memory_space<vmem_shared>> -> memref<632x128xf32, #tpu.memory_space<vmem_shared>>
      tpu.enqueue_dma source(%dma_start3A_29 : memref<632x128xf32, #tpu.memory_space<vmem_shared>>) target(%dma_start3A_27 : memref<632x128xf32, #tpu.memory_space<hbm>>) target_semaphore(%run_scoped3A : memref<!tpu.dma_semaphore, #tpu.memory_space<semaphore_mem>>)
      %dma_wait3A = arith.constant 0 : i32
      %dma_wait3A_30 = tpu.memref_slice %arg5[%arg0, %mul3A_2, %dma_wait3A] : memref<2x10112x128xf32, #tpu.memory_space<hbm>> -> memref<1x632x128xf32, #tpu.memory_space<hbm>>
      %dma_wait3A_31 = tpu.memref_squeeze %dma_wait3A_30 : memref<1x632x128xf32, #tpu.memory_space<hbm>> -> memref<632x128xf32, #tpu.memory_space<hbm>>
      %dma_wait3A_32 = arith.constant 0 : i32
      %dma_wait3A_33 = tpu.memref_slice %arg10[%mul3A_2, %dma_wait3A_32] : memref<10112x128xf32, #tpu.memory_space<vmem_shared>> -> memref<632x128xf32, #tpu.memory_space<vmem_shared>>
      tpu.wait_dma2 semaphore(%run_scoped3A : memref<!tpu.dma_semaphore, #tpu.memory_space<semaphore_mem>>) src(%dma_wait3A_33 : memref<632x128xf32, #tpu.memory_space<vmem_shared>>) dst(%dma_wait3A_31 : memref<632x128xf32, #tpu.memory_space<hbm>>)
      tpu.yield
    }) : () -> ()
    return
  }
}

#map = affine_map<(d0, d1) -> (0, 0, 0)>
module attributes {stable_mosaic.version = 14 : i64} {
  func.func @k(%arg0: i32, %arg1: i32, %arg2: memref<1x10000x128xf32, #tpu.memory_space<hbm>>, %arg3: memref<32x40x128xi32, #tpu.memory_space<hbm>>, %arg4: memref<32x40x128xi32, #tpu.memory_space<hbm>>, %arg5: memref<2x10112x128xf32, #tpu.memory_space<hbm>>, %arg6: memref<40x128xi32, #tpu.memory_space<vmem>>, %arg7: memref<40x128xi32, #tpu.memory_space<vmem>>, %arg8: memref<128x128xf32, #tpu.memory_space<vmem>>, %arg9: memref<128x128xf32, #tpu.memory_space<vmem>>, %arg10: memref<10112x128xf32, #tpu.memory_space<vmem_shared>>, %arg11: memref<!tpu.dma_semaphore, #tpu.memory_space<semaphore_mem>>, %arg12: memref<!tpu.dma_semaphore, #tpu.memory_space<semaphore_mem>>) attributes {dimension_semantics = [#tpu.dimension_semantics<core_parallel>, #tpu.dimension_semantics<subcore_parallel>], iteration_bounds = array<i64: 2, 16>, scalar_prefetch = 0 : i64, scratch_operands = 7 : i64, tpu.core_type = #tpu.core_type<sc_vector_subcore>, window_params = [{transform_indices = #map}, {transform_indices = #map}, {transform_indices = #map}, {transform_indices = #map}]} {
    %mul3A = arith.constant 16 : i32
    %mul3A_0 = arith.muli %arg0, %mul3A : i32
    %add3A = arith.addi %mul3A_0, %arg1 : i32
    %mul3A_1 = arith.constant 632 : i32
    %mul3A_2 = arith.muli %arg1, %mul3A_1 : i32
    "tpu.region"() ({
      %run_scoped3A = tpu.sem_alloc : memref<!tpu.dma_semaphore, #tpu.memory_space<semaphore_mem>>
      %dma_start3A = arith.constant 0 : i32
      %dma_start3A_26 = arith.constant 0 : i32
      %dma_start3A_27 = tpu.memref_slice %arg3[%add3A, %dma_start3A, %dma_start3A_26] : memref<32x40x128xi32, #tpu.memory_space<hbm>> -> memref<1x40x128xi32, #tpu.memory_space<hbm>>
      %dma_start3A_28 = tpu.memref_squeeze %dma_start3A_27 : memref<1x40x128xi32, #tpu.memory_space<hbm>> -> memref<40x128xi32, #tpu.memory_space<hbm>>
      %dma_start3A_29 = arith.constant 0 : i32
      %dma_start3A_30 = arith.constant 0 : i32
      %dma_start3A_31 = tpu.memref_slice %arg3[%add3A, %dma_start3A_29, %dma_start3A_30] : memref<32x40x128xi32, #tpu.memory_space<hbm>> -> memref<1x40x128xi32, #tpu.memory_space<hbm>>
      %dma_start3A_32 = tpu.memref_squeeze %dma_start3A_31 : memref<1x40x128xi32, #tpu.memory_space<hbm>> -> memref<40x128xi32, #tpu.memory_space<hbm>>
      tpu.enqueue_dma source(%dma_start3A_32 : memref<40x128xi32, #tpu.memory_space<hbm>>) target(%arg6 : memref<40x128xi32, #tpu.memory_space<vmem>>) target_semaphore(%run_scoped3A : memref<!tpu.dma_semaphore, #tpu.memory_space<semaphore_mem>>)
      %dma_wait3A = arith.constant 0 : i32
      %dma_wait3A_33 = arith.constant 0 : i32
      %dma_wait3A_34 = tpu.memref_slice %arg3[%add3A, %dma_wait3A, %dma_wait3A_33] : memref<32x40x128xi32, #tpu.memory_space<hbm>> -> memref<1x40x128xi32, #tpu.memory_space<hbm>>
      %dma_wait3A_35 = tpu.memref_squeeze %dma_wait3A_34 : memref<1x40x128xi32, #tpu.memory_space<hbm>> -> memref<40x128xi32, #tpu.memory_space<hbm>>
      %dma_wait3A_36 = arith.constant 0 : i32
      %dma_wait3A_37 = arith.constant 0 : i32
      %dma_wait3A_38 = tpu.memref_slice %arg3[%add3A, %dma_wait3A_36, %dma_wait3A_37] : memref<32x40x128xi32, #tpu.memory_space<hbm>> -> memref<1x40x128xi32, #tpu.memory_space<hbm>>
      %dma_wait3A_39 = tpu.memref_squeeze %dma_wait3A_38 : memref<1x40x128xi32, #tpu.memory_space<hbm>> -> memref<40x128xi32, #tpu.memory_space<hbm>>
      tpu.wait_dma2 semaphore(%run_scoped3A : memref<!tpu.dma_semaphore, #tpu.memory_space<semaphore_mem>>) src(%dma_wait3A_39 : memref<40x128xi32, #tpu.memory_space<hbm>>) dst(%arg6 : memref<40x128xi32, #tpu.memory_space<vmem>>)
      tpu.yield
    }) : () -> ()
    "tpu.region"() ({
      %run_scoped3A = tpu.sem_alloc : memref<!tpu.dma_semaphore, #tpu.memory_space<semaphore_mem>>
      %dma_start3A = arith.constant 0 : i32
      %dma_start3A_26 = arith.constant 0 : i32
      %dma_start3A_27 = tpu.memref_slice %arg4[%add3A, %dma_start3A, %dma_start3A_26] : memref<32x40x128xi32, #tpu.memory_space<hbm>> -> memref<1x40x128xi32, #tpu.memory_space<hbm>>
      %dma_start3A_28 = tpu.memref_squeeze %dma_start3A_27 : memref<1x40x128xi32, #tpu.memory_space<hbm>> -> memref<40x128xi32, #tpu.memory_space<hbm>>
      %dma_start3A_29 = arith.constant 0 : i32
      %dma_start3A_30 = arith.constant 0 : i32
      %dma_start3A_31 = tpu.memref_slice %arg4[%add3A, %dma_start3A_29, %dma_start3A_30] : memref<32x40x128xi32, #tpu.memory_space<hbm>> -> memref<1x40x128xi32, #tpu.memory_space<hbm>>
      %dma_start3A_32 = tpu.memref_squeeze %dma_start3A_31 : memref<1x40x128xi32, #tpu.memory_space<hbm>> -> memref<40x128xi32, #tpu.memory_space<hbm>>
      tpu.enqueue_dma source(%dma_start3A_32 : memref<40x128xi32, #tpu.memory_space<hbm>>) target(%arg7 : memref<40x128xi32, #tpu.memory_space<vmem>>) target_semaphore(%run_scoped3A : memref<!tpu.dma_semaphore, #tpu.memory_space<semaphore_mem>>)
      %dma_wait3A = arith.constant 0 : i32
      %dma_wait3A_33 = arith.constant 0 : i32
      %dma_wait3A_34 = tpu.memref_slice %arg4[%add3A, %dma_wait3A, %dma_wait3A_33] : memref<32x40x128xi32, #tpu.memory_space<hbm>> -> memref<1x40x128xi32, #tpu.memory_space<hbm>>
      %dma_wait3A_35 = tpu.memref_squeeze %dma_wait3A_34 : memref<1x40x128xi32, #tpu.memory_space<hbm>> -> memref<40x128xi32, #tpu.memory_space<hbm>>
      %dma_wait3A_36 = arith.constant 0 : i32
      %dma_wait3A_37 = arith.constant 0 : i32
      %dma_wait3A_38 = tpu.memref_slice %arg4[%add3A, %dma_wait3A_36, %dma_wait3A_37] : memref<32x40x128xi32, #tpu.memory_space<hbm>> -> memref<1x40x128xi32, #tpu.memory_space<hbm>>
      %dma_wait3A_39 = tpu.memref_squeeze %dma_wait3A_38 : memref<1x40x128xi32, #tpu.memory_space<hbm>> -> memref<40x128xi32, #tpu.memory_space<hbm>>
      tpu.wait_dma2 semaphore(%run_scoped3A : memref<!tpu.dma_semaphore, #tpu.memory_space<semaphore_mem>>) src(%dma_wait3A_39 : memref<40x128xi32, #tpu.memory_space<hbm>>) dst(%arg7 : memref<40x128xi32, #tpu.memory_space<vmem>>)
      tpu.yield
    }) : () -> ()
    %scan3A = arith.constant 0 : i32
    %scan3A_3 = arith.constant 0 : i32
    %scan3A_4 = arith.constant 128 : i32
    %scan3A_5 = arith.addi %scan3A_3, %scan3A_4 : i32
    %scan3A_6 = arith.constant 1 : i32
    scf.for %scan3A_26 = %scan3A_3 to %scan3A_5 step %scan3A_6  : i32 {
      %broadcast_in_dim3A = arith.constant 0.000000e+00 : f32
      %broadcast_in_dim3A_27 = vector.broadcast %broadcast_in_dim3A : f32 to vector<16xf32>
      %swap3A = arith.index_cast %scan3A_26 : i32 to index
      %swap3A_28 = arith.constant 0 : index
      %swap3A_29 = tpu.vector_load %arg8[%swap3A, %swap3A_28] {strides = array<i32>} : memref<128x128xf32, #tpu.memory_space<vmem>>, vector<1x16xf32>,
      %swap3A_30 = vector.shape_cast %swap3A_29 : vector<1x16xf32> to vector<16xf32>
      %swap3A_31 = vector.shape_cast %broadcast_in_dim3A_27 : vector<16xf32> to vector<1x16xf32>
      tpu.vector_store %arg8[%swap3A, %swap3A_28], %swap3A_31 {strides = array<i32>} : memref<128x128xf32, #tpu.memory_space<vmem>>, vector<1x16xf32>,
      %broadcast_in_dim3A_32 = arith.constant 0.000000e+00 : f32
      %broadcast_in_dim3A_33 = vector.broadcast %broadcast_in_dim3A_32 : f32 to vector<16xf32>
      %swap3A_34 = arith.index_cast %scan3A_26 : i32 to index
      %swap3A_35 = arith.constant 16 : index
      %swap3A_36 = tpu.vector_load %arg8[%swap3A_34, %swap3A_35] {strides = array<i32>} : memref<128x128xf32, #tpu.memory_space<vmem>>, vector<1x16xf32>,
      %swap3A_37 = vector.shape_cast %swap3A_36 : vector<1x16xf32> to vector<16xf32>
      %swap3A_38 = vector.shape_cast %broadcast_in_dim3A_33 : vector<16xf32> to vector<1x16xf32>
      tpu.vector_store %arg8[%swap3A_34, %swap3A_35], %swap3A_38 {strides = array<i32>} : memref<128x128xf32, #tpu.memory_space<vmem>>, vector<1x16xf32>,
      %broadcast_in_dim3A_39 = arith.constant 0.000000e+00 : f32
      %broadcast_in_dim3A_40 = vector.broadcast %broadcast_in_dim3A_39 : f32 to vector<16xf32>
      %swap3A_41 = arith.index_cast %scan3A_26 : i32 to index
      %swap3A_42 = arith.constant 32 : index
      %swap3A_43 = tpu.vector_load %arg8[%swap3A_41, %swap3A_42] {strides = array<i32>} : memref<128x128xf32, #tpu.memory_space<vmem>>, vector<1x16xf32>,
      %swap3A_44 = vector.shape_cast %swap3A_43 : vector<1x16xf32> to vector<16xf32>
      %swap3A_45 = vector.shape_cast %broadcast_in_dim3A_40 : vector<16xf32> to vector<1x16xf32>
      tpu.vector_store %arg8[%swap3A_41, %swap3A_42], %swap3A_45 {strides = array<i32>} : memref<128x128xf32, #tpu.memory_space<vmem>>, vector<1x16xf32>,
      %broadcast_in_dim3A_46 = arith.constant 0.000000e+00 : f32
      %broadcast_in_dim3A_47 = vector.broadcast %broadcast_in_dim3A_46 : f32 to vector<16xf32>
      %swap3A_48 = arith.index_cast %scan3A_26 : i32 to index
      %swap3A_49 = arith.constant 48 : index
      %swap3A_50 = tpu.vector_load %arg8[%swap3A_48, %swap3A_49] {strides = array<i32>} : memref<128x128xf32, #tpu.memory_space<vmem>>, vector<1x16xf32>,
      %swap3A_51 = vector.shape_cast %swap3A_50 : vector<1x16xf32> to vector<16xf32>
      %swap3A_52 = vector.shape_cast %broadcast_in_dim3A_47 : vector<16xf32> to vector<1x16xf32>
      tpu.vector_store %arg8[%swap3A_48, %swap3A_49], %swap3A_52 {strides = array<i32>} : memref<128x128xf32, #tpu.memory_space<vmem>>, vector<1x16xf32>,
      %broadcast_in_dim3A_53 = arith.constant 0.000000e+00 : f32
      %broadcast_in_dim3A_54 = vector.broadcast %broadcast_in_dim3A_53 : f32 to vector<16xf32>
      %swap3A_55 = arith.index_cast %scan3A_26 : i32 to index
      %swap3A_56 = arith.constant 64 : index
      %swap3A_57 = tpu.vector_load %arg8[%swap3A_55, %swap3A_56] {strides = array<i32>} : memref<128x128xf32, #tpu.memory_space<vmem>>, vector<1x16xf32>,
      %swap3A_58 = vector.shape_cast %swap3A_57 : vector<1x16xf32> to vector<16xf32>
      %swap3A_59 = vector.shape_cast %broadcast_in_dim3A_54 : vector<16xf32> to vector<1x16xf32>
      tpu.vector_store %arg8[%swap3A_55, %swap3A_56], %swap3A_59 {strides = array<i32>} : memref<128x128xf32, #tpu.memory_space<vmem>>, vector<1x16xf32>,
      %broadcast_in_dim3A_60 = arith.constant 0.000000e+00 : f32
      %broadcast_in_dim3A_61 = vector.broadcast %broadcast_in_dim3A_60 : f32 to vector<16xf32>
      %swap3A_62 = arith.index_cast %scan3A_26 : i32 to index
      %swap3A_63 = arith.constant 80 : index
      %swap3A_64 = tpu.vector_load %arg8[%swap3A_62, %swap3A_63] {strides = array<i32>} : memref<128x128xf32, #tpu.memory_space<vmem>>, vector<1x16xf32>,
      %swap3A_65 = vector.shape_cast %swap3A_64 : vector<1x16xf32> to vector<16xf32>
      %swap3A_66 = vector.shape_cast %broadcast_in_dim3A_61 : vector<16xf32> to vector<1x16xf32>
      tpu.vector_store %arg8[%swap3A_62, %swap3A_63], %swap3A_66 {strides = array<i32>} : memref<128x128xf32, #tpu.memory_space<vmem>>, vector<1x16xf32>,
      %broadcast_in_dim3A_67 = arith.constant 0.000000e+00 : f32
      %broadcast_in_dim3A_68 = vector.broadcast %broadcast_in_dim3A_67 : f32 to vector<16xf32>
      %swap3A_69 = arith.index_cast %scan3A_26 : i32 to index
      %swap3A_70 = arith.constant 96 : index
      %swap3A_71 = tpu.vector_load %arg8[%swap3A_69, %swap3A_70] {strides = array<i32>} : memref<128x128xf32, #tpu.memory_space<vmem>>, vector<1x16xf32>,
      %swap3A_72 = vector.shape_cast %swap3A_71 : vector<1x16xf32> to vector<16xf32>
      %swap3A_73 = vector.shape_cast %broadcast_in_dim3A_68 : vector<16xf32> to vector<1x16xf32>
      tpu.vector_store %arg8[%swap3A_69, %swap3A_70], %swap3A_73 {strides = array<i32>} : memref<128x128xf32, #tpu.memory_space<vmem>>, vector<1x16xf32>,
      %broadcast_in_dim3A_74 = arith.constant 0.000000e+00 : f32
      %broadcast_in_dim3A_75 = vector.broadcast %broadcast_in_dim3A_74 : f32 to vector<16xf32>
      %swap3A_76 = arith.index_cast %scan3A_26 : i32 to index
      %swap3A_77 = arith.constant 112 : index
      %swap3A_78 = tpu.vector_load %arg8[%swap3A_76, %swap3A_77] {strides = array<i32>} : memref<128x128xf32, #tpu.memory_space<vmem>>, vector<1x16xf32>,
      %swap3A_79 = vector.shape_cast %swap3A_78 : vector<1x16xf32> to vector<16xf32>
      %swap3A_80 = vector.shape_cast %broadcast_in_dim3A_75 : vector<16xf32> to vector<1x16xf32>
      tpu.vector_store %arg8[%swap3A_76, %swap3A_77], %swap3A_80 {strides = array<i32>} : memref<128x128xf32, #tpu.memory_space<vmem>>, vector<1x16xf32>,
    }
    %scan3A_7 = arith.constant 128 : i32
    %add3A_8 = arith.constant 0 : i32
    %add3A_9 = arith.addi %mul3A_2, %add3A_8 : i32
    "tpu.region"() ({
      %run_scoped3A = tpu.sem_alloc : memref<!tpu.dma_semaphore, #tpu.memory_space<semaphore_mem>>
      %dma_start3A = arith.constant 0 : i32
      %dma_start3A_26 = tpu.memref_slice %arg10[%add3A_9, %dma_start3A] : memref<10112x128xf32, #tpu.memory_space<vmem_shared>> -> memref<128x128xf32, #tpu.memory_space<vmem_shared>>
      %dma_start3A_27 = arith.constant 0 : i32
      %dma_start3A_28 = tpu.memref_slice %arg10[%add3A_9, %dma_start3A_27] : memref<10112x128xf32, #tpu.memory_space<vmem_shared>> -> memref<128x128xf32, #tpu.memory_space<vmem_shared>>
      tpu.enqueue_dma source(%arg8 : memref<128x128xf32, #tpu.memory_space<vmem>>) target(%dma_start3A_28 : memref<128x128xf32, #tpu.memory_space<vmem_shared>>) target_semaphore(%run_scoped3A : memref<!tpu.dma_semaphore, #tpu.memory_space<semaphore_mem>>)
      %dma_wait3A = arith.constant 0 : i32
      %dma_wait3A_29 = tpu.memref_slice %arg10[%add3A_9, %dma_wait3A] : memref<10112x128xf32, #tpu.memory_space<vmem_shared>> -> memref<128x128xf32, #tpu.memory_space<vmem_shared>>
      %dma_wait3A_30 = arith.constant 0 : i32
      %dma_wait3A_31 = tpu.memref_slice %arg10[%add3A_9, %dma_wait3A_30] : memref<10112x128xf32, #tpu.memory_space<vmem_shared>> -> memref<128x128xf32, #tpu.memory_space<vmem_shared>>
      tpu.wait_dma2 semaphore(%run_scoped3A : memref<!tpu.dma_semaphore, #tpu.memory_space<semaphore_mem>>) src(%arg8 : memref<128x128xf32, #tpu.memory_space<vmem>>) dst(%dma_wait3A_31 : memref<128x128xf32, #tpu.memory_space<vmem_shared>>)
      tpu.yield
    }) : () -> ()
    %add3A_10 = arith.constant 128 : i32
    %add3A_11 = arith.addi %mul3A_2, %add3A_10 : i32
    "tpu.region"() ({
      %run_scoped3A = tpu.sem_alloc : memref<!tpu.dma_semaphore, #tpu.memory_space<semaphore_mem>>
      %dma_start3A = arith.constant 0 : i32
      %dma_start3A_26 = tpu.memref_slice %arg10[%add3A_11, %dma_start3A] : memref<10112x128xf32, #tpu.memory_space<vmem_shared>> -> memref<128x128xf32, #tpu.memory_space<vmem_shared>>
      %dma_start3A_27 = arith.constant 0 : i32
      %dma_start3A_28 = tpu.memref_slice %arg10[%add3A_11, %dma_start3A_27] : memref<10112x128xf32, #tpu.memory_space<vmem_shared>> -> memref<128x128xf32, #tpu.memory_space<vmem_shared>>
      tpu.enqueue_dma source(%arg8 : memref<128x128xf32, #tpu.memory_space<vmem>>) target(%dma_start3A_28 : memref<128x128xf32, #tpu.memory_space<vmem_shared>>) target_semaphore(%run_scoped3A : memref<!tpu.dma_semaphore, #tpu.memory_space<semaphore_mem>>)
      %dma_wait3A = arith.constant 0 : i32
      %dma_wait3A_29 = tpu.memref_slice %arg10[%add3A_11, %dma_wait3A] : memref<10112x128xf32, #tpu.memory_space<vmem_shared>> -> memref<128x128xf32, #tpu.memory_space<vmem_shared>>
      %dma_wait3A_30 = arith.constant 0 : i32
      %dma_wait3A_31 = tpu.memref_slice %arg10[%add3A_11, %dma_wait3A_30] : memref<10112x128xf32, #tpu.memory_space<vmem_shared>> -> memref<128x128xf32, #tpu.memory_space<vmem_shared>>
      tpu.wait_dma2 semaphore(%run_scoped3A : memref<!tpu.dma_semaphore, #tpu.memory_space<semaphore_mem>>) src(%arg8 : memref<128x128xf32, #tpu.memory_space<vmem>>) dst(%dma_wait3A_31 : memref<128x128xf32, #tpu.memory_space<vmem_shared>>)
      tpu.yield
    }) : () -> ()
    %add3A_12 = arith.constant 256 : i32
    %add3A_13 = arith.addi %mul3A_2, %add3A_12 : i32
    "tpu.region"() ({
      %run_scoped3A = tpu.sem_alloc : memref<!tpu.dma_semaphore, #tpu.memory_space<semaphore_mem>>
      %dma_start3A = arith.constant 0 : i32
      %dma_start3A_26 = tpu.memref_slice %arg10[%add3A_13, %dma_start3A] : memref<10112x128xf32, #tpu.memory_space<vmem_shared>> -> memref<128x128xf32, #tpu.memory_space<vmem_shared>>
      %dma_start3A_27 = arith.constant 0 : i32
      %dma_start3A_28 = tpu.memref_slice %arg10[%add3A_13, %dma_start3A_27] : memref<10112x128xf32, #tpu.memory_space<vmem_shared>> -> memref<128x128xf32, #tpu.memory_space<vmem_shared>>
      tpu.enqueue_dma source(%arg8 : memref<128x128xf32, #tpu.memory_space<vmem>>) target(%dma_start3A_28 : memref<128x128xf32, #tpu.memory_space<vmem_shared>>) target_semaphore(%run_scoped3A : memref<!tpu.dma_semaphore, #tpu.memory_space<semaphore_mem>>)
      %dma_wait3A = arith.constant 0 : i32
      %dma_wait3A_29 = tpu.memref_slice %arg10[%add3A_13, %dma_wait3A] : memref<10112x128xf32, #tpu.memory_space<vmem_shared>> -> memref<128x128xf32, #tpu.memory_space<vmem_shared>>
      %dma_wait3A_30 = arith.constant 0 : i32
      %dma_wait3A_31 = tpu.memref_slice %arg10[%add3A_13, %dma_wait3A_30] : memref<10112x128xf32, #tpu.memory_space<vmem_shared>> -> memref<128x128xf32, #tpu.memory_space<vmem_shared>>
      tpu.wait_dma2 semaphore(%run_scoped3A : memref<!tpu.dma_semaphore, #tpu.memory_space<semaphore_mem>>) src(%arg8 : memref<128x128xf32, #tpu.memory_space<vmem>>) dst(%dma_wait3A_31 : memref<128x128xf32, #tpu.memory_space<vmem_shared>>)
      tpu.yield
    }) : () -> ()
    %add3A_14 = arith.constant 384 : i32
    %add3A_15 = arith.addi %mul3A_2, %add3A_14 : i32
    "tpu.region"() ({
      %run_scoped3A = tpu.sem_alloc : memref<!tpu.dma_semaphore, #tpu.memory_space<semaphore_mem>>
      %dma_start3A = arith.constant 0 : i32
      %dma_start3A_26 = tpu.memref_slice %arg10[%add3A_15, %dma_start3A] : memref<10112x128xf32, #tpu.memory_space<vmem_shared>> -> memref<128x128xf32, #tpu.memory_space<vmem_shared>>
      %dma_start3A_27 = arith.constant 0 : i32
      %dma_start3A_28 = tpu.memref_slice %arg10[%add3A_15, %dma_start3A_27] : memref<10112x128xf32, #tpu.memory_space<vmem_shared>> -> memref<128x128xf32, #tpu.memory_space<vmem_shared>>
      tpu.enqueue_dma source(%arg8 : memref<128x128xf32, #tpu.memory_space<vmem>>) target(%dma_start3A_28 : memref<128x128xf32, #tpu.memory_space<vmem_shared>>) target_semaphore(%run_scoped3A : memref<!tpu.dma_semaphore, #tpu.memory_space<semaphore_mem>>)
      %dma_wait3A = arith.constant 0 : i32
      %dma_wait3A_29 = tpu.memref_slice %arg10[%add3A_15, %dma_wait3A] : memref<10112x128xf32, #tpu.memory_space<vmem_shared>> -> memref<128x128xf32, #tpu.memory_space<vmem_shared>>
      %dma_wait3A_30 = arith.constant 0 : i32
      %dma_wait3A_31 = tpu.memref_slice %arg10[%add3A_15, %dma_wait3A_30] : memref<10112x128xf32, #tpu.memory_space<vmem_shared>> -> memref<128x128xf32, #tpu.memory_space<vmem_shared>>
      tpu.wait_dma2 semaphore(%run_scoped3A : memref<!tpu.dma_semaphore, #tpu.memory_space<semaphore_mem>>) src(%arg8 : memref<128x128xf32, #tpu.memory_space<vmem>>) dst(%dma_wait3A_31 : memref<128x128xf32, #tpu.memory_space<vmem_shared>>)
      tpu.yield
    }) : () -> ()
    %add3A_16 = arith.constant 512 : i32
    %add3A_17 = arith.addi %mul3A_2, %add3A_16 : i32
    "tpu.region"() ({
      %run_scoped3A = tpu.sem_alloc : memref<!tpu.dma_semaphore, #tpu.memory_space<semaphore_mem>>
      %dma_start3A = arith.constant 0 : i32
      %dma_start3A_26 = arith.constant 0 : i32
      %dma_start3A_27 = tpu.memref_slice %arg8[%dma_start3A, %dma_start3A_26] : memref<128x128xf32, #tpu.memory_space<vmem>> -> memref<120x128xf32, #tpu.memory_space<vmem>>
      %dma_start3A_28 = arith.constant 0 : i32
      %dma_start3A_29 = tpu.memref_slice %arg10[%add3A_17, %dma_start3A_28] : memref<10112x128xf32, #tpu.memory_space<vmem_shared>> -> memref<120x128xf32, #tpu.memory_space<vmem_shared>>
      %dma_start3A_30 = arith.constant 0 : i32
      %dma_start3A_31 = tpu.memref_slice %arg10[%add3A_17, %dma_start3A_30] : memref<10112x128xf32, #tpu.memory_space<vmem_shared>> -> memref<120x128xf32, #tpu.memory_space<vmem_shared>>
      %dma_start3A_32 = arith.constant 0 : i32
      %dma_start3A_33 = arith.constant 0 : i32
      %dma_start3A_34 = tpu.memref_slice %arg8[%dma_start3A_32, %dma_start3A_33] : memref<128x128xf32, #tpu.memory_space<vmem>> -> memref<120x128xf32, #tpu.memory_space<vmem>>
      tpu.enqueue_dma source(%dma_start3A_34 : memref<120x128xf32, #tpu.memory_space<vmem>>) target(%dma_start3A_31 : memref<120x128xf32, #tpu.memory_space<vmem_shared>>) target_semaphore(%run_scoped3A : memref<!tpu.dma_semaphore, #tpu.memory_space<semaphore_mem>>)
      %dma_wait3A = arith.constant 0 : i32
      %dma_wait3A_35 = arith.constant 0 : i32
      %dma_wait3A_36 = tpu.memref_slice %arg8[%dma_wait3A, %dma_wait3A_35] : memref<128x128xf32, #tpu.memory_space<vmem>> -> memref<120x128xf32, #tpu.memory_space<vmem>>
      %dma_wait3A_37 = arith.constant 0 : i32
      %dma_wait3A_38 = tpu.memref_slice %arg10[%add3A_17, %dma_wait3A_37] : memref<10112x128xf32, #tpu.memory_space<vmem_shared>> -> memref<120x128xf32, #tpu.memory_space<vmem_shared>>
      %dma_wait3A_39 = arith.constant 0 : i32
      %dma_wait3A_40 = tpu.memref_slice %arg10[%add3A_17, %dma_wait3A_39] : memref<10112x128xf32, #tpu.memory_space<vmem_shared>> -> memref<120x128xf32, #tpu.memory_space<vmem_shared>>
      %dma_wait3A_41 = arith.constant 0 : i32
      %dma_wait3A_42 = arith.constant 0 : i32
      %dma_wait3A_43 = tpu.memref_slice %arg8[%dma_wait3A_41, %dma_wait3A_42] : memref<128x128xf32, #tpu.memory_space<vmem>> -> memref<120x128xf32, #tpu.memory_space<vmem>>
      tpu.wait_dma2 semaphore(%run_scoped3A : memref<!tpu.dma_semaphore, #tpu.memory_space<semaphore_mem>>) src(%dma_wait3A_43 : memref<120x128xf32, #tpu.memory_space<vmem>>) dst(%dma_wait3A_40 : memref<120x128xf32, #tpu.memory_space<vmem_shared>>)
      tpu.yield
    }) : () -> ()
    %barrier3A = arith.constant 0 : index
    tpu.barrier barrier_id(%barrier3A)
    %scan3A_18 = arith.constant 0 : i32
    %scan3A_19 = arith.constant 0 : i32
    %scan3A_20 = arith.constant 0 : i32
    %scan3A_21 = arith.constant 20 : i32
    %scan3A_22 = arith.addi %scan3A_20, %scan3A_21 : i32
    %scan3A_23 = arith.constant 1 : i32
    scf.for %scan3A_26 = %scan3A_20 to %scan3A_22 step %scan3A_23  : i32 {
      %mul3A_27 = arith.constant 2 : i32
      %mul3A_28 = arith.muli %mul3A_27, %scan3A_26 : i32
      %dma_start3A = arith.constant 0 : i32
      %dma_start3A_29 = tpu.memref_slice %arg6[%mul3A_28, %dma_start3A] : memref<40x128xi32, #tpu.memory_space<vmem>> -> memref<1x128xi32, #tpu.memory_space<vmem>>
      %dma_start3A_30 = tpu.memref_squeeze %dma_start3A_29 : memref<1x128xi32, #tpu.memory_space<vmem>> -> memref<128xi32, #tpu.memory_space<vmem>>
      %dma_start3A_31 = arith.constant 0 : i32
      %dma_start3A_32 = arith.constant 0 : i32
      %dma_start3A_33 = tpu.memref_slice %arg2[%scan3A_19, %dma_start3A_31, %dma_start3A_32] : memref<1x10000x128xf32, #tpu.memory_space<hbm>> -> memref<1x10000x128xf32, #tpu.memory_space<hbm>>
      %dma_start3A_34 = tpu.memref_squeeze %dma_start3A_33 : memref<1x10000x128xf32, #tpu.memory_space<hbm>> -> memref<10000x128xf32, #tpu.memory_space<hbm>>
      %dma_start3A_35 = arith.constant 0 : i32
      %dma_start3A_36 = arith.constant 0 : i32
      %dma_start3A_37 = tpu.memref_slice %dma_start3A_34[%dma_start3A_35, %dma_start3A_36] : memref<10000x128xf32, #tpu.memory_space<hbm>> -> memref<10000x128xf32, #tpu.memory_space<hbm>>
      tpu.enqueue_indirect_dma source(%dma_start3A_37 : memref<10000x128xf32, #tpu.memory_space<hbm>>) target(%arg8 : memref<128x128xf32, #tpu.memory_space<vmem>>) offsets(%dma_start3A_30 : memref<128xi32, #tpu.memory_space<vmem>>) semaphore(%arg11 : memref<!tpu.dma_semaphore, #tpu.memory_space<semaphore_mem>>)
      %add3A_38 = arith.constant 1 : i32
      %add3A_39 = arith.addi %mul3A_28, %add3A_38 : i32
      %dma_start3A_40 = arith.constant 0 : i32
      %dma_start3A_41 = tpu.memref_slice %arg6[%add3A_39, %dma_start3A_40] : memref<40x128xi32, #tpu.memory_space<vmem>> -> memref<1x128xi32, #tpu.memory_space<vmem>>
      %dma_start3A_42 = tpu.memref_squeeze %dma_start3A_41 : memref<1x128xi32, #tpu.memory_space<vmem>> -> memref<128xi32, #tpu.memory_space<vmem>>
      %dma_start3A_43 = arith.constant 0 : i32
      %dma_start3A_44 = arith.constant 0 : i32
      %dma_start3A_45 = tpu.memref_slice %arg2[%scan3A_19, %dma_start3A_43, %dma_start3A_44] : memref<1x10000x128xf32, #tpu.memory_space<hbm>> -> memref<1x10000x128xf32, #tpu.memory_space<hbm>>
      %dma_start3A_46 = tpu.memref_squeeze %dma_start3A_45 : memref<1x10000x128xf32, #tpu.memory_space<hbm>> -> memref<10000x128xf32, #tpu.memory_space<hbm>>
      %dma_start3A_47 = arith.constant 0 : i32
      %dma_start3A_48 = arith.constant 0 : i32
      %dma_start3A_49 = tpu.memref_slice %dma_start3A_46[%dma_start3A_47, %dma_start3A_48] : memref<10000x128xf32, #tpu.memory_space<hbm>> -> memref<10000x128xf32, #tpu.memory_space<hbm>>
      tpu.enqueue_indirect_dma source(%dma_start3A_49 : memref<10000x128xf32, #tpu.memory_space<hbm>>) target(%arg9 : memref<128x128xf32, #tpu.memory_space<vmem>>) offsets(%dma_start3A_42 : memref<128xi32, #tpu.memory_space<vmem>>) semaphore(%arg12 : memref<!tpu.dma_semaphore, #tpu.memory_space<semaphore_mem>>)
      %dma_wait3A = arith.constant 0 : i32
      %dma_wait3A_50 = tpu.memref_slice %arg6[%mul3A_28, %dma_wait3A] : memref<40x128xi32, #tpu.memory_space<vmem>> -> memref<1x128xi32, #tpu.memory_space<vmem>>
      %dma_wait3A_51 = tpu.memref_squeeze %dma_wait3A_50 : memref<1x128xi32, #tpu.memory_space<vmem>> -> memref<128xi32, #tpu.memory_space<vmem>>
      %dma_wait3A_52 = arith.constant 0 : i32
      %dma_wait3A_53 = arith.constant 0 : i32
      %dma_wait3A_54 = tpu.memref_slice %arg2[%scan3A_19, %dma_wait3A_52, %dma_wait3A_53] : memref<1x10000x128xf32, #tpu.memory_space<hbm>> -> memref<1x10000x128xf32, #tpu.memory_space<hbm>>
      %dma_wait3A_55 = tpu.memref_squeeze %dma_wait3A_54 : memref<1x10000x128xf32, #tpu.memory_space<hbm>> -> memref<10000x128xf32, #tpu.memory_space<hbm>>
      %dma_wait3A_56 = arith.constant 0 : i32
      %dma_wait3A_57 = arith.constant 0 : i32
      %dma_wait3A_58 = tpu.memref_slice %dma_wait3A_55[%dma_wait3A_56, %dma_wait3A_57] : memref<10000x128xf32, #tpu.memory_space<hbm>> -> memref<10000x128xf32, #tpu.memory_space<hbm>>
      tpu.wait_indirect_dma semaphore(%arg11 : memref<!tpu.dma_semaphore, #tpu.memory_space<semaphore_mem>>) src(%dma_wait3A_58 : memref<10000x128xf32, #tpu.memory_space<hbm>>) dst(%arg8 : memref<128x128xf32, #tpu.memory_space<vmem>>)
      "tpu.region"() ({
        %run_scoped3A = tpu.sem_alloc : memref<!tpu.dma_semaphore, #tpu.memory_space<semaphore_mem>>
        %dma_start3A_71 = arith.constant 0 : i32
        %dma_start3A_72 = tpu.memref_slice %arg7[%mul3A_28, %dma_start3A_71] : memref<40x128xi32, #tpu.memory_space<vmem>> -> memref<1x128xi32, #tpu.memory_space<vmem>>
        %dma_start3A_73 = tpu.memref_squeeze %dma_start3A_72 : memref<1x128xi32, #tpu.memory_space<vmem>> -> memref<128xi32, #tpu.memory_space<vmem>>
        %dma_start3A_74 = arith.constant 0 : i32
        %dma_start3A_75 = arith.constant 0 : i32
        %dma_start3A_76 = tpu.memref_slice %arg10[%dma_start3A_74, %dma_start3A_75] : memref<10112x128xf32, #tpu.memory_space<vmem_shared>> -> memref<10112x128xf32, #tpu.memory_space<vmem_shared>>
        tpu.enqueue_indirect_dma source(%arg8 : memref<128x128xf32, #tpu.memory_space<vmem>>) target(%dma_start3A_76 : memref<10112x128xf32, #tpu.memory_space<vmem_shared>>) offsets(%dma_start3A_73 : memref<128xi32, #tpu.memory_space<vmem>>) semaphore(%run_scoped3A : memref<!tpu.dma_semaphore, #tpu.memory_space<semaphore_mem>>) {add = true}
        %dma_wait3A_77 = arith.constant 0 : i32
        %dma_wait3A_78 = tpu.memref_slice %arg7[%mul3A_28, %dma_wait3A_77] : memref<40x128xi32, #tpu.memory_space<vmem>> -> memref<1x128xi32, #tpu.memory_space<vmem>>
        %dma_wait3A_79 = tpu.memref_squeeze %dma_wait3A_78 : memref<1x128xi32, #tpu.memory_space<vmem>> -> memref<128xi32, #tpu.memory_space<vmem>>
        %dma_wait3A_80 = arith.constant 0 : i32
        %dma_wait3A_81 = arith.constant 0 : i32
        %dma_wait3A_82 = tpu.memref_slice %arg10[%dma_wait3A_80, %dma_wait3A_81] : memref<10112x128xf32, #tpu.memory_space<vmem_shared>> -> memref<10112x128xf32, #tpu.memory_space<vmem_shared>>
        tpu.wait_indirect_dma semaphore(%run_scoped3A : memref<!tpu.dma_semaphore, #tpu.memory_space<semaphore_mem>>) src(%arg8 : memref<128x128xf32, #tpu.memory_space<vmem>>) dst(%dma_wait3A_82 : memref<10112x128xf32, #tpu.memory_space<vmem_shared>>)
        tpu.yield
      }) : () -> ()
      %dma_wait3A_59 = arith.constant 0 : i32
      %dma_wait3A_60 = tpu.memref_slice %arg6[%add3A_39, %dma_wait3A_59] : memref<40x128xi32, #tpu.memory_space<vmem>> -> memref<1x128xi32, #tpu.memory_space<vmem>>
      %dma_wait3A_61 = tpu.memref_squeeze %dma_wait3A_60 : memref<1x128xi32, #tpu.memory_space<vmem>> -> memref<128xi32, #tpu.memory_space<vmem>>
      %dma_wait3A_62 = arith.constant 0 : i32
      %dma_wait3A_63 = arith.constant 0 : i32
      %dma_wait3A_64 = tpu.memref_slice %arg2[%scan3A_19, %dma_wait3A_62, %dma_wait3A_63] : memref<1x10000x128xf32, #tpu.memory_space<hbm>> -> memref<1x10000x128xf32, #tpu.memory_space<hbm>>
      %dma_wait3A_65 = tpu.memref_squeeze %dma_wait3A_64 : memref<1x10000x128xf32, #tpu.memory_space<hbm>> -> memref<10000x128xf32, #tpu.memory_space<hbm>>
      %dma_wait3A_66 = arith.constant 0 : i32
      %dma_wait3A_67 = arith.constant 0 : i32
      %dma_wait3A_68 = tpu.memref_slice %dma_wait3A_65[%dma_wait3A_66, %dma_wait3A_67] : memref<10000x128xf32, #tpu.memory_space<hbm>> -> memref<10000x128xf32, #tpu.memory_space<hbm>>
      tpu.wait_indirect_dma semaphore(%arg12 : memref<!tpu.dma_semaphore, #tpu.memory_space<semaphore_mem>>) src(%dma_wait3A_68 : memref<10000x128xf32, #tpu.memory_space<hbm>>) dst(%arg9 : memref<128x128xf32, #tpu.memory_space<vmem>>)
      %add3A_69 = arith.constant 1 : i32
      %add3A_70 = arith.addi %mul3A_28, %add3A_69 : i32
      "tpu.region"() ({
        %run_scoped3A = tpu.sem_alloc : memref<!tpu.dma_semaphore, #tpu.memory_space<semaphore_mem>>
        %dma_start3A_71 = arith.constant 0 : i32
        %dma_start3A_72 = tpu.memref_slice %arg7[%add3A_70, %dma_start3A_71] : memref<40x128xi32, #tpu.memory_space<vmem>> -> memref<1x128xi32, #tpu.memory_space<vmem>>
        %dma_start3A_73 = tpu.memref_squeeze %dma_start3A_72 : memref<1x128xi32, #tpu.memory_space<vmem>> -> memref<128xi32, #tpu.memory_space<vmem>>
        %dma_start3A_74 = arith.constant 0 : i32
        %dma_start3A_75 = arith.constant 0 : i32
        %dma_start3A_76 = tpu.memref_slice %arg10[%dma_start3A_74, %dma_start3A_75] : memref<10112x128xf32, #tpu.memory_space<vmem_shared>> -> memref<10112x128xf32, #tpu.memory_space<vmem_shared>>
        tpu.enqueue_indirect_dma source(%arg9 : memref<128x128xf32, #tpu.memory_space<vmem>>) target(%dma_start3A_76 : memref<10112x128xf32, #tpu.memory_space<vmem_shared>>) offsets(%dma_start3A_73 : memref<128xi32, #tpu.memory_space<vmem>>) semaphore(%run_scoped3A : memref<!tpu.dma_semaphore, #tpu.memory_space<semaphore_mem>>) {add = true}
        %dma_wait3A_77 = arith.constant 0 : i32
        %dma_wait3A_78 = tpu.memref_slice %arg7[%add3A_70, %dma_wait3A_77] : memref<40x128xi32, #tpu.memory_space<vmem>> -> memref<1x128xi32, #tpu.memory_space<vmem>>
        %dma_wait3A_79 = tpu.memref_squeeze %dma_wait3A_78 : memref<1x128xi32, #tpu.memory_space<vmem>> -> memref<128xi32, #tpu.memory_space<vmem>>
        %dma_wait3A_80 = arith.constant 0 : i32
        %dma_wait3A_81 = arith.constant 0 : i32
        %dma_wait3A_82 = tpu.memref_slice %arg10[%dma_wait3A_80, %dma_wait3A_81] : memref<10112x128xf32, #tpu.memory_space<vmem_shared>> -> memref<10112x128xf32, #tpu.memory_space<vmem_shared>>
        tpu.wait_indirect_dma semaphore(%run_scoped3A : memref<!tpu.dma_semaphore, #tpu.memory_space<semaphore_mem>>) src(%arg9 : memref<128x128xf32, #tpu.memory_space<vmem>>) dst(%dma_wait3A_82 : memref<10112x128xf32, #tpu.memory_space<vmem_shared>>)
        tpu.yield
      }) : () -> ()
    }
    %scan3A_24 = arith.constant 20 : i32
    %barrier3A_25 = arith.constant 0 : index
    tpu.barrier barrier_id(%barrier3A_25)
    "tpu.region"() ({
      %run_scoped3A = tpu.sem_alloc : memref<!tpu.dma_semaphore, #tpu.memory_space<semaphore_mem>>
      %dma_start3A = arith.constant 0 : i32
      %dma_start3A_26 = tpu.memref_slice %arg5[%arg0, %mul3A_2, %dma_start3A] : memref<2x10112x128xf32, #tpu.memory_space<hbm>> -> memref<1x632x128xf32, #tpu.memory_space<hbm>>
      %dma_start3A_27 = tpu.memref_squeeze %dma_start3A_26 : memref<1x632x128xf32, #tpu.memory_space<hbm>> -> memref<632x128xf32, #tpu.memory_space<hbm>>
      %dma_start3A_28 = arith.constant 0 : i32
      %dma_start3A_29 = tpu.memref_slice %arg10[%mul3A_2, %dma_start3A_28] : memref<10112x128xf32, #tpu.memory_space<vmem_shared>> -> memref<632x128xf32, #tpu.memory_space<vmem_shared>>
      tpu.enqueue_dma source(%dma_start3A_29 : memref<632x128xf32, #tpu.memory_space<vmem_shared>>) target(%dma_start3A_27 : memref<632x128xf32, #tpu.memory_space<hbm>>) target_semaphore(%run_scoped3A : memref<!tpu.dma_semaphore, #tpu.memory_space<semaphore_mem>>)
      %dma_wait3A = arith.constant 0 : i32
      %dma_wait3A_30 = tpu.memref_slice %arg5[%arg0, %mul3A_2, %dma_wait3A] : memref<2x10112x128xf32, #tpu.memory_space<hbm>> -> memref<1x632x128xf32, #tpu.memory_space<hbm>>
      %dma_wait3A_31 = tpu.memref_squeeze %dma_wait3A_30 : memref<1x632x128xf32, #tpu.memory_space<hbm>> -> memref<632x128xf32, #tpu.memory_space<hbm>>
      %dma_wait3A_32 = arith.constant 0 : i32
      %dma_wait3A_33 = tpu.memref_slice %arg10[%mul3A_2, %dma_wait3A_32] : memref<10112x128xf32, #tpu.memory_space<vmem_shared>> -> memref<632x128xf32, #tpu.memory_space<vmem_shared>>
      tpu.wait_dma2 semaphore(%run_scoped3A : memref<!tpu.dma_semaphore, #tpu.memory_space<semaphore_mem>>) src(%dma_wait3A_33 : memref<632x128xf32, #tpu.memory_space<vmem_shared>>) dst(%dma_wait3A_31 : memref<632x128xf32, #tpu.memory_space<hbm>>)
      tpu.yield
    }) : () -> ()
    return
  }
}

#map = affine_map<(d0, d1) -> (0, 0)>
#map1 = affine_map<(d0, d1) -> (0, 0, 0)>
module attributes {stable_mosaic.version = 14 : i64} {
  func.func @k(%arg0: i32, %arg1: i32, %arg2: memref<10000x256xf32, #tpu.memory_space<hbm>>, %arg3: memref<32x64xi32, #tpu.memory_space<hbm>>, %arg4: memref<32x64x256xf32, #tpu.memory_space<hbm>>, %arg5: memref<64xi32, #tpu.memory_space<vmem>>, %arg6: memref<64x256xf32, #tpu.memory_space<vmem>>, %arg7: memref<!tpu.dma_semaphore, #tpu.memory_space<semaphore_mem>>) attributes {dimension_semantics = [#tpu.dimension_semantics<core_parallel>, #tpu.dimension_semantics<subcore_parallel>], iteration_bounds = array<i64: 2, 16>, scalar_prefetch = 0 : i64, scratch_operands = 3 : i64, tpu.core_type = #tpu.core_type<sc_vector_subcore>, window_params = [{transform_indices = #map}, {transform_indices = #map}, {transform_indices = #map1}]} {
    %mul3A = arith.constant 16 : i32
    %mul3A_0 = arith.muli %arg0, %mul3A : i32
    %add3A = arith.addi %mul3A_0, %arg1 : i32
    "tpu.region"() ({
      %run_scoped3A = tpu.sem_alloc : memref<!tpu.dma_semaphore, #tpu.memory_space<semaphore_mem>>
      %dma_start3A_5 = arith.constant 0 : i32
      %dma_start3A_6 = tpu.memref_slice %arg3[%add3A, %dma_start3A_5] : memref<32x64xi32, #tpu.memory_space<hbm>> -> memref<1x64xi32, #tpu.memory_space<hbm>>
      %dma_start3A_7 = tpu.memref_squeeze %dma_start3A_6 : memref<1x64xi32, #tpu.memory_space<hbm>> -> memref<64xi32, #tpu.memory_space<hbm>>
      %dma_start3A_8 = arith.constant 0 : i32
      %dma_start3A_9 = tpu.memref_slice %arg3[%add3A, %dma_start3A_8] : memref<32x64xi32, #tpu.memory_space<hbm>> -> memref<1x64xi32, #tpu.memory_space<hbm>>
      %dma_start3A_10 = tpu.memref_squeeze %dma_start3A_9 : memref<1x64xi32, #tpu.memory_space<hbm>> -> memref<64xi32, #tpu.memory_space<hbm>>
      tpu.enqueue_dma source(%dma_start3A_10 : memref<64xi32, #tpu.memory_space<hbm>>) target(%arg5 : memref<64xi32, #tpu.memory_space<vmem>>) target_semaphore(%run_scoped3A : memref<!tpu.dma_semaphore, #tpu.memory_space<semaphore_mem>>)
      %dma_wait3A_11 = arith.constant 0 : i32
      %dma_wait3A_12 = tpu.memref_slice %arg3[%add3A, %dma_wait3A_11] : memref<32x64xi32, #tpu.memory_space<hbm>> -> memref<1x64xi32, #tpu.memory_space<hbm>>
      %dma_wait3A_13 = tpu.memref_squeeze %dma_wait3A_12 : memref<1x64xi32, #tpu.memory_space<hbm>> -> memref<64xi32, #tpu.memory_space<hbm>>
      %dma_wait3A_14 = arith.constant 0 : i32
      %dma_wait3A_15 = tpu.memref_slice %arg3[%add3A, %dma_wait3A_14] : memref<32x64xi32, #tpu.memory_space<hbm>> -> memref<1x64xi32, #tpu.memory_space<hbm>>
      %dma_wait3A_16 = tpu.memref_squeeze %dma_wait3A_15 : memref<1x64xi32, #tpu.memory_space<hbm>> -> memref<64xi32, #tpu.memory_space<hbm>>
      tpu.wait_dma2 semaphore(%run_scoped3A : memref<!tpu.dma_semaphore, #tpu.memory_space<semaphore_mem>>) src(%dma_wait3A_16 : memref<64xi32, #tpu.memory_space<hbm>>) dst(%arg5 : memref<64xi32, #tpu.memory_space<vmem>>)
      tpu.yield
    }) : () -> ()
    %dma_start3A = arith.constant 0 : i32
    %dma_start3A_1 = arith.constant 0 : i32
    %dma_start3A_2 = tpu.memref_slice %arg2[%dma_start3A, %dma_start3A_1] : memref<10000x256xf32, #tpu.memory_space<hbm>> -> memref<10000x256xf32, #tpu.memory_space<hbm>>
    tpu.enqueue_indirect_dma source(%dma_start3A_2 : memref<10000x256xf32, #tpu.memory_space<hbm>>) target(%arg6 : memref<64x256xf32, #tpu.memory_space<vmem>>) offsets(%arg5 : memref<64xi32, #tpu.memory_space<vmem>>) semaphore(%arg7 : memref<!tpu.dma_semaphore, #tpu.memory_space<semaphore_mem>>)
    %dma_wait3A = arith.constant 0 : i32
    %dma_wait3A_3 = arith.constant 0 : i32
    %dma_wait3A_4 = tpu.memref_slice %arg2[%dma_wait3A, %dma_wait3A_3] : memref<10000x256xf32, #tpu.memory_space<hbm>> -> memref<10000x256xf32, #tpu.memory_space<hbm>>
    tpu.wait_indirect_dma semaphore(%arg7 : memref<!tpu.dma_semaphore, #tpu.memory_space<semaphore_mem>>) src(%dma_wait3A_4 : memref<10000x256xf32, #tpu.memory_space<hbm>>) dst(%arg6 : memref<64x256xf32, #tpu.memory_space<vmem>>)
    "tpu.region"() ({
      %run_scoped3A = tpu.sem_alloc : memref<!tpu.dma_semaphore, #tpu.memory_space<semaphore_mem>>
      %dma_start3A_5 = arith.constant 0 : i32
      %dma_start3A_6 = arith.constant 0 : i32
      %dma_start3A_7 = tpu.memref_slice %arg4[%add3A, %dma_start3A_5, %dma_start3A_6] : memref<32x64x256xf32, #tpu.memory_space<hbm>> -> memref<1x64x256xf32, #tpu.memory_space<hbm>>
      %dma_start3A_8 = tpu.memref_squeeze %dma_start3A_7 : memref<1x64x256xf32, #tpu.memory_space<hbm>> -> memref<64x256xf32, #tpu.memory_space<hbm>>
      %dma_start3A_9 = arith.constant 0 : i32
      %dma_start3A_10 = arith.constant 0 : i32
      %dma_start3A_11 = tpu.memref_slice %arg4[%add3A, %dma_start3A_9, %dma_start3A_10] : memref<32x64x256xf32, #tpu.memory_space<hbm>> -> memref<1x64x256xf32, #tpu.memory_space<hbm>>
      %dma_start3A_12 = tpu.memref_squeeze %dma_start3A_11 : memref<1x64x256xf32, #tpu.memory_space<hbm>> -> memref<64x256xf32, #tpu.memory_space<hbm>>
      tpu.enqueue_dma source(%arg6 : memref<64x256xf32, #tpu.memory_space<vmem>>) target(%dma_start3A_12 : memref<64x256xf32, #tpu.memory_space<hbm>>) target_semaphore(%run_scoped3A : memref<!tpu.dma_semaphore, #tpu.memory_space<semaphore_mem>>)
      %dma_wait3A_13 = arith.constant 0 : i32
      %dma_wait3A_14 = arith.constant 0 : i32
      %dma_wait3A_15 = tpu.memref_slice %arg4[%add3A, %dma_wait3A_13, %dma_wait3A_14] : memref<32x64x256xf32, #tpu.memory_space<hbm>> -> memref<1x64x256xf32, #tpu.memory_space<hbm>>
      %dma_wait3A_16 = tpu.memref_squeeze %dma_wait3A_15 : memref<1x64x256xf32, #tpu.memory_space<hbm>> -> memref<64x256xf32, #tpu.memory_space<hbm>>
      %dma_wait3A_17 = arith.constant 0 : i32
      %dma_wait3A_18 = arith.constant 0 : i32
      %dma_wait3A_19 = tpu.memref_slice %arg4[%add3A, %dma_wait3A_17, %dma_wait3A_18] : memref<32x64x256xf32, #tpu.memory_space<hbm>> -> memref<1x64x256xf32, #tpu.memory_space<hbm>>
      %dma_wait3A_20 = tpu.memref_squeeze %dma_wait3A_19 : memref<1x64x256xf32, #tpu.memory_space<hbm>> -> memref<64x256xf32, #tpu.memory_space<hbm>>
      tpu.wait_dma2 semaphore(%run_scoped3A : memref<!tpu.dma_semaphore, #tpu.memory_space<semaphore_mem>>) src(%arg6 : memref<64x256xf32, #tpu.memory_space<vmem>>) dst(%dma_wait3A_20 : memref<64x256xf32, #tpu.memory_space<hbm>>)
      tpu.yield
    }) : () -> ()
    return
  }
}

module attributes {stable_mosaic.version = 14 : i64} {
  func.func @body(%arg0: i32, %arg1: memref<2000x512xf32, #tpu.memory_space<vmem>>, %arg2: memref<2x2000x512xf32, #tpu.memory_space<vmem>>, %arg3: memref<1x1xf32, #tpu.memory_space<vmem>>, %arg4: memref<512x128xf32, #tpu.memory_space<vmem>>, %arg5: memref<1x128xf32, #tpu.memory_space<vmem>>, %arg6: memref<128x128xf32, #tpu.memory_space<vmem>>, %arg7: memref<1x128xf32, #tpu.memory_space<vmem>>, %arg8: memref<2000x128xf32, #tpu.memory_space<vmem>>, %arg9: memref<2x128xf32, #tpu.memory_space<vmem>>) attributes {dimension_semantics = [#tpu.dimension_semantics<arbitrary>], iteration_bounds = array<i64: 5>, scalar_prefetch = 0 : i64, scratch_operands = 0 : i64, tpu.core_type = #tpu.core_type<tc>, window_params = [{transform_indices = @transform_0, window_bounds = array<i64: 2000, 512>}, {transform_indices = @transform_1, window_bounds = array<i64: 2, 2000, 512>}, {pipeline_mode = #tpu.pipeline_mode<synchronous>, transform_indices = @transform_2, window_bounds = array<i64: 1, 1>}, {pipeline_mode = #tpu.pipeline_mode<synchronous>, transform_indices = @transform_3, window_bounds = array<i64: 512, 128>}, {pipeline_mode = #tpu.pipeline_mode<synchronous>, transform_indices = @transform_4, window_bounds = array<i64: 1, 128>}, {pipeline_mode = #tpu.pipeline_mode<synchronous>, transform_indices = @transform_5, window_bounds = array<i64: 128, 128>}, {pipeline_mode = #tpu.pipeline_mode<synchronous>, transform_indices = @transform_6, window_bounds = array<i64: 1, 128>}, {transform_indices = @transform_7, window_bounds = array<i64: 2000, 128>}, {pipeline_mode = #tpu.pipeline_mode<synchronous>, transform_indices = @transform_8, window_bounds = array<i64: 2, 128>}]} {
    %get3A = arith.constant 0 : index
    %get3A_0 = arith.constant 0 : index
    %get3A_1 = vector.load %arg3[%get3A, %get3A_0] : memref<1x1xf32, #tpu.memory_space<vmem>>, vector<1x1xf32>
    %get3A_2 = vector.extract %get3A_1[0, 0] : f32 from vector<1x1xf32>
    %add3A = arith.constant 1.000000e+00 : f32
    %add3A_3 = arith.addf %add3A, %get3A_2 : f32
    %get3A_4 = arith.constant 0 : index
    %get3A_5 = arith.constant 0 : index
    %get3A_6 = vector.load %arg1[%get3A_4, %get3A_5] : memref<2000x512xf32, #tpu.memory_space<vmem>>, vector<2000x512xf32>
    %mul3A = vector.broadcast %add3A_3 : f32 to vector<2000x512xf32>
    %mul3A_7 = arith.mulf %mul3A, %get3A_6 : vector<2000x512xf32>
    %get3A_8 = arith.constant 0 : index
    %get3A_9 = arith.constant 0 : index
    %get3A_10 = arith.constant 0 : index
    %get3A_11 = vector.load %arg2[%get3A_8, %get3A_9, %get3A_10] : memref<2x2000x512xf32, #tpu.memory_space<vmem>>, vector<1x2000x512xf32>
    %get3A_12 = vector.shape_cast %get3A_11 : vector<1x2000x512xf32> to vector<2000x512xf32>
    %get3A_13 = arith.constant 1 : index
    %get3A_14 = arith.constant 0 : index
    %get3A_15 = arith.constant 0 : index
    %get3A_16 = vector.load %arg2[%get3A_13, %get3A_14, %get3A_15] : memref<2x2000x512xf32, #tpu.memory_space<vmem>>, vector<1x2000x512xf32>
    %get3A_17 = vector.shape_cast %get3A_16 : vector<1x2000x512xf32> to vector<2000x512xf32>
    %add3A_18 = arith.addf %get3A_12, %get3A_17 : vector<2000x512xf32>
    %add3A_19 = arith.addf %mul3A_7, %add3A_18 : vector<2000x512xf32>
    %get3A_20 = arith.constant 0 : index
    %get3A_21 = arith.constant 0 : index
    %get3A_22 = vector.load %arg4[%get3A_20, %get3A_21] : memref<512x128xf32, #tpu.memory_space<vmem>>, vector<512x128xf32>
    %dot_general3A = arith.constant dense<0.000000e+00> : vector<2000x128xf32>
    %dot_general3A_23 = tpu.matmul %add3A_19, %get3A_22, %dot_general3A {dimension_numbers = #tpu.dot_dimension_numbers<[1], [0], [0], [1], [0, 0, 1, 1], [], []>, transpose_lhs_hint = false} : vector<2000x512xf32>, vector<512x128xf32>, vector<2000x128xf32> -> vector<2000x128xf32>
    %get3A_24 = arith.constant 0 : index
    %get3A_25 = arith.constant 0 : index
    %get3A_26 = vector.load %arg5[%get3A_24, %get3A_25] : memref<1x128xf32, #tpu.memory_space<vmem>>, vector<1x128xf32>
    %get3A_27 = vector.shape_cast %get3A_26 : vector<1x128xf32> to vector<128xf32>
    %broadcast_in_dim3A = vector.shape_cast %get3A_27 : vector<128xf32> to vector<1x128xf32>
    %add3A_28 = vector.broadcast %broadcast_in_dim3A : vector<1x128xf32> to vector<2000x128xf32>
    %add3A_29 = arith.addf %dot_general3A_23, %add3A_28 : vector<2000x128xf32>
    %max3A = arith.constant 0.000000e+00 : f32
    %max3A_30 = vector.broadcast %max3A : f32 to vector<2000x128xf32>
    %max3A_31 = arith.maximumf %add3A_29, %max3A_30 : vector<2000x128xf32>
    %get3A_32 = arith.constant 0 : index
    %get3A_33 = arith.constant 0 : index
    %get3A_34 = vector.load %arg6[%get3A_32, %get3A_33] : memref<128x128xf32, #tpu.memory_space<vmem>>, vector<128x128xf32>
    %dot_general3A_35 = arith.constant dense<0.000000e+00> : vector<2000x128xf32>
    %dot_general3A_36 = tpu.matmul %max3A_31, %get3A_34, %dot_general3A_35 {dimension_numbers = #tpu.dot_dimension_numbers<[1], [0], [0], [1], [0, 0, 1, 1], [], []>, transpose_lhs_hint = false} : vector<2000x128xf32>, vector<128x128xf32>, vector<2000x128xf32> -> vector<2000x128xf32>
    %get3A_37 = arith.constant 0 : index
    %get3A_38 = arith.constant 0 : index
    %get3A_39 = vector.load %arg7[%get3A_37, %get3A_38] : memref<1x128xf32, #tpu.memory_space<vmem>>, vector<1x128xf32>
    %get3A_40 = vector.shape_cast %get3A_39 : vector<1x128xf32> to vector<128xf32>
    %broadcast_in_dim3A_41 = vector.shape_cast %get3A_40 : vector<128xf32> to vector<1x128xf32>
    %add3A_42 = vector.broadcast %broadcast_in_dim3A_41 : vector<1x128xf32> to vector<2000x128xf32>
    %add3A_43 = arith.addf %dot_general3A_36, %add3A_42 : vector<2000x128xf32>
    %swap3A = arith.constant 0 : index
    %swap3A_44 = arith.constant 0 : index
    %swap3A_45 = vector.load %arg8[%swap3A, %swap3A_44] : memref<2000x128xf32, #tpu.memory_space<vmem>>, vector<2000x128xf32>
    tpu.vector_store %arg8[%swap3A, %swap3A_44], %add3A_43 {strides = array<i32>} : memref<2000x128xf32, #tpu.memory_space<vmem>>, vector<2000x128xf32>,
    %reduce_sum3A = arith.constant dense<0.000000e+00> : vector<128xf32>
    %reduce_sum3A_46 = vector.multi_reduction <add>, %add3A_43, %reduce_sum3A [0] : vector<2000x128xf32> to vector<128xf32>
    %broadcast_in_dim3A_47 = vector.shape_cast %reduce_sum3A_46 : vector<128xf32> to vector<1x128xf32>
    %mul3A_48 = arith.mulf %add3A_43, %add3A_43 : vector<2000x128xf32>
    %reduce_sum3A_49 = arith.constant dense<0.000000e+00> : vector<128xf32>
    %reduce_sum3A_50 = vector.multi_reduction <add>, %mul3A_48, %reduce_sum3A_49 [0] : vector<2000x128xf32> to vector<128xf32>
    %broadcast_in_dim3A_51 = vector.shape_cast %reduce_sum3A_50 : vector<128xf32> to vector<1x128xf32>
    %concatenate3A = tpu.concatenate %broadcast_in_dim3A_47, %broadcast_in_dim3A_51 in 0 : vector<1x128xf32>, vector<1x128xf32> -> vector<2x128xf32>
    %eq3A = arith.constant 0 : i32
    %eq3A_52 = arith.cmpi eq, %arg0, %eq3A : i32
    %convert_element_type3A = arith.extui %eq3A_52 : i1 to i32
    %cond3A = arith.constant 0 : i32
    %cond3A_53 = arith.cmpi ne, %convert_element_type3A, %cond3A : i32
    scf.if %cond3A_53 {
      %swap3A_58 = arith.constant 0 : index
      %swap3A_59 = arith.constant 0 : index
      %swap3A_60 = vector.load %arg9[%swap3A_58, %swap3A_59] : memref<2x128xf32, #tpu.memory_space<vmem>>, vector<2x128xf32>
      tpu.vector_store %arg9[%swap3A_58, %swap3A_59], %concatenate3A {strides = array<i32>} : memref<2x128xf32, #tpu.memory_space<vmem>>, vector<2x128xf32>,
    } else {
    }
    %gt3A = arith.constant 0 : i32
    %gt3A_54 = arith.cmpi sgt, %arg0, %gt3A : i32
    %convert_element_type3A_55 = arith.extui %gt3A_54 : i1 to i32
    %cond3A_56 = arith.constant 0 : i32
    %cond3A_57 = arith.cmpi ne, %convert_element_type3A_55, %cond3A_56 : i32
    scf.if %cond3A_57 {
      %get3A_58 = arith.constant 0 : index
      %get3A_59 = arith.constant 0 : index
      %get3A_60 = vector.load %arg9[%get3A_58, %get3A_59] : memref<2x128xf32, #tpu.memory_space<vmem>>, vector<2x128xf32>
      %add3A_61 = arith.addf %get3A_60, %concatenate3A : vector<2x128xf32>
      %swap3A_62 = arith.constant 0 : index
      %swap3A_63 = arith.constant 0 : index
      %swap3A_64 = vector.load %arg9[%swap3A_62, %swap3A_63] : memref<2x128xf32, #tpu.memory_space<vmem>>, vector<2x128xf32>
      tpu.vector_store %arg9[%swap3A_62, %swap3A_63], %add3A_61 {strides = array<i32>} : memref<2x128xf32, #tpu.memory_space<vmem>>, vector<2x128xf32>,
    } else {
    }
    return
  }
  func.func @transform_0(%arg0: i32) -> (i32, i32) {
    %c0_i32 = arith.constant 0 : i32
    %c0_i32_0 = arith.constant 0 : i32
    return %arg0, %c0_i32 : i32, i32
  }
  func.func @transform_1(%arg0: i32) -> (i32, i32, i32) {
    %c0_i32 = arith.constant 0 : i32
    %c0_i32_0 = arith.constant 0 : i32
    %c0_i32_1 = arith.constant 0 : i32
    return %c0_i32, %arg0, %c0_i32_0 : i32, i32, i32
  }
  func.func @transform_2(%arg0: i32) -> (i32, i32) {
    %c0_i32 = arith.constant 0 : i32
    %c0_i32_0 = arith.constant 0 : i32
    %c0_i32_1 = arith.constant 0 : i32
    return %c0_i32, %c0_i32_0 : i32, i32
  }
  func.func @transform_3(%arg0: i32) -> (i32, i32) {
    %c0_i32 = arith.constant 0 : i32
    %c0_i32_0 = arith.constant 0 : i32
    %c0_i32_1 = arith.constant 0 : i32
    return %c0_i32, %c0_i32_0 : i32, i32
  }
  func.func @transform_4(%arg0: i32) -> (i32, i32) {
    %c0_i32 = arith.constant 0 : i32
    %c0_i32_0 = arith.constant 0 : i32
    %c0_i32_1 = arith.constant 0 : i32
    return %c0_i32, %c0_i32_0 : i32, i32
  }
  func.func @transform_5(%arg0: i32) -> (i32, i32) {
    %c0_i32 = arith.constant 0 : i32
    %c0_i32_0 = arith.constant 0 : i32
    %c0_i32_1 = arith.constant 0 : i32
    return %c0_i32, %c0_i32_0 : i32, i32
  }
  func.func @transform_6(%arg0: i32) -> (i32, i32) {
    %c0_i32 = arith.constant 0 : i32
    %c0_i32_0 = arith.constant 0 : i32
    %c0_i32_1 = arith.constant 0 : i32
    return %c0_i32, %c0_i32_0 : i32, i32
  }
  func.func @transform_7(%arg0: i32) -> (i32, i32) {
    %c0_i32 = arith.constant 0 : i32
    %c0_i32_0 = arith.constant 0 : i32
    return %arg0, %c0_i32 : i32, i32
  }
  func.func @transform_8(%arg0: i32) -> (i32, i32) {
    %c0_i32 = arith.constant 0 : i32
    %c0_i32_0 = arith.constant 0 : i32
    %c0_i32_1 = arith.constant 0 : i32
    return %c0_i32, %c0_i32_0 : i32, i32
  }
}

module attributes {stable_mosaic.version = 14 : i64} {
  func.func @body(%arg0: i32, %arg1: memref<2000x128xf32, #tpu.memory_space<vmem>>, %arg2: memref<2x128xf32, #tpu.memory_space<vmem>>, %arg3: memref<1x128xf32, #tpu.memory_space<vmem>>, %arg4: memref<1x128xf32, #tpu.memory_space<vmem>>, %arg5: memref<2000x128xf32, #tpu.memory_space<vmem>>) attributes {dimension_semantics = [#tpu.dimension_semantics<arbitrary>], iteration_bounds = array<i64: 5>, scalar_prefetch = 0 : i64, scratch_operands = 0 : i64, tpu.core_type = #tpu.core_type<tc>, window_params = [{transform_indices = @transform_0, window_bounds = array<i64: 2000, 128>}, {pipeline_mode = #tpu.pipeline_mode<synchronous>, transform_indices = @transform_1, window_bounds = array<i64: 2, 128>}, {pipeline_mode = #tpu.pipeline_mode<synchronous>, transform_indices = @transform_2, window_bounds = array<i64: 1, 128>}, {pipeline_mode = #tpu.pipeline_mode<synchronous>, transform_indices = @transform_3, window_bounds = array<i64: 1, 128>}, {transform_indices = @transform_4, window_bounds = array<i64: 2000, 128>}]} {
    %get3A = arith.constant 0 : index
    %get3A_0 = arith.constant 0 : index
    %get3A_1 = vector.load %arg2[%get3A, %get3A_0] : memref<2x128xf32, #tpu.memory_space<vmem>>, vector<1x128xf32>
    %get3A_2 = vector.shape_cast %get3A_1 : vector<1x128xf32> to vector<128xf32>
    %div3A = arith.constant 1.000000e+04 : f32
    %div3A_3 = vector.broadcast %div3A : f32 to vector<128xf32>
    %div3A_4 = arith.divf %get3A_2, %div3A_3 : vector<128xf32>
    %get3A_5 = arith.constant 1 : index
    %get3A_6 = arith.constant 0 : index
    %get3A_7 = vector.load %arg2[%get3A_5, %get3A_6] : memref<2x128xf32, #tpu.memory_space<vmem>>, vector<1x128xf32>
    %get3A_8 = vector.shape_cast %get3A_7 : vector<1x128xf32> to vector<128xf32>
    %div3A_9 = arith.constant 1.000000e+04 : f32
    %div3A_10 = vector.broadcast %div3A_9 : f32 to vector<128xf32>
    %div3A_11 = arith.divf %get3A_8, %div3A_10 : vector<128xf32>
    %mul3A = arith.mulf %div3A_4, %div3A_4 : vector<128xf32>
    %sub3A = arith.subf %div3A_11, %mul3A : vector<128xf32>
    %get3A_12 = arith.constant 0 : index
    %get3A_13 = arith.constant 0 : index
    %get3A_14 = vector.load %arg3[%get3A_12, %get3A_13] : memref<1x128xf32, #tpu.memory_space<vmem>>, vector<1x128xf32>
    %get3A_15 = vector.shape_cast %get3A_14 : vector<1x128xf32> to vector<128xf32>
    %add3A = arith.constant 9.99999974E-6 : f32
    %add3A_16 = vector.broadcast %add3A : f32 to vector<128xf32>
    %add3A_17 = arith.addf %sub3A, %add3A_16 : vector<128xf32>
    %rsqrt3A = math.rsqrt %add3A_17 : vector<128xf32>
    %mul3A_18 = arith.mulf %get3A_15, %rsqrt3A : vector<128xf32>
    %get3A_19 = arith.constant 0 : index
    %get3A_20 = arith.constant 0 : index
    %get3A_21 = vector.load %arg4[%get3A_19, %get3A_20] : memref<1x128xf32, #tpu.memory_space<vmem>>, vector<1x128xf32>
    %get3A_22 = vector.shape_cast %get3A_21 : vector<1x128xf32> to vector<128xf32>
    %mul3A_23 = arith.mulf %div3A_4, %mul3A_18 : vector<128xf32>
    %sub3A_24 = arith.subf %get3A_22, %mul3A_23 : vector<128xf32>
    %get3A_25 = arith.constant 0 : index
    %get3A_26 = arith.constant 0 : index
    %get3A_27 = vector.load %arg1[%get3A_25, %get3A_26] : memref<2000x128xf32, #tpu.memory_space<vmem>>, vector<2000x128xf32>
    %broadcast_in_dim3A = vector.shape_cast %mul3A_18 : vector<128xf32> to vector<1x128xf32>
    %mul3A_28 = vector.broadcast %broadcast_in_dim3A : vector<1x128xf32> to vector<2000x128xf32>
    %mul3A_29 = arith.mulf %get3A_27, %mul3A_28 : vector<2000x128xf32>
    %broadcast_in_dim3A_30 = vector.shape_cast %sub3A_24 : vector<128xf32> to vector<1x128xf32>
    %add3A_31 = vector.broadcast %broadcast_in_dim3A_30 : vector<1x128xf32> to vector<2000x128xf32>
    %add3A_32 = arith.addf %mul3A_29, %add3A_31 : vector<2000x128xf32>
    %max3A = arith.constant 0.000000e+00 : f32
    %max3A_33 = vector.broadcast %max3A : f32 to vector<2000x128xf32>
    %max3A_34 = arith.maximumf %add3A_32, %max3A_33 : vector<2000x128xf32>
    %swap3A = arith.constant 0 : index
    %swap3A_35 = arith.constant 0 : index
    %swap3A_36 = vector.load %arg5[%swap3A, %swap3A_35] : memref<2000x128xf32, #tpu.memory_space<vmem>>, vector<2000x128xf32>
    tpu.vector_store %arg5[%swap3A, %swap3A_35], %max3A_34 {strides = array<i32>} : memref<2000x128xf32, #tpu.memory_space<vmem>>, vector<2000x128xf32>,
    return
  }
  func.func @transform_0(%arg0: i32) -> (i32, i32) {
    %c0_i32 = arith.constant 0 : i32
    %c0_i32_0 = arith.constant 0 : i32
    return %arg0, %c0_i32 : i32, i32
  }
  func.func @transform_1(%arg0: i32) -> (i32, i32) {
    %c0_i32 = arith.constant 0 : i32
    %c0_i32_0 = arith.constant 0 : i32
    %c0_i32_1 = arith.constant 0 : i32
    return %c0_i32, %c0_i32_0 : i32, i32
  }
  func.func @transform_2(%arg0: i32) -> (i32, i32) {
    %c0_i32 = arith.constant 0 : i32
    %c0_i32_0 = arith.constant 0 : i32
    %c0_i32_1 = arith.constant 0 : i32
    return %c0_i32, %c0_i32_0 : i32, i32
  }
  func.func @transform_3(%arg0: i32) -> (i32, i32) {
    %c0_i32 = arith.constant 0 : i32
    %c0_i32_0 = arith.constant 0 : i32
    %c0_i32_1 = arith.constant 0 : i32
    return %c0_i32, %c0_i32_0 : i32, i32
  }
  func.func @transform_4(%arg0: i32) -> (i32, i32) {
    %c0_i32 = arith.constant 0 : i32
    %c0_i32_0 = arith.constant 0 : i32
    return %arg0, %c0_i32 : i32, i32
  }
}

module attributes {stable_mosaic.version = 14 : i64} {
  func.func @body(%arg0: i32, %arg1: memref<2000x128xf32, #tpu.memory_space<vmem>>, %arg2: memref<2x2000x128xf32, #tpu.memory_space<vmem>>, %arg3: memref<1x1xf32, #tpu.memory_space<vmem>>, %arg4: memref<128x128xf32, #tpu.memory_space<vmem>>, %arg5: memref<1x128xf32, #tpu.memory_space<vmem>>, %arg6: memref<128x128xf32, #tpu.memory_space<vmem>>, %arg7: memref<1x128xf32, #tpu.memory_space<vmem>>, %arg8: memref<2000x128xf32, #tpu.memory_space<vmem>>, %arg9: memref<2x128xf32, #tpu.memory_space<vmem>>) attributes {dimension_semantics = [#tpu.dimension_semantics<arbitrary>], iteration_bounds = array<i64: 5>, scalar_prefetch = 0 : i64, scratch_operands = 0 : i64, tpu.core_type = #tpu.core_type<tc>, window_params = [{transform_indices = @transform_0, window_bounds = array<i64: 2000, 128>}, {transform_indices = @transform_1, window_bounds = array<i64: 2, 2000, 128>}, {pipeline_mode = #tpu.pipeline_mode<synchronous>, transform_indices = @transform_2, window_bounds = array<i64: 1, 1>}, {pipeline_mode = #tpu.pipeline_mode<synchronous>, transform_indices = @transform_3, window_bounds = array<i64: 128, 128>}, {pipeline_mode = #tpu.pipeline_mode<synchronous>, transform_indices = @transform_4, window_bounds = array<i64: 1, 128>}, {pipeline_mode = #tpu.pipeline_mode<synchronous>, transform_indices = @transform_5, window_bounds = array<i64: 128, 128>}, {pipeline_mode = #tpu.pipeline_mode<synchronous>, transform_indices = @transform_6, window_bounds = array<i64: 1, 128>}, {transform_indices = @transform_7, window_bounds = array<i64: 2000, 128>}, {pipeline_mode = #tpu.pipeline_mode<synchronous>, transform_indices = @transform_8, window_bounds = array<i64: 2, 128>}]} {
    %get3A = arith.constant 0 : index
    %get3A_0 = arith.constant 0 : index
    %get3A_1 = vector.load %arg3[%get3A, %get3A_0] : memref<1x1xf32, #tpu.memory_space<vmem>>, vector<1x1xf32>
    %get3A_2 = vector.extract %get3A_1[0, 0] : f32 from vector<1x1xf32>
    %add3A = arith.constant 1.000000e+00 : f32
    %add3A_3 = arith.addf %add3A, %get3A_2 : f32
    %get3A_4 = arith.constant 0 : index
    %get3A_5 = arith.constant 0 : index
    %get3A_6 = vector.load %arg1[%get3A_4, %get3A_5] : memref<2000x128xf32, #tpu.memory_space<vmem>>, vector<2000x128xf32>
    %mul3A = vector.broadcast %add3A_3 : f32 to vector<2000x128xf32>
    %mul3A_7 = arith.mulf %mul3A, %get3A_6 : vector<2000x128xf32>
    %get3A_8 = arith.constant 0 : index
    %get3A_9 = arith.constant 0 : index
    %get3A_10 = arith.constant 0 : index
    %get3A_11 = vector.load %arg2[%get3A_8, %get3A_9, %get3A_10] : memref<2x2000x128xf32, #tpu.memory_space<vmem>>, vector<1x2000x128xf32>
    %get3A_12 = vector.shape_cast %get3A_11 : vector<1x2000x128xf32> to vector<2000x128xf32>
    %get3A_13 = arith.constant 1 : index
    %get3A_14 = arith.constant 0 : index
    %get3A_15 = arith.constant 0 : index
    %get3A_16 = vector.load %arg2[%get3A_13, %get3A_14, %get3A_15] : memref<2x2000x128xf32, #tpu.memory_space<vmem>>, vector<1x2000x128xf32>
    %get3A_17 = vector.shape_cast %get3A_16 : vector<1x2000x128xf32> to vector<2000x128xf32>
    %add3A_18 = arith.addf %get3A_12, %get3A_17 : vector<2000x128xf32>
    %add3A_19 = arith.addf %mul3A_7, %add3A_18 : vector<2000x128xf32>
    %get3A_20 = arith.constant 0 : index
    %get3A_21 = arith.constant 0 : index
    %get3A_22 = vector.load %arg4[%get3A_20, %get3A_21] : memref<128x128xf32, #tpu.memory_space<vmem>>, vector<128x128xf32>
    %dot_general3A = arith.constant dense<0.000000e+00> : vector<2000x128xf32>
    %dot_general3A_23 = tpu.matmul %add3A_19, %get3A_22, %dot_general3A {dimension_numbers = #tpu.dot_dimension_numbers<[1], [0], [0], [1], [0, 0, 1, 1], [], []>, transpose_lhs_hint = false} : vector<2000x128xf32>, vector<128x128xf32>, vector<2000x128xf32> -> vector<2000x128xf32>
    %get3A_24 = arith.constant 0 : index
    %get3A_25 = arith.constant 0 : index
    %get3A_26 = vector.load %arg5[%get3A_24, %get3A_25] : memref<1x128xf32, #tpu.memory_space<vmem>>, vector<1x128xf32>
    %get3A_27 = vector.shape_cast %get3A_26 : vector<1x128xf32> to vector<128xf32>
    %broadcast_in_dim3A = vector.shape_cast %get3A_27 : vector<128xf32> to vector<1x128xf32>
    %add3A_28 = vector.broadcast %broadcast_in_dim3A : vector<1x128xf32> to vector<2000x128xf32>
    %add3A_29 = arith.addf %dot_general3A_23, %add3A_28 : vector<2000x128xf32>
    %max3A = arith.constant 0.000000e+00 : f32
    %max3A_30 = vector.broadcast %max3A : f32 to vector<2000x128xf32>
    %max3A_31 = arith.maximumf %add3A_29, %max3A_30 : vector<2000x128xf32>
    %get3A_32 = arith.constant 0 : index
    %get3A_33 = arith.constant 0 : index
    %get3A_34 = vector.load %arg6[%get3A_32, %get3A_33] : memref<128x128xf32, #tpu.memory_space<vmem>>, vector<128x128xf32>
    %dot_general3A_35 = arith.constant dense<0.000000e+00> : vector<2000x128xf32>
    %dot_general3A_36 = tpu.matmul %max3A_31, %get3A_34, %dot_general3A_35 {dimension_numbers = #tpu.dot_dimension_numbers<[1], [0], [0], [1], [0, 0, 1, 1], [], []>, transpose_lhs_hint = false} : vector<2000x128xf32>, vector<128x128xf32>, vector<2000x128xf32> -> vector<2000x128xf32>
    %get3A_37 = arith.constant 0 : index
    %get3A_38 = arith.constant 0 : index
    %get3A_39 = vector.load %arg7[%get3A_37, %get3A_38] : memref<1x128xf32, #tpu.memory_space<vmem>>, vector<1x128xf32>
    %get3A_40 = vector.shape_cast %get3A_39 : vector<1x128xf32> to vector<128xf32>
    %broadcast_in_dim3A_41 = vector.shape_cast %get3A_40 : vector<128xf32> to vector<1x128xf32>
    %add3A_42 = vector.broadcast %broadcast_in_dim3A_41 : vector<1x128xf32> to vector<2000x128xf32>
    %add3A_43 = arith.addf %dot_general3A_36, %add3A_42 : vector<2000x128xf32>
    %swap3A = arith.constant 0 : index
    %swap3A_44 = arith.constant 0 : index
    %swap3A_45 = vector.load %arg8[%swap3A, %swap3A_44] : memref<2000x128xf32, #tpu.memory_space<vmem>>, vector<2000x128xf32>
    tpu.vector_store %arg8[%swap3A, %swap3A_44], %add3A_43 {strides = array<i32>} : memref<2000x128xf32, #tpu.memory_space<vmem>>, vector<2000x128xf32>,
    %reduce_sum3A = arith.constant dense<0.000000e+00> : vector<128xf32>
    %reduce_sum3A_46 = vector.multi_reduction <add>, %add3A_43, %reduce_sum3A [0] : vector<2000x128xf32> to vector<128xf32>
    %broadcast_in_dim3A_47 = vector.shape_cast %reduce_sum3A_46 : vector<128xf32> to vector<1x128xf32>
    %mul3A_48 = arith.mulf %add3A_43, %add3A_43 : vector<2000x128xf32>
    %reduce_sum3A_49 = arith.constant dense<0.000000e+00> : vector<128xf32>
    %reduce_sum3A_50 = vector.multi_reduction <add>, %mul3A_48, %reduce_sum3A_49 [0] : vector<2000x128xf32> to vector<128xf32>
    %broadcast_in_dim3A_51 = vector.shape_cast %reduce_sum3A_50 : vector<128xf32> to vector<1x128xf32>
    %concatenate3A = tpu.concatenate %broadcast_in_dim3A_47, %broadcast_in_dim3A_51 in 0 : vector<1x128xf32>, vector<1x128xf32> -> vector<2x128xf32>
    %eq3A = arith.constant 0 : i32
    %eq3A_52 = arith.cmpi eq, %arg0, %eq3A : i32
    %convert_element_type3A = arith.extui %eq3A_52 : i1 to i32
    %cond3A = arith.constant 0 : i32
    %cond3A_53 = arith.cmpi ne, %convert_element_type3A, %cond3A : i32
    scf.if %cond3A_53 {
      %swap3A_58 = arith.constant 0 : index
      %swap3A_59 = arith.constant 0 : index
      %swap3A_60 = vector.load %arg9[%swap3A_58, %swap3A_59] : memref<2x128xf32, #tpu.memory_space<vmem>>, vector<2x128xf32>
      tpu.vector_store %arg9[%swap3A_58, %swap3A_59], %concatenate3A {strides = array<i32>} : memref<2x128xf32, #tpu.memory_space<vmem>>, vector<2x128xf32>,
    } else {
    }
    %gt3A = arith.constant 0 : i32
    %gt3A_54 = arith.cmpi sgt, %arg0, %gt3A : i32
    %convert_element_type3A_55 = arith.extui %gt3A_54 : i1 to i32
    %cond3A_56 = arith.constant 0 : i32
    %cond3A_57 = arith.cmpi ne, %convert_element_type3A_55, %cond3A_56 : i32
    scf.if %cond3A_57 {
      %get3A_58 = arith.constant 0 : index
      %get3A_59 = arith.constant 0 : index
      %get3A_60 = vector.load %arg9[%get3A_58, %get3A_59] : memref<2x128xf32, #tpu.memory_space<vmem>>, vector<2x128xf32>
      %add3A_61 = arith.addf %get3A_60, %concatenate3A : vector<2x128xf32>
      %swap3A_62 = arith.constant 0 : index
      %swap3A_63 = arith.constant 0 : index
      %swap3A_64 = vector.load %arg9[%swap3A_62, %swap3A_63] : memref<2x128xf32, #tpu.memory_space<vmem>>, vector<2x128xf32>
      tpu.vector_store %arg9[%swap3A_62, %swap3A_63], %add3A_61 {strides = array<i32>} : memref<2x128xf32, #tpu.memory_space<vmem>>, vector<2x128xf32>,
    } else {
    }
    return
  }
  func.func @transform_0(%arg0: i32) -> (i32, i32) {
    %c0_i32 = arith.constant 0 : i32
    %c0_i32_0 = arith.constant 0 : i32
    return %arg0, %c0_i32 : i32, i32
  }
  func.func @transform_1(%arg0: i32) -> (i32, i32, i32) {
    %c0_i32 = arith.constant 0 : i32
    %c0_i32_0 = arith.constant 0 : i32
    %c0_i32_1 = arith.constant 0 : i32
    return %c0_i32, %arg0, %c0_i32_0 : i32, i32, i32
  }
  func.func @transform_2(%arg0: i32) -> (i32, i32) {
    %c0_i32 = arith.constant 0 : i32
    %c0_i32_0 = arith.constant 0 : i32
    %c0_i32_1 = arith.constant 0 : i32
    return %c0_i32, %c0_i32_0 : i32, i32
  }
  func.func @transform_3(%arg0: i32) -> (i32, i32) {
    %c0_i32 = arith.constant 0 : i32
    %c0_i32_0 = arith.constant 0 : i32
    %c0_i32_1 = arith.constant 0 : i32
    return %c0_i32, %c0_i32_0 : i32, i32
  }
  func.func @transform_4(%arg0: i32) -> (i32, i32) {
    %c0_i32 = arith.constant 0 : i32
    %c0_i32_0 = arith.constant 0 : i32
    %c0_i32_1 = arith.constant 0 : i32
    return %c0_i32, %c0_i32_0 : i32, i32
  }
  func.func @transform_5(%arg0: i32) -> (i32, i32) {
    %c0_i32 = arith.constant 0 : i32
    %c0_i32_0 = arith.constant 0 : i32
    %c0_i32_1 = arith.constant 0 : i32
    return %c0_i32, %c0_i32_0 : i32, i32
  }
  func.func @transform_6(%arg0: i32) -> (i32, i32) {
    %c0_i32 = arith.constant 0 : i32
    %c0_i32_0 = arith.constant 0 : i32
    %c0_i32_1 = arith.constant 0 : i32
    return %c0_i32, %c0_i32_0 : i32, i32
  }
  func.func @transform_7(%arg0: i32) -> (i32, i32) {
    %c0_i32 = arith.constant 0 : i32
    %c0_i32_0 = arith.constant 0 : i32
    return %arg0, %c0_i32 : i32, i32
  }
  func.func @transform_8(%arg0: i32) -> (i32, i32) {
    %c0_i32 = arith.constant 0 : i32
    %c0_i32_0 = arith.constant 0 : i32
    %c0_i32_1 = arith.constant 0 : i32
    return %c0_i32, %c0_i32_0 : i32, i32
  }
}

module attributes {stable_mosaic.version = 14 : i64} {
  func.func @body(%arg0: i32, %arg1: memref<2000x128xf32, #tpu.memory_space<vmem>>, %arg2: memref<2x2000x128xf32, #tpu.memory_space<vmem>>, %arg3: memref<1x1xf32, #tpu.memory_space<vmem>>, %arg4: memref<128x256xf32, #tpu.memory_space<vmem>>, %arg5: memref<1x256xf32, #tpu.memory_space<vmem>>, %arg6: memref<256x256xf32, #tpu.memory_space<vmem>>, %arg7: memref<1x256xf32, #tpu.memory_space<vmem>>, %arg8: memref<2000x256xf32, #tpu.memory_space<vmem>>, %arg9: memref<2x256xf32, #tpu.memory_space<vmem>>) attributes {dimension_semantics = [#tpu.dimension_semantics<arbitrary>], iteration_bounds = array<i64: 5>, scalar_prefetch = 0 : i64, scratch_operands = 0 : i64, tpu.core_type = #tpu.core_type<tc>, window_params = [{transform_indices = @transform_0, window_bounds = array<i64: 2000, 128>}, {transform_indices = @transform_1, window_bounds = array<i64: 2, 2000, 128>}, {pipeline_mode = #tpu.pipeline_mode<synchronous>, transform_indices = @transform_2, window_bounds = array<i64: 1, 1>}, {pipeline_mode = #tpu.pipeline_mode<synchronous>, transform_indices = @transform_3, window_bounds = array<i64: 128, 256>}, {pipeline_mode = #tpu.pipeline_mode<synchronous>, transform_indices = @transform_4, window_bounds = array<i64: 1, 256>}, {pipeline_mode = #tpu.pipeline_mode<synchronous>, transform_indices = @transform_5, window_bounds = array<i64: 256, 256>}, {pipeline_mode = #tpu.pipeline_mode<synchronous>, transform_indices = @transform_6, window_bounds = array<i64: 1, 256>}, {transform_indices = @transform_7, window_bounds = array<i64: 2000, 256>}, {pipeline_mode = #tpu.pipeline_mode<synchronous>, transform_indices = @transform_8, window_bounds = array<i64: 2, 256>}]} {
    %get3A = arith.constant 0 : index
    %get3A_0 = arith.constant 0 : index
    %get3A_1 = vector.load %arg3[%get3A, %get3A_0] : memref<1x1xf32, #tpu.memory_space<vmem>>, vector<1x1xf32>
    %get3A_2 = vector.extract %get3A_1[0, 0] : f32 from vector<1x1xf32>
    %add3A = arith.constant 1.000000e+00 : f32
    %add3A_3 = arith.addf %add3A, %get3A_2 : f32
    %get3A_4 = arith.constant 0 : index
    %get3A_5 = arith.constant 0 : index
    %get3A_6 = vector.load %arg1[%get3A_4, %get3A_5] : memref<2000x128xf32, #tpu.memory_space<vmem>>, vector<2000x128xf32>
    %mul3A = vector.broadcast %add3A_3 : f32 to vector<2000x128xf32>
    %mul3A_7 = arith.mulf %mul3A, %get3A_6 : vector<2000x128xf32>
    %get3A_8 = arith.constant 0 : index
    %get3A_9 = arith.constant 0 : index
    %get3A_10 = arith.constant 0 : index
    %get3A_11 = vector.load %arg2[%get3A_8, %get3A_9, %get3A_10] : memref<2x2000x128xf32, #tpu.memory_space<vmem>>, vector<1x2000x128xf32>
    %get3A_12 = vector.shape_cast %get3A_11 : vector<1x2000x128xf32> to vector<2000x128xf32>
    %get3A_13 = arith.constant 1 : index
    %get3A_14 = arith.constant 0 : index
    %get3A_15 = arith.constant 0 : index
    %get3A_16 = vector.load %arg2[%get3A_13, %get3A_14, %get3A_15] : memref<2x2000x128xf32, #tpu.memory_space<vmem>>, vector<1x2000x128xf32>
    %get3A_17 = vector.shape_cast %get3A_16 : vector<1x2000x128xf32> to vector<2000x128xf32>
    %add3A_18 = arith.addf %get3A_12, %get3A_17 : vector<2000x128xf32>
    %add3A_19 = arith.addf %mul3A_7, %add3A_18 : vector<2000x128xf32>
    %get3A_20 = arith.constant 0 : index
    %get3A_21 = arith.constant 0 : index
    %get3A_22 = vector.load %arg4[%get3A_20, %get3A_21] : memref<128x256xf32, #tpu.memory_space<vmem>>, vector<128x256xf32>
    %dot_general3A = arith.constant dense<0.000000e+00> : vector<2000x256xf32>
    %dot_general3A_23 = tpu.matmul %add3A_19, %get3A_22, %dot_general3A {dimension_numbers = #tpu.dot_dimension_numbers<[1], [0], [0], [1], [0, 0, 1, 1], [], []>, transpose_lhs_hint = false} : vector<2000x128xf32>, vector<128x256xf32>, vector<2000x256xf32> -> vector<2000x256xf32>
    %get3A_24 = arith.constant 0 : index
    %get3A_25 = arith.constant 0 : index
    %get3A_26 = vector.load %arg5[%get3A_24, %get3A_25] : memref<1x256xf32, #tpu.memory_space<vmem>>, vector<1x256xf32>
    %get3A_27 = vector.shape_cast %get3A_26 : vector<1x256xf32> to vector<256xf32>
    %broadcast_in_dim3A = vector.shape_cast %get3A_27 : vector<256xf32> to vector<1x256xf32>
    %add3A_28 = vector.broadcast %broadcast_in_dim3A : vector<1x256xf32> to vector<2000x256xf32>
    %add3A_29 = arith.addf %dot_general3A_23, %add3A_28 : vector<2000x256xf32>
    %max3A = arith.constant 0.000000e+00 : f32
    %max3A_30 = vector.broadcast %max3A : f32 to vector<2000x256xf32>
    %max3A_31 = arith.maximumf %add3A_29, %max3A_30 : vector<2000x256xf32>
    %get3A_32 = arith.constant 0 : index
    %get3A_33 = arith.constant 0 : index
    %get3A_34 = vector.load %arg6[%get3A_32, %get3A_33] : memref<256x256xf32, #tpu.memory_space<vmem>>, vector<256x256xf32>
    %dot_general3A_35 = arith.constant dense<0.000000e+00> : vector<2000x256xf32>
    %dot_general3A_36 = tpu.matmul %max3A_31, %get3A_34, %dot_general3A_35 {dimension_numbers = #tpu.dot_dimension_numbers<[1], [0], [0], [1], [0, 0, 1, 1], [], []>, transpose_lhs_hint = false} : vector<2000x256xf32>, vector<256x256xf32>, vector<2000x256xf32> -> vector<2000x256xf32>
    %get3A_37 = arith.constant 0 : index
    %get3A_38 = arith.constant 0 : index
    %get3A_39 = vector.load %arg7[%get3A_37, %get3A_38] : memref<1x256xf32, #tpu.memory_space<vmem>>, vector<1x256xf32>
    %get3A_40 = vector.shape_cast %get3A_39 : vector<1x256xf32> to vector<256xf32>
    %broadcast_in_dim3A_41 = vector.shape_cast %get3A_40 : vector<256xf32> to vector<1x256xf32>
    %add3A_42 = vector.broadcast %broadcast_in_dim3A_41 : vector<1x256xf32> to vector<2000x256xf32>
    %add3A_43 = arith.addf %dot_general3A_36, %add3A_42 : vector<2000x256xf32>
    %swap3A = arith.constant 0 : index
    %swap3A_44 = arith.constant 0 : index
    %swap3A_45 = vector.load %arg8[%swap3A, %swap3A_44] : memref<2000x256xf32, #tpu.memory_space<vmem>>, vector<2000x256xf32>
    tpu.vector_store %arg8[%swap3A, %swap3A_44], %add3A_43 {strides = array<i32>} : memref<2000x256xf32, #tpu.memory_space<vmem>>, vector<2000x256xf32>,
    %reduce_sum3A = arith.constant dense<0.000000e+00> : vector<256xf32>
    %reduce_sum3A_46 = vector.multi_reduction <add>, %add3A_43, %reduce_sum3A [0] : vector<2000x256xf32> to vector<256xf32>
    %broadcast_in_dim3A_47 = vector.shape_cast %reduce_sum3A_46 : vector<256xf32> to vector<1x256xf32>
    %mul3A_48 = arith.mulf %add3A_43, %add3A_43 : vector<2000x256xf32>
    %reduce_sum3A_49 = arith.constant dense<0.000000e+00> : vector<256xf32>
    %reduce_sum3A_50 = vector.multi_reduction <add>, %mul3A_48, %reduce_sum3A_49 [0] : vector<2000x256xf32> to vector<256xf32>
    %broadcast_in_dim3A_51 = vector.shape_cast %reduce_sum3A_50 : vector<256xf32> to vector<1x256xf32>
    %concatenate3A = tpu.concatenate %broadcast_in_dim3A_47, %broadcast_in_dim3A_51 in 0 : vector<1x256xf32>, vector<1x256xf32> -> vector<2x256xf32>
    %eq3A = arith.constant 0 : i32
    %eq3A_52 = arith.cmpi eq, %arg0, %eq3A : i32
    %convert_element_type3A = arith.extui %eq3A_52 : i1 to i32
    %cond3A = arith.constant 0 : i32
    %cond3A_53 = arith.cmpi ne, %convert_element_type3A, %cond3A : i32
    scf.if %cond3A_53 {
      %swap3A_58 = arith.constant 0 : index
      %swap3A_59 = arith.constant 0 : index
      %swap3A_60 = vector.load %arg9[%swap3A_58, %swap3A_59] : memref<2x256xf32, #tpu.memory_space<vmem>>, vector<2x256xf32>
      tpu.vector_store %arg9[%swap3A_58, %swap3A_59], %concatenate3A {strides = array<i32>} : memref<2x256xf32, #tpu.memory_space<vmem>>, vector<2x256xf32>,
    } else {
    }
    %gt3A = arith.constant 0 : i32
    %gt3A_54 = arith.cmpi sgt, %arg0, %gt3A : i32
    %convert_element_type3A_55 = arith.extui %gt3A_54 : i1 to i32
    %cond3A_56 = arith.constant 0 : i32
    %cond3A_57 = arith.cmpi ne, %convert_element_type3A_55, %cond3A_56 : i32
    scf.if %cond3A_57 {
      %get3A_58 = arith.constant 0 : index
      %get3A_59 = arith.constant 0 : index
      %get3A_60 = vector.load %arg9[%get3A_58, %get3A_59] : memref<2x256xf32, #tpu.memory_space<vmem>>, vector<2x256xf32>
      %add3A_61 = arith.addf %get3A_60, %concatenate3A : vector<2x256xf32>
      %swap3A_62 = arith.constant 0 : index
      %swap3A_63 = arith.constant 0 : index
      %swap3A_64 = vector.load %arg9[%swap3A_62, %swap3A_63] : memref<2x256xf32, #tpu.memory_space<vmem>>, vector<2x256xf32>
      tpu.vector_store %arg9[%swap3A_62, %swap3A_63], %add3A_61 {strides = array<i32>} : memref<2x256xf32, #tpu.memory_space<vmem>>, vector<2x256xf32>,
    } else {
    }
    return
  }
  func.func @transform_0(%arg0: i32) -> (i32, i32) {
    %c0_i32 = arith.constant 0 : i32
    %c0_i32_0 = arith.constant 0 : i32
    return %arg0, %c0_i32 : i32, i32
  }
  func.func @transform_1(%arg0: i32) -> (i32, i32, i32) {
    %c0_i32 = arith.constant 0 : i32
    %c0_i32_0 = arith.constant 0 : i32
    %c0_i32_1 = arith.constant 0 : i32
    return %c0_i32, %arg0, %c0_i32_0 : i32, i32, i32
  }
  func.func @transform_2(%arg0: i32) -> (i32, i32) {
    %c0_i32 = arith.constant 0 : i32
    %c0_i32_0 = arith.constant 0 : i32
    %c0_i32_1 = arith.constant 0 : i32
    return %c0_i32, %c0_i32_0 : i32, i32
  }
  func.func @transform_3(%arg0: i32) -> (i32, i32) {
    %c0_i32 = arith.constant 0 : i32
    %c0_i32_0 = arith.constant 0 : i32
    %c0_i32_1 = arith.constant 0 : i32
    return %c0_i32, %c0_i32_0 : i32, i32
  }
  func.func @transform_4(%arg0: i32) -> (i32, i32) {
    %c0_i32 = arith.constant 0 : i32
    %c0_i32_0 = arith.constant 0 : i32
    %c0_i32_1 = arith.constant 0 : i32
    return %c0_i32, %c0_i32_0 : i32, i32
  }
  func.func @transform_5(%arg0: i32) -> (i32, i32) {
    %c0_i32 = arith.constant 0 : i32
    %c0_i32_0 = arith.constant 0 : i32
    %c0_i32_1 = arith.constant 0 : i32
    return %c0_i32, %c0_i32_0 : i32, i32
  }
  func.func @transform_6(%arg0: i32) -> (i32, i32) {
    %c0_i32 = arith.constant 0 : i32
    %c0_i32_0 = arith.constant 0 : i32
    %c0_i32_1 = arith.constant 0 : i32
    return %c0_i32, %c0_i32_0 : i32, i32
  }
  func.func @transform_7(%arg0: i32) -> (i32, i32) {
    %c0_i32 = arith.constant 0 : i32
    %c0_i32_0 = arith.constant 0 : i32
    return %arg0, %c0_i32 : i32, i32
  }
  func.func @transform_8(%arg0: i32) -> (i32, i32) {
    %c0_i32 = arith.constant 0 : i32
    %c0_i32_0 = arith.constant 0 : i32
    %c0_i32_1 = arith.constant 0 : i32
    return %c0_i32, %c0_i32_0 : i32, i32
  }
}

module attributes {stable_mosaic.version = 14 : i64} {
  func.func @body(%arg0: memref<2000x256xf32, #tpu.memory_space<vmem>>, %arg1: memref<2x256xf32, #tpu.memory_space<vmem>>, %arg2: memref<1x256xf32, #tpu.memory_space<vmem>>, %arg3: memref<1x256xf32, #tpu.memory_space<vmem>>, %arg4: memref<256x256xf32, #tpu.memory_space<vmem>>, %arg5: memref<1x256xf32, #tpu.memory_space<vmem>>, %arg6: memref<1x256xf32, #tpu.memory_space<vmem>>, %arg7: memref<256x2xf32, #tpu.memory_space<vmem>>, %arg8: memref<1x2xf32, #tpu.memory_space<vmem>>, %arg9: memref<2000x2xf32, #tpu.memory_space<vmem>>) attributes {dimension_semantics = [], scalar_prefetch = 0 : i64, scratch_operands = 0 : i64, tpu.core_type = #tpu.core_type<tc>} {
    %get3A = arith.constant 0 : index
    %get3A_0 = arith.constant 0 : index
    %get3A_1 = vector.load %arg1[%get3A, %get3A_0] : memref<2x256xf32, #tpu.memory_space<vmem>>, vector<1x256xf32>
    %get3A_2 = vector.shape_cast %get3A_1 : vector<1x256xf32> to vector<256xf32>
    %div3A = arith.constant 1.000000e+04 : f32
    %div3A_3 = vector.broadcast %div3A : f32 to vector<256xf32>
    %div3A_4 = arith.divf %get3A_2, %div3A_3 : vector<256xf32>
    %get3A_5 = arith.constant 1 : index
    %get3A_6 = arith.constant 0 : index
    %get3A_7 = vector.load %arg1[%get3A_5, %get3A_6] : memref<2x256xf32, #tpu.memory_space<vmem>>, vector<1x256xf32>
    %get3A_8 = vector.shape_cast %get3A_7 : vector<1x256xf32> to vector<256xf32>
    %div3A_9 = arith.constant 1.000000e+04 : f32
    %div3A_10 = vector.broadcast %div3A_9 : f32 to vector<256xf32>
    %div3A_11 = arith.divf %get3A_8, %div3A_10 : vector<256xf32>
    %mul3A = arith.mulf %div3A_4, %div3A_4 : vector<256xf32>
    %sub3A = arith.subf %div3A_11, %mul3A : vector<256xf32>
    %get3A_12 = arith.constant 0 : index
    %get3A_13 = arith.constant 0 : index
    %get3A_14 = vector.load %arg2[%get3A_12, %get3A_13] : memref<1x256xf32, #tpu.memory_space<vmem>>, vector<1x256xf32>
    %get3A_15 = vector.shape_cast %get3A_14 : vector<1x256xf32> to vector<256xf32>
    %add3A = arith.constant 9.99999974E-6 : f32
    %add3A_16 = vector.broadcast %add3A : f32 to vector<256xf32>
    %add3A_17 = arith.addf %sub3A, %add3A_16 : vector<256xf32>
    %rsqrt3A = math.rsqrt %add3A_17 : vector<256xf32>
    %mul3A_18 = arith.mulf %get3A_15, %rsqrt3A : vector<256xf32>
    %get3A_19 = arith.constant 0 : index
    %get3A_20 = arith.constant 0 : index
    %get3A_21 = vector.load %arg3[%get3A_19, %get3A_20] : memref<1x256xf32, #tpu.memory_space<vmem>>, vector<1x256xf32>
    %get3A_22 = vector.shape_cast %get3A_21 : vector<1x256xf32> to vector<256xf32>
    %mul3A_23 = arith.mulf %div3A_4, %mul3A_18 : vector<256xf32>
    %sub3A_24 = arith.subf %get3A_22, %mul3A_23 : vector<256xf32>
    %get3A_25 = arith.constant 0 : index
    %get3A_26 = arith.constant 0 : index
    %get3A_27 = vector.load %arg0[%get3A_25, %get3A_26] : memref<2000x256xf32, #tpu.memory_space<vmem>>, vector<2000x256xf32>
    %broadcast_in_dim3A = vector.shape_cast %mul3A_18 : vector<256xf32> to vector<1x256xf32>
    %mul3A_28 = vector.broadcast %broadcast_in_dim3A : vector<1x256xf32> to vector<2000x256xf32>
    %mul3A_29 = arith.mulf %get3A_27, %mul3A_28 : vector<2000x256xf32>
    %broadcast_in_dim3A_30 = vector.shape_cast %sub3A_24 : vector<256xf32> to vector<1x256xf32>
    %add3A_31 = vector.broadcast %broadcast_in_dim3A_30 : vector<1x256xf32> to vector<2000x256xf32>
    %add3A_32 = arith.addf %mul3A_29, %add3A_31 : vector<2000x256xf32>
    %get3A_33 = arith.constant 0 : index
    %get3A_34 = arith.constant 0 : index
    %get3A_35 = vector.load %arg4[%get3A_33, %get3A_34] : memref<256x256xf32, #tpu.memory_space<vmem>>, vector<256x256xf32>
    %dot_general3A = arith.constant dense<0.000000e+00> : vector<2000x256xf32>
    %dot_general3A_36 = tpu.matmul %add3A_32, %get3A_35, %dot_general3A {dimension_numbers = #tpu.dot_dimension_numbers<[1], [0], [0], [1], [0, 0, 1, 1], [], []>, transpose_lhs_hint = false} : vector<2000x256xf32>, vector<256x256xf32>, vector<2000x256xf32> -> vector<2000x256xf32>
    %get3A_37 = arith.constant 0 : index
    %get3A_38 = arith.constant 0 : index
    %get3A_39 = vector.load %arg5[%get3A_37, %get3A_38] : memref<1x256xf32, #tpu.memory_space<vmem>>, vector<1x256xf32>
    %get3A_40 = vector.shape_cast %get3A_39 : vector<1x256xf32> to vector<256xf32>
    %broadcast_in_dim3A_41 = vector.shape_cast %get3A_40 : vector<256xf32> to vector<1x256xf32>
    %add3A_42 = vector.broadcast %broadcast_in_dim3A_41 : vector<1x256xf32> to vector<2000x256xf32>
    %add3A_43 = arith.addf %dot_general3A_36, %add3A_42 : vector<2000x256xf32>
    %gt3A = arith.constant 0.000000e+00 : f32
    %gt3A_44 = vector.broadcast %gt3A : f32 to vector<2000x256xf32>
    %gt3A_45 = arith.cmpf ogt, %add3A_43, %gt3A_44 : vector<2000x256xf32>
    %get3A_46 = arith.constant 0 : index
    %get3A_47 = arith.constant 0 : index
    %get3A_48 = vector.load %arg6[%get3A_46, %get3A_47] : memref<1x256xf32, #tpu.memory_space<vmem>>, vector<1x256xf32>
    %get3A_49 = vector.shape_cast %get3A_48 : vector<1x256xf32> to vector<256xf32>
    %broadcast_in_dim3A_50 = vector.shape_cast %get3A_49 : vector<256xf32> to vector<1x256xf32>
    %mul3A_51 = vector.broadcast %broadcast_in_dim3A_50 : vector<1x256xf32> to vector<2000x256xf32>
    %mul3A_52 = arith.mulf %mul3A_51, %add3A_43 : vector<2000x256xf32>
    %select_n3A = arith.select %gt3A_45, %add3A_43, %mul3A_52 : vector<2000x256xi1>, vector<2000x256xf32>
    %get3A_53 = arith.constant 0 : index
    %get3A_54 = arith.constant 0 : index
    %get3A_55 = vector.load %arg7[%get3A_53, %get3A_54] : memref<256x2xf32, #tpu.memory_space<vmem>>, vector<256x2xf32>
    %dot_general3A_56 = arith.constant dense<0.000000e+00> : vector<2000x2xf32>
    %dot_general3A_57 = tpu.matmul %select_n3A, %get3A_55, %dot_general3A_56 {dimension_numbers = #tpu.dot_dimension_numbers<[1], [0], [0], [1], [0, 0, 1, 1], [], []>, transpose_lhs_hint = false} : vector<2000x256xf32>, vector<256x2xf32>, vector<2000x2xf32> -> vector<2000x2xf32>
    %get3A_58 = arith.constant 0 : index
    %get3A_59 = arith.constant 0 : index
    %get3A_60 = vector.load %arg8[%get3A_58, %get3A_59] : memref<1x2xf32, #tpu.memory_space<vmem>>, vector<1x2xf32>
    %get3A_61 = vector.shape_cast %get3A_60 : vector<1x2xf32> to vector<2xf32>
    %broadcast_in_dim3A_62 = vector.shape_cast %get3A_61 : vector<2xf32> to vector<1x2xf32>
    %add3A_63 = vector.broadcast %broadcast_in_dim3A_62 : vector<1x2xf32> to vector<2000x2xf32>
    %add3A_64 = arith.addf %dot_general3A_57, %add3A_63 : vector<2000x2xf32>
    %swap3A = arith.constant 0 : index
    %swap3A_65 = arith.constant 0 : index
    %swap3A_66 = vector.load %arg9[%swap3A, %swap3A_65] : memref<2000x2xf32, #tpu.memory_space<vmem>>, vector<2000x2xf32>
    tpu.vector_store %arg9[%swap3A, %swap3A_65], %add3A_64 {strides = array<i32>} : memref<2000x2xf32, #tpu.memory_space<vmem>>, vector<2000x2xf32>,
    return
  }
}

</mosaic_0001>

<sc_bundles>
// kernel: kernel.15.cloned.1.call-start
scs
__scs_entry_jumppad:
0x0: {  	(pc) =	sbr.rel $0x88, $3  }
0x1: {  	(tag) =	ssettag $0x0;
	lr =	simm.s32 $0x1  }
0x2: {  	[smem:$0x3F7D] =	sst lr;
	_ =	strace $0xD0000000  }
0x3: {  	_ = 	snop  }
0x4: {  	_ = 	snop  }
0x5: {  	_ = 	snop  }
0x6: {  	_ = 	snop  }
0x7: {  	_ = 	snop  }
__scs_overlays_trampoline_lowered:
0x8: {  	[smem:$0x3F8C] =	sst s0  }
0x9: {  	[smem:$0x3F8D] =	sst s1  }
0xa: {  	[smem:$0x3F8E] =	sst s2  }
0xb: {  	[smem:$0x3F8F] =	sst s3  }
0xc: {  	[smem:$0x3F90] =	sst s4  }
0xd: {  	[smem:$0x3F91] =	sst s5  }
0xe: {  	[smem:$0x3F92] =	sst s6  }
0xf: {  	[smem:$0x3F93] =	sst s7  }
0x10: {  	[smem:$0x3F94] =	sst s8  }
0x11: {  	[smem:$0x3F95] =	sst s9;
	s0 =	simm.s32 @!p0 $0x0  }
0x12: {  	s1 =	sld [smem:$0x3F7B];
	s0 =	simm.s32 @p0 $0x1  }
0x13: {  	[smem:$0x3F96] =	sst s0;
	s0 =	simm.s32 @!p1 $0x0  }
0x14: {  	s2 =	sld [smem:$0x3F7A];
	s0 =	simm.s32 @p1 $0x1  }
0x15: {  	[smem:$0x3F97] =	sst s0;
	s0 =	simm.s32 @!p2 $0x0  }
0x16: {  	s3 =	sld [smem:$0x3FDB];
	s0 =	simm.s32 @p2 $0x1  }
0x17: {  	s4 =	simm.s32 $0x1BF5;
	[smem:$0x3F99] =	sst s0  }
0x18: {  	s0 =	sld [smem:$0x3F7C];
	_ =	swait.ge [sflag:s4], $0x0  }
0x19: {  	s7 =	sld [smem:$0x3F7D]  }
0x1a: {  	s8 =	sadd.s32 $0xFFFFE003, lr  }
0x1b: {  	s9 =	sadd.s32 $0xFFFFFEF7, lr;
	s5 =	simm.s32 $0xFFFFFFFF;
	p2 =	slt.u32 s8, $0xFFFFF086  }
0x1c: {  	p1 =	slt.u32 s9, $0xF7A;
	s5 =	simm.s32 @!p2 $0x0  }
0x1d: {  	s5 =	simm.s32 @p1 $0x1;
	p0 =	seq.s32 s7, s2  }
0x1e: {  	s7 =	smul.u32 @!p0 $0xF7A, s2;
	p2 =	seq.s32 @!p0 s5, $0x0  }
0x1f: {  	s9 =	smul.u32 $0xF7A, s1;
	s8 =	simm.s32 @!p0 $0x1BF5;
	p2 =	por !p2, p0  }
0x20: {  	[sflag:s8] =	ssyncset.s32 @!p0 $0xFFFFF086;
	s6 =	sadd.s32 @!p0 s3, s7;
	s7 =	simm.s32 @!p0 $0x108  }
0x21: {  	s3 =	sadd.s32 s3, s9;
	s6 =	sadd.s32 @!p0 $0x88, s6;
	s7 =	simm.s32 @p2 $0x1082  }
0x22: {  	[simem:s7], [sflag:s8] =	dma.local @!p0 [hbm:s6], $0xF7A  }
0x23: {  	s9 =	sor.u32 $0xD0000000, s2;
	s6 =	simm.s32 $0x108;
	_ =	swait.ge @!p0 [sflag:s8], $0x0  }
0x24: {  	s3 =	sadd.s32 $0x88, s3;
	s6 =	simm.s32 @!p1 $0x1082;
	[sflag:s4] =	ssyncset.s32 $0xFFFFF086  }
0x25: {  	[simem:s6], [sflag:s4] =	dma.local [hbm:s3], $0xF7A  }
0x26: {  	[smem:$0x3F7D] =	sst s1;
	(tag) =	ssettag s2;
	_ =	strace s9  }
0x27: {  	s1 =	sld [smem:$0x3F8D]  }
0x28: {  	s2 =	sld [smem:$0x3F8E]  }
0x29: {  	s4 =	sld [smem:$0x3F90]  }
0x2a: {  	p0 =	seq.s32 s5, $0x0;
	s5 =	sld [smem:$0x3F91]  }
0x2b: {  	s6 =	sld [smem:$0x3F92]  }
0x2c: {  	s7 =	sld [smem:$0x3F93]  }
0x2d: {  	s3 =	simm.s32 $0x108;
	s8 =	sld [smem:$0x3F94]  }
0x2e: {  	s3 =	simm.s32 @!p0 $0x1082;
	s9 =	sld [smem:$0x3F95]  }
0x2f: {  	lr =	sadd.s32 s0, s3;
	s0 =	sld [smem:$0x3F8C]  }
0x30: {  	s3 =	sld [smem:$0x3F8F]  }
0x31: {  	[smem:$0x3F98] =	sst s10  }
0x32: {  	s10 =	sld [smem:$0x3F96];
	_ =	sdelay $0x3  }
0x33: {  	p0 =	seq.s32 s10, $0x1;
	s10 =	sld [smem:$0x3F98];
	_ =	sdelay $0x3  }
0x34: {  	[smem:$0x3F98] =	sst s10  }
0x35: {  	s10 =	sld [smem:$0x3F97];
	_ =	sdelay $0x3  }
0x36: {  	p1 =	seq.s32 s10, $0x1;
	s10 =	sld [smem:$0x3F98];
	_ =	sdelay $0x3  }
0x37: {  	[smem:$0x3F98] =	sst s10  }
0x38: {  	s10 =	sld [smem:$0x3F99]  }
0x39: {  	_ = 	snop;
	(pc) =	sbr.ind lr, $3  }
0x3a: {  	_ = 	snop  }
0x3b: {  	_ = 	snop  }
0x3c: {  	p2 =	seq.s32 s10, $0x1;
	s10 =	sld [smem:$0x3F98]  }
0x3d: {  	_ =	shalt  }
0x3e: {  	_ =	shalt  }
0x3f: {  	_ =	shalt  }
0x40: {  	_ =	shalt  }
0x41: {  	_ =	shalt  }
0x42: {  	_ =	shalt  }
0x43: {  	_ =	shalt  }
0x44: {  	_ =	shalt  }
0x45: {  	_ =	shalt  }
0x46: {  	_ =	shalt  }
0x47: {  	_ =	shalt  }
0x48: {  	_ =	shalt  }
0x49: {  	_ =	shalt  }
0x4a: {  	_ =	shalt  }
0x4b: {  	_ =	shalt  }
0x4c: {  	_ =	shalt  }
0x4d: {  	_ =	shalt  }
0x4e: {  	_ =	shalt  }
0x4f: {  	_ =	shalt  }
0x50: {  	_ =	shalt  }
0x51: {  	_ =	shalt  }
0x52: {  	_ =	shalt  }
0x53: {  	_ =	shalt  }
0x54: {  	_ =	shalt  }
0x55: {  	_ =	shalt  }
0x56: {  	_ =	shalt  }
0x57: {  	_ =	shalt  }
0x58: {  	_ =	shalt  }
0x59: {  	_ =	shalt  }
0x5a: {  	_ =	shalt  }
0x5b: {  	_ =	shalt  }
0x5c: {  	_ =	shalt  }
0x5d: {  	_ =	shalt  }
0x5e: {  	_ =	shalt  }
0x5f: {  	_ =	shalt  }
0x60: {  	_ =	shalt  }
0x61: {  	_ =	shalt  }
0x62: {  	_ =	shalt  }
0x63: {  	_ =	shalt  }
0x64: {  	_ =	shalt  }
0x65: {  	_ =	shalt  }
0x66: {  	_ =	shalt  }
0x67: {  	_ =	shalt  }
0x68: {  	_ =	shalt  }
0x69: {  	_ =	shalt  }
0x6a: {  	_ =	shalt  }
0x6b: {  	_ =	shalt  }
0x6c: {  	_ =	shalt  }
0x6d: {  	_ =	shalt  }
0x6e: {  	_ =	shalt  }
0x6f: {  	_ =	shalt  }
0x70: {  	_ =	shalt  }
0x71: {  	_ =	shalt  }
0x72: {  	_ =	shalt  }
0x73: {  	_ =	shalt  }
0x74: {  	_ =	shalt  }
0x75: {  	_ =	shalt  }
0x76: {  	_ =	shalt  }
0x77: {  	_ =	shalt  }
0x78: {  	_ =	shalt  }
0x79: {  	_ =	shalt  }
0x7a: {  	_ =	shalt  }
0x7b: {  	_ =	shalt  }
0x7c: {  	_ =	shalt  }
0x7d: {  	_ =	shalt  }
0x7e: {  	_ =	shalt  }
0x7f: {  	_ =	shalt  }
0x80: {  	_ =	shalt  }
0x81: {  	_ =	shalt  }
0x82: {  	_ =	shalt  }
0x83: {  	_ =	shalt  }
0x84: {  	_ =	shalt  }
0x85: {  	_ =	shalt  }
0x86: {  	_ =	shalt  }
0x87: {  	_ =	shalt  }
.Lfunc_end0:
.L_simem_size_0:
called_computation_lowered:
.L_overlay_start_0:
0x88: {  	s2 =	sld [smem:$0x3FD9]  }
0x89: {  	s3 =	sld [smem:$0x3FFE];
	_ =	sdelay $0x1  }
0x8a: {  	s1 =	srdreg.scid  }
0x8b: {  	s0 =	sand.u32 $0x1, s1  }
0x8c: {  	s16 =	sshll.u32 s0, $0xA;
	s2 =	sadd.s32 s3, s2  }
0x8d: {  	s2 =	sadd.s32 s2, s16  }
0x8e: {  	[smem:$0x3FA4] =	sst s2  }
0x8f: {  	_ = 	snop  }
0x90: {  	(tm) =	ssettm $0x1  }
0x91: {  	s17 =	sld [smem:$0x3FFB];
	_ =	sdelay $0x3  }
0x92: {  	_ =	strace s17  }
0x93: {  	s2 =	sld [smem:$0x3FFC];
	_ =	sdelay $0x3  }
0x94: {  	_ =	strace s2  }
0x95: {  	s2 =	sld [smem:$0x3FFD];
	_ =	sdelay $0x3  }
0x96: {  	_ =	strace s2  }
0x97: {  	_ =	strace $0x8FFFFFFF  }
0x98: {  	s18 =	sld [smem:$0x3FDB];
	_ =	sdelay $0x1  }
0x99: {  	s19 =	simm.s32 $_scs_section_size  }
0x9a: {  	s4 =	simm.s32 $_size__tile_overlayer_lowered;
	s5 =	simm.s32 $_tile_overlayer_lowered  }
0x9b: {  	s22 =	simm.s32 $0x1BFF;
	s21 =	sshll.u32 s5, $0x1;
	s2 =	sadd.s32 s19, s18  }
0x9c: {  	s6 =	simm.s32 $0x0;
	s20 =	sshll.u32 s4, $0x1;
	s4 =	sadd.s32 s21, s2  }
0x9d: {  	[timem:s6], [sflag:s22] =	dma.local [hbm:s4], s20  }
0x9e: {  	_ =	swait.ge [sflag:s22], s20  }
0x9f: {  	s3 =	ssub.s32 $0x0, s20;
	[sflag:s22] =	ssyncset.done $0x0  }
0xa0: {  	[sflag:s22] =	ssyncadd.s32 s3;
	_ =	sdelay $0x1  }
0xa1: {  	s23 =	simm.s32 $0x1B8B  }
0xa2: {  	_ =	swait.ge [sflag:s23], $0x1  }
0xa3: {  	[sflag:s23] =	ssyncset.done $0x0  }
0xa4: {  	s25 =	simm.s32 $0x1B8E;
	s24 =	sld [smem:$0x3FFE];
	[sflag:s23] =	ssyncadd.s32 $0xFFFFFFFF  }
0xa5: {  	s26 =	simm.s32 $execute0_lowered;
	[smem:$0x3FD2] =	sst s25  }
0xa6: {  	s4 =	sshll.u32 s26, $0x1;
	_ =	strace $0x80000046;
	[dreg:$0x1] =	wrdreg $0xFFFFFFFF  }
0xa7: {  	s28 =	simm.s32 $_size_execute0_lowered;
	s2 =	sadd.s32 s2, s4;
	[dreg:$0x0] =	wrdreg $0x0  }
0xa8: {  	s4 =	sshll.u32 s28, $0x1;
	[dreg:$0x2] =	wrdreg s2  }
0xa9: {  	[dreg:$0x3] =	wrdreg s4  }
0xaa: {  	[dreg:$0x4] =	wrdreg $0xC0  }
0xab: {  	_ =	task [dreg:s6], $0x5FFFF  }
0xac: {  	[dreg:$0x1] =	wrdreg $0xFFFFFFFF  }
0xad: {  	[dreg:$0x0] =	wrdreg $0x60  }
0xae: {  	[dreg:$0x2] =	wrdreg s24  }
0xaf: {  	[dreg:$0x3] =	wrdreg $0xA8000  }
0xb0: {  	[dreg:$0x4] =	wrdreg $0x9  }
0xb1: {  	_ =	task.clear_ibuf [dreg:s6], $0x5FFFF;
	_ =	strace $0x90000046  }
0xb2: {  	s29 =	simm.s32 $0x9;
	_ =	strace $0x80000048  }
0xb3: {  	_ =	swait.ge [sflag:s29], $0x1  }
0xb4: {  	[sflag:s29] =	ssyncadd.s32 $0xFFFFFFFF  }
0xb5: {  	_ =	strace $0x90000048  }
0xb6: {  	_ =	sfence  }
0xb7: {  	s30 =	sld [smem:$0x0];
	_ =	sdelay $0x2  }
0xb8: {  	s31 =	sshll.u32 s1, $0xD;
	s1 =	sshrl.u32 s1, $0x2  }
0xb9: {  	s3 =	sand.u32 $0x4000, s31;
	s1 =	sadd.s32 s1, s30  }
0xba: {  	s0 =	sor.u32 s3, s0;
	s1 =	sshll.u32 s1, $0x11  }
0xbb: {  	s0 =	sor.u32 s1, s0  }
0xbc: {  	s0 =	sadd.s32 $0x8F2B, s0  }
0xbd: {  	[sflag:s0] =	ssyncadd.remote.s32 $0x1  }
0xbe: {  	_ =	sfence.sel $0xFFFF  }
0xbf: {  	[dreg:$0x0] =	wrdreg $0xFFFFFFFF;
	(pc) =	sbr.abs _section_cstart, $3  }
0xc0: {  	[dreg:$0x1] =	wrdreg $0xFFFFFFFF  }
0xc1: {  	_ =	task.clear_ibuf [dreg:s6], $0x2FFFF;
	_ =	strace $0x9FFFFFFF  }
0xc2: {  	(tm) =	ssettm $0x7FFFFFFF  }
0xc3: {  	_ =	shalt  }
tec
execute0_lowered:
.L_overlay_start_1:
0x0: {  	(tag) =	ssettag $0x1  }
0x1: {  	s0 =	srdreg.scid;
	s17 =	rddreg [dreg:$0x0]  }
0x2: {  	s3 =	stileid.u32;
	s2 =	rddreg [dreg:$0x1];
	s4 =	simm.s32 $0x0  }
0x3: {  	s20 =	simm.s32 $0x3;
	s22 =	simm.s32 $0x2800;
	s23 =	simm.s32 $0x80  }
0x4: {  	s24 =	simm.s32 $0x6800;
	s25 =	simm.s32 $0x1;
	s26 =	simm.s32 $0x2  }
0x5: {  	s28 =	simm.s32 $0x8;
	s29 =	simm.s32 $0x200;
	s30 =	simm.s32 $0x0  }
0x6: {  	s0 =	sand.u32 $0x1, s0;
	s5 =	smul.u32 $0x4F000, s3;
	[smem:$0x7FF] =	sst s4  }
0x7: {  	s4 =	sadd.s32 $0x6200, s17;
	s13 =	sadd.s32 $0x2D300, s17;
	s15 =	sadd.s32 $0x54400, s17  }
0x8: {  	s1 =	sshll.u32 s0, $0x4;
	s6 =	smul.u32 $0x4F0000, s0;
	s0 =	ssub.s32 $0x2, s0  }
0x9: {  	_ =	strace $0x80000047;
	s1 =	sor.u32 s3, s1;
	s7 =	sshrl.u32 s0, $0x1  }
0xa: {  	s1 =	smul.u32 $0x280, s1;
	s6 =	sadd.s32 s5, s6;
	s5 =	sshrl.u32 s5, $0x2  }
0xb: {  	s0 =	ssub.s32 s0, s7;
	s6 =	sshrl.u32 s6, $0x3;
	s5 =	sadd.s32 s5, s2  }
0xc: {  	s19 =	smax.u32 s0, $0x1;
	s1 =	sadd.s32 s1, s17;
	s18 =	sadd.s32 s6, s17  }
0xd: {  	s8 =	sadd.s32 $0x4000, s5;
	s9 =	sadd.s32 $0x8000, s5;
	s10 =	sadd.s32 $0xC000, s5  }
0xe: {  	s11 =	sadd.s32 $0x10000, s5;
	s17 =	sadd.s32 $0x7B500, s17;
	s31 =	sadd.s32 $0xA2600, s1  }
0xf: {  	s7 =	sadd.s32 $0xA7600, s1;
	s12 =	sadd.s32 $0xAC600, s18;
	s14 =	sadd.s32 $0xAC680, s18  }
0x10: {  	v0 =	vimm.f32 $0.0e+00;
	s16 =	sadd.s32 $0xAC700, s18;
	s18 =	sadd.s32 $0xAC780, s18;
	[dreg:$0x3] =	wrdreg s31  }
.LBB2_1:
0x11: {  	s0 =	simm.s32 $0x0;
	s1 =	rddreg [dreg:$0x3]  }
0x12: {  	[tilespmem:s0], [sflag:$0x3] =	stream.linear.gather [hbm4b:s1+s0], $0x1400, $0x38;
	[tilespmem:$0x1E400] =	vst v63  }
0x13: {  	_ =	swait.ge [sflag:s20], $0x1400  }
0x14: {  	[sflag:s20] =	ssyncset.done $0x0  }
0x15: {  	s31 =	simm.s32 $0x1400;
	[sflag:s20] =	ssyncadd.s32 $0xFFFFEC00  }
0x16: {  	[tilespmem:s31], [sflag:$0x3] =	stream.linear.gather [hbm4b:s7+s0], $0x1400, $0x38;
	[tilespmem:$0x1E400] =	vst v63  }
0x17: {  	_ =	swait.ge [sflag:s20], $0x1400  }
0x18: {  	[sflag:s20] =	ssyncset.done $0x0  }
0x19: {  	s21 =	simm.s32 $0x200;
	s1 =	simm.s32 $0x0;
	[sflag:s20] =	ssyncadd.s32 $0xFFFFEC00  }
.LBB2_2:
0x1a: {  	p0 =	sne.s32 s21, $0xFE00;
	[tilespmem:s1+$0x2870] =	vst v0  }
0x1b: {  	[tilespmem:s1+$0x2800] =	vst v0  }
0x1c: {  	[tilespmem:s1+$0x2810] =	vst v0  }
.Ltmp0:
0x1d: {  	[tilespmem:s1+$0x2820] =	vst v0;
	(pc) =	sbr.rel @p0 .LBB2_2-.Ltmp0, $4  }
0x1e: {  	[tilespmem:s1+$0x2830] =	vst v0  }
0x1f: {  	[tilespmem:s1+$0x2840] =	vst v0  }
0x20: {  	[tilespmem:s1+$0x2850] =	vst v0  }
0x21: {  	[tilespmem:s1+$0x2860] =	vst v0;
	s1 =	sshra.s32 s21, $0x2;
	s21 =	sadd.s32 $0x200, s21  }
0x22: {  	[tilespmem:s1+$0x2870] =	vst v0  }
0x23: {  	[tilespmem:s1+$0x2800] =	vst v0  }
0x24: {  	[tilespmem:s1+$0x2810] =	vst v0  }
0x25: {  	[tilespmem:s1+$0x2820] =	vst v0  }
0x26: {  	[tilespmem:s1+$0x2830] =	vst v0  }
0x27: {  	[tilespmem:s1+$0x2840] =	vst v0  }
0x28: {  	[tilespmem:s1+$0x2850] =	vst v0  }
0x29: {  	[tilespmem:s1+$0x2860] =	vst v0  }
0x2a: {  	[spmem:s5] =	stream.linear.scatter [tilespmem:s22], [sflag:$0x3], $0x4000, $0x38;
	[tilespmem:$0x1E400] =	vst v63  }
0x2b: {  	_ =	swait.ge [sflag:s20], $0x4000  }
0x2c: {  	[sflag:s20] =	ssyncset.done $0x0  }
0x2d: {  	[sflag:s20] =	ssyncadd.s32 $0xFFFFC000  }
0x2e: {  	[spmem:s8] =	stream.linear.scatter [tilespmem:s22], [sflag:$0x3], $0x4000, $0x38;
	[tilespmem:$0x1E400] =	vst v63  }
0x2f: {  	_ =	swait.ge [sflag:s20], $0x4000  }
0x30: {  	[sflag:s20] =	ssyncset.done $0x0  }
0x31: {  	[sflag:s20] =	ssyncadd.s32 $0xFFFFC000  }
0x32: {  	[spmem:s9] =	stream.linear.scatter [tilespmem:s22], [sflag:$0x3], $0x4000, $0x38;
	[tilespmem:$0x1E400] =	vst v63  }
0x33: {  	_ =	swait.ge [sflag:s20], $0x4000  }
0x34: {  	[sflag:s20] =	ssyncset.done $0x0  }
0x35: {  	[sflag:s20] =	ssyncadd.s32 $0xFFFFC000  }
0x36: {  	[spmem:s10] =	stream.linear.scatter [tilespmem:s22], [sflag:$0x3], $0x4000, $0x38;
	[tilespmem:$0x1E400] =	vst v63  }
0x37: {  	_ =	swait.ge [sflag:s20], $0x4000  }
0x38: {  	[sflag:s20] =	ssyncset.done $0x0  }
0x39: {  	[sflag:s20] =	ssyncadd.s32 $0xFFFFC000  }
0x3a: {  	[spmem:s11] =	stream.linear.scatter [tilespmem:s22], [sflag:$0x3], $0x3C00, $0x38;
	[tilespmem:$0x1E400] =	vst v63  }
0x3b: {  	_ =	swait.ge [sflag:s20], $0x3C00  }
0x3c: {  	[sflag:s20] =	ssyncset.done $0x0  }
0x3d: {  	[sflag:s20] =	ssyncadd.s32 $0xFFFFC400  }
0x3e: {  	s0 =	simm.s32 $0x0;
	[bflag:$0x0] =	sbarrier.arrive $0xFFFF  }
0x3f: {  	[tilespmem:s22], [sflag:$0x1] =	stream.indirect.gather [hbm4b:s4+s23], $0x80, s0, s23, $0xb8;
	[tilespmem:$0x1E400] =	vst v63  }
0x40: {  	s6 =	simm.s32 $0x80  }
0x41: {  	[tilespmem:s24], [sflag:$0x2] =	stream.indirect.gather [hbm4b:s4+s23], $0x80, s6, s23, $0xb8;
	[tilespmem:$0x1E400] =	vst v63  }
0x42: {  	_ =	swait.ge [sflag:s25], $0x4000  }
0x43: {  	[sflag:s25] =	ssyncset.done $0x0  }
0x44: {  	s21 =	simm.s32 $0x1400;
	[sflag:s25] =	ssyncadd.s32 $0xFFFFC000  }
0x45: {  	[spmem:s2] =	stream.indirect.scatter.add.f32 [tilespmem:s22], [sflag:$0x3], $0x80, s21, s23, $0xb8;
	[tilespmem:$0x1E400] =	vst v63  }
0x46: {  	_ =	swait.ge [sflag:s20], $0x4000  }
0x47: {  	[sflag:s20] =	ssyncset.done $0x0  }
0x48: {  	[sflag:s20] =	ssyncadd.s32 $0xFFFFC000  }
0x49: {  	_ =	swait.ge [sflag:s26], $0x4000  }
0x4a: {  	[sflag:s26] =	ssyncset.done $0x0  }
0x4b: {  	s31 =	simm.s32 $0x1480;
	[sflag:s26] =	ssyncadd.s32 $0xFFFFC000  }
0x4c: {  	[spmem:s2] =	stream.indirect.scatter.add.f32 [tilespmem:s24], [sflag:$0x3], $0x80, s31, s23, $0xb8;
	[tilespmem:$0x1E400] =	vst v63  }
0x4d: {  	_ =	swait.ge [sflag:s20], $0x4000  }
0x4e: {  	s1 =	simm.s32 $0x400;
	s0 =	simm.s32 $0x800;
	[sflag:s20] =	ssyncset.done $0x0  }
.LBB2_4:
0x4f: {  	s21 =	sshra.s32 s1, $0x2  }
0x50: {  	[sflag:s20] =	ssyncadd.s32 $0xFFFFC000;
	s1 =	smov.u32 s0;
	s31 =	sadd.s32 $0x400, s0  }
0x51: {  	[tilespmem:s22], [sflag:$0x1] =	stream.indirect.gather [hbm4b:s4+s23], $0x80, s21, s23, $0xb8;
	[tilespmem:$0x1E400] =	vst v63  }
0x52: {  	p0 =	sne.s32 s0, $0x4C00;
	s0 =	sadd.s32 $0x80, s21  }
0x53: {  	[tilespmem:s24], [sflag:$0x2] =	stream.indirect.gather [hbm4b:s4+s23], $0x80, s0, s23, $0xb8;
	[tilespmem:$0x1E400] =	vst v63  }
0x54: {  	_ =	swait.ge [sflag:s25], $0x4000  }
0x55: {  	[sflag:s25] =	ssyncset.done $0x0  }
0x56: {  	s0 =	sadd.s32 $0x1400, s21;
	[sflag:s25] =	ssyncadd.s32 $0xFFFFC000  }
0x57: {  	[spmem:s2] =	stream.indirect.scatter.add.f32 [tilespmem:s22], [sflag:$0x3], $0x80, s0, s23, $0xb8;
	[tilespmem:$0x1E400] =	vst v63  }
0x58: {  	_ =	swait.ge [sflag:s20], $0x4000  }
0x59: {  	[sflag:s20] =	ssyncset.done $0x0  }
0x5a: {  	[sflag:s20] =	ssyncadd.s32 $0xFFFFC000  }
0x5b: {  	_ =	swait.ge [sflag:s26], $0x4000  }
.Ltmp1:
0x5c: {  	[sflag:s26] =	ssyncset.done $0x0;
	(pc) =	sbr.rel @p0 .LBB2_4-.Ltmp1, $4  }
0x5d: {  	s0 =	sadd.s32 $0x1480, s21;
	[sflag:s26] =	ssyncadd.s32 $0xFFFFC000  }
0x5e: {  	[spmem:s2] =	stream.indirect.scatter.add.f32 [tilespmem:s24], [sflag:$0x3], $0x80, s0, s23, $0xb8;
	[tilespmem:$0x1E400] =	vst v63  }
0x5f: {  	_ =	swait.ge [sflag:s20], $0x4000  }
0x60: {  	s0 =	smov.u32 s31;
	[sflag:s20] =	ssyncset.done $0x0  }
0x61: {  	s0 =	sshra.s32 s1, $0x2;
	[sflag:s20] =	ssyncadd.s32 $0xFFFFC000  }
0x62: {  	[tilespmem:s22], [sflag:$0x1] =	stream.indirect.gather [hbm4b:s4+s23], $0x80, s0, s23, $0xb8;
	[tilespmem:$0x1E400] =	vst v63  }
0x63: {  	s1 =	sadd.s32 $0x80, s0  }
0x64: {  	[tilespmem:s24], [sflag:$0x2] =	stream.indirect.gather [hbm4b:s4+s23], $0x80, s1, s23, $0xb8;
	[tilespmem:$0x1E400] =	vst v63  }
0x65: {  	_ =	swait.ge [sflag:s25], $0x4000  }
0x66: {  	[sflag:s25] =	ssyncset.done $0x0  }
0x67: {  	s6 =	sadd.s32 $0x1400, s0;
	[sflag:s25] =	ssyncadd.s32 $0xFFFFC000  }
0x68: {  	[spmem:s2] =	stream.indirect.scatter.add.f32 [tilespmem:s22], [sflag:$0x3], $0x80, s6, s23, $0xb8;
	[tilespmem:$0x1E400] =	vst v63  }
0x69: {  	_ =	swait.ge [sflag:s20], $0x4000  }
0x6a: {  	[sflag:s20] =	ssyncset.done $0x0  }
0x6b: {  	[sflag:s20] =	ssyncadd.s32 $0xFFFFC000  }
0x6c: {  	_ =	swait.ge [sflag:s26], $0x4000  }
0x6d: {  	[sflag:s26] =	ssyncset.done $0x0  }
0x6e: {  	s0 =	sadd.s32 $0x1480, s0;
	[sflag:s26] =	ssyncadd.s32 $0xFFFFC000  }
0x6f: {  	[spmem:s2] =	stream.indirect.scatter.add.f32 [tilespmem:s24], [sflag:$0x3], $0x80, s0, s23, $0xb8;
	[tilespmem:$0x1E400] =	vst v63  }
0x70: {  	_ =	swait.ge [sflag:s20], $0x4000  }
0x71: {  	s21 =	stileid.u32;
	[sflag:s20] =	ssyncset.done $0x0  }
0x72: {  	s0 =	sshll.u32 s21, $0x6;
	[sflag:s20] =	ssyncadd.s32 $0xFFFFC000  }
0x73: {  	s1 =	sshrl.u32 s5, $0x3;
	s31 =	sor.u32 $0x1C03, s0;
	[bflag:$0x0] =	sbarrier.arrive $0xFFFF  }
0x74: {  	[hbm:s12@s29], [sflag:s31] =	dma.strided [spmem:s1@s23], $0x2780, s28, $0x10   }
0x75: {  	_ =	swait.ge [sflag:s20], $0x2780  }
0x76: {  	[sflag:s20] =	ssyncset.done $0x0  }
0x77: {  	[sflag:s20] =	ssyncadd.s32 $0xFFFFD880  }
0x78: {  	s21 =	simm.s32 $0x0;
	s0 =	simm.s32 $0x200;
	[bflag:$0x0] =	sbarrier.arrive $0xFFFF  }
.LBB2_6:
0x79: {  	p0 =	sne.s32 s0, $0xFE00;
	[tilespmem:s21+$0x2870] =	vst v0  }
0x7a: {  	[tilespmem:s21+$0x2800] =	vst v0  }
0x7b: {  	[tilespmem:s21+$0x2810] =	vst v0  }
.Ltmp2:
0x7c: {  	[tilespmem:s21+$0x2820] =	vst v0;
	(pc) =	sbr.rel @p0 .LBB2_6-.Ltmp2, $4  }
0x7d: {  	[tilespmem:s21+$0x2830] =	vst v0  }
0x7e: {  	[tilespmem:s21+$0x2840] =	vst v0  }
0x7f: {  	[tilespmem:s21+$0x2850] =	vst v0  }
0x80: {  	[tilespmem:s21+$0x2860] =	vst v0;
	s21 =	sshra.s32 s0, $0x2;
	s0 =	sadd.s32 $0x200, s0  }
0x81: {  	[tilespmem:s21+$0x2870] =	vst v0  }
0x82: {  	[tilespmem:s21+$0x2800] =	vst v0  }
0x83: {  	[tilespmem:s21+$0x2810] =	vst v0  }
0x84: {  	[tilespmem:s21+$0x2820] =	vst v0  }
0x85: {  	[tilespmem:s21+$0x2830] =	vst v0  }
0x86: {  	[tilespmem:s21+$0x2840] =	vst v0  }
0x87: {  	[tilespmem:s21+$0x2850] =	vst v0  }
0x88: {  	[tilespmem:s21+$0x2860] =	vst v0  }
0x89: {  	[spmem:s5] =	stream.linear.scatter [tilespmem:s22], [sflag:$0x3], $0x4000, $0x38;
	[tilespmem:$0x1E400] =	vst v63  }
0x8a: {  	_ =	swait.ge [sflag:s20], $0x4000  }
0x8b: {  	[sflag:s20] =	ssyncset.done $0x0  }
0x8c: {  	[sflag:s20] =	ssyncadd.s32 $0xFFFFC000  }
0x8d: {  	[spmem:s8] =	stream.linear.scatter [tilespmem:s22], [sflag:$0x3], $0x4000, $0x38;
	[tilespmem:$0x1E400] =	vst v63  }
0x8e: {  	_ =	swait.ge [sflag:s20], $0x4000  }
0x8f: {  	[sflag:s20] =	ssyncset.done $0x0  }
0x90: {  	[sflag:s20] =	ssyncadd.s32 $0xFFFFC000  }
0x91: {  	[spmem:s9] =	stream.linear.scatter [tilespmem:s22], [sflag:$0x3], $0x4000, $0x38;
	[tilespmem:$0x1E400] =	vst v63  }
0x92: {  	_ =	swait.ge [sflag:s20], $0x4000  }
0x93: {  	[sflag:s20] =	ssyncset.done $0x0  }
0x94: {  	[sflag:s20] =	ssyncadd.s32 $0xFFFFC000  }
0x95: {  	[spmem:s10] =	stream.linear.scatter [tilespmem:s22], [sflag:$0x3], $0x4000, $0x38;
	[tilespmem:$0x1E400] =	vst v63  }
0x96: {  	_ =	swait.ge [sflag:s20], $0x4000  }
0x97: {  	[sflag:s20] =	ssyncset.done $0x0  }
0x98: {  	[sflag:s20] =	ssyncadd.s32 $0xFFFFC000  }
0x99: {  	[spmem:s11] =	stream.linear.scatter [tilespmem:s22], [sflag:$0x3], $0x3C00, $0x38;
	[tilespmem:$0x1E400] =	vst v63  }
0x9a: {  	_ =	swait.ge [sflag:s20], $0x3C00  }
0x9b: {  	[sflag:s20] =	ssyncset.done $0x0  }
0x9c: {  	[sflag:s20] =	ssyncadd.s32 $0xFFFFC400  }
0x9d: {  	s0 =	simm.s32 $0x0;
	[bflag:$0x0] =	sbarrier.arrive $0xFFFF  }
0x9e: {  	[tilespmem:s22], [sflag:$0x1] =	stream.indirect.gather [hbm4b:s13+s23], $0x80, s0, s23, $0xb8;
	[tilespmem:$0x1E400] =	vst v63  }
0x9f: {  	s3 =	simm.s32 $0x80  }
0xa0: {  	[tilespmem:s24], [sflag:$0x2] =	stream.indirect.gather [hbm4b:s13+s23], $0x80, s3, s23, $0xb8;
	[tilespmem:$0x1E400] =	vst v63  }
0xa1: {  	_ =	swait.ge [sflag:s25], $0x4000  }
0xa2: {  	[sflag:s25] =	ssyncset.done $0x0  }
0xa3: {  	s6 =	simm.s32 $0x1400;
	[sflag:s25] =	ssyncadd.s32 $0xFFFFC000  }
0xa4: {  	[spmem:s2] =	stream.indirect.scatter.add.f32 [tilespmem:s22], [sflag:$0x3], $0x80, s6, s23, $0xb8;
	[tilespmem:$0x1E400] =	vst v63  }
0xa5: {  	_ =	swait.ge [sflag:s20], $0x4000  }
0xa6: {  	[sflag:s20] =	ssyncset.done $0x0  }
0xa7: {  	[sflag:s20] =	ssyncadd.s32 $0xFFFFC000  }
0xa8: {  	_ =	swait.ge [sflag:s26], $0x4000  }
0xa9: {  	[sflag:s26] =	ssyncset.done $0x0  }
0xaa: {  	s21 =	simm.s32 $0x1480;
	[sflag:s26] =	ssyncadd.s32 $0xFFFFC000  }
0xab: {  	[spmem:s2] =	stream.indirect.scatter.add.f32 [tilespmem:s24], [sflag:$0x3], $0x80, s21, s23, $0xb8;
	[tilespmem:$0x1E400] =	vst v63  }
0xac: {  	_ =	swait.ge [sflag:s20], $0x4000  }
0xad: {  	s0 =	simm.s32 $0x800;
	s21 =	simm.s32 $0x400;
	[sflag:s20] =	ssyncset.done $0x0  }
.LBB2_8:
0xae: {  	s3 =	sshra.s32 s21, $0x2  }
0xaf: {  	[sflag:s20] =	ssyncadd.s32 $0xFFFFC000;
	s21 =	smov.u32 s0;
	s6 =	sadd.s32 $0x400, s0  }
0xb0: {  	[tilespmem:s22], [sflag:$0x1] =	stream.indirect.gather [hbm4b:s13+s23], $0x80, s3, s23, $0xb8;
	[tilespmem:$0x1E400] =	vst v63  }
0xb1: {  	p0 =	sne.s32 s0, $0x4C00;
	s0 =	sadd.s32 $0x80, s3  }
0xb2: {  	[tilespmem:s24], [sflag:$0x2] =	stream.indirect.gather [hbm4b:s13+s23], $0x80, s0, s23, $0xb8;
	[tilespmem:$0x1E400] =	vst v63  }
0xb3: {  	_ =	swait.ge [sflag:s25], $0x4000  }
0xb4: {  	[sflag:s25] =	ssyncset.done $0x0  }
0xb5: {  	s0 =	sadd.s32 $0x1400, s3;
	[sflag:s25] =	ssyncadd.s32 $0xFFFFC000  }
0xb6: {  	[spmem:s2] =	stream.indirect.scatter.add.f32 [tilespmem:s22], [sflag:$0x3], $0x80, s0, s23, $0xb8;
	[tilespmem:$0x1E400] =	vst v63  }
0xb7: {  	_ =	swait.ge [sflag:s20], $0x4000  }
0xb8: {  	[sflag:s20] =	ssyncset.done $0x0  }
0xb9: {  	[sflag:s20] =	ssyncadd.s32 $0xFFFFC000  }
0xba: {  	_ =	swait.ge [sflag:s26], $0x4000  }
.Ltmp3:
0xbb: {  	[sflag:s26] =	ssyncset.done $0x0;
	(pc) =	sbr.rel @p0 .LBB2_8-.Ltmp3, $4  }
0xbc: {  	s0 =	sadd.s32 $0x1480, s3;
	[sflag:s26] =	ssyncadd.s32 $0xFFFFC000  }
0xbd: {  	[spmem:s2] =	stream.indirect.scatter.add.f32 [tilespmem:s24], [sflag:$0x3], $0x80, s0, s23, $0xb8;
	[tilespmem:$0x1E400] =	vst v63  }
0xbe: {  	_ =	swait.ge [sflag:s20], $0x4000  }
0xbf: {  	s0 =	smov.u32 s6;
	[sflag:s20] =	ssyncset.done $0x0  }
0xc0: {  	s0 =	sshra.s32 s21, $0x2;
	[sflag:s20] =	ssyncadd.s32 $0xFFFFC000  }
0xc1: {  	[tilespmem:s22], [sflag:$0x1] =	stream.indirect.gather [hbm4b:s13+s23], $0x80, s0, s23, $0xb8;
	[tilespmem:$0x1E400] =	vst v63  }
0xc2: {  	s3 =	sadd.s32 $0x80, s0  }
0xc3: {  	[tilespmem:s24], [sflag:$0x2] =	stream.indirect.gather [hbm4b:s13+s23], $0x80, s3, s23, $0xb8;
	[tilespmem:$0x1E400] =	vst v63  }
0xc4: {  	_ =	swait.ge [sflag:s25], $0x4000  }
0xc5: {  	[sflag:s25] =	ssyncset.done $0x0  }
0xc6: {  	s21 =	sadd.s32 $0x1400, s0;
	[sflag:s25] =	ssyncadd.s32 $0xFFFFC000  }
0xc7: {  	[spmem:s2] =	stream.indirect.scatter.add.f32 [tilespmem:s22], [sflag:$0x3], $0x80, s21, s23, $0xb8;
	[tilespmem:$0x1E400] =	vst v63  }
0xc8: {  	_ =	swait.ge [sflag:s20], $0x4000  }
0xc9: {  	[sflag:s20] =	ssyncset.done $0x0  }
0xca: {  	[sflag:s20] =	ssyncadd.s32 $0xFFFFC000  }
0xcb: {  	_ =	swait.ge [sflag:s26], $0x4000  }
0xcc: {  	[sflag:s26] =	ssyncset.done $0x0  }
0xcd: {  	s0 =	sadd.s32 $0x1480, s0;
	[sflag:s26] =	ssyncadd.s32 $0xFFFFC000  }
0xce: {  	[spmem:s2] =	stream.indirect.scatter.add.f32 [tilespmem:s24], [sflag:$0x3], $0x80, s0, s23, $0xb8;
	[tilespmem:$0x1E400] =	vst v63  }
0xcf: {  	_ =	swait.ge [sflag:s20], $0x4000  }
0xd0: {  	[sflag:s20] =	ssyncset.done $0x0  }
0xd1: {  	[sflag:s20] =	ssyncadd.s32 $0xFFFFC000  }
0xd2: {  	[bflag:$0x0] =	sbarrier.arrive $0xFFFF  }
0xd3: {  	[hbm:s14@s29], [sflag:s31] =	dma.strided [spmem:s1@s23], $0x2780, s28, $0x10   }
0xd4: {  	_ =	swait.ge [sflag:s20], $0x2780  }
0xd5: {  	[sflag:s20] =	ssyncset.done $0x0  }
0xd6: {  	[sflag:s20] =	ssyncadd.s32 $0xFFFFD880  }
0xd7: {  	s21 =	simm.s32 $0x0;
	s0 =	simm.s32 $0x200;
	[bflag:$0x0] =	sbarrier.arrive $0xFFFF  }
.LBB2_10:
0xd8: {  	p0 =	sne.s32 s0, $0xFE00;
	[tilespmem:s21+$0x2870] =	vst v0  }
0xd9: {  	[tilespmem:s21+$0x2800] =	vst v0  }
0xda: {  	[tilespmem:s21+$0x2810] =	vst v0  }
.Ltmp4:
0xdb: {  	[tilespmem:s21+$0x2820] =	vst v0;
	(pc) =	sbr.rel @p0 .LBB2_10-.Ltmp4, $4  }
0xdc: {  	[tilespmem:s21+$0x2830] =	vst v0  }
0xdd: {  	[tilespmem:s21+$0x2840] =	vst v0  }
0xde: {  	[tilespmem:s21+$0x2850] =	vst v0  }
0xdf: {  	[tilespmem:s21+$0x2860] =	vst v0;
	s21 =	sshra.s32 s0, $0x2;
	s0 =	sadd.s32 $0x200, s0  }
0xe0: {  	[tilespmem:s21+$0x2870] =	vst v0  }
0xe1: {  	[tilespmem:s21+$0x2800] =	vst v0  }
0xe2: {  	[tilespmem:s21+$0x2810] =	vst v0  }
0xe3: {  	[tilespmem:s21+$0x2820] =	vst v0  }
0xe4: {  	[tilespmem:s21+$0x2830] =	vst v0  }
0xe5: {  	[tilespmem:s21+$0x2840] =	vst v0  }
0xe6: {  	[tilespmem:s21+$0x2850] =	vst v0  }
0xe7: {  	[tilespmem:s21+$0x2860] =	vst v0  }
0xe8: {  	[spmem:s5] =	stream.linear.scatter [tilespmem:s22], [sflag:$0x3], $0x4000, $0x38;
	[tilespmem:$0x1E400] =	vst v63  }
0xe9: {  	_ =	swait.ge [sflag:s20], $0x4000  }
0xea: {  	[sflag:s20] =	ssyncset.done $0x0  }
0xeb: {  	[sflag:s20] =	ssyncadd.s32 $0xFFFFC000  }
0xec: {  	[spmem:s8] =	stream.linear.scatter [tilespmem:s22], [sflag:$0x3], $0x4000, $0x38;
	[tilespmem:$0x1E400] =	vst v63  }
0xed: {  	_ =	swait.ge [sflag:s20], $0x4000  }
0xee: {  	[sflag:s20] =	ssyncset.done $0x0  }
0xef: {  	[sflag:s20] =	ssyncadd.s32 $0xFFFFC000  }
0xf0: {  	[spmem:s9] =	stream.linear.scatter [tilespmem:s22], [sflag:$0x3], $0x4000, $0x38;
	[tilespmem:$0x1E400] =	vst v63  }
0xf1: {  	_ =	swait.ge [sflag:s20], $0x4000  }
0xf2: {  	[sflag:s20] =	ssyncset.done $0x0  }
0xf3: {  	[sflag:s20] =	ssyncadd.s32 $0xFFFFC000  }
0xf4: {  	[spmem:s10] =	stream.linear.scatter [tilespmem:s22], [sflag:$0x3], $0x4000, $0x38;
	[tilespmem:$0x1E400] =	vst v63  }
0xf5: {  	_ =	swait.ge [sflag:s20], $0x4000  }
0xf6: {  	[sflag:s20] =	ssyncset.done $0x0  }
0xf7: {  	[sflag:s20] =	ssyncadd.s32 $0xFFFFC000  }
0xf8: {  	[spmem:s11] =	stream.linear.scatter [tilespmem:s22], [sflag:$0x3], $0x3C00, $0x38;
	[tilespmem:$0x1E400] =	vst v63  }
0xf9: {  	_ =	swait.ge [sflag:s20], $0x3C00  }
0xfa: {  	[sflag:s20] =	ssyncset.done $0x0  }
0xfb: {  	[sflag:s20] =	ssyncadd.s32 $0xFFFFC400  }
0xfc: {  	s0 =	simm.s32 $0x0;
	[bflag:$0x0] =	sbarrier.arrive $0xFFFF  }
0xfd: {  	[tilespmem:s22], [sflag:$0x1] =	stream.indirect.gather [hbm4b:s15+s23], $0x80, s0, s23, $0xb8;
	[tilespmem:$0x1E400] =	vst v63  }
0xfe: {  	s3 =	simm.s32 $0x80  }
0xff: {  	[tilespmem:s24], [sflag:$0x2] =	stream.indirect.gather [hbm4b:s15+s23], $0x80, s3, s23, $0xb8;
	[tilespmem:$0x1E400] =	vst v63  }
0x100: {  	_ =	swait.ge [sflag:s25], $0x4000  }
0x101: {  	[sflag:s25] =	ssyncset.done $0x0  }
0x102: {  	s6 =	simm.s32 $0x1400;
	[sflag:s25] =	ssyncadd.s32 $0xFFFFC000  }
0x103: {  	[spmem:s2] =	stream.indirect.scatter.add.f32 [tilespmem:s22], [sflag:$0x3], $0x80, s6, s23, $0xb8;
	[tilespmem:$0x1E400] =	vst v63  }
0x104: {  	_ =	swait.ge [sflag:s20], $0x4000  }
0x105: {  	[sflag:s20] =	ssyncset.done $0x0  }
0x106: {  	[sflag:s20] =	ssyncadd.s32 $0xFFFFC000  }
0x107: {  	_ =	swait.ge [sflag:s26], $0x4000  }
0x108: {  	[sflag:s26] =	ssyncset.done $0x0  }
0x109: {  	s21 =	simm.s32 $0x1480;
	[sflag:s26] =	ssyncadd.s32 $0xFFFFC000  }
0x10a: {  	[spmem:s2] =	stream.indirect.scatter.add.f32 [tilespmem:s24], [sflag:$0x3], $0x80, s21, s23, $0xb8;
	[tilespmem:$0x1E400] =	vst v63  }
0x10b: {  	_ =	swait.ge [sflag:s20], $0x4000  }
0x10c: {  	s0 =	simm.s32 $0x800;
	s21 =	simm.s32 $0x400;
	[sflag:s20] =	ssyncset.done $0x0  }
.LBB2_12:
0x10d: {  	s3 =	sshra.s32 s21, $0x2  }
0x10e: {  	[sflag:s20] =	ssyncadd.s32 $0xFFFFC000;
	s21 =	smov.u32 s0;
	s6 =	sadd.s32 $0x400, s0  }
0x10f: {  	[tilespmem:s22], [sflag:$0x1] =	stream.indirect.gather [hbm4b:s15+s23], $0x80, s3, s23, $0xb8;
	[tilespmem:$0x1E400] =	vst v63  }
0x110: {  	p0 =	sne.s32 s0, $0x4C00;
	s0 =	sadd.s32 $0x80, s3  }
0x111: {  	[tilespmem:s24], [sflag:$0x2] =	stream.indirect.gather [hbm4b:s15+s23], $0x80, s0, s23, $0xb8;
	[tilespmem:$0x1E400] =	vst v63  }
0x112: {  	_ =	swait.ge [sflag:s25], $0x4000  }
0x113: {  	[sflag:s25] =	ssyncset.done $0x0  }
0x114: {  	s0 =	sadd.s32 $0x1400, s3;
	[sflag:s25] =	ssyncadd.s32 $0xFFFFC000  }
0x115: {  	[spmem:s2] =	stream.indirect.scatter.add.f32 [tilespmem:s22], [sflag:$0x3], $0x80, s0, s23, $0xb8;
	[tilespmem:$0x1E400] =	vst v63  }
0x116: {  	_ =	swait.ge [sflag:s20], $0x4000  }
0x117: {  	[sflag:s20] =	ssyncset.done $0x0  }
0x118: {  	[sflag:s20] =	ssyncadd.s32 $0xFFFFC000  }
0x119: {  	_ =	swait.ge [sflag:s26], $0x4000  }
.Ltmp5:
0x11a: {  	[sflag:s26] =	ssyncset.done $0x0;
	(pc) =	sbr.rel @p0 .LBB2_12-.Ltmp5, $4  }
0x11b: {  	s0 =	sadd.s32 $0x1480, s3;
	[sflag:s26] =	ssyncadd.s32 $0xFFFFC000  }
0x11c: {  	[spmem:s2] =	stream.indirect.scatter.add.f32 [tilespmem:s24], [sflag:$0x3], $0x80, s0, s23, $0xb8;
	[tilespmem:$0x1E400] =	vst v63  }
0x11d: {  	_ =	swait.ge [sflag:s20], $0x4000  }
0x11e: {  	s0 =	smov.u32 s6;
	[sflag:s20] =	ssyncset.done $0x0  }
0x11f: {  	s0 =	sshra.s32 s21, $0x2;
	[sflag:s20] =	ssyncadd.s32 $0xFFFFC000  }
0x120: {  	[tilespmem:s22], [sflag:$0x1] =	stream.indirect.gather [hbm4b:s15+s23], $0x80, s0, s23, $0xb8;
	[tilespmem:$0x1E400] =	vst v63  }
0x121: {  	s3 =	sadd.s32 $0x80, s0  }
0x122: {  	[tilespmem:s24], [sflag:$0x2] =	stream.indirect.gather [hbm4b:s15+s23], $0x80, s3, s23, $0xb8;
	[tilespmem:$0x1E400] =	vst v63  }
0x123: {  	_ =	swait.ge [sflag:s25], $0x4000  }
0x124: {  	[sflag:s25] =	ssyncset.done $0x0  }
0x125: {  	s21 =	sadd.s32 $0x1400, s0;
	[sflag:s25] =	ssyncadd.s32 $0xFFFFC000  }
0x126: {  	[spmem:s2] =	stream.indirect.scatter.add.f32 [tilespmem:s22], [sflag:$0x3], $0x80, s21, s23, $0xb8;
	[tilespmem:$0x1E400] =	vst v63  }
0x127: {  	_ =	swait.ge [sflag:s20], $0x4000  }
0x128: {  	[sflag:s20] =	ssyncset.done $0x0  }
0x129: {  	[sflag:s20] =	ssyncadd.s32 $0xFFFFC000  }
0x12a: {  	_ =	swait.ge [sflag:s26], $0x4000  }
0x12b: {  	[sflag:s26] =	ssyncset.done $0x0  }
0x12c: {  	s0 =	sadd.s32 $0x1480, s0;
	[sflag:s26] =	ssyncadd.s32 $0xFFFFC000  }
0x12d: {  	[spmem:s2] =	stream.indirect.scatter.add.f32 [tilespmem:s24], [sflag:$0x3], $0x80, s0, s23, $0xb8;
	[tilespmem:$0x1E400] =	vst v63  }
0x12e: {  	_ =	swait.ge [sflag:s20], $0x4000  }
0x12f: {  	[sflag:s20] =	ssyncset.done $0x0  }
0x130: {  	[sflag:s20] =	ssyncadd.s32 $0xFFFFC000  }
0x131: {  	[bflag:$0x0] =	sbarrier.arrive $0xFFFF  }
0x132: {  	[hbm:s16@s29], [sflag:s31] =	dma.strided [spmem:s1@s23], $0x2780, s28, $0x10   }
0x133: {  	_ =	swait.ge [sflag:s20], $0x2780  }
0x134: {  	[sflag:s20] =	ssyncset.done $0x0  }
0x135: {  	[sflag:s20] =	ssyncadd.s32 $0xFFFFD880  }
0x136: {  	s21 =	simm.s32 $0x0;
	s0 =	simm.s32 $0x200;
	[bflag:$0x0] =	sbarrier.arrive $0xFFFF  }
.LBB2_14:
0x137: {  	p0 =	sne.s32 s0, $0xFE00;
	[tilespmem:s21+$0x2870] =	vst v0  }
0x138: {  	[tilespmem:s21+$0x2800] =	vst v0  }
0x139: {  	[tilespmem:s21+$0x2810] =	vst v0  }
.Ltmp6:
0x13a: {  	[tilespmem:s21+$0x2820] =	vst v0;
	(pc) =	sbr.rel @p0 .LBB2_14-.Ltmp6, $4  }
0x13b: {  	[tilespmem:s21+$0x2830] =	vst v0  }
0x13c: {  	[tilespmem:s21+$0x2840] =	vst v0  }
0x13d: {  	[tilespmem:s21+$0x2850] =	vst v0  }
0x13e: {  	[tilespmem:s21+$0x2860] =	vst v0;
	s21 =	sshra.s32 s0, $0x2;
	s0 =	sadd.s32 $0x200, s0  }
0x13f: {  	[tilespmem:s21+$0x2870] =	vst v0  }
0x140: {  	[tilespmem:s21+$0x2800] =	vst v0  }
0x141: {  	[tilespmem:s21+$0x2810] =	vst v0  }
0x142: {  	[tilespmem:s21+$0x2820] =	vst v0  }
0x143: {  	[tilespmem:s21+$0x2830] =	vst v0  }
0x144: {  	[tilespmem:s21+$0x2840] =	vst v0  }
0x145: {  	[tilespmem:s21+$0x2850] =	vst v0  }
0x146: {  	[tilespmem:s21+$0x2860] =	vst v0  }
0x147: {  	[spmem:s5] =	stream.linear.scatter [tilespmem:s22], [sflag:$0x3], $0x4000, $0x38;
	[tilespmem:$0x1E400] =	vst v63  }
0x148: {  	_ =	swait.ge [sflag:s20], $0x4000  }
0x149: {  	[sflag:s20] =	ssyncset.done $0x0  }
0x14a: {  	[sflag:s20] =	ssyncadd.s32 $0xFFFFC000  }
0x14b: {  	[spmem:s8] =	stream.linear.scatter [tilespmem:s22], [sflag:$0x3], $0x4000, $0x38;
	[tilespmem:$0x1E400] =	vst v63  }
0x14c: {  	_ =	swait.ge [sflag:s20], $0x4000  }
0x14d: {  	[sflag:s20] =	ssyncset.done $0x0  }
0x14e: {  	[sflag:s20] =	ssyncadd.s32 $0xFFFFC000  }
0x14f: {  	[spmem:s9] =	stream.linear.scatter [tilespmem:s22], [sflag:$0x3], $0x4000, $0x38;
	[tilespmem:$0x1E400] =	vst v63  }
0x150: {  	_ =	swait.ge [sflag:s20], $0x4000  }
0x151: {  	[sflag:s20] =	ssyncset.done $0x0  }
0x152: {  	[sflag:s20] =	ssyncadd.s32 $0xFFFFC000  }
0x153: {  	[spmem:s10] =	stream.linear.scatter [tilespmem:s22], [sflag:$0x3], $0x4000, $0x38;
	[tilespmem:$0x1E400] =	vst v63  }
0x154: {  	_ =	swait.ge [sflag:s20], $0x4000  }
0x155: {  	[sflag:s20] =	ssyncset.done $0x0  }
0x156: {  	[sflag:s20] =	ssyncadd.s32 $0xFFFFC000  }
0x157: {  	[spmem:s11] =	stream.linear.scatter [tilespmem:s22], [sflag:$0x3], $0x3C00, $0x38;
	[tilespmem:$0x1E400] =	vst v63  }
0x158: {  	_ =	swait.ge [sflag:s20], $0x3C00  }
0x159: {  	[sflag:s20] =	ssyncset.done $0x0  }
0x15a: {  	[sflag:s20] =	ssyncadd.s32 $0xFFFFC400  }
0x15b: {  	s0 =	simm.s32 $0x0;
	[bflag:$0x0] =	sbarrier.arrive $0xFFFF  }
0x15c: {  	[tilespmem:s22], [sflag:$0x1] =	stream.indirect.gather [hbm4b:s17+s23], $0x80, s0, s23, $0xb8;
	[tilespmem:$0x1E400] =	vst v63  }
0x15d: {  	s3 =	simm.s32 $0x80  }
0x15e: {  	[tilespmem:s24], [sflag:$0x2] =	stream.indirect.gather [hbm4b:s17+s23], $0x80, s3, s23, $0xb8;
	[tilespmem:$0x1E400] =	vst v63  }
0x15f: {  	_ =	swait.ge [sflag:s25], $0x4000  }
0x160: {  	[sflag:s25] =	ssyncset.done $0x0  }
0x161: {  	s6 =	simm.s32 $0x1400;
	[sflag:s25] =	ssyncadd.s32 $0xFFFFC000  }
0x162: {  	[spmem:s2] =	stream.indirect.scatter.add.f32 [tilespmem:s22], [sflag:$0x3], $0x80, s6, s23, $0xb8;
	[tilespmem:$0x1E400] =	vst v63  }
0x163: {  	_ =	swait.ge [sflag:s20], $0x4000  }
0x164: {  	[sflag:s20] =	ssyncset.done $0x0  }
0x165: {  	[sflag:s20] =	ssyncadd.s32 $0xFFFFC000  }
0x166: {  	_ =	swait.ge [sflag:s26], $0x4000  }
0x167: {  	[sflag:s26] =	ssyncset.done $0x0  }
0x168: {  	s21 =	simm.s32 $0x1480;
	[sflag:s26] =	ssyncadd.s32 $0xFFFFC000  }
0x169: {  	[spmem:s2] =	stream.indirect.scatter.add.f32 [tilespmem:s24], [sflag:$0x3], $0x80, s21, s23, $0xb8;
	[tilespmem:$0x1E400] =	vst v63  }
0x16a: {  	_ =	swait.ge [sflag:s20], $0x4000  }
0x16b: {  	s0 =	simm.s32 $0x800;
	s21 =	simm.s32 $0x400;
	[sflag:s20] =	ssyncset.done $0x0  }
.LBB2_16:
0x16c: {  	s3 =	sshra.s32 s21, $0x2  }
0x16d: {  	[sflag:s20] =	ssyncadd.s32 $0xFFFFC000;
	s21 =	smov.u32 s0;
	s6 =	sadd.s32 $0x400, s0  }
0x16e: {  	[tilespmem:s22], [sflag:$0x1] =	stream.indirect.gather [hbm4b:s17+s23], $0x80, s3, s23, $0xb8;
	[tilespmem:$0x1E400] =	vst v63  }
0x16f: {  	p0 =	sne.s32 s0, $0x4C00;
	s0 =	sadd.s32 $0x80, s3  }
0x170: {  	[tilespmem:s24], [sflag:$0x2] =	stream.indirect.gather [hbm4b:s17+s23], $0x80, s0, s23, $0xb8;
	[tilespmem:$0x1E400] =	vst v63  }
0x171: {  	_ =	swait.ge [sflag:s25], $0x4000  }
0x172: {  	[sflag:s25] =	ssyncset.done $0x0  }
0x173: {  	s0 =	sadd.s32 $0x1400, s3;
	[sflag:s25] =	ssyncadd.s32 $0xFFFFC000  }
0x174: {  	[spmem:s2] =	stream.indirect.scatter.add.f32 [tilespmem:s22], [sflag:$0x3], $0x80, s0, s23, $0xb8;
	[tilespmem:$0x1E400] =	vst v63  }
0x175: {  	_ =	swait.ge [sflag:s20], $0x4000  }
0x176: {  	[sflag:s20] =	ssyncset.done $0x0  }
0x177: {  	[sflag:s20] =	ssyncadd.s32 $0xFFFFC000  }
0x178: {  	_ =	swait.ge [sflag:s26], $0x4000  }
.Ltmp7:
0x179: {  	[sflag:s26] =	ssyncset.done $0x0;
	(pc) =	sbr.rel @p0 .LBB2_16-.Ltmp7, $4  }
0x17a: {  	s0 =	sadd.s32 $0x1480, s3;
	[sflag:s26] =	ssyncadd.s32 $0xFFFFC000  }
0x17b: {  	[spmem:s2] =	stream.indirect.scatter.add.f32 [tilespmem:s24], [sflag:$0x3], $0x80, s0, s23, $0xb8;
	[tilespmem:$0x1E400] =	vst v63  }
0x17c: {  	_ =	swait.ge [sflag:s20], $0x4000  }
0x17d: {  	s0 =	smov.u32 s6;
	[sflag:s20] =	ssyncset.done $0x0  }
0x17e: {  	s0 =	sshra.s32 s21, $0x2;
	[sflag:s20] =	ssyncadd.s32 $0xFFFFC000  }
0x17f: {  	[tilespmem:s22], [sflag:$0x1] =	stream.indirect.gather [hbm4b:s17+s23], $0x80, s0, s23, $0xb8;
	[tilespmem:$0x1E400] =	vst v63  }
0x180: {  	s3 =	sadd.s32 $0x80, s0  }
0x181: {  	[tilespmem:s24], [sflag:$0x2] =	stream.indirect.gather [hbm4b:s17+s23], $0x80, s3, s23, $0xb8;
	[tilespmem:$0x1E400] =	vst v63  }
0x182: {  	_ =	swait.ge [sflag:s25], $0x4000  }
0x183: {  	[sflag:s25] =	ssyncset.done $0x0  }
0x184: {  	s21 =	sadd.s32 $0x1400, s0;
	[sflag:s25] =	ssyncadd.s32 $0xFFFFC000  }
0x185: {  	[spmem:s2] =	stream.indirect.scatter.add.f32 [tilespmem:s22], [sflag:$0x3], $0x80, s21, s23, $0xb8;
	[tilespmem:$0x1E400] =	vst v63  }
0x186: {  	_ =	swait.ge [sflag:s20], $0x4000  }
0x187: {  	[sflag:s20] =	ssyncset.done $0x0  }
0x188: {  	[sflag:s20] =	ssyncadd.s32 $0xFFFFC000  }
0x189: {  	_ =	swait.ge [sflag:s26], $0x4000  }
0x18a: {  	[sflag:s26] =	ssyncset.done $0x0  }
0x18b: {  	s0 =	sadd.s32 $0x1480, s0;
	[sflag:s26] =	ssyncadd.s32 $0xFFFFC000  }
0x18c: {  	[spmem:s2] =	stream.indirect.scatter.add.f32 [tilespmem:s24], [sflag:$0x3], $0x80, s0, s23, $0xb8;
	[tilespmem:$0x1E400] =	vst v63  }
0x18d: {  	_ =	swait.ge [sflag:s20], $0x4000  }
0x18e: {  	s30 =	sadd.s32 $0x1, s30;
	[sflag:s20] =	ssyncset.done $0x0  }
0x18f: {  	p0 =	sne.s32 s30, s19;
	[sflag:s20] =	ssyncadd.s32 $0xFFFFC000  }
.Ltmp8:
0x190: {  	[bflag:$0x0] =	sbarrier.arrive $0xFFFF;
	(pc) =	sbr.rel @p0 .LBB2_1-.Ltmp8, $4  }
0x191: {  	[hbm:s18@s29], [sflag:s31] =	dma.strided [spmem:s1@s23], $0x2780, s28, $0x10   }
0x192: {  	_ =	swait.ge [sflag:s20], $0x2780  }
0x193: {  	[sflag:s20] =	ssyncset.done $0x0  }
0x194: {  	[sflag:s20] =	ssyncadd.s32 $0xFFFFD880  }
0x195: {  	_ =	sfence.sel $0x180000  }
0x196: {  	[bflag:$0x0] =	sbarrier.arrive $0xFFFF  }
0x197: {  	_ =	strace $0x90000047  }
0x198: {  	s0 =	stileid.u32;
	[bflag:$0x2] =	sbarrier.arrive $0xFFFF  }
0x199: {  	p0 =	sne.s32 s0, $0x0;
	s0 =	rddreg [dreg:$0x2]  }
0x19a: {  	s0 =	sadd.s32 @!p0 $0x100000, s0  }
0x19b: {  	[sflag:s0] =	ssyncadd.tile.s32 @!p0 $0x1;
	_ =	shalt  }
.Lfunc_end2:
_tile_overlayer_lowered:
.L_overlay_start_2:
0x19c: {  	(tag) =	ssettag $0x2  }
0x19d: {  	s0 =	rddreg [dreg:$0x0];
	s2 =	stileid.u32  }
0x19e: {  	s1 =	rddreg [dreg:$0x1];
	p0 =	sne.s32 s2, $0x0  }
0x19f: {  	s3 =	rddreg [dreg:$0x2];
	[bflag:$0x3] =	sbarrier.arrive $0xFFFF;
	s2 =	simm.s32 @!p0 $0x1C03  }
0x1a0: {  	[timem:s3], [sflag:s2] =	dma.local @!p0 [hbm:s0], s1  }
0x1a1: {  	s0 =	simm.s32 @!p0 $0x3  }
0x1a2: {  	_ =	swait.ge @!p0 [sflag:s0], s1  }
0x1a3: {  	s1 =	ssub.s32 @!p0 $0x0, s1;
	[sflag:s0] =	ssyncset.done @!p0 $0x0  }
0x1a4: {  	[sflag:s0] =	ssyncadd.s32 @!p0 s1  }
0x1a5: {  	[bflag:$0x3] =	sbarrier.arrive $0xFFFF  }
0x1a6: {  	_ =	shalt  }

// kernel: kernel.18.cloned.1.call-start
scs
__scs_entry_jumppad:
0x0: {  	(pc) =	sbr.rel $0x88, $3  }
0x1: {  	(tag) =	ssettag $0x0;
	lr =	simm.s32 $0x1  }
0x2: {  	[smem:$0x3F7D] =	sst lr;
	_ =	strace $0xD0000000  }
0x3: {  	_ = 	snop  }
0x4: {  	_ = 	snop  }
0x5: {  	_ = 	snop  }
0x6: {  	_ = 	snop  }
0x7: {  	_ = 	snop  }
__scs_overlays_trampoline_lowered:
0x8: {  	[smem:$0x3F8C] =	sst s0  }
0x9: {  	[smem:$0x3F8D] =	sst s1  }
0xa: {  	[smem:$0x3F8E] =	sst s2  }
0xb: {  	[smem:$0x3F8F] =	sst s3  }
0xc: {  	[smem:$0x3F90] =	sst s4  }
0xd: {  	[smem:$0x3F91] =	sst s5  }
0xe: {  	[smem:$0x3F92] =	sst s6  }
0xf: {  	[smem:$0x3F93] =	sst s7  }
0x10: {  	[smem:$0x3F94] =	sst s8  }
0x11: {  	[smem:$0x3F95] =	sst s9;
	s0 =	simm.s32 @!p0 $0x0  }
0x12: {  	s1 =	sld [smem:$0x3F7B];
	s0 =	simm.s32 @p0 $0x1  }
0x13: {  	[smem:$0x3F96] =	sst s0;
	s0 =	simm.s32 @!p1 $0x0  }
0x14: {  	s2 =	sld [smem:$0x3F7A];
	s0 =	simm.s32 @p1 $0x1  }
0x15: {  	[smem:$0x3F97] =	sst s0;
	s0 =	simm.s32 @!p2 $0x0  }
0x16: {  	s3 =	sld [smem:$0x3FDB];
	s0 =	simm.s32 @p2 $0x1  }
0x17: {  	s4 =	simm.s32 $0x1BF5;
	[smem:$0x3F99] =	sst s0  }
0x18: {  	s0 =	sld [smem:$0x3F7C];
	_ =	swait.ge [sflag:s4], $0x0  }
0x19: {  	s7 =	sld [smem:$0x3F7D]  }
0x1a: {  	s8 =	sadd.s32 $0xFFFFE003, lr  }
0x1b: {  	s9 =	sadd.s32 $0xFFFFFEF7, lr;
	s5 =	simm.s32 $0xFFFFFFFF;
	p2 =	slt.u32 s8, $0xFFFFF086  }
0x1c: {  	p1 =	slt.u32 s9, $0xF7A;
	s5 =	simm.s32 @!p2 $0x0  }
0x1d: {  	s5 =	simm.s32 @p1 $0x1;
	p0 =	seq.s32 s7, s2  }
0x1e: {  	s7 =	smul.u32 @!p0 $0xF7A, s2;
	p2 =	seq.s32 @!p0 s5, $0x0  }
0x1f: {  	s9 =	smul.u32 $0xF7A, s1;
	s8 =	simm.s32 @!p0 $0x1BF5;
	p2 =	por !p2, p0  }
0x20: {  	[sflag:s8] =	ssyncset.s32 @!p0 $0xFFFFF086;
	s6 =	sadd.s32 @!p0 s3, s7;
	s7 =	simm.s32 @!p0 $0x108  }
0x21: {  	s3 =	sadd.s32 s3, s9;
	s6 =	sadd.s32 @!p0 $0x88, s6;
	s7 =	simm.s32 @p2 $0x1082  }
0x22: {  	[simem:s7], [sflag:s8] =	dma.local @!p0 [hbm:s6], $0xF7A  }
0x23: {  	s9 =	sor.u32 $0xD0000000, s2;
	s6 =	simm.s32 $0x108;
	_ =	swait.ge @!p0 [sflag:s8], $0x0  }
0x24: {  	s3 =	sadd.s32 $0x88, s3;
	s6 =	simm.s32 @!p1 $0x1082;
	[sflag:s4] =	ssyncset.s32 $0xFFFFF086  }
0x25: {  	[simem:s6], [sflag:s4] =	dma.local [hbm:s3], $0xF7A  }
0x26: {  	[smem:$0x3F7D] =	sst s1;
	(tag) =	ssettag s2;
	_ =	strace s9  }
0x27: {  	s1 =	sld [smem:$0x3F8D]  }
0x28: {  	s2 =	sld [smem:$0x3F8E]  }
0x29: {  	s4 =	sld [smem:$0x3F90]  }
0x2a: {  	p0 =	seq.s32 s5, $0x0;
	s5 =	sld [smem:$0x3F91]  }
0x2b: {  	s6 =	sld [smem:$0x3F92]  }
0x2c: {  	s7 =	sld [smem:$0x3F93]  }
0x2d: {  	s3 =	simm.s32 $0x108;
	s8 =	sld [smem:$0x3F94]  }
0x2e: {  	s3 =	simm.s32 @!p0 $0x1082;
	s9 =	sld [smem:$0x3F95]  }
0x2f: {  	lr =	sadd.s32 s0, s3;
	s0 =	sld [smem:$0x3F8C]  }
0x30: {  	s3 =	sld [smem:$0x3F8F]  }
0x31: {  	[smem:$0x3F98] =	sst s10  }
0x32: {  	s10 =	sld [smem:$0x3F96];
	_ =	sdelay $0x3  }
0x33: {  	p0 =	seq.s32 s10, $0x1;
	s10 =	sld [smem:$0x3F98];
	_ =	sdelay $0x3  }
0x34: {  	[smem:$0x3F98] =	sst s10  }
0x35: {  	s10 =	sld [smem:$0x3F97];
	_ =	sdelay $0x3  }
0x36: {  	p1 =	seq.s32 s10, $0x1;
	s10 =	sld [smem:$0x3F98];
	_ =	sdelay $0x3  }
0x37: {  	[smem:$0x3F98] =	sst s10  }
0x38: {  	s10 =	sld [smem:$0x3F99]  }
0x39: {  	_ = 	snop;
	(pc) =	sbr.ind lr, $3  }
0x3a: {  	_ = 	snop  }
0x3b: {  	_ = 	snop  }
0x3c: {  	p2 =	seq.s32 s10, $0x1;
	s10 =	sld [smem:$0x3F98]  }
0x3d: {  	_ =	shalt  }
0x3e: {  	_ =	shalt  }
0x3f: {  	_ =	shalt  }
0x40: {  	_ =	shalt  }
0x41: {  	_ =	shalt  }
0x42: {  	_ =	shalt  }
0x43: {  	_ =	shalt  }
0x44: {  	_ =	shalt  }
0x45: {  	_ =	shalt  }
0x46: {  	_ =	shalt  }
0x47: {  	_ =	shalt  }
0x48: {  	_ =	shalt  }
0x49: {  	_ =	shalt  }
0x4a: {  	_ =	shalt  }
0x4b: {  	_ =	shalt  }
0x4c: {  	_ =	shalt  }
0x4d: {  	_ =	shalt  }
0x4e: {  	_ =	shalt  }
0x4f: {  	_ =	shalt  }
0x50: {  	_ =	shalt  }
0x51: {  	_ =	shalt  }
0x52: {  	_ =	shalt  }
0x53: {  	_ =	shalt  }
0x54: {  	_ =	shalt  }
0x55: {  	_ =	shalt  }
0x56: {  	_ =	shalt  }
0x57: {  	_ =	shalt  }
0x58: {  	_ =	shalt  }
0x59: {  	_ =	shalt  }
0x5a: {  	_ =	shalt  }
0x5b: {  	_ =	shalt  }
0x5c: {  	_ =	shalt  }
0x5d: {  	_ =	shalt  }
0x5e: {  	_ =	shalt  }
0x5f: {  	_ =	shalt  }
0x60: {  	_ =	shalt  }
0x61: {  	_ =	shalt  }
0x62: {  	_ =	shalt  }
0x63: {  	_ =	shalt  }
0x64: {  	_ =	shalt  }
0x65: {  	_ =	shalt  }
0x66: {  	_ =	shalt  }
0x67: {  	_ =	shalt  }
0x68: {  	_ =	shalt  }
0x69: {  	_ =	shalt  }
0x6a: {  	_ =	shalt  }
0x6b: {  	_ =	shalt  }
0x6c: {  	_ =	shalt  }
0x6d: {  	_ =	shalt  }
0x6e: {  	_ =	shalt  }
0x6f: {  	_ =	shalt  }
0x70: {  	_ =	shalt  }
0x71: {  	_ =	shalt  }
0x72: {  	_ =	shalt  }
0x73: {  	_ =	shalt  }
0x74: {  	_ =	shalt  }
0x75: {  	_ =	shalt  }
0x76: {  	_ =	shalt  }
0x77: {  	_ =	shalt  }
0x78: {  	_ =	shalt  }
0x79: {  	_ =	shalt  }
0x7a: {  	_ =	shalt  }
0x7b: {  	_ =	shalt  }
0x7c: {  	_ =	shalt  }
0x7d: {  	_ =	shalt  }
0x7e: {  	_ =	shalt  }
0x7f: {  	_ =	shalt  }
0x80: {  	_ =	shalt  }
0x81: {  	_ =	shalt  }
0x82: {  	_ =	shalt  }
0x83: {  	_ =	shalt  }
0x84: {  	_ =	shalt  }
0x85: {  	_ =	shalt  }
0x86: {  	_ =	shalt  }
0x87: {  	_ =	shalt  }
.Lfunc_end0:
.L_simem_size_0:
called_computation.1_lowered:
.L_overlay_start_0:
0x88: {  	s2 =	sld [smem:$0x3FD9]  }
0x89: {  	s3 =	sld [smem:$0x3FFE];
	_ =	sdelay $0x1  }
0x8a: {  	s1 =	srdreg.scid  }
0x8b: {  	s0 =	sand.u32 $0x1, s1  }
0x8c: {  	s16 =	sshll.u32 s0, $0xA;
	s2 =	sadd.s32 s3, s2  }
0x8d: {  	s2 =	sadd.s32 s2, s16  }
0x8e: {  	[smem:$0x3FA4] =	sst s2  }
0x8f: {  	_ = 	snop  }
0x90: {  	(tm) =	ssettm $0x1  }
0x91: {  	s17 =	sld [smem:$0x3FFB];
	_ =	sdelay $0x3  }
0x92: {  	_ =	strace s17  }
0x93: {  	s2 =	sld [smem:$0x3FFC];
	_ =	sdelay $0x3  }
0x94: {  	_ =	strace s2  }
0x95: {  	s2 =	sld [smem:$0x3FFD];
	_ =	sdelay $0x3  }
0x96: {  	_ =	strace s2  }
0x97: {  	_ =	strace $0x8FFFFFFF  }
0x98: {  	s18 =	sld [smem:$0x3FDB];
	_ =	sdelay $0x1  }
0x99: {  	s19 =	simm.s32 $_scs_section_size  }
0x9a: {  	s4 =	simm.s32 $_size__tile_overlayer_lowered;
	s5 =	simm.s32 $_tile_overlayer_lowered  }
0x9b: {  	s22 =	simm.s32 $0x1BFF;
	s21 =	sshll.u32 s5, $0x1;
	s2 =	sadd.s32 s19, s18  }
0x9c: {  	s6 =	simm.s32 $0x0;
	s20 =	sshll.u32 s4, $0x1;
	s4 =	sadd.s32 s21, s2  }
0x9d: {  	[timem:s6], [sflag:s22] =	dma.local [hbm:s4], s20  }
0x9e: {  	_ =	swait.ge [sflag:s22], s20  }
0x9f: {  	s3 =	ssub.s32 $0x0, s20;
	[sflag:s22] =	ssyncset.done $0x0  }
0xa0: {  	[sflag:s22] =	ssyncadd.s32 s3;
	_ =	sdelay $0x1  }
0xa1: {  	s23 =	simm.s32 $0x1B8B  }
0xa2: {  	_ =	swait.ge [sflag:s23], $0x1  }
0xa3: {  	[sflag:s23] =	ssyncset.done $0x0  }
0xa4: {  	s25 =	simm.s32 $0x1B8E;
	s24 =	sld [smem:$0x3FFE];
	[sflag:s23] =	ssyncadd.s32 $0xFFFFFFFF  }
0xa5: {  	s26 =	simm.s32 $execute0_lowered;
	[smem:$0x3FD2] =	sst s25  }
0xa6: {  	s4 =	sshll.u32 s26, $0x1;
	_ =	strace $0x80000049;
	[dreg:$0x1] =	wrdreg $0xFFFFFFFF  }
0xa7: {  	s28 =	simm.s32 $_size_execute0_lowered;
	s2 =	sadd.s32 s2, s4;
	[dreg:$0x0] =	wrdreg $0x0  }
0xa8: {  	s4 =	sshll.u32 s28, $0x1;
	[dreg:$0x2] =	wrdreg s2  }
0xa9: {  	[dreg:$0x3] =	wrdreg s4  }
0xaa: {  	[dreg:$0x4] =	wrdreg $0xC0  }
0xab: {  	_ =	task [dreg:s6], $0x5FFFF  }
0xac: {  	[dreg:$0x1] =	wrdreg $0xFFFFFFFF  }
0xad: {  	[dreg:$0x0] =	wrdreg $0x60  }
0xae: {  	[dreg:$0x2] =	wrdreg s24  }
0xaf: {  	[dreg:$0x3] =	wrdreg $0xA8000  }
0xb0: {  	[dreg:$0x4] =	wrdreg $0x9  }
0xb1: {  	_ =	task.clear_ibuf [dreg:s6], $0x5FFFF;
	_ =	strace $0x90000049  }
0xb2: {  	s29 =	simm.s32 $0x9;
	_ =	strace $0x8000004B  }
0xb3: {  	_ =	swait.ge [sflag:s29], $0x1  }
0xb4: {  	[sflag:s29] =	ssyncadd.s32 $0xFFFFFFFF  }
0xb5: {  	_ =	strace $0x9000004B  }
0xb6: {  	_ =	sfence  }
0xb7: {  	s30 =	sld [smem:$0x0];
	_ =	sdelay $0x2  }
0xb8: {  	s31 =	sshll.u32 s1, $0xD;
	s1 =	sshrl.u32 s1, $0x2  }
0xb9: {  	s3 =	sand.u32 $0x4000, s31;
	s1 =	sadd.s32 s1, s30  }
0xba: {  	s0 =	sor.u32 s3, s0;
	s1 =	sshll.u32 s1, $0x11  }
0xbb: {  	s0 =	sor.u32 s1, s0  }
0xbc: {  	s0 =	sadd.s32 $0x8F2B, s0  }
0xbd: {  	[sflag:s0] =	ssyncadd.remote.s32 $0x1  }
0xbe: {  	_ =	sfence.sel $0xFFFF  }
0xbf: {  	[dreg:$0x0] =	wrdreg $0xFFFFFFFF;
	(pc) =	sbr.abs _section_cstart, $3  }
0xc0: {  	[dreg:$0x1] =	wrdreg $0xFFFFFFFF  }
0xc1: {  	_ =	task.clear_ibuf [dreg:s6], $0x2FFFF;
	_ =	strace $0x9FFFFFFF  }
0xc2: {  	(tm) =	ssettm $0x7FFFFFFF  }
0xc3: {  	_ =	shalt  }
tec
execute0_lowered:
.L_overlay_start_1:
0x0: {  	(tag) =	ssettag $0x1  }
0x1: {  	s5 =	rddreg [dreg:$0x0]  }
0x2: {  	s1 =	rddreg [dreg:$0x1]  }
0x3: {  	s2 =	srdreg.scid;
	s0 =	rddreg [dreg:$0x2];
	s3 =	simm.s32 $0x0  }
0x4: {  	s14 =	simm.s32 $0x3;
	s15 =	simm.s32 $0x1400;
	s16 =	simm.s32 $0x2800  }
0x5: {  	s17 =	simm.s32 $0x80;
	s18 =	simm.s32 $0x6800;
	s19 =	simm.s32 $0x1  }
0x6: {  	s20 =	simm.s32 $0x2;
	s6 =	sand.u32 $0x1, s2;
	s2 =	stileid.u32  }
0x7: {  	s23 =	simm.s32 $0x0;
	[smem:$0x7FF] =	sst s3;
	s7 =	smul.u32 $0x13C000, s6  }
0x8: {  	s4 =	sshll.u32 s6, $0x4;
	s8 =	smul.u32 $0x13C00, s2;
	_ =	strace $0x8000004A  }
0x9: {  	s29 =	smul.u32 $0x4F000, s2;
	s6 =	ssub.s32 $0x2, s6;
	s21 =	sshll.u32 s2, $0x6  }
0xa: {  	s4 =	sor.u32 s2, s4;
	s30 =	sshrl.u32 s6, $0x1;
	s21 =	sor.u32 $0x1C03, s21  }
0xb: {  	s9 =	smul.u32 $0x280, s4;
	s4 =	sadd.s32 $0x6200, s5;
	s7 =	sadd.s32 s8, s7  }
0xc: {  	s31 =	sshrl.u32 s29, $0x2;
	s13 =	ssub.s32 s6, s30;
	s7 =	sshrl.u32 s7, $0x3  }
0xd: {  	s6 =	sadd.s32 s31, s1;
	s13 =	smax.u32 s13, $0x1;
	s9 =	sadd.s32 s9, s5  }
0xe: {  	s12 =	sadd.s32 s7, s5;
	s8 =	sadd.s32 $0x4000, s6;
	s10 =	sadd.s32 $0xC000, s6  }
0xf: {  	s11 =	sadd.s32 $0x10000, s6;
	s22 =	sshrl.u32 s6, $0x3;
	s5 =	sadd.s32 $0xA2600, s9  }
0x10: {  	v0 =	vimm.f32 $0.0e+00;
	s7 =	sadd.s32 $0xA7600, s9;
	s9 =	sadd.s32 $0x8000, s6;
	s12 =	sadd.s32 $0x2D400, s12  }
.LBB2_1:
0x11: {  	[tilespmem:s3], [sflag:$0x3] =	stream.linear.gather [hbm4b:s5+s3], $0x1400, $0x38;
	[tilespmem:$0x1E400] =	vst v63  }
0x12: {  	_ =	swait.ge [sflag:s14], $0x1400  }
0x13: {  	[sflag:s14] =	ssyncset.done $0x0  }
0x14: {  	[sflag:s14] =	ssyncadd.s32 $0xFFFFEC00  }
0x15: {  	[tilespmem:s15], [sflag:$0x3] =	stream.linear.gather [hbm4b:s7+s3], $0x1400, $0x38;
	[tilespmem:$0x1E400] =	vst v63  }
0x16: {  	_ =	swait.ge [sflag:s14], $0x1400  }
0x17: {  	[sflag:s14] =	ssyncset.done $0x0  }
0x18: {  	s24 =	simm.s32 $0x0;
	s25 =	simm.s32 $0x200;
	[sflag:s14] =	ssyncadd.s32 $0xFFFFEC00  }
.LBB2_2:
0x19: {  	p0 =	sne.s32 s25, $0xFE00;
	[tilespmem:s24+$0x2870] =	vst v0  }
0x1a: {  	[tilespmem:s24+$0x2800] =	vst v0  }
0x1b: {  	[tilespmem:s24+$0x2810] =	vst v0  }
.Ltmp0:
0x1c: {  	[tilespmem:s24+$0x2820] =	vst v0;
	(pc) =	sbr.rel @p0 .LBB2_2-.Ltmp0, $4  }
0x1d: {  	[tilespmem:s24+$0x2830] =	vst v0  }
0x1e: {  	[tilespmem:s24+$0x2840] =	vst v0  }
0x1f: {  	[tilespmem:s24+$0x2850] =	vst v0  }
0x20: {  	[tilespmem:s24+$0x2860] =	vst v0;
	s24 =	sshra.s32 s25, $0x2;
	s25 =	sadd.s32 $0x200, s25  }
0x21: {  	[tilespmem:s24+$0x2870] =	vst v0  }
0x22: {  	[tilespmem:s24+$0x2800] =	vst v0  }
0x23: {  	[tilespmem:s24+$0x2810] =	vst v0  }
0x24: {  	[tilespmem:s24+$0x2820] =	vst v0  }
0x25: {  	[tilespmem:s24+$0x2830] =	vst v0  }
0x26: {  	[tilespmem:s24+$0x2840] =	vst v0  }
0x27: {  	[tilespmem:s24+$0x2850] =	vst v0  }
0x28: {  	[tilespmem:s24+$0x2860] =	vst v0  }
0x29: {  	[spmem:s6] =	stream.linear.scatter [tilespmem:s16], [sflag:$0x3], $0x4000, $0x38;
	[tilespmem:$0x1E400] =	vst v63  }
0x2a: {  	_ =	swait.ge [sflag:s14], $0x4000  }
0x2b: {  	[sflag:s14] =	ssyncset.done $0x0  }
0x2c: {  	[sflag:s14] =	ssyncadd.s32 $0xFFFFC000  }
0x2d: {  	[spmem:s8] =	stream.linear.scatter [tilespmem:s16], [sflag:$0x3], $0x4000, $0x38;
	[tilespmem:$0x1E400] =	vst v63  }
0x2e: {  	_ =	swait.ge [sflag:s14], $0x4000  }
0x2f: {  	[sflag:s14] =	ssyncset.done $0x0  }
0x30: {  	[sflag:s14] =	ssyncadd.s32 $0xFFFFC000  }
0x31: {  	[spmem:s9] =	stream.linear.scatter [tilespmem:s16], [sflag:$0x3], $0x4000, $0x38;
	[tilespmem:$0x1E400] =	vst v63  }
0x32: {  	_ =	swait.ge [sflag:s14], $0x4000  }
0x33: {  	[sflag:s14] =	ssyncset.done $0x0  }
0x34: {  	[sflag:s14] =	ssyncadd.s32 $0xFFFFC000  }
0x35: {  	[spmem:s10] =	stream.linear.scatter [tilespmem:s16], [sflag:$0x3], $0x4000, $0x38;
	[tilespmem:$0x1E400] =	vst v63  }
0x36: {  	_ =	swait.ge [sflag:s14], $0x4000  }
0x37: {  	[sflag:s14] =	ssyncset.done $0x0  }
0x38: {  	[sflag:s14] =	ssyncadd.s32 $0xFFFFC000  }
0x39: {  	[spmem:s11] =	stream.linear.scatter [tilespmem:s16], [sflag:$0x3], $0x3C00, $0x38;
	[tilespmem:$0x1E400] =	vst v63  }
0x3a: {  	_ =	swait.ge [sflag:s14], $0x3C00  }
0x3b: {  	[sflag:s14] =	ssyncset.done $0x0  }
0x3c: {  	[sflag:s14] =	ssyncadd.s32 $0xFFFFC400  }
0x3d: {  	s28 =	simm.s32 $0x0;
	[bflag:$0x0] =	sbarrier.arrive $0xFFFF  }
0x3e: {  	[tilespmem:s16], [sflag:$0x1] =	stream.indirect.gather [hbm4b:s4+s17], $0x80, s28, s17, $0xb8;
	[tilespmem:$0x1E400] =	vst v63  }
0x3f: {  	s29 =	simm.s32 $0x80  }
0x40: {  	[tilespmem:s18], [sflag:$0x2] =	stream.indirect.gather [hbm4b:s4+s17], $0x80, s29, s17, $0xb8;
	[tilespmem:$0x1E400] =	vst v63  }
0x41: {  	_ =	swait.ge [sflag:s19], $0x4000  }
0x42: {  	[sflag:s19] =	ssyncset.done $0x0  }
0x43: {  	s30 =	simm.s32 $0x1400;
	[sflag:s19] =	ssyncadd.s32 $0xFFFFC000  }
0x44: {  	[spmem:s1] =	stream.indirect.scatter.add.f32 [tilespmem:s16], [sflag:$0x3], $0x80, s30, s17, $0xb8;
	[tilespmem:$0x1E400] =	vst v63  }
0x45: {  	_ =	swait.ge [sflag:s14], $0x4000  }
0x46: {  	[sflag:s14] =	ssyncset.done $0x0  }
0x47: {  	[sflag:s14] =	ssyncadd.s32 $0xFFFFC000  }
0x48: {  	_ =	swait.ge [sflag:s20], $0x4000  }
0x49: {  	[sflag:s20] =	ssyncset.done $0x0  }
0x4a: {  	s31 =	simm.s32 $0x1480;
	[sflag:s20] =	ssyncadd.s32 $0xFFFFC000  }
0x4b: {  	[spmem:s1] =	stream.indirect.scatter.add.f32 [tilespmem:s18], [sflag:$0x3], $0x80, s31, s17, $0xb8;
	[tilespmem:$0x1E400] =	vst v63  }
0x4c: {  	_ =	swait.ge [sflag:s14], $0x4000  }
0x4d: {  	s24 =	simm.s32 $0x400;
	s25 =	simm.s32 $0x800;
	[sflag:s14] =	ssyncset.done $0x0  }
.LBB2_4:
0x4e: {  	s26 =	sshra.s32 s24, $0x2  }
0x4f: {  	[sflag:s14] =	ssyncadd.s32 $0xFFFFC000;
	s24 =	smov.u32 s25;
	s28 =	sadd.s32 $0x400, s25  }
0x50: {  	[tilespmem:s16], [sflag:$0x1] =	stream.indirect.gather [hbm4b:s4+s17], $0x80, s26, s17, $0xb8;
	[tilespmem:$0x1E400] =	vst v63  }
0x51: {  	p0 =	sne.s32 s25, $0x4C00;
	s25 =	sadd.s32 $0x80, s26  }
0x52: {  	[tilespmem:s18], [sflag:$0x2] =	stream.indirect.gather [hbm4b:s4+s17], $0x80, s25, s17, $0xb8;
	[tilespmem:$0x1E400] =	vst v63  }
0x53: {  	_ =	swait.ge [sflag:s19], $0x4000  }
0x54: {  	[sflag:s19] =	ssyncset.done $0x0  }
0x55: {  	s25 =	sadd.s32 $0x1400, s26;
	[sflag:s19] =	ssyncadd.s32 $0xFFFFC000  }
0x56: {  	[spmem:s1] =	stream.indirect.scatter.add.f32 [tilespmem:s16], [sflag:$0x3], $0x80, s25, s17, $0xb8;
	[tilespmem:$0x1E400] =	vst v63  }
0x57: {  	_ =	swait.ge [sflag:s14], $0x4000  }
0x58: {  	[sflag:s14] =	ssyncset.done $0x0  }
0x59: {  	[sflag:s14] =	ssyncadd.s32 $0xFFFFC000  }
0x5a: {  	_ =	swait.ge [sflag:s20], $0x4000  }
.Ltmp1:
0x5b: {  	[sflag:s20] =	ssyncset.done $0x0;
	(pc) =	sbr.rel @p0 .LBB2_4-.Ltmp1, $4  }
0x5c: {  	s25 =	sadd.s32 $0x1480, s26;
	[sflag:s20] =	ssyncadd.s32 $0xFFFFC000  }
0x5d: {  	[spmem:s1] =	stream.indirect.scatter.add.f32 [tilespmem:s18], [sflag:$0x3], $0x80, s25, s17, $0xb8;
	[tilespmem:$0x1E400] =	vst v63  }
0x5e: {  	_ =	swait.ge [sflag:s14], $0x4000  }
0x5f: {  	s25 =	smov.u32 s28;
	[sflag:s14] =	ssyncset.done $0x0  }
0x60: {  	s24 =	sshra.s32 s24, $0x2;
	[sflag:s14] =	ssyncadd.s32 $0xFFFFC000  }
0x61: {  	[tilespmem:s16], [sflag:$0x1] =	stream.indirect.gather [hbm4b:s4+s17], $0x80, s24, s17, $0xb8;
	[tilespmem:$0x1E400] =	vst v63  }
0x62: {  	s25 =	sadd.s32 $0x80, s24  }
0x63: {  	[tilespmem:s18], [sflag:$0x2] =	stream.indirect.gather [hbm4b:s4+s17], $0x80, s25, s17, $0xb8;
	[tilespmem:$0x1E400] =	vst v63  }
0x64: {  	_ =	swait.ge [sflag:s19], $0x4000  }
0x65: {  	[sflag:s19] =	ssyncset.done $0x0  }
0x66: {  	s31 =	sadd.s32 $0x1400, s24;
	[sflag:s19] =	ssyncadd.s32 $0xFFFFC000  }
0x67: {  	[spmem:s1] =	stream.indirect.scatter.add.f32 [tilespmem:s16], [sflag:$0x3], $0x80, s31, s17, $0xb8;
	[tilespmem:$0x1E400] =	vst v63  }
0x68: {  	_ =	swait.ge [sflag:s14], $0x4000  }
0x69: {  	[sflag:s14] =	ssyncset.done $0x0  }
0x6a: {  	[sflag:s14] =	ssyncadd.s32 $0xFFFFC000  }
0x6b: {  	_ =	swait.ge [sflag:s20], $0x4000  }
0x6c: {  	[sflag:s20] =	ssyncset.done $0x0  }
0x6d: {  	s24 =	sadd.s32 $0x1480, s24;
	[sflag:s20] =	ssyncadd.s32 $0xFFFFC000  }
0x6e: {  	[spmem:s1] =	stream.indirect.scatter.add.f32 [tilespmem:s18], [sflag:$0x3], $0x80, s24, s17, $0xb8;
	[tilespmem:$0x1E400] =	vst v63  }
0x6f: {  	_ =	swait.ge [sflag:s14], $0x4000  }
0x70: {  	s23 =	sadd.s32 $0x1, s23;
	[sflag:s14] =	ssyncset.done $0x0  }
0x71: {  	p0 =	sne.s32 s23, s13;
	[sflag:s14] =	ssyncadd.s32 $0xFFFFC000  }
.Ltmp2:
0x72: {  	[bflag:$0x0] =	sbarrier.arrive $0xFFFF;
	(pc) =	sbr.rel @p0 .LBB2_1-.Ltmp2, $4  }
0x73: {  	[hbm:s12], [sflag:s21] =	dma.local [spmem:s22], $0x2780  }
0x74: {  	_ =	swait.ge [sflag:s14], $0x2780  }
0x75: {  	[sflag:s14] =	ssyncset.done $0x0  }
0x76: {  	[sflag:s14] =	ssyncadd.s32 $0xFFFFD880  }
0x77: {  	_ =	sfence.sel $0x180000  }
0x78: {  	[bflag:$0x0] =	sbarrier.arrive $0xFFFF  }
0x79: {  	p0 =	sne.s32 s2, $0x0;
	_ =	strace $0x9000004A  }
0x7a: {  	s0 =	sadd.s32 @!p0 $0x100000, s0;
	[bflag:$0x2] =	sbarrier.arrive $0xFFFF  }
0x7b: {  	[sflag:s0] =	ssyncadd.tile.s32 @!p0 $0x1;
	_ =	shalt  }
.Lfunc_end2:
_tile_overlayer_lowered:
.L_overlay_start_2:
0x7c: {  	(tag) =	ssettag $0x2  }
0x7d: {  	s0 =	rddreg [dreg:$0x0];
	s2 =	stileid.u32  }
0x7e: {  	s1 =	rddreg [dreg:$0x1];
	p0 =	sne.s32 s2, $0x0  }
0x7f: {  	s3 =	rddreg [dreg:$0x2];
	[bflag:$0x3] =	sbarrier.arrive $0xFFFF;
	s2 =	simm.s32 @!p0 $0x1C03  }
0x80: {  	[timem:s3], [sflag:s2] =	dma.local @!p0 [hbm:s0], s1  }
0x81: {  	s0 =	simm.s32 @!p0 $0x3  }
0x82: {  	_ =	swait.ge @!p0 [sflag:s0], s1  }
0x83: {  	s1 =	ssub.s32 @!p0 $0x0, s1;
	[sflag:s0] =	ssyncset.done @!p0 $0x0  }
0x84: {  	[sflag:s0] =	ssyncadd.s32 @!p0 s1  }
0x85: {  	[bflag:$0x3] =	sbarrier.arrive $0xFFFF  }
0x86: {  	_ =	shalt  }

// kernel: kernel.21.cloned.1.call-start
scs
__scs_entry_jumppad:
0x0: {  	(pc) =	sbr.rel $0x88, $3  }
0x1: {  	(tag) =	ssettag $0x0;
	lr =	simm.s32 $0x1  }
0x2: {  	[smem:$0x3F7D] =	sst lr;
	_ =	strace $0xD0000000  }
0x3: {  	_ = 	snop  }
0x4: {  	_ = 	snop  }
0x5: {  	_ = 	snop  }
0x6: {  	_ = 	snop  }
0x7: {  	_ = 	snop  }
__scs_overlays_trampoline_lowered:
0x8: {  	[smem:$0x3F8C] =	sst s0  }
0x9: {  	[smem:$0x3F8D] =	sst s1  }
0xa: {  	[smem:$0x3F8E] =	sst s2  }
0xb: {  	[smem:$0x3F8F] =	sst s3  }
0xc: {  	[smem:$0x3F90] =	sst s4  }
0xd: {  	[smem:$0x3F91] =	sst s5  }
0xe: {  	[smem:$0x3F92] =	sst s6  }
0xf: {  	[smem:$0x3F93] =	sst s7  }
0x10: {  	[smem:$0x3F94] =	sst s8  }
0x11: {  	[smem:$0x3F95] =	sst s9;
	s0 =	simm.s32 @!p0 $0x0  }
0x12: {  	s1 =	sld [smem:$0x3F7B];
	s0 =	simm.s32 @p0 $0x1  }
0x13: {  	[smem:$0x3F96] =	sst s0;
	s0 =	simm.s32 @!p1 $0x0  }
0x14: {  	s2 =	sld [smem:$0x3F7A];
	s0 =	simm.s32 @p1 $0x1  }
0x15: {  	[smem:$0x3F97] =	sst s0;
	s0 =	simm.s32 @!p2 $0x0  }
0x16: {  	s3 =	sld [smem:$0x3FDB];
	s0 =	simm.s32 @p2 $0x1  }
0x17: {  	s4 =	simm.s32 $0x1BF5;
	[smem:$0x3F99] =	sst s0  }
0x18: {  	s0 =	sld [smem:$0x3F7C];
	_ =	swait.ge [sflag:s4], $0x0  }
0x19: {  	s7 =	sld [smem:$0x3F7D]  }
0x1a: {  	s8 =	sadd.s32 $0xFFFFE003, lr  }
0x1b: {  	s9 =	sadd.s32 $0xFFFFFEF7, lr;
	s5 =	simm.s32 $0xFFFFFFFF;
	p2 =	slt.u32 s8, $0xFFFFF086  }
0x1c: {  	p1 =	slt.u32 s9, $0xF7A;
	s5 =	simm.s32 @!p2 $0x0  }
0x1d: {  	s5 =	simm.s32 @p1 $0x1;
	p0 =	seq.s32 s7, s2  }
0x1e: {  	s7 =	smul.u32 @!p0 $0xF7A, s2;
	p2 =	seq.s32 @!p0 s5, $0x0  }
0x1f: {  	s9 =	smul.u32 $0xF7A, s1;
	s8 =	simm.s32 @!p0 $0x1BF5;
	p2 =	por !p2, p0  }
0x20: {  	[sflag:s8] =	ssyncset.s32 @!p0 $0xFFFFF086;
	s6 =	sadd.s32 @!p0 s3, s7;
	s7 =	simm.s32 @!p0 $0x108  }
0x21: {  	s3 =	sadd.s32 s3, s9;
	s6 =	sadd.s32 @!p0 $0x88, s6;
	s7 =	simm.s32 @p2 $0x1082  }
0x22: {  	[simem:s7], [sflag:s8] =	dma.local @!p0 [hbm:s6], $0xF7A  }
0x23: {  	s9 =	sor.u32 $0xD0000000, s2;
	s6 =	simm.s32 $0x108;
	_ =	swait.ge @!p0 [sflag:s8], $0x0  }
0x24: {  	s3 =	sadd.s32 $0x88, s3;
	s6 =	simm.s32 @!p1 $0x1082;
	[sflag:s4] =	ssyncset.s32 $0xFFFFF086  }
0x25: {  	[simem:s6], [sflag:s4] =	dma.local [hbm:s3], $0xF7A  }
0x26: {  	[smem:$0x3F7D] =	sst s1;
	(tag) =	ssettag s2;
	_ =	strace s9  }
0x27: {  	s1 =	sld [smem:$0x3F8D]  }
0x28: {  	s2 =	sld [smem:$0x3F8E]  }
0x29: {  	s4 =	sld [smem:$0x3F90]  }
0x2a: {  	p0 =	seq.s32 s5, $0x0;
	s5 =	sld [smem:$0x3F91]  }
0x2b: {  	s6 =	sld [smem:$0x3F92]  }
0x2c: {  	s7 =	sld [smem:$0x3F93]  }
0x2d: {  	s3 =	simm.s32 $0x108;
	s8 =	sld [smem:$0x3F94]  }
0x2e: {  	s3 =	simm.s32 @!p0 $0x1082;
	s9 =	sld [smem:$0x3F95]  }
0x2f: {  	lr =	sadd.s32 s0, s3;
	s0 =	sld [smem:$0x3F8C]  }
0x30: {  	s3 =	sld [smem:$0x3F8F]  }
0x31: {  	[smem:$0x3F98] =	sst s10  }
0x32: {  	s10 =	sld [smem:$0x3F96];
	_ =	sdelay $0x3  }
0x33: {  	p0 =	seq.s32 s10, $0x1;
	s10 =	sld [smem:$0x3F98];
	_ =	sdelay $0x3  }
0x34: {  	[smem:$0x3F98] =	sst s10  }
0x35: {  	s10 =	sld [smem:$0x3F97];
	_ =	sdelay $0x3  }
0x36: {  	p1 =	seq.s32 s10, $0x1;
	s10 =	sld [smem:$0x3F98];
	_ =	sdelay $0x3  }
0x37: {  	[smem:$0x3F98] =	sst s10  }
0x38: {  	s10 =	sld [smem:$0x3F99]  }
0x39: {  	_ = 	snop;
	(pc) =	sbr.ind lr, $3  }
0x3a: {  	_ = 	snop  }
0x3b: {  	_ = 	snop  }
0x3c: {  	p2 =	seq.s32 s10, $0x1;
	s10 =	sld [smem:$0x3F98]  }
0x3d: {  	_ =	shalt  }
0x3e: {  	_ =	shalt  }
0x3f: {  	_ =	shalt  }
0x40: {  	_ =	shalt  }
0x41: {  	_ =	shalt  }
0x42: {  	_ =	shalt  }
0x43: {  	_ =	shalt  }
0x44: {  	_ =	shalt  }
0x45: {  	_ =	shalt  }
0x46: {  	_ =	shalt  }
0x47: {  	_ =	shalt  }
0x48: {  	_ =	shalt  }
0x49: {  	_ =	shalt  }
0x4a: {  	_ =	shalt  }
0x4b: {  	_ =	shalt  }
0x4c: {  	_ =	shalt  }
0x4d: {  	_ =	shalt  }
0x4e: {  	_ =	shalt  }
0x4f: {  	_ =	shalt  }
0x50: {  	_ =	shalt  }
0x51: {  	_ =	shalt  }
0x52: {  	_ =	shalt  }
0x53: {  	_ =	shalt  }
0x54: {  	_ =	shalt  }
0x55: {  	_ =	shalt  }
0x56: {  	_ =	shalt  }
0x57: {  	_ =	shalt  }
0x58: {  	_ =	shalt  }
0x59: {  	_ =	shalt  }
0x5a: {  	_ =	shalt  }
0x5b: {  	_ =	shalt  }
0x5c: {  	_ =	shalt  }
0x5d: {  	_ =	shalt  }
0x5e: {  	_ =	shalt  }
0x5f: {  	_ =	shalt  }
0x60: {  	_ =	shalt  }
0x61: {  	_ =	shalt  }
0x62: {  	_ =	shalt  }
0x63: {  	_ =	shalt  }
0x64: {  	_ =	shalt  }
0x65: {  	_ =	shalt  }
0x66: {  	_ =	shalt  }
0x67: {  	_ =	shalt  }
0x68: {  	_ =	shalt  }
0x69: {  	_ =	shalt  }
0x6a: {  	_ =	shalt  }
0x6b: {  	_ =	shalt  }
0x6c: {  	_ =	shalt  }
0x6d: {  	_ =	shalt  }
0x6e: {  	_ =	shalt  }
0x6f: {  	_ =	shalt  }
0x70: {  	_ =	shalt  }
0x71: {  	_ =	shalt  }
0x72: {  	_ =	shalt  }
0x73: {  	_ =	shalt  }
0x74: {  	_ =	shalt  }
0x75: {  	_ =	shalt  }
0x76: {  	_ =	shalt  }
0x77: {  	_ =	shalt  }
0x78: {  	_ =	shalt  }
0x79: {  	_ =	shalt  }
0x7a: {  	_ =	shalt  }
0x7b: {  	_ =	shalt  }
0x7c: {  	_ =	shalt  }
0x7d: {  	_ =	shalt  }
0x7e: {  	_ =	shalt  }
0x7f: {  	_ =	shalt  }
0x80: {  	_ =	shalt  }
0x81: {  	_ =	shalt  }
0x82: {  	_ =	shalt  }
0x83: {  	_ =	shalt  }
0x84: {  	_ =	shalt  }
0x85: {  	_ =	shalt  }
0x86: {  	_ =	shalt  }
0x87: {  	_ =	shalt  }
.Lfunc_end0:
.L_simem_size_0:
called_computation.2_lowered:
.L_overlay_start_0:
0x88: {  	s2 =	sld [smem:$0x3FD9]  }
0x89: {  	s3 =	sld [smem:$0x3FFE];
	_ =	sdelay $0x1  }
0x8a: {  	s1 =	srdreg.scid  }
0x8b: {  	s0 =	sand.u32 $0x1, s1  }
0x8c: {  	s16 =	sshll.u32 s0, $0xA;
	s2 =	sadd.s32 s3, s2  }
0x8d: {  	s2 =	sadd.s32 s2, s16  }
0x8e: {  	[smem:$0x3FA4] =	sst s2  }
0x8f: {  	_ = 	snop  }
0x90: {  	(tm) =	ssettm $0x1  }
0x91: {  	s17 =	sld [smem:$0x3FFB];
	_ =	sdelay $0x3  }
0x92: {  	_ =	strace s17  }
0x93: {  	s2 =	sld [smem:$0x3FFC];
	_ =	sdelay $0x3  }
0x94: {  	_ =	strace s2  }
0x95: {  	s2 =	sld [smem:$0x3FFD];
	_ =	sdelay $0x3  }
0x96: {  	_ =	strace s2  }
0x97: {  	_ =	strace $0x8FFFFFFF  }
0x98: {  	s18 =	sld [smem:$0x3FDB];
	_ =	sdelay $0x1  }
0x99: {  	s19 =	simm.s32 $_scs_section_size  }
0x9a: {  	s4 =	simm.s32 $_size__tile_overlayer_lowered;
	s5 =	simm.s32 $_tile_overlayer_lowered  }
0x9b: {  	s22 =	simm.s32 $0x1BFF;
	s21 =	sshll.u32 s5, $0x1;
	s2 =	sadd.s32 s19, s18  }
0x9c: {  	s6 =	simm.s32 $0x0;
	s20 =	sshll.u32 s4, $0x1;
	s4 =	sadd.s32 s21, s2  }
0x9d: {  	[timem:s6], [sflag:s22] =	dma.local [hbm:s4], s20  }
0x9e: {  	_ =	swait.ge [sflag:s22], s20  }
0x9f: {  	s3 =	ssub.s32 $0x0, s20;
	[sflag:s22] =	ssyncset.done $0x0  }
0xa0: {  	[sflag:s22] =	ssyncadd.s32 s3;
	_ =	sdelay $0x1  }
0xa1: {  	s23 =	simm.s32 $0x1B8B  }
0xa2: {  	_ =	swait.ge [sflag:s23], $0x1  }
0xa3: {  	[sflag:s23] =	ssyncset.done $0x0  }
0xa4: {  	s25 =	simm.s32 $0x1B8E;
	s24 =	sld [smem:$0x3FFE];
	[sflag:s23] =	ssyncadd.s32 $0xFFFFFFFF  }
0xa5: {  	s26 =	simm.s32 $execute0_lowered;
	[smem:$0x3FD2] =	sst s25  }
0xa6: {  	s4 =	sshll.u32 s26, $0x1;
	_ =	strace $0x8000004C;
	[dreg:$0x1] =	wrdreg $0xFFFFFFFF  }
0xa7: {  	s28 =	simm.s32 $_size_execute0_lowered;
	s2 =	sadd.s32 s2, s4;
	[dreg:$0x0] =	wrdreg $0x0  }
0xa8: {  	s4 =	sshll.u32 s28, $0x1;
	[dreg:$0x2] =	wrdreg s2  }
0xa9: {  	[dreg:$0x3] =	wrdreg s4  }
0xaa: {  	[dreg:$0x4] =	wrdreg $0xC0  }
0xab: {  	_ =	task [dreg:s6], $0x5FFFF  }
0xac: {  	[dreg:$0x1] =	wrdreg $0xFFFFFFFF  }
0xad: {  	[dreg:$0x0] =	wrdreg $0x60  }
0xae: {  	[dreg:$0x2] =	wrdreg s24  }
0xaf: {  	[dreg:$0x3] =	wrdreg $0xA8000  }
0xb0: {  	[dreg:$0x4] =	wrdreg $0x9  }
0xb1: {  	_ =	task.clear_ibuf [dreg:s6], $0x5FFFF;
	_ =	strace $0x9000004C  }
0xb2: {  	s29 =	simm.s32 $0x9;
	_ =	strace $0x8000004E  }
0xb3: {  	_ =	swait.ge [sflag:s29], $0x1  }
0xb4: {  	[sflag:s29] =	ssyncadd.s32 $0xFFFFFFFF  }
0xb5: {  	_ =	strace $0x9000004E  }
0xb6: {  	_ =	sfence  }
0xb7: {  	s30 =	sld [smem:$0x0];
	_ =	sdelay $0x2  }
0xb8: {  	s31 =	sshll.u32 s1, $0xD;
	s1 =	sshrl.u32 s1, $0x2  }
0xb9: {  	s3 =	sand.u32 $0x4000, s31;
	s1 =	sadd.s32 s1, s30  }
0xba: {  	s0 =	sor.u32 s3, s0;
	s1 =	sshll.u32 s1, $0x11  }
0xbb: {  	s0 =	sor.u32 s1, s0  }
0xbc: {  	s0 =	sadd.s32 $0x8F2B, s0  }
0xbd: {  	[sflag:s0] =	ssyncadd.remote.s32 $0x1  }
0xbe: {  	_ =	sfence.sel $0xFFFF  }
0xbf: {  	[dreg:$0x0] =	wrdreg $0xFFFFFFFF;
	(pc) =	sbr.abs _section_cstart, $3  }
0xc0: {  	[dreg:$0x1] =	wrdreg $0xFFFFFFFF  }
0xc1: {  	_ =	task.clear_ibuf [dreg:s6], $0x2FFFF;
	_ =	strace $0x9FFFFFFF  }
0xc2: {  	(tm) =	ssettm $0x7FFFFFFF  }
0xc3: {  	_ =	shalt  }
tec
execute0_lowered:
.L_overlay_start_1:
0x0: {  	(tag) =	ssettag $0x1  }
0x1: {  	s5 =	rddreg [dreg:$0x0]  }
0x2: {  	s1 =	rddreg [dreg:$0x1]  }
0x3: {  	s2 =	srdreg.scid;
	s0 =	rddreg [dreg:$0x2];
	s3 =	simm.s32 $0x0  }
0x4: {  	s14 =	simm.s32 $0x3;
	s15 =	simm.s32 $0x1400;
	s16 =	simm.s32 $0x2800  }
0x5: {  	s17 =	simm.s32 $0x80;
	s18 =	simm.s32 $0x6800;
	s19 =	simm.s32 $0x1  }
0x6: {  	s20 =	simm.s32 $0x2;
	s6 =	sand.u32 $0x1, s2;
	s2 =	stileid.u32  }
0x7: {  	s23 =	simm.s32 $0x0;
	[smem:$0x7FF] =	sst s3;
	s7 =	smul.u32 $0x13C000, s6  }
0x8: {  	s4 =	sshll.u32 s6, $0x4;
	s8 =	smul.u32 $0x13C00, s2;
	_ =	strace $0x8000004D  }
0x9: {  	s29 =	smul.u32 $0x4F000, s2;
	s6 =	ssub.s32 $0x2, s6;
	s21 =	sshll.u32 s2, $0x6  }
0xa: {  	s4 =	sor.u32 s2, s4;
	s30 =	sshrl.u32 s6, $0x1;
	s21 =	sor.u32 $0x1C03, s21  }
0xb: {  	s9 =	smul.u32 $0x280, s4;
	s4 =	sadd.s32 $0x6200, s5;
	s7 =	sadd.s32 s8, s7  }
0xc: {  	s31 =	sshrl.u32 s29, $0x2;
	s13 =	ssub.s32 s6, s30;
	s7 =	sshrl.u32 s7, $0x3  }
0xd: {  	s6 =	sadd.s32 s31, s1;
	s13 =	smax.u32 s13, $0x1;
	s9 =	sadd.s32 s9, s5  }
0xe: {  	s12 =	sadd.s32 s7, s5;
	s8 =	sadd.s32 $0x4000, s6;
	s10 =	sadd.s32 $0xC000, s6  }
0xf: {  	s11 =	sadd.s32 $0x10000, s6;
	s22 =	sshrl.u32 s6, $0x3;
	s5 =	sadd.s32 $0xA2600, s9  }
0x10: {  	v0 =	vimm.f32 $0.0e+00;
	s7 =	sadd.s32 $0xA7600, s9;
	s9 =	sadd.s32 $0x8000, s6;
	s12 =	sadd.s32 $0x2D400, s12  }
.LBB2_1:
0x11: {  	[tilespmem:s3], [sflag:$0x3] =	stream.linear.gather [hbm4b:s5+s3], $0x1400, $0x38;
	[tilespmem:$0x1E400] =	vst v63  }
0x12: {  	_ =	swait.ge [sflag:s14], $0x1400  }
0x13: {  	[sflag:s14] =	ssyncset.done $0x0  }
0x14: {  	[sflag:s14] =	ssyncadd.s32 $0xFFFFEC00  }
0x15: {  	[tilespmem:s15], [sflag:$0x3] =	stream.linear.gather [hbm4b:s7+s3], $0x1400, $0x38;
	[tilespmem:$0x1E400] =	vst v63  }
0x16: {  	_ =	swait.ge [sflag:s14], $0x1400  }
0x17: {  	[sflag:s14] =	ssyncset.done $0x0  }
0x18: {  	s24 =	simm.s32 $0x0;
	s25 =	simm.s32 $0x200;
	[sflag:s14] =	ssyncadd.s32 $0xFFFFEC00  }
.LBB2_2:
0x19: {  	p0 =	sne.s32 s25, $0xFE00;
	[tilespmem:s24+$0x2870] =	vst v0  }
0x1a: {  	[tilespmem:s24+$0x2800] =	vst v0  }
0x1b: {  	[tilespmem:s24+$0x2810] =	vst v0  }
.Ltmp0:
0x1c: {  	[tilespmem:s24+$0x2820] =	vst v0;
	(pc) =	sbr.rel @p0 .LBB2_2-.Ltmp0, $4  }
0x1d: {  	[tilespmem:s24+$0x2830] =	vst v0  }
0x1e: {  	[tilespmem:s24+$0x2840] =	vst v0  }
0x1f: {  	[tilespmem:s24+$0x2850] =	vst v0  }
0x20: {  	[tilespmem:s24+$0x2860] =	vst v0;
	s24 =	sshra.s32 s25, $0x2;
	s25 =	sadd.s32 $0x200, s25  }
0x21: {  	[tilespmem:s24+$0x2870] =	vst v0  }
0x22: {  	[tilespmem:s24+$0x2800] =	vst v0  }
0x23: {  	[tilespmem:s24+$0x2810] =	vst v0  }
0x24: {  	[tilespmem:s24+$0x2820] =	vst v0  }
0x25: {  	[tilespmem:s24+$0x2830] =	vst v0  }
0x26: {  	[tilespmem:s24+$0x2840] =	vst v0  }
0x27: {  	[tilespmem:s24+$0x2850] =	vst v0  }
0x28: {  	[tilespmem:s24+$0x2860] =	vst v0  }
0x29: {  	[spmem:s6] =	stream.linear.scatter [tilespmem:s16], [sflag:$0x3], $0x4000, $0x38;
	[tilespmem:$0x1E400] =	vst v63  }
0x2a: {  	_ =	swait.ge [sflag:s14], $0x4000  }
0x2b: {  	[sflag:s14] =	ssyncset.done $0x0  }
0x2c: {  	[sflag:s14] =	ssyncadd.s32 $0xFFFFC000  }
0x2d: {  	[spmem:s8] =	stream.linear.scatter [tilespmem:s16], [sflag:$0x3], $0x4000, $0x38;
	[tilespmem:$0x1E400] =	vst v63  }
0x2e: {  	_ =	swait.ge [sflag:s14], $0x4000  }
0x2f: {  	[sflag:s14] =	ssyncset.done $0x0  }
0x30: {  	[sflag:s14] =	ssyncadd.s32 $0xFFFFC000  }
0x31: {  	[spmem:s9] =	stream.linear.scatter [tilespmem:s16], [sflag:$0x3], $0x4000, $0x38;
	[tilespmem:$0x1E400] =	vst v63  }
0x32: {  	_ =	swait.ge [sflag:s14], $0x4000  }
0x33: {  	[sflag:s14] =	ssyncset.done $0x0  }
0x34: {  	[sflag:s14] =	ssyncadd.s32 $0xFFFFC000  }
0x35: {  	[spmem:s10] =	stream.linear.scatter [tilespmem:s16], [sflag:$0x3], $0x4000, $0x38;
	[tilespmem:$0x1E400] =	vst v63  }
0x36: {  	_ =	swait.ge [sflag:s14], $0x4000  }
0x37: {  	[sflag:s14] =	ssyncset.done $0x0  }
0x38: {  	[sflag:s14] =	ssyncadd.s32 $0xFFFFC000  }
0x39: {  	[spmem:s11] =	stream.linear.scatter [tilespmem:s16], [sflag:$0x3], $0x3C00, $0x38;
	[tilespmem:$0x1E400] =	vst v63  }
0x3a: {  	_ =	swait.ge [sflag:s14], $0x3C00  }
0x3b: {  	[sflag:s14] =	ssyncset.done $0x0  }
0x3c: {  	[sflag:s14] =	ssyncadd.s32 $0xFFFFC400  }
0x3d: {  	s28 =	simm.s32 $0x0;
	[bflag:$0x0] =	sbarrier.arrive $0xFFFF  }
0x3e: {  	[tilespmem:s16], [sflag:$0x1] =	stream.indirect.gather [hbm4b:s4+s17], $0x80, s28, s17, $0xb8;
	[tilespmem:$0x1E400] =	vst v63  }
0x3f: {  	s29 =	simm.s32 $0x80  }
0x40: {  	[tilespmem:s18], [sflag:$0x2] =	stream.indirect.gather [hbm4b:s4+s17], $0x80, s29, s17, $0xb8;
	[tilespmem:$0x1E400] =	vst v63  }
0x41: {  	_ =	swait.ge [sflag:s19], $0x4000  }
0x42: {  	[sflag:s19] =	ssyncset.done $0x0  }
0x43: {  	s30 =	simm.s32 $0x1400;
	[sflag:s19] =	ssyncadd.s32 $0xFFFFC000  }
0x44: {  	[spmem:s1] =	stream.indirect.scatter.add.f32 [tilespmem:s16], [sflag:$0x3], $0x80, s30, s17, $0xb8;
	[tilespmem:$0x1E400] =	vst v63  }
0x45: {  	_ =	swait.ge [sflag:s14], $0x4000  }
0x46: {  	[sflag:s14] =	ssyncset.done $0x0  }
0x47: {  	[sflag:s14] =	ssyncadd.s32 $0xFFFFC000  }
0x48: {  	_ =	swait.ge [sflag:s20], $0x4000  }
0x49: {  	[sflag:s20] =	ssyncset.done $0x0  }
0x4a: {  	s31 =	simm.s32 $0x1480;
	[sflag:s20] =	ssyncadd.s32 $0xFFFFC000  }
0x4b: {  	[spmem:s1] =	stream.indirect.scatter.add.f32 [tilespmem:s18], [sflag:$0x3], $0x80, s31, s17, $0xb8;
	[tilespmem:$0x1E400] =	vst v63  }
0x4c: {  	_ =	swait.ge [sflag:s14], $0x4000  }
0x4d: {  	s24 =	simm.s32 $0x400;
	s25 =	simm.s32 $0x800;
	[sflag:s14] =	ssyncset.done $0x0  }
.LBB2_4:
0x4e: {  	s26 =	sshra.s32 s24, $0x2  }
0x4f: {  	[sflag:s14] =	ssyncadd.s32 $0xFFFFC000;
	s24 =	smov.u32 s25;
	s28 =	sadd.s32 $0x400, s25  }
0x50: {  	[tilespmem:s16], [sflag:$0x1] =	stream.indirect.gather [hbm4b:s4+s17], $0x80, s26, s17, $0xb8;
	[tilespmem:$0x1E400] =	vst v63  }
0x51: {  	p0 =	sne.s32 s25, $0x4C00;
	s25 =	sadd.s32 $0x80, s26  }
0x52: {  	[tilespmem:s18], [sflag:$0x2] =	stream.indirect.gather [hbm4b:s4+s17], $0x80, s25, s17, $0xb8;
	[tilespmem:$0x1E400] =	vst v63  }
0x53: {  	_ =	swait.ge [sflag:s19], $0x4000  }
0x54: {  	[sflag:s19] =	ssyncset.done $0x0  }
0x55: {  	s25 =	sadd.s32 $0x1400, s26;
	[sflag:s19] =	ssyncadd.s32 $0xFFFFC000  }
0x56: {  	[spmem:s1] =	stream.indirect.scatter.add.f32 [tilespmem:s16], [sflag:$0x3], $0x80, s25, s17, $0xb8;
	[tilespmem:$0x1E400] =	vst v63  }
0x57: {  	_ =	swait.ge [sflag:s14], $0x4000  }
0x58: {  	[sflag:s14] =	ssyncset.done $0x0  }
0x59: {  	[sflag:s14] =	ssyncadd.s32 $0xFFFFC000  }
0x5a: {  	_ =	swait.ge [sflag:s20], $0x4000  }
.Ltmp1:
0x5b: {  	[sflag:s20] =	ssyncset.done $0x0;
	(pc) =	sbr.rel @p0 .LBB2_4-.Ltmp1, $4  }
0x5c: {  	s25 =	sadd.s32 $0x1480, s26;
	[sflag:s20] =	ssyncadd.s32 $0xFFFFC000  }
0x5d: {  	[spmem:s1] =	stream.indirect.scatter.add.f32 [tilespmem:s18], [sflag:$0x3], $0x80, s25, s17, $0xb8;
	[tilespmem:$0x1E400] =	vst v63  }
0x5e: {  	_ =	swait.ge [sflag:s14], $0x4000  }
0x5f: {  	s25 =	smov.u32 s28;
	[sflag:s14] =	ssyncset.done $0x0  }
0x60: {  	s24 =	sshra.s32 s24, $0x2;
	[sflag:s14] =	ssyncadd.s32 $0xFFFFC000  }
0x61: {  	[tilespmem:s16], [sflag:$0x1] =	stream.indirect.gather [hbm4b:s4+s17], $0x80, s24, s17, $0xb8;
	[tilespmem:$0x1E400] =	vst v63  }
0x62: {  	s25 =	sadd.s32 $0x80, s24  }
0x63: {  	[tilespmem:s18], [sflag:$0x2] =	stream.indirect.gather [hbm4b:s4+s17], $0x80, s25, s17, $0xb8;
	[tilespmem:$0x1E400] =	vst v63  }
0x64: {  	_ =	swait.ge [sflag:s19], $0x4000  }
0x65: {  	[sflag:s19] =	ssyncset.done $0x0  }
0x66: {  	s31 =	sadd.s32 $0x1400, s24;
	[sflag:s19] =	ssyncadd.s32 $0xFFFFC000  }
0x67: {  	[spmem:s1] =	stream.indirect.scatter.add.f32 [tilespmem:s16], [sflag:$0x3], $0x80, s31, s17, $0xb8;
	[tilespmem:$0x1E400] =	vst v63  }
0x68: {  	_ =	swait.ge [sflag:s14], $0x4000  }
0x69: {  	[sflag:s14] =	ssyncset.done $0x0  }
0x6a: {  	[sflag:s14] =	ssyncadd.s32 $0xFFFFC000  }
0x6b: {  	_ =	swait.ge [sflag:s20], $0x4000  }
0x6c: {  	[sflag:s20] =	ssyncset.done $0x0  }
0x6d: {  	s24 =	sadd.s32 $0x1480, s24;
	[sflag:s20] =	ssyncadd.s32 $0xFFFFC000  }
0x6e: {  	[spmem:s1] =	stream.indirect.scatter.add.f32 [tilespmem:s18], [sflag:$0x3], $0x80, s24, s17, $0xb8;
	[tilespmem:$0x1E400] =	vst v63  }
0x6f: {  	_ =	swait.ge [sflag:s14], $0x4000  }
0x70: {  	s23 =	sadd.s32 $0x1, s23;
	[sflag:s14] =	ssyncset.done $0x0  }
0x71: {  	p0 =	sne.s32 s23, s13;
	[sflag:s14] =	ssyncadd.s32 $0xFFFFC000  }
.Ltmp2:
0x72: {  	[bflag:$0x0] =	sbarrier.arrive $0xFFFF;
	(pc) =	sbr.rel @p0 .LBB2_1-.Ltmp2, $4  }
0x73: {  	[hbm:s12], [sflag:s21] =	dma.local [spmem:s22], $0x2780  }
0x74: {  	_ =	swait.ge [sflag:s14], $0x2780  }
0x75: {  	[sflag:s14] =	ssyncset.done $0x0  }
0x76: {  	[sflag:s14] =	ssyncadd.s32 $0xFFFFD880  }
0x77: {  	_ =	sfence.sel $0x180000  }
0x78: {  	[bflag:$0x0] =	sbarrier.arrive $0xFFFF  }
0x79: {  	p0 =	sne.s32 s2, $0x0;
	_ =	strace $0x9000004D  }
0x7a: {  	s0 =	sadd.s32 @!p0 $0x100000, s0;
	[bflag:$0x2] =	sbarrier.arrive $0xFFFF  }
0x7b: {  	[sflag:s0] =	ssyncadd.tile.s32 @!p0 $0x1;
	_ =	shalt  }
.Lfunc_end2:
_tile_overlayer_lowered:
.L_overlay_start_2:
0x7c: {  	(tag) =	ssettag $0x2  }
0x7d: {  	s0 =	rddreg [dreg:$0x0];
	s2 =	stileid.u32  }
0x7e: {  	s1 =	rddreg [dreg:$0x1];
	p0 =	sne.s32 s2, $0x0  }
0x7f: {  	s3 =	rddreg [dreg:$0x2];
	[bflag:$0x3] =	sbarrier.arrive $0xFFFF;
	s2 =	simm.s32 @!p0 $0x1C03  }
0x80: {  	[timem:s3], [sflag:s2] =	dma.local @!p0 [hbm:s0], s1  }
0x81: {  	s0 =	simm.s32 @!p0 $0x3  }
0x82: {  	_ =	swait.ge @!p0 [sflag:s0], s1  }
0x83: {  	s1 =	ssub.s32 @!p0 $0x0, s1;
	[sflag:s0] =	ssyncset.done @!p0 $0x0  }
0x84: {  	[sflag:s0] =	ssyncadd.s32 @!p0 s1  }
0x85: {  	[bflag:$0x3] =	sbarrier.arrive $0xFFFF  }
0x86: {  	_ =	shalt  }

// kernel: kernel.24.cloned.1.call-start
scs
__scs_entry_jumppad:
0x0: {  	(pc) =	sbr.rel $0x88, $3  }
0x1: {  	(tag) =	ssettag $0x0;
	lr =	simm.s32 $0x1  }
0x2: {  	[smem:$0x3F7D] =	sst lr;
	_ =	strace $0xD0000000  }
0x3: {  	_ = 	snop  }
0x4: {  	_ = 	snop  }
0x5: {  	_ = 	snop  }
0x6: {  	_ = 	snop  }
0x7: {  	_ = 	snop  }
__scs_overlays_trampoline_lowered:
0x8: {  	[smem:$0x3F8C] =	sst s0  }
0x9: {  	[smem:$0x3F8D] =	sst s1  }
0xa: {  	[smem:$0x3F8E] =	sst s2  }
0xb: {  	[smem:$0x3F8F] =	sst s3  }
0xc: {  	[smem:$0x3F90] =	sst s4  }
0xd: {  	[smem:$0x3F91] =	sst s5  }
0xe: {  	[smem:$0x3F92] =	sst s6  }
0xf: {  	[smem:$0x3F93] =	sst s7  }
0x10: {  	[smem:$0x3F94] =	sst s8  }
0x11: {  	[smem:$0x3F95] =	sst s9;
	s0 =	simm.s32 @!p0 $0x0  }
0x12: {  	s1 =	sld [smem:$0x3F7B];
	s0 =	simm.s32 @p0 $0x1  }
0x13: {  	[smem:$0x3F96] =	sst s0;
	s0 =	simm.s32 @!p1 $0x0  }
0x14: {  	s2 =	sld [smem:$0x3F7A];
	s0 =	simm.s32 @p1 $0x1  }
0x15: {  	[smem:$0x3F97] =	sst s0;
	s0 =	simm.s32 @!p2 $0x0  }
0x16: {  	s3 =	sld [smem:$0x3FDB];
	s0 =	simm.s32 @p2 $0x1  }
0x17: {  	s4 =	simm.s32 $0x1BF5;
	[smem:$0x3F99] =	sst s0  }
0x18: {  	s0 =	sld [smem:$0x3F7C];
	_ =	swait.ge [sflag:s4], $0x0  }
0x19: {  	s7 =	sld [smem:$0x3F7D]  }
0x1a: {  	s8 =	sadd.s32 $0xFFFFE003, lr  }
0x1b: {  	s9 =	sadd.s32 $0xFFFFFEF7, lr;
	s5 =	simm.s32 $0xFFFFFFFF;
	p2 =	slt.u32 s8, $0xFFFFF086  }
0x1c: {  	p1 =	slt.u32 s9, $0xF7A;
	s5 =	simm.s32 @!p2 $0x0  }
0x1d: {  	s5 =	simm.s32 @p1 $0x1;
	p0 =	seq.s32 s7, s2  }
0x1e: {  	s7 =	smul.u32 @!p0 $0xF7A, s2;
	p2 =	seq.s32 @!p0 s5, $0x0  }
0x1f: {  	s9 =	smul.u32 $0xF7A, s1;
	s8 =	simm.s32 @!p0 $0x1BF5;
	p2 =	por !p2, p0  }
0x20: {  	[sflag:s8] =	ssyncset.s32 @!p0 $0xFFFFF086;
	s6 =	sadd.s32 @!p0 s3, s7;
	s7 =	simm.s32 @!p0 $0x108  }
0x21: {  	s3 =	sadd.s32 s3, s9;
	s6 =	sadd.s32 @!p0 $0x88, s6;
	s7 =	simm.s32 @p2 $0x1082  }
0x22: {  	[simem:s7], [sflag:s8] =	dma.local @!p0 [hbm:s6], $0xF7A  }
0x23: {  	s9 =	sor.u32 $0xD0000000, s2;
	s6 =	simm.s32 $0x108;
	_ =	swait.ge @!p0 [sflag:s8], $0x0  }
0x24: {  	s3 =	sadd.s32 $0x88, s3;
	s6 =	simm.s32 @!p1 $0x1082;
	[sflag:s4] =	ssyncset.s32 $0xFFFFF086  }
0x25: {  	[simem:s6], [sflag:s4] =	dma.local [hbm:s3], $0xF7A  }
0x26: {  	[smem:$0x3F7D] =	sst s1;
	(tag) =	ssettag s2;
	_ =	strace s9  }
0x27: {  	s1 =	sld [smem:$0x3F8D]  }
0x28: {  	s2 =	sld [smem:$0x3F8E]  }
0x29: {  	s4 =	sld [smem:$0x3F90]  }
0x2a: {  	p0 =	seq.s32 s5, $0x0;
	s5 =	sld [smem:$0x3F91]  }
0x2b: {  	s6 =	sld [smem:$0x3F92]  }
0x2c: {  	s7 =	sld [smem:$0x3F93]  }
0x2d: {  	s3 =	simm.s32 $0x108;
	s8 =	sld [smem:$0x3F94]  }
0x2e: {  	s3 =	simm.s32 @!p0 $0x1082;
	s9 =	sld [smem:$0x3F95]  }
0x2f: {  	lr =	sadd.s32 s0, s3;
	s0 =	sld [smem:$0x3F8C]  }
0x30: {  	s3 =	sld [smem:$0x3F8F]  }
0x31: {  	[smem:$0x3F98] =	sst s10  }
0x32: {  	s10 =	sld [smem:$0x3F96];
	_ =	sdelay $0x3  }
0x33: {  	p0 =	seq.s32 s10, $0x1;
	s10 =	sld [smem:$0x3F98];
	_ =	sdelay $0x3  }
0x34: {  	[smem:$0x3F98] =	sst s10  }
0x35: {  	s10 =	sld [smem:$0x3F97];
	_ =	sdelay $0x3  }
0x36: {  	p1 =	seq.s32 s10, $0x1;
	s10 =	sld [smem:$0x3F98];
	_ =	sdelay $0x3  }
0x37: {  	[smem:$0x3F98] =	sst s10  }
0x38: {  	s10 =	sld [smem:$0x3F99]  }
0x39: {  	_ = 	snop;
	(pc) =	sbr.ind lr, $3  }
0x3a: {  	_ = 	snop  }
0x3b: {  	_ = 	snop  }
0x3c: {  	p2 =	seq.s32 s10, $0x1;
	s10 =	sld [smem:$0x3F98]  }
0x3d: {  	_ =	shalt  }
0x3e: {  	_ =	shalt  }
0x3f: {  	_ =	shalt  }
0x40: {  	_ =	shalt  }
0x41: {  	_ =	shalt  }
0x42: {  	_ =	shalt  }
0x43: {  	_ =	shalt  }
0x44: {  	_ =	shalt  }
0x45: {  	_ =	shalt  }
0x46: {  	_ =	shalt  }
0x47: {  	_ =	shalt  }
0x48: {  	_ =	shalt  }
0x49: {  	_ =	shalt  }
0x4a: {  	_ =	shalt  }
0x4b: {  	_ =	shalt  }
0x4c: {  	_ =	shalt  }
0x4d: {  	_ =	shalt  }
0x4e: {  	_ =	shalt  }
0x4f: {  	_ =	shalt  }
0x50: {  	_ =	shalt  }
0x51: {  	_ =	shalt  }
0x52: {  	_ =	shalt  }
0x53: {  	_ =	shalt  }
0x54: {  	_ =	shalt  }
0x55: {  	_ =	shalt  }
0x56: {  	_ =	shalt  }
0x57: {  	_ =	shalt  }
0x58: {  	_ =	shalt  }
0x59: {  	_ =	shalt  }
0x5a: {  	_ =	shalt  }
0x5b: {  	_ =	shalt  }
0x5c: {  	_ =	shalt  }
0x5d: {  	_ =	shalt  }
0x5e: {  	_ =	shalt  }
0x5f: {  	_ =	shalt  }
0x60: {  	_ =	shalt  }
0x61: {  	_ =	shalt  }
0x62: {  	_ =	shalt  }
0x63: {  	_ =	shalt  }
0x64: {  	_ =	shalt  }
0x65: {  	_ =	shalt  }
0x66: {  	_ =	shalt  }
0x67: {  	_ =	shalt  }
0x68: {  	_ =	shalt  }
0x69: {  	_ =	shalt  }
0x6a: {  	_ =	shalt  }
0x6b: {  	_ =	shalt  }
0x6c: {  	_ =	shalt  }
0x6d: {  	_ =	shalt  }
0x6e: {  	_ =	shalt  }
0x6f: {  	_ =	shalt  }
0x70: {  	_ =	shalt  }
0x71: {  	_ =	shalt  }
0x72: {  	_ =	shalt  }
0x73: {  	_ =	shalt  }
0x74: {  	_ =	shalt  }
0x75: {  	_ =	shalt  }
0x76: {  	_ =	shalt  }
0x77: {  	_ =	shalt  }
0x78: {  	_ =	shalt  }
0x79: {  	_ =	shalt  }
0x7a: {  	_ =	shalt  }
0x7b: {  	_ =	shalt  }
0x7c: {  	_ =	shalt  }
0x7d: {  	_ =	shalt  }
0x7e: {  	_ =	shalt  }
0x7f: {  	_ =	shalt  }
0x80: {  	_ =	shalt  }
0x81: {  	_ =	shalt  }
0x82: {  	_ =	shalt  }
0x83: {  	_ =	shalt  }
0x84: {  	_ =	shalt  }
0x85: {  	_ =	shalt  }
0x86: {  	_ =	shalt  }
0x87: {  	_ =	shalt  }
.Lfunc_end0:
.L_simem_size_0:
called_computation.3_lowered:
.L_overlay_start_0:
0x88: {  	s2 =	sld [smem:$0x3FD9]  }
0x89: {  	s3 =	sld [smem:$0x3FFE];
	_ =	sdelay $0x1  }
0x8a: {  	s1 =	srdreg.scid  }
0x8b: {  	s0 =	sand.u32 $0x1, s1  }
0x8c: {  	s16 =	sshll.u32 s0, $0xA;
	s2 =	sadd.s32 s3, s2  }
0x8d: {  	s2 =	sadd.s32 s2, s16  }
0x8e: {  	[smem:$0x3FA4] =	sst s2  }
0x8f: {  	_ = 	snop  }
0x90: {  	(tm) =	ssettm $0x1  }
0x91: {  	s17 =	sld [smem:$0x3FFB];
	_ =	sdelay $0x3  }
0x92: {  	_ =	strace s17  }
0x93: {  	s2 =	sld [smem:$0x3FFC];
	_ =	sdelay $0x3  }
0x94: {  	_ =	strace s2  }
0x95: {  	s2 =	sld [smem:$0x3FFD];
	_ =	sdelay $0x3  }
0x96: {  	_ =	strace s2  }
0x97: {  	_ =	strace $0x8FFFFFFF  }
0x98: {  	s18 =	sld [smem:$0x3FDB];
	_ =	sdelay $0x1  }
0x99: {  	s19 =	simm.s32 $_scs_section_size  }
0x9a: {  	s4 =	simm.s32 $_size__tile_overlayer_lowered;
	s5 =	simm.s32 $_tile_overlayer_lowered  }
0x9b: {  	s22 =	simm.s32 $0x1BFF;
	s21 =	sshll.u32 s5, $0x1;
	s2 =	sadd.s32 s19, s18  }
0x9c: {  	s6 =	simm.s32 $0x0;
	s20 =	sshll.u32 s4, $0x1;
	s4 =	sadd.s32 s21, s2  }
0x9d: {  	[timem:s6], [sflag:s22] =	dma.local [hbm:s4], s20  }
0x9e: {  	_ =	swait.ge [sflag:s22], s20  }
0x9f: {  	s3 =	ssub.s32 $0x0, s20;
	[sflag:s22] =	ssyncset.done $0x0  }
0xa0: {  	[sflag:s22] =	ssyncadd.s32 s3;
	_ =	sdelay $0x1  }
0xa1: {  	s23 =	simm.s32 $0x1B8B  }
0xa2: {  	_ =	swait.ge [sflag:s23], $0x1  }
0xa3: {  	[sflag:s23] =	ssyncset.done $0x0  }
0xa4: {  	s25 =	simm.s32 $0x1B8E;
	s24 =	sld [smem:$0x3FFE];
	[sflag:s23] =	ssyncadd.s32 $0xFFFFFFFF  }
0xa5: {  	s26 =	simm.s32 $execute0_lowered;
	[smem:$0x3FD2] =	sst s25  }
0xa6: {  	s4 =	sshll.u32 s26, $0x1;
	_ =	strace $0x8000004F;
	[dreg:$0x1] =	wrdreg $0xFFFFFFFF  }
0xa7: {  	s28 =	simm.s32 $_size_execute0_lowered;
	s2 =	sadd.s32 s2, s4;
	[dreg:$0x0] =	wrdreg $0x0  }
0xa8: {  	s4 =	sshll.u32 s28, $0x1;
	[dreg:$0x2] =	wrdreg s2  }
0xa9: {  	[dreg:$0x3] =	wrdreg s4  }
0xaa: {  	[dreg:$0x4] =	wrdreg $0xC0  }
0xab: {  	_ =	task [dreg:s6], $0x5FFFF  }
0xac: {  	[dreg:$0x1] =	wrdreg $0xFFFFFFFF  }
0xad: {  	[dreg:$0x0] =	wrdreg $0x60  }
0xae: {  	[dreg:$0x2] =	wrdreg s24  }
0xaf: {  	[dreg:$0x3] =	wrdreg $0xA8000  }
0xb0: {  	[dreg:$0x4] =	wrdreg $0x9  }
0xb1: {  	_ =	task.clear_ibuf [dreg:s6], $0x5FFFF;
	_ =	strace $0x9000004F  }
0xb2: {  	s29 =	simm.s32 $0x9;
	_ =	strace $0x80000051  }
0xb3: {  	_ =	swait.ge [sflag:s29], $0x1  }
0xb4: {  	[sflag:s29] =	ssyncadd.s32 $0xFFFFFFFF  }
0xb5: {  	_ =	strace $0x90000051  }
0xb6: {  	_ =	sfence  }
0xb7: {  	s30 =	sld [smem:$0x0];
	_ =	sdelay $0x2  }
0xb8: {  	s31 =	sshll.u32 s1, $0xD;
	s1 =	sshrl.u32 s1, $0x2  }
0xb9: {  	s3 =	sand.u32 $0x4000, s31;
	s1 =	sadd.s32 s1, s30  }
0xba: {  	s0 =	sor.u32 s3, s0;
	s1 =	sshll.u32 s1, $0x11  }
0xbb: {  	s0 =	sor.u32 s1, s0  }
0xbc: {  	s0 =	sadd.s32 $0x8F2B, s0  }
0xbd: {  	[sflag:s0] =	ssyncadd.remote.s32 $0x1  }
0xbe: {  	_ =	sfence.sel $0xFFFF  }
0xbf: {  	[dreg:$0x0] =	wrdreg $0xFFFFFFFF;
	(pc) =	sbr.abs _section_cstart, $3  }
0xc0: {  	[dreg:$0x1] =	wrdreg $0xFFFFFFFF  }
0xc1: {  	_ =	task.clear_ibuf [dreg:s6], $0x2FFFF;
	_ =	strace $0x9FFFFFFF  }
0xc2: {  	(tm) =	ssettm $0x7FFFFFFF  }
0xc3: {  	_ =	shalt  }
tec
execute0_lowered:
.L_overlay_start_1:
0x0: {  	(tag) =	ssettag $0x1  }
0x1: {  	s5 =	rddreg [dreg:$0x0]  }
0x2: {  	s1 =	rddreg [dreg:$0x1]  }
0x3: {  	s2 =	srdreg.scid;
	s0 =	rddreg [dreg:$0x2];
	s3 =	simm.s32 $0x0  }
0x4: {  	s14 =	simm.s32 $0x3;
	s15 =	simm.s32 $0x1400;
	s16 =	simm.s32 $0x2800  }
0x5: {  	s17 =	simm.s32 $0x80;
	s18 =	simm.s32 $0x6800;
	s19 =	simm.s32 $0x1  }
0x6: {  	s20 =	simm.s32 $0x2;
	s6 =	sand.u32 $0x1, s2;
	s2 =	stileid.u32  }
0x7: {  	s23 =	simm.s32 $0x0;
	[smem:$0x7FF] =	sst s3;
	s7 =	smul.u32 $0x13C000, s6  }
0x8: {  	s4 =	sshll.u32 s6, $0x4;
	s8 =	smul.u32 $0x13C00, s2;
	_ =	strace $0x80000050  }
0x9: {  	s29 =	smul.u32 $0x4F000, s2;
	s6 =	ssub.s32 $0x2, s6;
	s21 =	sshll.u32 s2, $0x6  }
0xa: {  	s4 =	sor.u32 s2, s4;
	s30 =	sshrl.u32 s6, $0x1;
	s21 =	sor.u32 $0x1C03, s21  }
0xb: {  	s9 =	smul.u32 $0x280, s4;
	s4 =	sadd.s32 $0x6200, s5;
	s7 =	sadd.s32 s8, s7  }
0xc: {  	s31 =	sshrl.u32 s29, $0x2;
	s13 =	ssub.s32 s6, s30;
	s7 =	sshrl.u32 s7, $0x3  }
0xd: {  	s6 =	sadd.s32 s31, s1;
	s13 =	smax.u32 s13, $0x1;
	s9 =	sadd.s32 s9, s5  }
0xe: {  	s12 =	sadd.s32 s7, s5;
	s8 =	sadd.s32 $0x4000, s6;
	s10 =	sadd.s32 $0xC000, s6  }
0xf: {  	s11 =	sadd.s32 $0x10000, s6;
	s22 =	sshrl.u32 s6, $0x3;
	s5 =	sadd.s32 $0xA2600, s9  }
0x10: {  	v0 =	vimm.f32 $0.0e+00;
	s7 =	sadd.s32 $0xA7600, s9;
	s9 =	sadd.s32 $0x8000, s6;
	s12 =	sadd.s32 $0x2D400, s12  }
.LBB2_1:
0x11: {  	[tilespmem:s3], [sflag:$0x3] =	stream.linear.gather [hbm4b:s5+s3], $0x1400, $0x38;
	[tilespmem:$0x1E400] =	vst v63  }
0x12: {  	_ =	swait.ge [sflag:s14], $0x1400  }
0x13: {  	[sflag:s14] =	ssyncset.done $0x0  }
0x14: {  	[sflag:s14] =	ssyncadd.s32 $0xFFFFEC00  }
0x15: {  	[tilespmem:s15], [sflag:$0x3] =	stream.linear.gather [hbm4b:s7+s3], $0x1400, $0x38;
	[tilespmem:$0x1E400] =	vst v63  }
0x16: {  	_ =	swait.ge [sflag:s14], $0x1400  }
0x17: {  	[sflag:s14] =	ssyncset.done $0x0  }
0x18: {  	s24 =	simm.s32 $0x0;
	s25 =	simm.s32 $0x200;
	[sflag:s14] =	ssyncadd.s32 $0xFFFFEC00  }
.LBB2_2:
0x19: {  	p0 =	sne.s32 s25, $0xFE00;
	[tilespmem:s24+$0x2870] =	vst v0  }
0x1a: {  	[tilespmem:s24+$0x2800] =	vst v0  }
0x1b: {  	[tilespmem:s24+$0x2810] =	vst v0  }
.Ltmp0:
0x1c: {  	[tilespmem:s24+$0x2820] =	vst v0;
	(pc) =	sbr.rel @p0 .LBB2_2-.Ltmp0, $4  }
0x1d: {  	[tilespmem:s24+$0x2830] =	vst v0  }
0x1e: {  	[tilespmem:s24+$0x2840] =	vst v0  }
0x1f: {  	[tilespmem:s24+$0x2850] =	vst v0  }
0x20: {  	[tilespmem:s24+$0x2860] =	vst v0;
	s24 =	sshra.s32 s25, $0x2;
	s25 =	sadd.s32 $0x200, s25  }
0x21: {  	[tilespmem:s24+$0x2870] =	vst v0  }
0x22: {  	[tilespmem:s24+$0x2800] =	vst v0  }
0x23: {  	[tilespmem:s24+$0x2810] =	vst v0  }
0x24: {  	[tilespmem:s24+$0x2820] =	vst v0  }
0x25: {  	[tilespmem:s24+$0x2830] =	vst v0  }
0x26: {  	[tilespmem:s24+$0x2840] =	vst v0  }
0x27: {  	[tilespmem:s24+$0x2850] =	vst v0  }
0x28: {  	[tilespmem:s24+$0x2860] =	vst v0  }
0x29: {  	[spmem:s6] =	stream.linear.scatter [tilespmem:s16], [sflag:$0x3], $0x4000, $0x38;
	[tilespmem:$0x1E400] =	vst v63  }
0x2a: {  	_ =	swait.ge [sflag:s14], $0x4000  }
0x2b: {  	[sflag:s14] =	ssyncset.done $0x0  }
0x2c: {  	[sflag:s14] =	ssyncadd.s32 $0xFFFFC000  }
0x2d: {  	[spmem:s8] =	stream.linear.scatter [tilespmem:s16], [sflag:$0x3], $0x4000, $0x38;
	[tilespmem:$0x1E400] =	vst v63  }
0x2e: {  	_ =	swait.ge [sflag:s14], $0x4000  }
0x2f: {  	[sflag:s14] =	ssyncset.done $0x0  }
0x30: {  	[sflag:s14] =	ssyncadd.s32 $0xFFFFC000  }
0x31: {  	[spmem:s9] =	stream.linear.scatter [tilespmem:s16], [sflag:$0x3], $0x4000, $0x38;
	[tilespmem:$0x1E400] =	vst v63  }
0x32: {  	_ =	swait.ge [sflag:s14], $0x4000  }
0x33: {  	[sflag:s14] =	ssyncset.done $0x0  }
0x34: {  	[sflag:s14] =	ssyncadd.s32 $0xFFFFC000  }
0x35: {  	[spmem:s10] =	stream.linear.scatter [tilespmem:s16], [sflag:$0x3], $0x4000, $0x38;
	[tilespmem:$0x1E400] =	vst v63  }
0x36: {  	_ =	swait.ge [sflag:s14], $0x4000  }
0x37: {  	[sflag:s14] =	ssyncset.done $0x0  }
0x38: {  	[sflag:s14] =	ssyncadd.s32 $0xFFFFC000  }
0x39: {  	[spmem:s11] =	stream.linear.scatter [tilespmem:s16], [sflag:$0x3], $0x3C00, $0x38;
	[tilespmem:$0x1E400] =	vst v63  }
0x3a: {  	_ =	swait.ge [sflag:s14], $0x3C00  }
0x3b: {  	[sflag:s14] =	ssyncset.done $0x0  }
0x3c: {  	[sflag:s14] =	ssyncadd.s32 $0xFFFFC400  }
0x3d: {  	s28 =	simm.s32 $0x0;
	[bflag:$0x0] =	sbarrier.arrive $0xFFFF  }
0x3e: {  	[tilespmem:s16], [sflag:$0x1] =	stream.indirect.gather [hbm4b:s4+s17], $0x80, s28, s17, $0xb8;
	[tilespmem:$0x1E400] =	vst v63  }
0x3f: {  	s29 =	simm.s32 $0x80  }
0x40: {  	[tilespmem:s18], [sflag:$0x2] =	stream.indirect.gather [hbm4b:s4+s17], $0x80, s29, s17, $0xb8;
	[tilespmem:$0x1E400] =	vst v63  }
0x41: {  	_ =	swait.ge [sflag:s19], $0x4000  }
0x42: {  	[sflag:s19] =	ssyncset.done $0x0  }
0x43: {  	s30 =	simm.s32 $0x1400;
	[sflag:s19] =	ssyncadd.s32 $0xFFFFC000  }
0x44: {  	[spmem:s1] =	stream.indirect.scatter.add.f32 [tilespmem:s16], [sflag:$0x3], $0x80, s30, s17, $0xb8;
	[tilespmem:$0x1E400] =	vst v63  }
0x45: {  	_ =	swait.ge [sflag:s14], $0x4000  }
0x46: {  	[sflag:s14] =	ssyncset.done $0x0  }
0x47: {  	[sflag:s14] =	ssyncadd.s32 $0xFFFFC000  }
0x48: {  	_ =	swait.ge [sflag:s20], $0x4000  }
0x49: {  	[sflag:s20] =	ssyncset.done $0x0  }
0x4a: {  	s31 =	simm.s32 $0x1480;
	[sflag:s20] =	ssyncadd.s32 $0xFFFFC000  }
0x4b: {  	[spmem:s1] =	stream.indirect.scatter.add.f32 [tilespmem:s18], [sflag:$0x3], $0x80, s31, s17, $0xb8;
	[tilespmem:$0x1E400] =	vst v63  }
0x4c: {  	_ =	swait.ge [sflag:s14], $0x4000  }
0x4d: {  	s24 =	simm.s32 $0x400;
	s25 =	simm.s32 $0x800;
	[sflag:s14] =	ssyncset.done $0x0  }
.LBB2_4:
0x4e: {  	s26 =	sshra.s32 s24, $0x2  }
0x4f: {  	[sflag:s14] =	ssyncadd.s32 $0xFFFFC000;
	s24 =	smov.u32 s25;
	s28 =	sadd.s32 $0x400, s25  }
0x50: {  	[tilespmem:s16], [sflag:$0x1] =	stream.indirect.gather [hbm4b:s4+s17], $0x80, s26, s17, $0xb8;
	[tilespmem:$0x1E400] =	vst v63  }
0x51: {  	p0 =	sne.s32 s25, $0x4C00;
	s25 =	sadd.s32 $0x80, s26  }
0x52: {  	[tilespmem:s18], [sflag:$0x2] =	stream.indirect.gather [hbm4b:s4+s17], $0x80, s25, s17, $0xb8;
	[tilespmem:$0x1E400] =	vst v63  }
0x53: {  	_ =	swait.ge [sflag:s19], $0x4000  }
0x54: {  	[sflag:s19] =	ssyncset.done $0x0  }
0x55: {  	s25 =	sadd.s32 $0x1400, s26;
	[sflag:s19] =	ssyncadd.s32 $0xFFFFC000  }
0x56: {  	[spmem:s1] =	stream.indirect.scatter.add.f32 [tilespmem:s16], [sflag:$0x3], $0x80, s25, s17, $0xb8;
	[tilespmem:$0x1E400] =	vst v63  }
0x57: {  	_ =	swait.ge [sflag:s14], $0x4000  }
0x58: {  	[sflag:s14] =	ssyncset.done $0x0  }
0x59: {  	[sflag:s14] =	ssyncadd.s32 $0xFFFFC000  }
0x5a: {  	_ =	swait.ge [sflag:s20], $0x4000  }
.Ltmp1:
0x5b: {  	[sflag:s20] =	ssyncset.done $0x0;
	(pc) =	sbr.rel @p0 .LBB2_4-.Ltmp1, $4  }
0x5c: {  	s25 =	sadd.s32 $0x1480, s26;
	[sflag:s20] =	ssyncadd.s32 $0xFFFFC000  }
0x5d: {  	[spmem:s1] =	stream.indirect.scatter.add.f32 [tilespmem:s18], [sflag:$0x3], $0x80, s25, s17, $0xb8;
	[tilespmem:$0x1E400] =	vst v63  }
0x5e: {  	_ =	swait.ge [sflag:s14], $0x4000  }
0x5f: {  	s25 =	smov.u32 s28;
	[sflag:s14] =	ssyncset.done $0x0  }
0x60: {  	s24 =	sshra.s32 s24, $0x2;
	[sflag:s14] =	ssyncadd.s32 $0xFFFFC000  }
0x61: {  	[tilespmem:s16], [sflag:$0x1] =	stream.indirect.gather [hbm4b:s4+s17], $0x80, s24, s17, $0xb8;
	[tilespmem:$0x1E400] =	vst v63  }
0x62: {  	s25 =	sadd.s32 $0x80, s24  }
0x63: {  	[tilespmem:s18], [sflag:$0x2] =	stream.indirect.gather [hbm4b:s4+s17], $0x80, s25, s17, $0xb8;
	[tilespmem:$0x1E400] =	vst v63  }
0x64: {  	_ =	swait.ge [sflag:s19], $0x4000  }
0x65: {  	[sflag:s19] =	ssyncset.done $0x0  }
0x66: {  	s31 =	sadd.s32 $0x1400, s24;
	[sflag:s19] =	ssyncadd.s32 $0xFFFFC000  }
0x67: {  	[spmem:s1] =	stream.indirect.scatter.add.f32 [tilespmem:s16], [sflag:$0x3], $0x80, s31, s17, $0xb8;
	[tilespmem:$0x1E400] =	vst v63  }
0x68: {  	_ =	swait.ge [sflag:s14], $0x4000  }
0x69: {  	[sflag:s14] =	ssyncset.done $0x0  }
0x6a: {  	[sflag:s14] =	ssyncadd.s32 $0xFFFFC000  }
0x6b: {  	_ =	swait.ge [sflag:s20], $0x4000  }
0x6c: {  	[sflag:s20] =	ssyncset.done $0x0  }
0x6d: {  	s24 =	sadd.s32 $0x1480, s24;
	[sflag:s20] =	ssyncadd.s32 $0xFFFFC000  }
0x6e: {  	[spmem:s1] =	stream.indirect.scatter.add.f32 [tilespmem:s18], [sflag:$0x3], $0x80, s24, s17, $0xb8;
	[tilespmem:$0x1E400] =	vst v63  }
0x6f: {  	_ =	swait.ge [sflag:s14], $0x4000  }
0x70: {  	s23 =	sadd.s32 $0x1, s23;
	[sflag:s14] =	ssyncset.done $0x0  }
0x71: {  	p0 =	sne.s32 s23, s13;
	[sflag:s14] =	ssyncadd.s32 $0xFFFFC000  }
.Ltmp2:
0x72: {  	[bflag:$0x0] =	sbarrier.arrive $0xFFFF;
	(pc) =	sbr.rel @p0 .LBB2_1-.Ltmp2, $4  }
0x73: {  	[hbm:s12], [sflag:s21] =	dma.local [spmem:s22], $0x2780  }
0x74: {  	_ =	swait.ge [sflag:s14], $0x2780  }
0x75: {  	[sflag:s14] =	ssyncset.done $0x0  }
0x76: {  	[sflag:s14] =	ssyncadd.s32 $0xFFFFD880  }
0x77: {  	_ =	sfence.sel $0x180000  }
0x78: {  	[bflag:$0x0] =	sbarrier.arrive $0xFFFF  }
0x79: {  	p0 =	sne.s32 s2, $0x0;
	_ =	strace $0x90000050  }
0x7a: {  	s0 =	sadd.s32 @!p0 $0x100000, s0;
	[bflag:$0x2] =	sbarrier.arrive $0xFFFF  }
0x7b: {  	[sflag:s0] =	ssyncadd.tile.s32 @!p0 $0x1;
	_ =	shalt  }
.Lfunc_end2:
_tile_overlayer_lowered:
.L_overlay_start_2:
0x7c: {  	(tag) =	ssettag $0x2  }
0x7d: {  	s0 =	rddreg [dreg:$0x0];
	s2 =	stileid.u32  }
0x7e: {  	s1 =	rddreg [dreg:$0x1];
	p0 =	sne.s32 s2, $0x0  }
0x7f: {  	s3 =	rddreg [dreg:$0x2];
	[bflag:$0x3] =	sbarrier.arrive $0xFFFF;
	s2 =	simm.s32 @!p0 $0x1C03  }
0x80: {  	[timem:s3], [sflag:s2] =	dma.local @!p0 [hbm:s0], s1  }
0x81: {  	s0 =	simm.s32 @!p0 $0x3  }
0x82: {  	_ =	swait.ge @!p0 [sflag:s0], s1  }
0x83: {  	s1 =	ssub.s32 @!p0 $0x0, s1;
	[sflag:s0] =	ssyncset.done @!p0 $0x0  }
0x84: {  	[sflag:s0] =	ssyncadd.s32 @!p0 s1  }
0x85: {  	[bflag:$0x3] =	sbarrier.arrive $0xFFFF  }
0x86: {  	_ =	shalt  }

// kernel: kernel.27.cloned.1.call-start
scs
__scs_entry_jumppad:
0x0: {  	(pc) =	sbr.rel $0x88, $3  }
0x1: {  	(tag) =	ssettag $0x0;
	lr =	simm.s32 $0x1  }
0x2: {  	[smem:$0x3F7D] =	sst lr;
	_ =	strace $0xD0000000  }
0x3: {  	_ = 	snop  }
0x4: {  	_ = 	snop  }
0x5: {  	_ = 	snop  }
0x6: {  	_ = 	snop  }
0x7: {  	_ = 	snop  }
__scs_overlays_trampoline_lowered:
0x8: {  	[smem:$0x3F8C] =	sst s0  }
0x9: {  	[smem:$0x3F8D] =	sst s1  }
0xa: {  	[smem:$0x3F8E] =	sst s2  }
0xb: {  	[smem:$0x3F8F] =	sst s3  }
0xc: {  	[smem:$0x3F90] =	sst s4  }
0xd: {  	[smem:$0x3F91] =	sst s5  }
0xe: {  	[smem:$0x3F92] =	sst s6  }
0xf: {  	[smem:$0x3F93] =	sst s7  }
0x10: {  	[smem:$0x3F94] =	sst s8  }
0x11: {  	[smem:$0x3F95] =	sst s9;
	s0 =	simm.s32 @!p0 $0x0  }
0x12: {  	s1 =	sld [smem:$0x3F7B];
	s0 =	simm.s32 @p0 $0x1  }
0x13: {  	[smem:$0x3F96] =	sst s0;
	s0 =	simm.s32 @!p1 $0x0  }
0x14: {  	s2 =	sld [smem:$0x3F7A];
	s0 =	simm.s32 @p1 $0x1  }
0x15: {  	[smem:$0x3F97] =	sst s0;
	s0 =	simm.s32 @!p2 $0x0  }
0x16: {  	s3 =	sld [smem:$0x3FDB];
	s0 =	simm.s32 @p2 $0x1  }
0x17: {  	s4 =	simm.s32 $0x1BF5;
	[smem:$0x3F99] =	sst s0  }
0x18: {  	s0 =	sld [smem:$0x3F7C];
	_ =	swait.ge [sflag:s4], $0x0  }
0x19: {  	s7 =	sld [smem:$0x3F7D]  }
0x1a: {  	s8 =	sadd.s32 $0xFFFFE003, lr  }
0x1b: {  	s9 =	sadd.s32 $0xFFFFFEF7, lr;
	s5 =	simm.s32 $0xFFFFFFFF;
	p2 =	slt.u32 s8, $0xFFFFF086  }
0x1c: {  	p1 =	slt.u32 s9, $0xF7A;
	s5 =	simm.s32 @!p2 $0x0  }
0x1d: {  	s5 =	simm.s32 @p1 $0x1;
	p0 =	seq.s32 s7, s2  }
0x1e: {  	s7 =	smul.u32 @!p0 $0xF7A, s2;
	p2 =	seq.s32 @!p0 s5, $0x0  }
0x1f: {  	s9 =	smul.u32 $0xF7A, s1;
	s8 =	simm.s32 @!p0 $0x1BF5;
	p2 =	por !p2, p0  }
0x20: {  	[sflag:s8] =	ssyncset.s32 @!p0 $0xFFFFF086;
	s6 =	sadd.s32 @!p0 s3, s7;
	s7 =	simm.s32 @!p0 $0x108  }
0x21: {  	s3 =	sadd.s32 s3, s9;
	s6 =	sadd.s32 @!p0 $0x88, s6;
	s7 =	simm.s32 @p2 $0x1082  }
0x22: {  	[simem:s7], [sflag:s8] =	dma.local @!p0 [hbm:s6], $0xF7A  }
0x23: {  	s9 =	sor.u32 $0xD0000000, s2;
	s6 =	simm.s32 $0x108;
	_ =	swait.ge @!p0 [sflag:s8], $0x0  }
0x24: {  	s3 =	sadd.s32 $0x88, s3;
	s6 =	simm.s32 @!p1 $0x1082;
	[sflag:s4] =	ssyncset.s32 $0xFFFFF086  }
0x25: {  	[simem:s6], [sflag:s4] =	dma.local [hbm:s3], $0xF7A  }
0x26: {  	[smem:$0x3F7D] =	sst s1;
	(tag) =	ssettag s2;
	_ =	strace s9  }
0x27: {  	s1 =	sld [smem:$0x3F8D]  }
0x28: {  	s2 =	sld [smem:$0x3F8E]  }
0x29: {  	s4 =	sld [smem:$0x3F90]  }
0x2a: {  	p0 =	seq.s32 s5, $0x0;
	s5 =	sld [smem:$0x3F91]  }
0x2b: {  	s6 =	sld [smem:$0x3F92]  }
0x2c: {  	s7 =	sld [smem:$0x3F93]  }
0x2d: {  	s3 =	simm.s32 $0x108;
	s8 =	sld [smem:$0x3F94]  }
0x2e: {  	s3 =	simm.s32 @!p0 $0x1082;
	s9 =	sld [smem:$0x3F95]  }
0x2f: {  	lr =	sadd.s32 s0, s3;
	s0 =	sld [smem:$0x3F8C]  }
0x30: {  	s3 =	sld [smem:$0x3F8F]  }
0x31: {  	[smem:$0x3F98] =	sst s10  }
0x32: {  	s10 =	sld [smem:$0x3F96];
	_ =	sdelay $0x3  }
0x33: {  	p0 =	seq.s32 s10, $0x1;
	s10 =	sld [smem:$0x3F98];
	_ =	sdelay $0x3  }
0x34: {  	[smem:$0x3F98] =	sst s10  }
0x35: {  	s10 =	sld [smem:$0x3F97];
	_ =	sdelay $0x3  }
0x36: {  	p1 =	seq.s32 s10, $0x1;
	s10 =	sld [smem:$0x3F98];
	_ =	sdelay $0x3  }
0x37: {  	[smem:$0x3F98] =	sst s10  }
0x38: {  	s10 =	sld [smem:$0x3F99]  }
0x39: {  	_ = 	snop;
	(pc) =	sbr.ind lr, $3  }
0x3a: {  	_ = 	snop  }
0x3b: {  	_ = 	snop  }
0x3c: {  	p2 =	seq.s32 s10, $0x1;
	s10 =	sld [smem:$0x3F98]  }
0x3d: {  	_ =	shalt  }
0x3e: {  	_ =	shalt  }
0x3f: {  	_ =	shalt  }
0x40: {  	_ =	shalt  }
0x41: {  	_ =	shalt  }
0x42: {  	_ =	shalt  }
0x43: {  	_ =	shalt  }
0x44: {  	_ =	shalt  }
0x45: {  	_ =	shalt  }
0x46: {  	_ =	shalt  }
0x47: {  	_ =	shalt  }
0x48: {  	_ =	shalt  }
0x49: {  	_ =	shalt  }
0x4a: {  	_ =	shalt  }
0x4b: {  	_ =	shalt  }
0x4c: {  	_ =	shalt  }
0x4d: {  	_ =	shalt  }
0x4e: {  	_ =	shalt  }
0x4f: {  	_ =	shalt  }
0x50: {  	_ =	shalt  }
0x51: {  	_ =	shalt  }
0x52: {  	_ =	shalt  }
0x53: {  	_ =	shalt  }
0x54: {  	_ =	shalt  }
0x55: {  	_ =	shalt  }
0x56: {  	_ =	shalt  }
0x57: {  	_ =	shalt  }
0x58: {  	_ =	shalt  }
0x59: {  	_ =	shalt  }
0x5a: {  	_ =	shalt  }
0x5b: {  	_ =	shalt  }
0x5c: {  	_ =	shalt  }
0x5d: {  	_ =	shalt  }
0x5e: {  	_ =	shalt  }
0x5f: {  	_ =	shalt  }
0x60: {  	_ =	shalt  }
0x61: {  	_ =	shalt  }
0x62: {  	_ =	shalt  }
0x63: {  	_ =	shalt  }
0x64: {  	_ =	shalt  }
0x65: {  	_ =	shalt  }
0x66: {  	_ =	shalt  }
0x67: {  	_ =	shalt  }
0x68: {  	_ =	shalt  }
0x69: {  	_ =	shalt  }
0x6a: {  	_ =	shalt  }
0x6b: {  	_ =	shalt  }
0x6c: {  	_ =	shalt  }
0x6d: {  	_ =	shalt  }
0x6e: {  	_ =	shalt  }
0x6f: {  	_ =	shalt  }
0x70: {  	_ =	shalt  }
0x71: {  	_ =	shalt  }
0x72: {  	_ =	shalt  }
0x73: {  	_ =	shalt  }
0x74: {  	_ =	shalt  }
0x75: {  	_ =	shalt  }
0x76: {  	_ =	shalt  }
0x77: {  	_ =	shalt  }
0x78: {  	_ =	shalt  }
0x79: {  	_ =	shalt  }
0x7a: {  	_ =	shalt  }
0x7b: {  	_ =	shalt  }
0x7c: {  	_ =	shalt  }
0x7d: {  	_ =	shalt  }
0x7e: {  	_ =	shalt  }
0x7f: {  	_ =	shalt  }
0x80: {  	_ =	shalt  }
0x81: {  	_ =	shalt  }
0x82: {  	_ =	shalt  }
0x83: {  	_ =	shalt  }
0x84: {  	_ =	shalt  }
0x85: {  	_ =	shalt  }
0x86: {  	_ =	shalt  }
0x87: {  	_ =	shalt  }
.Lfunc_end0:
.L_simem_size_0:
called_computation.4_lowered:
.L_overlay_start_0:
0x88: {  	s2 =	sld [smem:$0x3FD9]  }
0x89: {  	s3 =	sld [smem:$0x3FFE];
	_ =	sdelay $0x1  }
0x8a: {  	s1 =	srdreg.scid  }
0x8b: {  	s0 =	sand.u32 $0x1, s1  }
0x8c: {  	s17 =	sshll.u32 s0, $0xA;
	s2 =	sadd.s32 s3, s2  }
0x8d: {  	s2 =	sadd.s32 s2, s17  }
0x8e: {  	[smem:$0x3FA4] =	sst s2  }
0x8f: {  	_ = 	snop  }
0x90: {  	s2 =	sld [smem:$0x3FD0];
	(tm) =	ssettm $0x1  }
0x91: {  	s18 =	sld [smem:$0x3FFB];
	_ =	sdelay $0x3  }
0x92: {  	_ =	strace s18  }
0x93: {  	s3 =	sld [smem:$0x3FFC];
	_ =	sdelay $0x3  }
0x94: {  	_ =	strace s3  }
0x95: {  	s3 =	sld [smem:$0x3FFD];
	_ =	sdelay $0x3  }
0x96: {  	_ =	strace s3  }
0x97: {  	_ =	strace $0x8FFFFFFF  }
0x98: {  	s19 =	sld [smem:$0x3FDB];
	_ =	sdelay $0x1  }
0x99: {  	s4 =	simm.s32 $_scs_section_size  }
0x9a: {  	s5 =	simm.s32 $_size__tile_overlayer_lowered;
	s6 =	simm.s32 $_tile_overlayer_lowered  }
0x9b: {  	s22 =	simm.s32 $0x1BFF;
	s21 =	sshll.u32 s6, $0x1;
	s3 =	sadd.s32 s4, s19  }
0x9c: {  	s7 =	simm.s32 $0x0;
	s20 =	sshll.u32 s5, $0x1;
	s5 =	sadd.s32 s21, s3  }
0x9d: {  	[timem:s7], [sflag:s22] =	dma.local [hbm:s5], s20  }
0x9e: {  	_ =	swait.ge [sflag:s22], s20  }
0x9f: {  	s4 =	ssub.s32 $0x0, s20;
	[sflag:s22] =	ssyncset.done $0x0  }
0xa0: {  	[sflag:s22] =	ssyncadd.s32 s4;
	_ =	sdelay $0x1  }
0xa1: {  	s23 =	simm.s32 $0x1B8B  }
0xa2: {  	_ =	swait.ge [sflag:s23], $0x1  }
0xa3: {  	[sflag:s23] =	ssyncset.done $0x0  }
0xa4: {  	s25 =	simm.s32 $0x1B8E;
	s24 =	sld [smem:$0x3FFE];
	[sflag:s23] =	ssyncadd.s32 $0xFFFFFFFF  }
0xa5: {  	s26 =	simm.s32 $execute0_lowered;
	[smem:$0x3FD2] =	sst s25  }
0xa6: {  	s5 =	sshll.u32 s26, $0x1;
	_ =	strace $0x80000052;
	[dreg:$0x1] =	wrdreg $0xFFFFFFFF  }
0xa7: {  	s28 =	simm.s32 $_size_execute0_lowered;
	s3 =	sadd.s32 s3, s5;
	[dreg:$0x0] =	wrdreg $0x0  }
0xa8: {  	s5 =	sshll.u32 s28, $0x1;
	[dreg:$0x2] =	wrdreg s3  }
0xa9: {  	[dreg:$0x3] =	wrdreg s5  }
0xaa: {  	[dreg:$0x4] =	wrdreg $0xC0  }
0xab: {  	_ =	task [dreg:s7], $0x5FFFF  }
0xac: {  	[dreg:$0x1] =	wrdreg $0xFFFFFFFF  }
0xad: {  	[dreg:$0x0] =	wrdreg $0x60  }
0xae: {  	[dreg:$0x2] =	wrdreg s24  }
0xaf: {  	[dreg:$0x3] =	wrdreg s2  }
0xb0: {  	[dreg:$0x4] =	wrdreg $0x9  }
0xb1: {  	_ =	task.clear_ibuf [dreg:s7], $0x5FFFF;
	_ =	strace $0x90000052  }
0xb2: {  	s29 =	simm.s32 $0x9;
	_ =	strace $0x80000054  }
0xb3: {  	_ =	swait.ge [sflag:s29], $0x1  }
0xb4: {  	[sflag:s29] =	ssyncadd.s32 $0xFFFFFFFF  }
0xb5: {  	_ =	strace $0x90000054  }
0xb6: {  	_ =	sfence  }
0xb7: {  	s30 =	sld [smem:$0x0];
	_ =	sdelay $0x2  }
0xb8: {  	s31 =	sshll.u32 s1, $0xD;
	s1 =	sshrl.u32 s1, $0x2  }
0xb9: {  	s3 =	sand.u32 $0x4000, s31;
	s1 =	sadd.s32 s1, s30  }
0xba: {  	s0 =	sor.u32 s3, s0;
	s1 =	sshll.u32 s1, $0x11  }
0xbb: {  	s0 =	sor.u32 s1, s0  }
0xbc: {  	s0 =	sadd.s32 $0x8F2B, s0  }
0xbd: {  	[sflag:s0] =	ssyncadd.remote.s32 $0x1  }
0xbe: {  	_ =	sfence.sel $0xFFFF  }
0xbf: {  	[dreg:$0x0] =	wrdreg $0xFFFFFFFF;
	(pc) =	sbr.abs _section_cstart, $3  }
0xc0: {  	[dreg:$0x1] =	wrdreg $0xFFFFFFFF  }
0xc1: {  	_ =	task.clear_ibuf [dreg:s7], $0x2FFFF;
	_ =	strace $0x9FFFFFFF  }
0xc2: {  	(tm) =	ssettm $0x7FFFFFFF  }
0xc3: {  	_ =	shalt  }
tec
execute0_lowered:
.L_overlay_start_1:
0x0: {  	(tag) =	ssettag $0x1  }
0x1: {  	s4 =	rddreg [dreg:$0x0]  }
0x2: {  	s5 =	rddreg [dreg:$0x1]  }
0x3: {  	s1 =	srdreg.scid;
	s0 =	rddreg [dreg:$0x2];
	s2 =	simm.s32 $0x0  }
0x4: {  	s11 =	simm.s32 $0x1880;
	s12 =	simm.s32 $0x2080;
	s13 =	simm.s32 $0x2880  }
0x5: {  	s14 =	simm.s32 $0x3080;
	s15 =	simm.s32 $0x3880;
	s16 =	simm.s32 $0x1  }
0x6: {  	s6 =	sand.u32 $0x1, s1;
	[smem:$0x7FF] =	sst s2;
	s1 =	stileid.u32  }
0x7: {  	s3 =	sshll.u32 s6, $0x4;
	_ =	strace $0x80000053;
	s9 =	sshll.u32 s1, $0x4  }
0x8: {  	s6 =	ssub.s32 $0x2, s6;
	s7 =	sor.u32 s1, s3;
	s3 =	sadd.s32 $0x6200, s4  }
0x9: {  	s9 =	sand.u32 $0x70, s9;
	s10 =	sshrl.u32 s6, $0x1;
	s8 =	sshll.u32 s7, $0xB  }
0xa: {  	s7 =	sshll.u32 s7, $0x4;
	s5 =	sadd.s32 s5, s9;
	s6 =	ssub.s32 s6, s10  }
0xb: {  	v2 =	vlaneseq.u32;
	s9 =	simm.s32 $0x880;
	s10 =	simm.s32 $0x1080;
	s7 =	sand.u32 $0x180, s7  }
0xc: {  	vm0 =	vmmov $0xffff;
	v1 =	vshrl.u32 v2, $0x3;
	s8 =	sadd.s32 s8, s4;
	s6 =	smax.u32 s6, $0x1;
	s4 =	sadd.s32 s7, s5  }
0xd: {  	v0 =	vand.u32 $0x7, v2;
	v2 =	vor.u32 $0x8, v2;
	v1 =	vmul.u32 $0x8, v1;
	s5 =	sadd.s32 $0x54400, s8;
	s7 =	simm.s32 $0x2;
	s8 =	simm.s32 $0x80  }
.LBB2_1:
0xe: {  	[tilespmem:s2], [sflag:$0x2] =	stream.linear.gather [hbm4b:s4+s2], $0x80, $0x38;
	[tilespmem:$0x4080] =	vst v63  }
0xf: {  	_ =	swait.ge [sflag:s7], $0x80  }
0x10: {  	[sflag:s7] =	ssyncset.done $0x0  }
0x11: {  	[sflag:s7] =	ssyncadd.s32 $0xFFFFFF80  }
0x12: {  	v3 =	vld [tilespmem:$0x0];
	_ =	sdelay $0x4  }
0x13: {  	v4 =	vshll.u32 v3, $0x1  }
0x14: {  	v3 =	vand.u32 $0x7, v3;
	v4 =	vand.u32 $0xFFFFFFF0, v4  }
0x15: {  	v3 =	vor.u32 v3, v4  }
0x16: {  	v4 =	vperm.xlane v3, v0;
	_ =	sdelay $0x1  }
0x17: {  	v3 =	vperm.xlane v3, v2;
	v4 =	vadd.s32 v1, v4;
	_ =	sdelay $0x1  }
0x18: {  	v3 =	vadd.s32 v1, v3;
	_ =	sdelay $0x2  }
0x19: {  	[tilespmem:s8], [sflag:$0x1] =	stream.indirect_vreg.gather [hbm4b:s3+s2], $0x80, v4, vm0, $0xb8;
	[tilespmem:$0x4080] =	vst v63  }
0x1a: {  	_ = 	snop  }
0x1b: {  	[tilespmem:s9], [sflag:$0x1] =	stream.indirect_vreg.gather [hbm4b:s3+s2], $0x80, v3, vm0, $0xb8;
	[tilespmem:$0x4080] =	vst v63  }
0x1c: {  	v3 =	vld [tilespmem:$0x10];
	_ =	sdelay $0x4  }
0x1d: {  	v61 =	vshll.u32 v3, $0x1  }
0x1e: {  	v3 =	vand.u32 $0x7, v3;
	v4 =	vand.u32 $0xFFFFFFF0, v61  }
0x1f: {  	v3 =	vor.u32 v3, v4  }
0x20: {  	v4 =	vperm.xlane v3, v0;
	_ =	sdelay $0x1  }
0x21: {  	v3 =	vperm.xlane v3, v2;
	v4 =	vadd.s32 v1, v4;
	_ =	sdelay $0x1  }
0x22: {  	v3 =	vadd.s32 v1, v3;
	_ =	sdelay $0x2  }
0x23: {  	[tilespmem:s10], [sflag:$0x1] =	stream.indirect_vreg.gather [hbm4b:s3+s2], $0x80, v4, vm0, $0xb8;
	[tilespmem:$0x4080] =	vst v63  }
0x24: {  	_ = 	snop  }
0x25: {  	[tilespmem:s11], [sflag:$0x1] =	stream.indirect_vreg.gather [hbm4b:s3+s2], $0x80, v3, vm0, $0xb8;
	[tilespmem:$0x4080] =	vst v63  }
0x26: {  	v3 =	vld [tilespmem:$0x20];
	_ =	sdelay $0x4  }
0x27: {  	v62 =	vshll.u32 v3, $0x1  }
0x28: {  	v3 =	vand.u32 $0x7, v3;
	v4 =	vand.u32 $0xFFFFFFF0, v62  }
0x29: {  	v3 =	vor.u32 v3, v4  }
0x2a: {  	v4 =	vperm.xlane v3, v0;
	_ =	sdelay $0x1  }
0x2b: {  	v3 =	vperm.xlane v3, v2;
	v4 =	vadd.s32 v1, v4;
	_ =	sdelay $0x1  }
0x2c: {  	v3 =	vadd.s32 v1, v3;
	_ =	sdelay $0x2  }
0x2d: {  	[tilespmem:s12], [sflag:$0x1] =	stream.indirect_vreg.gather [hbm4b:s3+s2], $0x80, v4, vm0, $0xb8;
	[tilespmem:$0x4080] =	vst v63  }
0x2e: {  	_ = 	snop  }
0x2f: {  	[tilespmem:s13], [sflag:$0x1] =	stream.indirect_vreg.gather [hbm4b:s3+s2], $0x80, v3, vm0, $0xb8;
	[tilespmem:$0x4080] =	vst v63  }
0x30: {  	v3 =	vld [tilespmem:$0x30];
	_ =	sdelay $0x4  }
0x31: {  	v63 =	vshll.u32 v3, $0x1  }
0x32: {  	v3 =	vand.u32 $0x7, v3;
	v4 =	vand.u32 $0xFFFFFFF0, v63  }
0x33: {  	v3 =	vor.u32 v3, v4  }
0x34: {  	v4 =	vperm.xlane v3, v0;
	_ =	sdelay $0x1  }
0x35: {  	v3 =	vperm.xlane v3, v2;
	v4 =	vadd.s32 v1, v4;
	_ =	sdelay $0x1  }
0x36: {  	v3 =	vadd.s32 v1, v3;
	_ =	sdelay $0x2  }
0x37: {  	[tilespmem:s14], [sflag:$0x1] =	stream.indirect_vreg.gather [hbm4b:s3+s2], $0x80, v4, vm0, $0xb8;
	[tilespmem:$0x4080] =	vst v63  }
0x38: {  	_ = 	snop  }
0x39: {  	[tilespmem:s15], [sflag:$0x1] =	stream.indirect_vreg.gather [hbm4b:s3+s2], $0x80, v3, vm0, $0xb8;
	[tilespmem:$0x4080] =	vst v63  }
0x3a: {  	_ =	swait.ge [sflag:s16], $0x4000  }
0x3b: {  	p0 =	sne.s32 s6, $0x1;
	[sflag:s16] =	ssyncset.done $0x0  }
.Ltmp0:
0x3c: {  	[sflag:s16] =	ssyncadd.s32 $0xFFFFC000;
	(pc) =	sbr.rel @p0 .LBB2_1-.Ltmp0, $4  }
0x3d: {  	[hbm4b:s5+s2] =	stream.linear.scatter [tilespmem:s8], [sflag:$0x2], $0x4000, $0x38;
	[tilespmem:$0x4080] =	vst v63  }
0x3e: {  	_ =	swait.ge [sflag:s7], $0x4000  }
0x3f: {  	[sflag:s7] =	ssyncset.done $0x0  }
0x40: {  	s6 =	sadd.s32 $0xFFFFFFFF, s6;
	[sflag:s7] =	ssyncadd.s32 $0xFFFFC000  }
0x41: {  	_ =	sfence.sel $0x180000  }
0x42: {  	[bflag:$0x0] =	sbarrier.arrive $0xFFFF  }
0x43: {  	p0 =	sne.s32 s1, $0x0;
	_ =	strace $0x90000053  }
0x44: {  	s0 =	sadd.s32 @!p0 $0x100000, s0;
	[bflag:$0x2] =	sbarrier.arrive $0xFFFF  }
0x45: {  	[sflag:s0] =	ssyncadd.tile.s32 @!p0 $0x1;
	_ =	shalt  }
.Lfunc_end2:
_tile_overlayer_lowered:
.L_overlay_start_2:
0x46: {  	(tag) =	ssettag $0x2  }
0x47: {  	s0 =	rddreg [dreg:$0x0];
	s2 =	stileid.u32  }
0x48: {  	s1 =	rddreg [dreg:$0x1];
	p0 =	sne.s32 s2, $0x0  }
0x49: {  	s3 =	rddreg [dreg:$0x2];
	[bflag:$0x3] =	sbarrier.arrive $0xFFFF;
	s2 =	simm.s32 @!p0 $0x1C02  }
0x4a: {  	[timem:s3], [sflag:s2] =	dma.local @!p0 [hbm:s0], s1  }
0x4b: {  	s0 =	simm.s32 @!p0 $0x2  }
0x4c: {  	_ =	swait.ge @!p0 [sflag:s0], s1  }
0x4d: {  	s1 =	ssub.s32 @!p0 $0x0, s1;
	[sflag:s0] =	ssyncset.done @!p0 $0x0  }
0x4e: {  	[sflag:s0] =	ssyncadd.s32 @!p0 s1  }
0x4f: {  	[bflag:$0x3] =	sbarrier.arrive $0xFFFF  }
0x50: {  	_ =	shalt  }

</sc_bundles>
